<compile_context>
chip_gen: v7x
topology: tpu7x:2x2x1
jax: 0.10.2.dev20260603
libtpu: 0.0.44.dev20260713+nightly
codegen_flags: <defaults>
</compile_context>

<pallas_src>
import functools

import jax
import jax.numpy as jnp
from jax import lax
from jax.experimental import pallas as pl
from jax.experimental.pallas import tpu as pltpu
from jax.experimental.pallas import tpu_sc as plsc

N = 10000
E = 160000
G = 64
C = 36

NC = 2
NS = 16
K = 128
CH = 40
E_PAD = NC * NS * CH * K
NPAD = 10240
ZCH = NPAD // NS // K
STRIPE = 624
TAIL = N - NS * STRIPE
OCH = [K] * 4 + [STRIPE - 4 * K]

BR = 2000



def _sc_segment_sum(F, stage_y=False, col_split=False):
  nch = 2 * CH if col_split else CH
  nbuf = 2 if col_split else 4
  stage_y = stage_y or col_split
  mesh = plsc.VectorSubcoreMesh(core_axis_name="c", subcore_axis_name="s",
                                num_cores=NC, num_subcores=NS)
  scratch = (
      [pltpu.VMEM((nch * K,), jnp.int32), pltpu.VMEM((nch, K), jnp.int32)]
      + [pltpu.VMEM((K, F), jnp.float32)] * nbuf
      + [pltpu.VMEM_SHARED((NPAD, F), jnp.float32)]
      + [pltpu.SemaphoreType.DMA] * nbuf
  )
  if stage_y:
    scratch.append(pltpu.VMEM_SHARED((N, F), jnp.float32))

  def body_fn(y_hbm, srcf_hbm, dstm_hbm, zer_hbm, out_hbm,
              src_v, dst_v, *rest):
    bufs = rest[:nbuf]
    acc_sh = rest[nbuf]
    sems = rest[nbuf + 1:2 * nbuf + 1]
    maybe_ysh = rest[2 * nbuf + 1:]
    rows0_v, rows1_v = bufs[0], bufs[1]
    cid = lax.axis_index("c")
    sid = lax.axis_index("s")
    wid = sid if col_split else cid * NS + sid
    pltpu.sync_copy(srcf_hbm.at[pl.ds(wid * nch * K, nch * K)], src_v)
    pltpu.sync_copy(dstm_hbm.at[wid], dst_v)
    if stage_y:
      ysh = maybe_ysh[0]
      col0 = cid * F if col_split else 0
      off = 0
      for w in OCH:
        r0 = sid * STRIPE + off
        pltpu.sync_copy(y_hbm.at[pl.ds(r0, w), pl.ds(col0, F)],
                        rows1_v.at[pl.ds(0, w)])
        pltpu.sync_copy(rows1_v.at[pl.ds(0, w)], ysh.at[pl.ds(r0, w)])
        off += w

      @pl.when(sid == NS - 1)
      def _():
        t0 = NS * STRIPE
        pltpu.sync_copy(y_hbm.at[pl.ds(t0, TAIL), pl.ds(col0, F)],
                        rows1_v.at[pl.ds(0, TAIL)])
        pltpu.sync_copy(rows1_v.at[pl.ds(0, TAIL)], ysh.at[pl.ds(t0, TAIL)])

      ysrc = ysh
    else:
      ysrc = y_hbm
    pltpu.sync_copy(zer_hbm, rows0_v)
    for z in range(ZCH):
      pltpu.sync_copy(rows0_v, acc_sh.at[pl.ds(sid * (ZCH * K) + z * K, K)])
    plsc.subcore_barrier()

    def sidx(c):
      return src_v.at[pl.ds(c * K, K)]

    for j in range(nbuf):
      pltpu.async_copy(ysrc.at[sidx(j)], bufs[j], sems[j])

    def body(cg, carry):
      c = nbuf * cg
      for j in range(nbuf):
        pltpu.make_async_copy(ysrc.at[sidx(c + j)], bufs[j], sems[j]).wait()
        pltpu.sync_copy(bufs[j], acc_sh.at[dst_v.at[c + j]], add=True)

        @pl.when(c + j + nbuf < nch)
        def _():
          pltpu.async_copy(ysrc.at[sidx(c + j + nbuf)], bufs[j], sems[j])

      return carry

    lax.fori_loop(0, nch // nbuf, body, 0)
    plsc.subcore_barrier()
    off = 0
    for w in OCH:
      r0 = sid * STRIPE + off
      pltpu.sync_copy(acc_sh.at[pl.ds(r0, w)], rows0_v.at[pl.ds(0, w)])
      pltpu.sync_copy(rows0_v.at[pl.ds(0, w)],
                      out_hbm.at[pl.ds(r0, w), pl.ds(cid * F, F)])
      off += w

    @pl.when(sid == NS - 1)
    def _():
      t0 = NS * STRIPE
      pltpu.sync_copy(acc_sh.at[pl.ds(t0, TAIL)], rows0_v.at[pl.ds(0, TAIL)])
      pltpu.sync_copy(rows0_v.at[pl.ds(0, TAIL)],
                      out_hbm.at[pl.ds(t0, TAIL), pl.ds(cid * F, F)])

  kern = functools.partial(
      pl.kernel,
      out_type=jax.ShapeDtypeStruct((N, 128), jnp.float32),
      mesh=mesh,
      scratch_types=scratch,
      compiler_params=pltpu.CompilerParams(use_tc_tiling_on_sc=False),
  )

  sc = kern(body_fn)
  return sc



def _mm2_body(x_ref, wr_ref, wt_ref, y_ref, r_ref):
  xb = x_ref[...]
  dn = (((1,), (1,)), ((), ()))

  def two(w3):
    return jnp.concatenate(
        [lax.dot_general(xb, w3[0], dn, preferred_element_type=jnp.float32),
         lax.dot_general(xb, w3[1], dn, preferred_element_type=jnp.float32)],
        axis=1)

  y_ref[...] = two(wr_ref[...])
  r_ref[...] = two(wt_ref[...])


def _mm2(x, w_rel, w_root):
  fin = x.shape[1]
  fh = w_rel.shape[0] // 2
  grid = N // BR
  row = pl.BlockSpec((BR, 2 * fh), lambda i: (i, 0))
  wsp = pl.BlockSpec((2, fh, fin), lambda i: (0, 0, 0))
  osh = jax.ShapeDtypeStruct((N, 2 * fh), jnp.float32)
  return pl.pallas_call(
      _mm2_body,
      grid=(grid,),
      in_specs=[pl.BlockSpec((BR, fin), lambda i: (i, 0)), wsp, wsp],
      out_specs=[row, row],
      out_shape=[osh, osh],
  )(x, w_rel.reshape(2, fh, fin), w_root.reshape(2, fh, fin))


def _fused_body(cat, fin, p_ref, r_ref, g_ref, be_ref, wr_ref, wt_ref,
                out_ref, zbuf, s_acc):
  t = pl.program_id(0)
  i = pl.program_id(1)

  @pl.when(t == 0)
  def _():
    if cat:
      z = p_ref[...] + r_ref[...]
    else:
      pb = p_ref[...]
      z = pb[:, :fin] + pb[:, fin:2 * fin] + r_ref[...][:, fin:2 * fin]
    zbuf[pl.ds(i * BR, BR), :] = z
    cs = jnp.sum(z, axis=0, keepdims=True)
    cq = jnp.sum(z * z, axis=0, keepdims=True)
    blk = jnp.concatenate([cs, cq, jnp.zeros((6, fin), jnp.float32)], axis=0)

    @pl.when(i == 0)
    def _():
      s_acc[...] = blk

    @pl.when(i != 0)
    def _():
      s_acc[...] = s_acc[...] + blk

  @pl.when(t == 1)
  def _():
    s = s_acc[...]
    mu = s[0:1, :] * (1.0 / N)
    var = s[1:2, :] * (1.0 / N) - mu * mu
    scale = g_ref[...] * lax.rsqrt(var + 1e-5)
    shift = be_ref[...] - mu * scale
    h = jnp.maximum(zbuf[pl.ds(i * BR, BR), :] * scale + shift, 0.0)
    dn = (((1,), (1,)), ((), ()))
    fout = wr_ref.shape[0]
    parts = [
        lax.dot_general(h, wr_ref[...], dn, preferred_element_type=jnp.float32),
        lax.dot_general(h, wt_ref[...], dn, preferred_element_type=jnp.float32),
    ]
    if 2 * fout < 128:
      parts.append(jnp.zeros((BR, 128 - 2 * fout), jnp.float32))
    out_ref[...] = jnp.concatenate(parts, axis=1)


def _fused(p, rsrc, g, be, w_rel, w_root, cat):
  fin = w_rel.shape[1]
  fout = w_rel.shape[0]
  nb = N // BR
  prow = pl.BlockSpec((BR, 128), lambda t, i: (i * (1 - t), 0))
  rrow = pl.BlockSpec((BR, 128), lambda t, i: (i * (1 - t), 0))
  vec = pl.BlockSpec((1, fin), lambda t, i: (0, 0))
  wsp = pl.BlockSpec((fout, fin), lambda t, i: (0, 0))
  orow = pl.BlockSpec((BR, 128), lambda t, i: (i * t, 0))
  return pl.pallas_call(
      functools.partial(_fused_body, cat, fin),
      grid=(2, nb),
      in_specs=[prow, rrow, vec, vec, wsp, wsp],
      out_specs=orow,
      out_shape=jax.ShapeDtypeStruct((N, 128), jnp.float32),
      scratch_shapes=[
          pltpu.VMEM((N, fin), jnp.float32),
          pltpu.VMEM((8, fin), jnp.float32),
      ],
  )(p, rsrc, g.reshape(1, fin), be.reshape(1, fin), w_rel, w_root)


def _final_body(p_ref, r_ref, b3_ref, bt_ref, wl_ref, bl_ref,
                out_ref, acc_ref):
  i = pl.program_id(0)

  @pl.when(i == 0)
  def _():
    acc_ref[...] = jnp.zeros_like(acc_ref)

  pb = p_ref[...]
  h = jnp.maximum(
      pb[:, :32] + pb[:, 32:64] + r_ref[...][:, 32:64] + b3_ref[...], 0.0)
  bt = bt_ref[0, 0, :]
  oh = (lax.broadcasted_iota(jnp.int32, (G, BR), 0) == bt[None, :]).astype(
      jnp.float32)
  hcat = jnp.concatenate(
      [h, jnp.ones((BR, 1), jnp.float32), jnp.zeros((BR, 31), jnp.float32)],
      axis=1)
  acc_ref[...] += lax.dot_general(oh, hcat, (((1,), (0,)), ((), ())),
                                  preferred_element_type=jnp.float32)

  @pl.when(i == pl.num_programs(0) - 1)
  def _():
    acc = acc_ref[...]
    pooled = acc[:, :32] / jnp.maximum(acc[:, 32:33], 1.0)
    logits = lax.dot_general(pooled, wl_ref[...], (((1,), (1,)), ((), ())),
                             preferred_element_type=jnp.float32)
    logits = logits + bl_ref[...]
    m = jnp.max(logits, axis=1, keepdims=True)
    e = jnp.exp(logits - m)
    out_ref[...] = logits - m - jnp.log(jnp.sum(e, axis=1, keepdims=True))


def _final(p, r3, b3, batch3, wl, bl):
  grid = N // BR
  return pl.pallas_call(
      _final_body,
      grid=(grid,),
      in_specs=[
          pl.BlockSpec((BR, 128), lambda i: (i, 0)),
          pl.BlockSpec((BR, 128), lambda i: (i, 0)),
          pl.BlockSpec((1, 32), lambda i: (0, 0)),
          pl.BlockSpec((1, 1, BR), lambda i: (i, 0, 0)),
          pl.BlockSpec((C, 32), lambda i: (0, 0)),
          pl.BlockSpec((1, C), lambda i: (0, 0)),
      ],
      out_specs=pl.BlockSpec((G, C), lambda i: (0, 0)),
      out_shape=jax.ShapeDtypeStruct((G, C), jnp.float32),
      scratch_shapes=[pltpu.VMEM((G, 64), jnp.float32)],
  )(p, r3, b3.reshape(1, 32), batch3, wl, bl.reshape(1, C))



def kernel(x, edge_index, batch, W1_rel, b1, W1_root, g1, be1, W2_rel, b2,
           W2_root, g2, be2, W3_rel, b3, W3_root, Wl, bl):
  src = edge_index[0]
  dst = edge_index[1]
  pad = E_PAD - E
  srcf = jnp.concatenate([src, jnp.zeros((pad,), jnp.int32)])
  dstm = jnp.concatenate([dst, jnp.full((pad,), N, jnp.int32)]).reshape(
      NC * NS, CH, K)

  dstm16 = dstm.reshape(NS, 2 * CH, K)

  sc64cs = _sc_segment_sum(64, col_split=True)
  sc64 = _sc_segment_sum(64, stage_y=True)
  sc32 = _sc_segment_sum(32, stage_y=True)
  z64 = jnp.zeros((K, 64), jnp.float32)
  z32 = jnp.zeros((K, 32), jnp.float32)

  ycat, rcat = _mm2(x, W1_rel, W1_root)
  p1 = sc64cs(ycat, srcf, dstm16, z64)
  y2r2 = _fused(p1, rcat, g1, be1, W2_rel, W2_root, cat=True)
  p2 = sc64(y2r2, srcf, dstm, z64)
  y3r3 = _fused(p2, y2r2, g2, be2, W3_rel, W3_root, cat=False)
  p3 = sc32(y3r3, srcf, dstm, z32)
  batch3 = batch.reshape(N // BR, 1, BR)
  return _final(p3, y3r3, b3, batch3, Wl, bl)

# --- scband reference (transcript-rebuilt; emitter-appended) ---
"""Pipeline reference for scband-captcha-gnn-14087492730915 (READ-ONLY COPY).

The authoritative reference and input builder live on the scoring server;
editing this copy changes nothing except your own understanding.
"""

import jax, jax.numpy as jnp
import numpy as np

N = 10000
E = 160000
F_IN = 256
G = 64
C = 36


def setup_inputs(seed: int = 0) -> dict:
    key = jax.random.key(seed)
    ks = jax.random.split(key, 24)
    x = jax.random.normal(ks[0], (N, F_IN), dtype=jnp.float32)
    edge_index = jax.random.randint(ks[1], (2, E), 0, N, dtype=jnp.int32)
    batch = jnp.sort(jax.random.randint(ks[2], (N,), 0, G, dtype=jnp.int32))
    s = 0.05
    params = {
        'W1_rel': jax.random.normal(ks[3], (128, F_IN), jnp.float32) * s,
        'b1': jnp.zeros((128,), jnp.float32),
        'W1_root': jax.random.normal(ks[4], (128, F_IN), jnp.float32) * s,
        'g1': jnp.ones((128,), jnp.float32),
        'be1': jnp.zeros((128,), jnp.float32),
        'W2_rel': jax.random.normal(ks[5], (64, 128), jnp.float32) * s,
        'b2': jnp.zeros((64,), jnp.float32),
        'W2_root': jax.random.normal(ks[6], (64, 128), jnp.float32) * s,
        'g2': jnp.ones((64,), jnp.float32),
        'be2': jnp.zeros((64,), jnp.float32),
        'W3_rel': jax.random.normal(ks[7], (32, 64), jnp.float32) * s,
        'b3': jnp.zeros((32,), jnp.float32),
        'W3_root': jax.random.normal(ks[8], (32, 64), jnp.float32) * s,
        'Wl': jax.random.normal(ks[9], (C, 32), jnp.float32) * s,
        'bl': jnp.zeros((C,), jnp.float32),
    }
    inp = {'x': x, 'edge_index': edge_index, 'batch': batch}
    inp.update(params)
    return inp


def _graph_conv(x, edge_index, W_rel, b, W_root):
    # PyG GraphConv: out = lin_rel(sum_{j in N(i)} x_j) + lin_root(x_i)
    src = edge_index[0]
    dst = edge_index[1]
    agg = jax.ops.segment_sum(x[src], dst, num_segments=N)
    return agg @ W_rel.T + b + x @ W_root.T


def _batch_norm(x, gamma, beta, eps=1e-5):
    mu = jnp.mean(x, axis=0)
    var = jnp.var(x, axis=0)
    return (x - mu) / jnp.sqrt(var + eps) * gamma + beta


def reference(x, edge_index, batch, W1_rel, b1, W1_root, g1, be1, W2_rel, b2, W2_root, g2, be2, W3_rel, b3, W3_root, Wl, bl):
    h = jax.nn.relu(_batch_norm(_graph_conv(x, edge_index, W1_rel, b1, W1_root), g1, be1))
    h = jax.nn.relu(_batch_norm(_graph_conv(h, edge_index, W2_rel, b2, W2_root), g2, be2))
    h = jax.nn.relu(_graph_conv(h, edge_index, W3_rel, b3, W3_root))
    counts = jax.ops.segment_sum(jnp.ones((N,), jnp.float32), batch, num_segments=G)
    pooled = jax.ops.segment_sum(h, batch, num_segments=G) / jnp.maximum(counts, 1.0)[:, None]
    # dropout is identity in eval mode
    logits = pooled @ Wl.T + bl
    return jax.nn.log_softmax(logits, axis=-1)

if __name__ == "__main__":
    import jax
    _d = setup_inputs()
    print(jax.jit(kernel)(*tuple(_d.values())))

</pallas_src>

<mosaic_0001>
#map = affine_map<(d0, d1) -> (0, 0)>
#map1 = affine_map<(d0, d1) -> (0)>
#map2 = affine_map<(d0, d1) -> (0, 0, 0)>
module attributes {stable_mosaic.version = 14 : i64} {
  func.func @body_fn(%arg0: i32, %arg1: i32, %arg2: memref<10000x128xf32, #tpu.memory_space<hbm>>, %arg3: memref<163840xi32, #tpu.memory_space<hbm>>, %arg4: memref<32x40x128xi32, #tpu.memory_space<hbm>>, %arg5: memref<128x32xf32, #tpu.memory_space<hbm>>, %arg6: memref<10000x128xf32, #tpu.memory_space<hbm>>, %arg7: memref<5120xi32, #tpu.memory_space<vmem>>, %arg8: memref<40x128xi32, #tpu.memory_space<vmem>>, %arg9: memref<128x32xf32, #tpu.memory_space<vmem>>, %arg10: memref<128x32xf32, #tpu.memory_space<vmem>>, %arg11: memref<128x32xf32, #tpu.memory_space<vmem>>, %arg12: memref<128x32xf32, #tpu.memory_space<vmem>>, %arg13: memref<10240x32xf32, #tpu.memory_space<vmem_shared>>, %arg14: memref<!tpu.dma_semaphore, #tpu.memory_space<semaphore_mem>>, %arg15: memref<!tpu.dma_semaphore, #tpu.memory_space<semaphore_mem>>, %arg16: memref<!tpu.dma_semaphore, #tpu.memory_space<semaphore_mem>>, %arg17: memref<!tpu.dma_semaphore, #tpu.memory_space<semaphore_mem>>, %arg18: memref<10000x32xf32, #tpu.memory_space<vmem_shared>>) attributes {dimension_semantics = [#tpu.dimension_semantics<core_parallel>, #tpu.dimension_semantics<subcore_parallel>], iteration_bounds = array<i64: 2, 16>, scalar_prefetch = 0 : i64, scratch_operands = 12 : i64, tpu.core_type = #tpu.core_type<sc_vector_subcore>, window_params = [{transform_indices = #map}, {transform_indices = #map1}, {transform_indices = #map2}, {transform_indices = #map}, {transform_indices = #map}]} {
    %mul3A = arith.constant 16 : i32
    %mul3A_0 = arith.muli %arg0, %mul3A : i32
    %add3A = arith.addi %mul3A_0, %arg1 : i32
    %mul3A_1 = arith.constant 40 : i32
    %mul3A_2 = arith.muli %add3A, %mul3A_1 : i32
    %mul3A_3 = arith.constant 128 : i32
    %mul3A_4 = arith.muli %mul3A_2, %mul3A_3 : i32
    "tpu.region"() ({
      %run_scoped3A = tpu.sem_alloc : memref<!tpu.dma_semaphore, #tpu.memory_space<semaphore_mem>>
      %dma_start3A_107 = tpu.memref_slice %arg3[%mul3A_4] : memref<163840xi32, #tpu.memory_space<hbm>> -> memref<5120xi32, #tpu.memory_space<hbm>>
      %dma_start3A_108 = tpu.memref_slice %arg3[%mul3A_4] : memref<163840xi32, #tpu.memory_space<hbm>> -> memref<5120xi32, #tpu.memory_space<hbm>>
      tpu.enqueue_dma source(%dma_start3A_108 : memref<5120xi32, #tpu.memory_space<hbm>>) target(%arg7 : memref<5120xi32, #tpu.memory_space<vmem>>) target_semaphore(%run_scoped3A : memref<!tpu.dma_semaphore, #tpu.memory_space<semaphore_mem>>)
      %dma_wait3A = tpu.memref_slice %arg3[%mul3A_4] : memref<163840xi32, #tpu.memory_space<hbm>> -> memref<5120xi32, #tpu.memory_space<hbm>>
      %dma_wait3A_109 = tpu.memref_slice %arg3[%mul3A_4] : memref<163840xi32, #tpu.memory_space<hbm>> -> memref<5120xi32, #tpu.memory_space<hbm>>
      tpu.wait_dma2 semaphore(%run_scoped3A : memref<!tpu.dma_semaphore, #tpu.memory_space<semaphore_mem>>) src(%dma_wait3A_109 : memref<5120xi32, #tpu.memory_space<hbm>>) dst(%arg7 : memref<5120xi32, #tpu.memory_space<vmem>>)
      tpu.yield
    }) : () -> ()
    "tpu.region"() ({
      %run_scoped3A = tpu.sem_alloc : memref<!tpu.dma_semaphore, #tpu.memory_space<semaphore_mem>>
      %dma_start3A_107 = arith.constant 0 : i32
      %dma_start3A_108 = arith.constant 0 : i32
      %dma_start3A_109 = tpu.memref_slice %arg4[%add3A, %dma_start3A_107, %dma_start3A_108] : memref<32x40x128xi32, #tpu.memory_space<hbm>> -> memref<1x40x128xi32, #tpu.memory_space<hbm>>
      %dma_start3A_110 = tpu.memref_squeeze %dma_start3A_109 : memref<1x40x128xi32, #tpu.memory_space<hbm>> -> memref<40x128xi32, #tpu.memory_space<hbm>>
      %dma_start3A_111 = arith.constant 0 : i32
      %dma_start3A_112 = arith.constant 0 : i32
      %dma_start3A_113 = tpu.memref_slice %arg4[%add3A, %dma_start3A_111, %dma_start3A_112] : memref<32x40x128xi32, #tpu.memory_space<hbm>> -> memref<1x40x128xi32, #tpu.memory_space<hbm>>
      %dma_start3A_114 = tpu.memref_squeeze %dma_start3A_113 : memref<1x40x128xi32, #tpu.memory_space<hbm>> -> memref<40x128xi32, #tpu.memory_space<hbm>>
      tpu.enqueue_dma source(%dma_start3A_114 : memref<40x128xi32, #tpu.memory_space<hbm>>) target(%arg8 : memref<40x128xi32, #tpu.memory_space<vmem>>) target_semaphore(%run_scoped3A : memref<!tpu.dma_semaphore, #tpu.memory_space<semaphore_mem>>)
      %dma_wait3A = arith.constant 0 : i32
      %dma_wait3A_115 = arith.constant 0 : i32
      %dma_wait3A_116 = tpu.memref_slice %arg4[%add3A, %dma_wait3A, %dma_wait3A_115] : memref<32x40x128xi32, #tpu.memory_space<hbm>> -> memref<1x40x128xi32, #tpu.memory_space<hbm>>
      %dma_wait3A_117 = tpu.memref_squeeze %dma_wait3A_116 : memref<1x40x128xi32, #tpu.memory_space<hbm>> -> memref<40x128xi32, #tpu.memory_space<hbm>>
      %dma_wait3A_118 = arith.constant 0 : i32
      %dma_wait3A_119 = arith.constant 0 : i32
      %dma_wait3A_120 = tpu.memref_slice %arg4[%add3A, %dma_wait3A_118, %dma_wait3A_119] : memref<32x40x128xi32, #tpu.memory_space<hbm>> -> memref<1x40x128xi32, #tpu.memory_space<hbm>>
      %dma_wait3A_121 = tpu.memref_squeeze %dma_wait3A_120 : memref<1x40x128xi32, #tpu.memory_space<hbm>> -> memref<40x128xi32, #tpu.memory_space<hbm>>
      tpu.wait_dma2 semaphore(%run_scoped3A : memref<!tpu.dma_semaphore, #tpu.memory_space<semaphore_mem>>) src(%dma_wait3A_121 : memref<40x128xi32, #tpu.memory_space<hbm>>) dst(%arg8 : memref<40x128xi32, #tpu.memory_space<vmem>>)
      tpu.yield
    }) : () -> ()
    %mul3A_5 = arith.constant 624 : i32
    %mul3A_6 = arith.muli %arg1, %mul3A_5 : i32
    %add3A_7 = arith.constant 0 : i32
    %add3A_8 = arith.addi %mul3A_6, %add3A_7 : i32
    "tpu.region"() ({
      %run_scoped3A = tpu.sem_alloc : memref<!tpu.dma_semaphore, #tpu.memory_space<semaphore_mem>>
      %dma_start3A_107 = arith.constant 0 : i32
      %dma_start3A_108 = arith.constant 0 : i32
      %dma_start3A_109 = tpu.memref_slice %arg10[%dma_start3A_107, %dma_start3A_108] : memref<128x32xf32, #tpu.memory_space<vmem>> -> memref<128x32xf32, #tpu.memory_space<vmem>>
      %dma_start3A_110 = arith.constant 0 : i32
      %dma_start3A_111 = tpu.memref_slice %arg2[%add3A_8, %dma_start3A_110] : memref<10000x128xf32, #tpu.memory_space<hbm>> -> memref<128x32xf32, #tpu.memory_space<hbm>>
      %dma_start3A_112 = arith.constant 0 : i32
      %dma_start3A_113 = arith.constant 0 : i32
      %dma_start3A_114 = tpu.memref_slice %arg10[%dma_start3A_112, %dma_start3A_113] : memref<128x32xf32, #tpu.memory_space<vmem>> -> memref<128x32xf32, #tpu.memory_space<vmem>>
      %dma_start3A_115 = arith.constant 0 : i32
      %dma_start3A_116 = tpu.memref_slice %arg2[%add3A_8, %dma_start3A_115] : memref<10000x128xf32, #tpu.memory_space<hbm>> -> memref<128x32xf32, #tpu.memory_space<hbm>>
      tpu.enqueue_dma source(%dma_start3A_116 : memref<128x32xf32, #tpu.memory_space<hbm>>) target(%dma_start3A_114 : memref<128x32xf32, #tpu.memory_space<vmem>>) target_semaphore(%run_scoped3A : memref<!tpu.dma_semaphore, #tpu.memory_space<semaphore_mem>>)
      %dma_wait3A = arith.constant 0 : i32
      %dma_wait3A_117 = arith.constant 0 : i32
      %dma_wait3A_118 = tpu.memref_slice %arg10[%dma_wait3A, %dma_wait3A_117] : memref<128x32xf32, #tpu.memory_space<vmem>> -> memref<128x32xf32, #tpu.memory_space<vmem>>
      %dma_wait3A_119 = arith.constant 0 : i32
      %dma_wait3A_120 = tpu.memref_slice %arg2[%add3A_8, %dma_wait3A_119] : memref<10000x128xf32, #tpu.memory_space<hbm>> -> memref<128x32xf32, #tpu.memory_space<hbm>>
      %dma_wait3A_121 = arith.constant 0 : i32
      %dma_wait3A_122 = arith.constant 0 : i32
      %dma_wait3A_123 = tpu.memref_slice %arg10[%dma_wait3A_121, %dma_wait3A_122] : memref<128x32xf32, #tpu.memory_space<vmem>> -> memref<128x32xf32, #tpu.memory_space<vmem>>
      %dma_wait3A_124 = arith.constant 0 : i32
      %dma_wait3A_125 = tpu.memref_slice %arg2[%add3A_8, %dma_wait3A_124] : memref<10000x128xf32, #tpu.memory_space<hbm>> -> memref<128x32xf32, #tpu.memory_space<hbm>>
      tpu.wait_dma2 semaphore(%run_scoped3A : memref<!tpu.dma_semaphore, #tpu.memory_space<semaphore_mem>>) src(%dma_wait3A_125 : memref<128x32xf32, #tpu.memory_space<hbm>>) dst(%dma_wait3A_123 : memref<128x32xf32, #tpu.memory_space<vmem>>)
      tpu.yield
    }) : () -> ()
    "tpu.region"() ({
      %run_scoped3A = tpu.sem_alloc : memref<!tpu.dma_semaphore, #tpu.memory_space<semaphore_mem>>
      %dma_start3A_107 = arith.constant 0 : i32
      %dma_start3A_108 = arith.constant 0 : i32
      %dma_start3A_109 = tpu.memref_slice %arg10[%dma_start3A_107, %dma_start3A_108] : memref<128x32xf32, #tpu.memory_space<vmem>> -> memref<128x32xf32, #tpu.memory_space<vmem>>
      %dma_start3A_110 = arith.constant 0 : i32
      %dma_start3A_111 = tpu.memref_slice %arg18[%add3A_8, %dma_start3A_110] : memref<10000x32xf32, #tpu.memory_space<vmem_shared>> -> memref<128x32xf32, #tpu.memory_space<vmem_shared>>
      %dma_start3A_112 = arith.constant 0 : i32
      %dma_start3A_113 = tpu.memref_slice %arg18[%add3A_8, %dma_start3A_112] : memref<10000x32xf32, #tpu.memory_space<vmem_shared>> -> memref<128x32xf32, #tpu.memory_space<vmem_shared>>
      %dma_start3A_114 = arith.constant 0 : i32
      %dma_start3A_115 = arith.constant 0 : i32
      %dma_start3A_116 = tpu.memref_slice %arg10[%dma_start3A_114, %dma_start3A_115] : memref<128x32xf32, #tpu.memory_space<vmem>> -> memref<128x32xf32, #tpu.memory_space<vmem>>
      tpu.enqueue_dma source(%dma_start3A_116 : memref<128x32xf32, #tpu.memory_space<vmem>>) target(%dma_start3A_113 : memref<128x32xf32, #tpu.memory_space<vmem_shared>>) target_semaphore(%run_scoped3A : memref<!tpu.dma_semaphore, #tpu.memory_space<semaphore_mem>>)
      %dma_wait3A = arith.constant 0 : i32
      %dma_wait3A_117 = arith.constant 0 : i32
      %dma_wait3A_118 = tpu.memref_slice %arg10[%dma_wait3A, %dma_wait3A_117] : memref<128x32xf32, #tpu.memory_space<vmem>> -> memref<128x32xf32, #tpu.memory_space<vmem>>
      %dma_wait3A_119 = arith.constant 0 : i32
      %dma_wait3A_120 = tpu.memref_slice %arg18[%add3A_8, %dma_wait3A_119] : memref<10000x32xf32, #tpu.memory_space<vmem_shared>> -> memref<128x32xf32, #tpu.memory_space<vmem_shared>>
      %dma_wait3A_121 = arith.constant 0 : i32
      %dma_wait3A_122 = tpu.memref_slice %arg18[%add3A_8, %dma_wait3A_121] : memref<10000x32xf32, #tpu.memory_space<vmem_shared>> -> memref<128x32xf32, #tpu.memory_space<vmem_shared>>
      %dma_wait3A_123 = arith.constant 0 : i32
      %dma_wait3A_124 = arith.constant 0 : i32
      %dma_wait3A_125 = tpu.memref_slice %arg10[%dma_wait3A_123, %dma_wait3A_124] : memref<128x32xf32, #tpu.memory_space<vmem>> -> memref<128x32xf32, #tpu.memory_space<vmem>>
      tpu.wait_dma2 semaphore(%run_scoped3A : memref<!tpu.dma_semaphore, #tpu.memory_space<semaphore_mem>>) src(%dma_wait3A_125 : memref<128x32xf32, #tpu.memory_space<vmem>>) dst(%dma_wait3A_122 : memref<128x32xf32, #tpu.memory_space<vmem_shared>>)
      tpu.yield
    }) : () -> ()
    %mul3A_9 = arith.constant 624 : i32
    %mul3A_10 = arith.muli %arg1, %mul3A_9 : i32
    %add3A_11 = arith.constant 128 : i32
    %add3A_12 = arith.addi %mul3A_10, %add3A_11 : i32
    "tpu.region"() ({
      %run_scoped3A = tpu.sem_alloc : memref<!tpu.dma_semaphore, #tpu.memory_space<semaphore_mem>>
      %dma_start3A_107 = arith.constant 0 : i32
      %dma_start3A_108 = arith.constant 0 : i32
      %dma_start3A_109 = tpu.memref_slice %arg10[%dma_start3A_107, %dma_start3A_108] : memref<128x32xf32, #tpu.memory_space<vmem>> -> memref<128x32xf32, #tpu.memory_space<vmem>>
      %dma_start3A_110 = arith.constant 0 : i32
      %dma_start3A_111 = tpu.memref_slice %arg2[%add3A_12, %dma_start3A_110] : memref<10000x128xf32, #tpu.memory_space<hbm>> -> memref<128x32xf32, #tpu.memory_space<hbm>>
      %dma_start3A_112 = arith.constant 0 : i32
      %dma_start3A_113 = arith.constant 0 : i32
      %dma_start3A_114 = tpu.memref_slice %arg10[%dma_start3A_112, %dma_start3A_113] : memref<128x32xf32, #tpu.memory_space<vmem>> -> memref<128x32xf32, #tpu.memory_space<vmem>>
      %dma_start3A_115 = arith.constant 0 : i32
      %dma_start3A_116 = tpu.memref_slice %arg2[%add3A_12, %dma_start3A_115] : memref<10000x128xf32, #tpu.memory_space<hbm>> -> memref<128x32xf32, #tpu.memory_space<hbm>>
      tpu.enqueue_dma source(%dma_start3A_116 : memref<128x32xf32, #tpu.memory_space<hbm>>) target(%dma_start3A_114 : memref<128x32xf32, #tpu.memory_space<vmem>>) target_semaphore(%run_scoped3A : memref<!tpu.dma_semaphore, #tpu.memory_space<semaphore_mem>>)
      %dma_wait3A = arith.constant 0 : i32
      %dma_wait3A_117 = arith.constant 0 : i32
      %dma_wait3A_118 = tpu.memref_slice %arg10[%dma_wait3A, %dma_wait3A_117] : memref<128x32xf32, #tpu.memory_space<vmem>> -> memref<128x32xf32, #tpu.memory_space<vmem>>
      %dma_wait3A_119 = arith.constant 0 : i32
      %dma_wait3A_120 = tpu.memref_slice %arg2[%add3A_12, %dma_wait3A_119] : memref<10000x128xf32, #tpu.memory_space<hbm>> -> memref<128x32xf32, #tpu.memory_space<hbm>>
      %dma_wait3A_121 = arith.constant 0 : i32
      %dma_wait3A_122 = arith.constant 0 : i32
      %dma_wait3A_123 = tpu.memref_slice %arg10[%dma_wait3A_121, %dma_wait3A_122] : memref<128x32xf32, #tpu.memory_space<vmem>> -> memref<128x32xf32, #tpu.memory_space<vmem>>
      %dma_wait3A_124 = arith.constant 0 : i32
      %dma_wait3A_125 = tpu.memref_slice %arg2[%add3A_12, %dma_wait3A_124] : memref<10000x128xf32, #tpu.memory_space<hbm>> -> memref<128x32xf32, #tpu.memory_space<hbm>>
      tpu.wait_dma2 semaphore(%run_scoped3A : memref<!tpu.dma_semaphore, #tpu.memory_space<semaphore_mem>>) src(%dma_wait3A_125 : memref<128x32xf32, #tpu.memory_space<hbm>>) dst(%dma_wait3A_123 : memref<128x32xf32, #tpu.memory_space<vmem>>)
      tpu.yield
    }) : () -> ()
    "tpu.region"() ({
      %run_scoped3A = tpu.sem_alloc : memref<!tpu.dma_semaphore, #tpu.memory_space<semaphore_mem>>
      %dma_start3A_107 = arith.constant 0 : i32
      %dma_start3A_108 = arith.constant 0 : i32
      %dma_start3A_109 = tpu.memref_slice %arg10[%dma_start3A_107, %dma_start3A_108] : memref<128x32xf32, #tpu.memory_space<vmem>> -> memref<128x32xf32, #tpu.memory_space<vmem>>
      %dma_start3A_110 = arith.constant 0 : i32
      %dma_start3A_111 = tpu.memref_slice %arg18[%add3A_12, %dma_start3A_110] : memref<10000x32xf32, #tpu.memory_space<vmem_shared>> -> memref<128x32xf32, #tpu.memory_space<vmem_shared>>
      %dma_start3A_112 = arith.constant 0 : i32
      %dma_start3A_113 = tpu.memref_slice %arg18[%add3A_12, %dma_start3A_112] : memref<10000x32xf32, #tpu.memory_space<vmem_shared>> -> memref<128x32xf32, #tpu.memory_space<vmem_shared>>
      %dma_start3A_114 = arith.constant 0 : i32
      %dma_start3A_115 = arith.constant 0 : i32
      %dma_start3A_116 = tpu.memref_slice %arg10[%dma_start3A_114, %dma_start3A_115] : memref<128x32xf32, #tpu.memory_space<vmem>> -> memref<128x32xf32, #tpu.memory_space<vmem>>
      tpu.enqueue_dma source(%dma_start3A_116 : memref<128x32xf32, #tpu.memory_space<vmem>>) target(%dma_start3A_113 : memref<128x32xf32, #tpu.memory_space<vmem_shared>>) target_semaphore(%run_scoped3A : memref<!tpu.dma_semaphore, #tpu.memory_space<semaphore_mem>>)
      %dma_wait3A = arith.constant 0 : i32
      %dma_wait3A_117 = arith.constant 0 : i32
      %dma_wait3A_118 = tpu.memref_slice %arg10[%dma_wait3A, %dma_wait3A_117] : memref<128x32xf32, #tpu.memory_space<vmem>> -> memref<128x32xf32, #tpu.memory_space<vmem>>
      %dma_wait3A_119 = arith.constant 0 : i32
      %dma_wait3A_120 = tpu.memref_slice %arg18[%add3A_12, %dma_wait3A_119] : memref<10000x32xf32, #tpu.memory_space<vmem_shared>> -> memref<128x32xf32, #tpu.memory_space<vmem_shared>>
      %dma_wait3A_121 = arith.constant 0 : i32
      %dma_wait3A_122 = tpu.memref_slice %arg18[%add3A_12, %dma_wait3A_121] : memref<10000x32xf32, #tpu.memory_space<vmem_shared>> -> memref<128x32xf32, #tpu.memory_space<vmem_shared>>
      %dma_wait3A_123 = arith.constant 0 : i32
      %dma_wait3A_124 = arith.constant 0 : i32
      %dma_wait3A_125 = tpu.memref_slice %arg10[%dma_wait3A_123, %dma_wait3A_124] : memref<128x32xf32, #tpu.memory_space<vmem>> -> memref<128x32xf32, #tpu.memory_space<vmem>>
      tpu.wait_dma2 semaphore(%run_scoped3A : memref<!tpu.dma_semaphore, #tpu.memory_space<semaphore_mem>>) src(%dma_wait3A_125 : memref<128x32xf32, #tpu.memory_space<vmem>>) dst(%dma_wait3A_122 : memref<128x32xf32, #tpu.memory_space<vmem_shared>>)
      tpu.yield
    }) : () -> ()
    %mul3A_13 = arith.constant 624 : i32
    %mul3A_14 = arith.muli %arg1, %mul3A_13 : i32
    %add3A_15 = arith.constant 256 : i32
    %add3A_16 = arith.addi %mul3A_14, %add3A_15 : i32
    "tpu.region"() ({
      %run_scoped3A = tpu.sem_alloc : memref<!tpu.dma_semaphore, #tpu.memory_space<semaphore_mem>>
      %dma_start3A_107 = arith.constant 0 : i32
      %dma_start3A_108 = arith.constant 0 : i32
      %dma_start3A_109 = tpu.memref_slice %arg10[%dma_start3A_107, %dma_start3A_108] : memref<128x32xf32, #tpu.memory_space<vmem>> -> memref<128x32xf32, #tpu.memory_space<vmem>>
      %dma_start3A_110 = arith.constant 0 : i32
      %dma_start3A_111 = tpu.memref_slice %arg2[%add3A_16, %dma_start3A_110] : memref<10000x128xf32, #tpu.memory_space<hbm>> -> memref<128x32xf32, #tpu.memory_space<hbm>>
      %dma_start3A_112 = arith.constant 0 : i32
      %dma_start3A_113 = arith.constant 0 : i32
      %dma_start3A_114 = tpu.memref_slice %arg10[%dma_start3A_112, %dma_start3A_113] : memref<128x32xf32, #tpu.memory_space<vmem>> -> memref<128x32xf32, #tpu.memory_space<vmem>>
      %dma_start3A_115 = arith.constant 0 : i32
      %dma_start3A_116 = tpu.memref_slice %arg2[%add3A_16, %dma_start3A_115] : memref<10000x128xf32, #tpu.memory_space<hbm>> -> memref<128x32xf32, #tpu.memory_space<hbm>>
      tpu.enqueue_dma source(%dma_start3A_116 : memref<128x32xf32, #tpu.memory_space<hbm>>) target(%dma_start3A_114 : memref<128x32xf32, #tpu.memory_space<vmem>>) target_semaphore(%run_scoped3A : memref<!tpu.dma_semaphore, #tpu.memory_space<semaphore_mem>>)
      %dma_wait3A = arith.constant 0 : i32
      %dma_wait3A_117 = arith.constant 0 : i32
      %dma_wait3A_118 = tpu.memref_slice %arg10[%dma_wait3A, %dma_wait3A_117] : memref<128x32xf32, #tpu.memory_space<vmem>> -> memref<128x32xf32, #tpu.memory_space<vmem>>
      %dma_wait3A_119 = arith.constant 0 : i32
      %dma_wait3A_120 = tpu.memref_slice %arg2[%add3A_16, %dma_wait3A_119] : memref<10000x128xf32, #tpu.memory_space<hbm>> -> memref<128x32xf32, #tpu.memory_space<hbm>>
      %dma_wait3A_121 = arith.constant 0 : i32
      %dma_wait3A_122 = arith.constant 0 : i32
      %dma_wait3A_123 = tpu.memref_slice %arg10[%dma_wait3A_121, %dma_wait3A_122] : memref<128x32xf32, #tpu.memory_space<vmem>> -> memref<128x32xf32, #tpu.memory_space<vmem>>
      %dma_wait3A_124 = arith.constant 0 : i32
      %dma_wait3A_125 = tpu.memref_slice %arg2[%add3A_16, %dma_wait3A_124] : memref<10000x128xf32, #tpu.memory_space<hbm>> -> memref<128x32xf32, #tpu.memory_space<hbm>>
      tpu.wait_dma2 semaphore(%run_scoped3A : memref<!tpu.dma_semaphore, #tpu.memory_space<semaphore_mem>>) src(%dma_wait3A_125 : memref<128x32xf32, #tpu.memory_space<hbm>>) dst(%dma_wait3A_123 : memref<128x32xf32, #tpu.memory_space<vmem>>)
      tpu.yield
    }) : () -> ()
    "tpu.region"() ({
      %run_scoped3A = tpu.sem_alloc : memref<!tpu.dma_semaphore, #tpu.memory_space<semaphore_mem>>
      %dma_start3A_107 = arith.constant 0 : i32
      %dma_start3A_108 = arith.constant 0 : i32
      %dma_start3A_109 = tpu.memref_slice %arg10[%dma_start3A_107, %dma_start3A_108] : memref<128x32xf32, #tpu.memory_space<vmem>> -> memref<128x32xf32, #tpu.memory_space<vmem>>
      %dma_start3A_110 = arith.constant 0 : i32
      %dma_start3A_111 = tpu.memref_slice %arg18[%add3A_16, %dma_start3A_110] : memref<10000x32xf32, #tpu.memory_space<vmem_shared>> -> memref<128x32xf32, #tpu.memory_space<vmem_shared>>
      %dma_start3A_112 = arith.constant 0 : i32
      %dma_start3A_113 = tpu.memref_slice %arg18[%add3A_16, %dma_start3A_112] : memref<10000x32xf32, #tpu.memory_space<vmem_shared>> -> memref<128x32xf32, #tpu.memory_space<vmem_shared>>
      %dma_start3A_114 = arith.constant 0 : i32
      %dma_start3A_115 = arith.constant 0 : i32
      %dma_start3A_116 = tpu.memref_slice %arg10[%dma_start3A_114, %dma_start3A_115] : memref<128x32xf32, #tpu.memory_space<vmem>> -> memref<128x32xf32, #tpu.memory_space<vmem>>
      tpu.enqueue_dma source(%dma_start3A_116 : memref<128x32xf32, #tpu.memory_space<vmem>>) target(%dma_start3A_113 : memref<128x32xf32, #tpu.memory_space<vmem_shared>>) target_semaphore(%run_scoped3A : memref<!tpu.dma_semaphore, #tpu.memory_space<semaphore_mem>>)
      %dma_wait3A = arith.constant 0 : i32
      %dma_wait3A_117 = arith.constant 0 : i32
      %dma_wait3A_118 = tpu.memref_slice %arg10[%dma_wait3A, %dma_wait3A_117] : memref<128x32xf32, #tpu.memory_space<vmem>> -> memref<128x32xf32, #tpu.memory_space<vmem>>
      %dma_wait3A_119 = arith.constant 0 : i32
      %dma_wait3A_120 = tpu.memref_slice %arg18[%add3A_16, %dma_wait3A_119] : memref<10000x32xf32, #tpu.memory_space<vmem_shared>> -> memref<128x32xf32, #tpu.memory_space<vmem_shared>>
      %dma_wait3A_121 = arith.constant 0 : i32
      %dma_wait3A_122 = tpu.memref_slice %arg18[%add3A_16, %dma_wait3A_121] : memref<10000x32xf32, #tpu.memory_space<vmem_shared>> -> memref<128x32xf32, #tpu.memory_space<vmem_shared>>
      %dma_wait3A_123 = arith.constant 0 : i32
      %dma_wait3A_124 = arith.constant 0 : i32
      %dma_wait3A_125 = tpu.memref_slice %arg10[%dma_wait3A_123, %dma_wait3A_124] : memref<128x32xf32, #tpu.memory_space<vmem>> -> memref<128x32xf32, #tpu.memory_space<vmem>>
      tpu.wait_dma2 semaphore(%run_scoped3A : memref<!tpu.dma_semaphore, #tpu.memory_space<semaphore_mem>>) src(%dma_wait3A_125 : memref<128x32xf32, #tpu.memory_space<vmem>>) dst(%dma_wait3A_122 : memref<128x32xf32, #tpu.memory_space<vmem_shared>>)
      tpu.yield
    }) : () -> ()
    %mul3A_17 = arith.constant 624 : i32
    %mul3A_18 = arith.muli %arg1, %mul3A_17 : i32
    %add3A_19 = arith.constant 384 : i32
    %add3A_20 = arith.addi %mul3A_18, %add3A_19 : i32
    "tpu.region"() ({
      %run_scoped3A = tpu.sem_alloc : memref<!tpu.dma_semaphore, #tpu.memory_space<semaphore_mem>>
      %dma_start3A_107 = arith.constant 0 : i32
      %dma_start3A_108 = arith.constant 0 : i32
      %dma_start3A_109 = tpu.memref_slice %arg10[%dma_start3A_107, %dma_start3A_108] : memref<128x32xf32, #tpu.memory_space<vmem>> -> memref<128x32xf32, #tpu.memory_space<vmem>>
      %dma_start3A_110 = arith.constant 0 : i32
      %dma_start3A_111 = tpu.memref_slice %arg2[%add3A_20, %dma_start3A_110] : memref<10000x128xf32, #tpu.memory_space<hbm>> -> memref<128x32xf32, #tpu.memory_space<hbm>>
      %dma_start3A_112 = arith.constant 0 : i32
      %dma_start3A_113 = arith.constant 0 : i32
      %dma_start3A_114 = tpu.memref_slice %arg10[%dma_start3A_112, %dma_start3A_113] : memref<128x32xf32, #tpu.memory_space<vmem>> -> memref<128x32xf32, #tpu.memory_space<vmem>>
      %dma_start3A_115 = arith.constant 0 : i32
      %dma_start3A_116 = tpu.memref_slice %arg2[%add3A_20, %dma_start3A_115] : memref<10000x128xf32, #tpu.memory_space<hbm>> -> memref<128x32xf32, #tpu.memory_space<hbm>>
      tpu.enqueue_dma source(%dma_start3A_116 : memref<128x32xf32, #tpu.memory_space<hbm>>) target(%dma_start3A_114 : memref<128x32xf32, #tpu.memory_space<vmem>>) target_semaphore(%run_scoped3A : memref<!tpu.dma_semaphore, #tpu.memory_space<semaphore_mem>>)
      %dma_wait3A = arith.constant 0 : i32
      %dma_wait3A_117 = arith.constant 0 : i32
      %dma_wait3A_118 = tpu.memref_slice %arg10[%dma_wait3A, %dma_wait3A_117] : memref<128x32xf32, #tpu.memory_space<vmem>> -> memref<128x32xf32, #tpu.memory_space<vmem>>
      %dma_wait3A_119 = arith.constant 0 : i32
      %dma_wait3A_120 = tpu.memref_slice %arg2[%add3A_20, %dma_wait3A_119] : memref<10000x128xf32, #tpu.memory_space<hbm>> -> memref<128x32xf32, #tpu.memory_space<hbm>>
      %dma_wait3A_121 = arith.constant 0 : i32
      %dma_wait3A_122 = arith.constant 0 : i32
      %dma_wait3A_123 = tpu.memref_slice %arg10[%dma_wait3A_121, %dma_wait3A_122] : memref<128x32xf32, #tpu.memory_space<vmem>> -> memref<128x32xf32, #tpu.memory_space<vmem>>
      %dma_wait3A_124 = arith.constant 0 : i32
      %dma_wait3A_125 = tpu.memref_slice %arg2[%add3A_20, %dma_wait3A_124] : memref<10000x128xf32, #tpu.memory_space<hbm>> -> memref<128x32xf32, #tpu.memory_space<hbm>>
      tpu.wait_dma2 semaphore(%run_scoped3A : memref<!tpu.dma_semaphore, #tpu.memory_space<semaphore_mem>>) src(%dma_wait3A_125 : memref<128x32xf32, #tpu.memory_space<hbm>>) dst(%dma_wait3A_123 : memref<128x32xf32, #tpu.memory_space<vmem>>)
      tpu.yield
    }) : () -> ()
    "tpu.region"() ({
      %run_scoped3A = tpu.sem_alloc : memref<!tpu.dma_semaphore, #tpu.memory_space<semaphore_mem>>
      %dma_start3A_107 = arith.constant 0 : i32
      %dma_start3A_108 = arith.constant 0 : i32
      %dma_start3A_109 = tpu.memref_slice %arg10[%dma_start3A_107, %dma_start3A_108] : memref<128x32xf32, #tpu.memory_space<vmem>> -> memref<128x32xf32, #tpu.memory_space<vmem>>
      %dma_start3A_110 = arith.constant 0 : i32
      %dma_start3A_111 = tpu.memref_slice %arg18[%add3A_20, %dma_start3A_110] : memref<10000x32xf32, #tpu.memory_space<vmem_shared>> -> memref<128x32xf32, #tpu.memory_space<vmem_shared>>
      %dma_start3A_112 = arith.constant 0 : i32
      %dma_start3A_113 = tpu.memref_slice %arg18[%add3A_20, %dma_start3A_112] : memref<10000x32xf32, #tpu.memory_space<vmem_shared>> -> memref<128x32xf32, #tpu.memory_space<vmem_shared>>
      %dma_start3A_114 = arith.constant 0 : i32
      %dma_start3A_115 = arith.constant 0 : i32
      %dma_start3A_116 = tpu.memref_slice %arg10[%dma_start3A_114, %dma_start3A_115] : memref<128x32xf32, #tpu.memory_space<vmem>> -> memref<128x32xf32, #tpu.memory_space<vmem>>
      tpu.enqueue_dma source(%dma_start3A_116 : memref<128x32xf32, #tpu.memory_space<vmem>>) target(%dma_start3A_113 : memref<128x32xf32, #tpu.memory_space<vmem_shared>>) target_semaphore(%run_scoped3A : memref<!tpu.dma_semaphore, #tpu.memory_space<semaphore_mem>>)
      %dma_wait3A = arith.constant 0 : i32
      %dma_wait3A_117 = arith.constant 0 : i32
      %dma_wait3A_118 = tpu.memref_slice %arg10[%dma_wait3A, %dma_wait3A_117] : memref<128x32xf32, #tpu.memory_space<vmem>> -> memref<128x32xf32, #tpu.memory_space<vmem>>
      %dma_wait3A_119 = arith.constant 0 : i32
      %dma_wait3A_120 = tpu.memref_slice %arg18[%add3A_20, %dma_wait3A_119] : memref<10000x32xf32, #tpu.memory_space<vmem_shared>> -> memref<128x32xf32, #tpu.memory_space<vmem_shared>>
      %dma_wait3A_121 = arith.constant 0 : i32
      %dma_wait3A_122 = tpu.memref_slice %arg18[%add3A_20, %dma_wait3A_121] : memref<10000x32xf32, #tpu.memory_space<vmem_shared>> -> memref<128x32xf32, #tpu.memory_space<vmem_shared>>
      %dma_wait3A_123 = arith.constant 0 : i32
      %dma_wait3A_124 = arith.constant 0 : i32
      %dma_wait3A_125 = tpu.memref_slice %arg10[%dma_wait3A_123, %dma_wait3A_124] : memref<128x32xf32, #tpu.memory_space<vmem>> -> memref<128x32xf32, #tpu.memory_space<vmem>>
      tpu.wait_dma2 semaphore(%run_scoped3A : memref<!tpu.dma_semaphore, #tpu.memory_space<semaphore_mem>>) src(%dma_wait3A_125 : memref<128x32xf32, #tpu.memory_space<vmem>>) dst(%dma_wait3A_122 : memref<128x32xf32, #tpu.memory_space<vmem_shared>>)
      tpu.yield
    }) : () -> ()
    %mul3A_21 = arith.constant 624 : i32
    %mul3A_22 = arith.muli %arg1, %mul3A_21 : i32
    %add3A_23 = arith.constant 512 : i32
    %add3A_24 = arith.addi %mul3A_22, %add3A_23 : i32
    "tpu.region"() ({
      %run_scoped3A = tpu.sem_alloc : memref<!tpu.dma_semaphore, #tpu.memory_space<semaphore_mem>>
      %dma_start3A_107 = arith.constant 0 : i32
      %dma_start3A_108 = arith.constant 0 : i32
      %dma_start3A_109 = tpu.memref_slice %arg10[%dma_start3A_107, %dma_start3A_108] : memref<128x32xf32, #tpu.memory_space<vmem>> -> memref<112x32xf32, #tpu.memory_space<vmem>>
      %dma_start3A_110 = arith.constant 0 : i32
      %dma_start3A_111 = tpu.memref_slice %arg2[%add3A_24, %dma_start3A_110] : memref<10000x128xf32, #tpu.memory_space<hbm>> -> memref<112x32xf32, #tpu.memory_space<hbm>>
      %dma_start3A_112 = arith.constant 0 : i32
      %dma_start3A_113 = arith.constant 0 : i32
      %dma_start3A_114 = tpu.memref_slice %arg10[%dma_start3A_112, %dma_start3A_113] : memref<128x32xf32, #tpu.memory_space<vmem>> -> memref<112x32xf32, #tpu.memory_space<vmem>>
      %dma_start3A_115 = arith.constant 0 : i32
      %dma_start3A_116 = tpu.memref_slice %arg2[%add3A_24, %dma_start3A_115] : memref<10000x128xf32, #tpu.memory_space<hbm>> -> memref<112x32xf32, #tpu.memory_space<hbm>>
      tpu.enqueue_dma source(%dma_start3A_116 : memref<112x32xf32, #tpu.memory_space<hbm>>) target(%dma_start3A_114 : memref<112x32xf32, #tpu.memory_space<vmem>>) target_semaphore(%run_scoped3A : memref<!tpu.dma_semaphore, #tpu.memory_space<semaphore_mem>>)
      %dma_wait3A = arith.constant 0 : i32
      %dma_wait3A_117 = arith.constant 0 : i32
      %dma_wait3A_118 = tpu.memref_slice %arg10[%dma_wait3A, %dma_wait3A_117] : memref<128x32xf32, #tpu.memory_space<vmem>> -> memref<112x32xf32, #tpu.memory_space<vmem>>
      %dma_wait3A_119 = arith.constant 0 : i32
      %dma_wait3A_120 = tpu.memref_slice %arg2[%add3A_24, %dma_wait3A_119] : memref<10000x128xf32, #tpu.memory_space<hbm>> -> memref<112x32xf32, #tpu.memory_space<hbm>>
      %dma_wait3A_121 = arith.constant 0 : i32
      %dma_wait3A_122 = arith.constant 0 : i32
      %dma_wait3A_123 = tpu.memref_slice %arg10[%dma_wait3A_121, %dma_wait3A_122] : memref<128x32xf32, #tpu.memory_space<vmem>> -> memref<112x32xf32, #tpu.memory_space<vmem>>
      %dma_wait3A_124 = arith.constant 0 : i32
      %dma_wait3A_125 = tpu.memref_slice %arg2[%add3A_24, %dma_wait3A_124] : memref<10000x128xf32, #tpu.memory_space<hbm>> -> memref<112x32xf32, #tpu.memory_space<hbm>>
      tpu.wait_dma2 semaphore(%run_scoped3A : memref<!tpu.dma_semaphore, #tpu.memory_space<semaphore_mem>>) src(%dma_wait3A_125 : memref<112x32xf32, #tpu.memory_space<hbm>>) dst(%dma_wait3A_123 : memref<112x32xf32, #tpu.memory_space<vmem>>)
      tpu.yield
    }) : () -> ()
    "tpu.region"() ({
      %run_scoped3A = tpu.sem_alloc : memref<!tpu.dma_semaphore, #tpu.memory_space<semaphore_mem>>
      %dma_start3A_107 = arith.constant 0 : i32
      %dma_start3A_108 = arith.constant 0 : i32
      %dma_start3A_109 = tpu.memref_slice %arg10[%dma_start3A_107, %dma_start3A_108] : memref<128x32xf32, #tpu.memory_space<vmem>> -> memref<112x32xf32, #tpu.memory_space<vmem>>
      %dma_start3A_110 = arith.constant 0 : i32
      %dma_start3A_111 = tpu.memref_slice %arg18[%add3A_24, %dma_start3A_110] : memref<10000x32xf32, #tpu.memory_space<vmem_shared>> -> memref<112x32xf32, #tpu.memory_space<vmem_shared>>
      %dma_start3A_112 = arith.constant 0 : i32
      %dma_start3A_113 = tpu.memref_slice %arg18[%add3A_24, %dma_start3A_112] : memref<10000x32xf32, #tpu.memory_space<vmem_shared>> -> memref<112x32xf32, #tpu.memory_space<vmem_shared>>
      %dma_start3A_114 = arith.constant 0 : i32
      %dma_start3A_115 = arith.constant 0 : i32
      %dma_start3A_116 = tpu.memref_slice %arg10[%dma_start3A_114, %dma_start3A_115] : memref<128x32xf32, #tpu.memory_space<vmem>> -> memref<112x32xf32, #tpu.memory_space<vmem>>
      tpu.enqueue_dma source(%dma_start3A_116 : memref<112x32xf32, #tpu.memory_space<vmem>>) target(%dma_start3A_113 : memref<112x32xf32, #tpu.memory_space<vmem_shared>>) target_semaphore(%run_scoped3A : memref<!tpu.dma_semaphore, #tpu.memory_space<semaphore_mem>>)
      %dma_wait3A = arith.constant 0 : i32
      %dma_wait3A_117 = arith.constant 0 : i32
      %dma_wait3A_118 = tpu.memref_slice %arg10[%dma_wait3A, %dma_wait3A_117] : memref<128x32xf32, #tpu.memory_space<vmem>> -> memref<112x32xf32, #tpu.memory_space<vmem>>
      %dma_wait3A_119 = arith.constant 0 : i32
      %dma_wait3A_120 = tpu.memref_slice %arg18[%add3A_24, %dma_wait3A_119] : memref<10000x32xf32, #tpu.memory_space<vmem_shared>> -> memref<112x32xf32, #tpu.memory_space<vmem_shared>>
      %dma_wait3A_121 = arith.constant 0 : i32
      %dma_wait3A_122 = tpu.memref_slice %arg18[%add3A_24, %dma_wait3A_121] : memref<10000x32xf32, #tpu.memory_space<vmem_shared>> -> memref<112x32xf32, #tpu.memory_space<vmem_shared>>
      %dma_wait3A_123 = arith.constant 0 : i32
      %dma_wait3A_124 = arith.constant 0 : i32
      %dma_wait3A_125 = tpu.memref_slice %arg10[%dma_wait3A_123, %dma_wait3A_124] : memref<128x32xf32, #tpu.memory_space<vmem>> -> memref<112x32xf32, #tpu.memory_space<vmem>>
      tpu.wait_dma2 semaphore(%run_scoped3A : memref<!tpu.dma_semaphore, #tpu.memory_space<semaphore_mem>>) src(%dma_wait3A_125 : memref<112x32xf32, #tpu.memory_space<vmem>>) dst(%dma_wait3A_122 : memref<112x32xf32, #tpu.memory_space<vmem_shared>>)
      tpu.yield
    }) : () -> ()
    %eq3A = arith.constant 15 : i32
    %eq3A_25 = arith.cmpi eq, %arg1, %eq3A : i32
    %convert_element_type3A = arith.extui %eq3A_25 : i1 to i32
    %cond3A = arith.constant 0 : i32
    %cond3A_26 = arith.cmpi ne, %convert_element_type3A, %cond3A : i32
    scf.if %cond3A_26 {
      "tpu.region"() ({
        %run_scoped3A = tpu.sem_alloc : memref<!tpu.dma_semaphore, #tpu.memory_space<semaphore_mem>>
        %dma_start3A_107 = arith.constant 0 : i32
        %dma_start3A_108 = arith.constant 0 : i32
        %dma_start3A_109 = tpu.memref_slice %arg10[%dma_start3A_107, %dma_start3A_108] : memref<128x32xf32, #tpu.memory_space<vmem>> -> memref<16x32xf32, #tpu.memory_space<vmem>>
        %dma_start3A_110 = arith.constant 9984 : i32
        %dma_start3A_111 = arith.constant 0 : i32
        %dma_start3A_112 = tpu.memref_slice %arg2[%dma_start3A_110, %dma_start3A_111] : memref<10000x128xf32, #tpu.memory_space<hbm>> -> memref<16x32xf32, #tpu.memory_space<hbm>>
        %dma_start3A_113 = arith.constant 0 : i32
        %dma_start3A_114 = arith.constant 0 : i32
        %dma_start3A_115 = tpu.memref_slice %arg10[%dma_start3A_113, %dma_start3A_114] : memref<128x32xf32, #tpu.memory_space<vmem>> -> memref<16x32xf32, #tpu.memory_space<vmem>>
        %dma_start3A_116 = arith.constant 9984 : i32
        %dma_start3A_117 = arith.constant 0 : i32
        %dma_start3A_118 = tpu.memref_slice %arg2[%dma_start3A_116, %dma_start3A_117] : memref<10000x128xf32, #tpu.memory_space<hbm>> -> memref<16x32xf32, #tpu.memory_space<hbm>>
        tpu.enqueue_dma source(%dma_start3A_118 : memref<16x32xf32, #tpu.memory_space<hbm>>) target(%dma_start3A_115 : memref<16x32xf32, #tpu.memory_space<vmem>>) target_semaphore(%run_scoped3A : memref<!tpu.dma_semaphore, #tpu.memory_space<semaphore_mem>>)
        %dma_wait3A = arith.constant 0 : i32
        %dma_wait3A_119 = arith.constant 0 : i32
        %dma_wait3A_120 = tpu.memref_slice %arg10[%dma_wait3A, %dma_wait3A_119] : memref<128x32xf32, #tpu.memory_space<vmem>> -> memref<16x32xf32, #tpu.memory_space<vmem>>
        %dma_wait3A_121 = arith.constant 9984 : i32
        %dma_wait3A_122 = arith.constant 0 : i32
        %dma_wait3A_123 = tpu.memref_slice %arg2[%dma_wait3A_121, %dma_wait3A_122] : memref<10000x128xf32, #tpu.memory_space<hbm>> -> memref<16x32xf32, #tpu.memory_space<hbm>>
        %dma_wait3A_124 = arith.constant 0 : i32
        %dma_wait3A_125 = arith.constant 0 : i32
        %dma_wait3A_126 = tpu.memref_slice %arg10[%dma_wait3A_124, %dma_wait3A_125] : memref<128x32xf32, #tpu.memory_space<vmem>> -> memref<16x32xf32, #tpu.memory_space<vmem>>
        %dma_wait3A_127 = arith.constant 9984 : i32
        %dma_wait3A_128 = arith.constant 0 : i32
        %dma_wait3A_129 = tpu.memref_slice %arg2[%dma_wait3A_127, %dma_wait3A_128] : memref<10000x128xf32, #tpu.memory_space<hbm>> -> memref<16x32xf32, #tpu.memory_space<hbm>>
        tpu.wait_dma2 semaphore(%run_scoped3A : memref<!tpu.dma_semaphore, #tpu.memory_space<semaphore_mem>>) src(%dma_wait3A_129 : memref<16x32xf32, #tpu.memory_space<hbm>>) dst(%dma_wait3A_126 : memref<16x32xf32, #tpu.memory_space<vmem>>)
        tpu.yield
      }) : () -> ()
      "tpu.region"() ({
        %run_scoped3A = tpu.sem_alloc : memref<!tpu.dma_semaphore, #tpu.memory_space<semaphore_mem>>
        %dma_start3A_107 = arith.constant 0 : i32
        %dma_start3A_108 = arith.constant 0 : i32
        %dma_start3A_109 = tpu.memref_slice %arg10[%dma_start3A_107, %dma_start3A_108] : memref<128x32xf32, #tpu.memory_space<vmem>> -> memref<16x32xf32, #tpu.memory_space<vmem>>
        %dma_start3A_110 = arith.constant 9984 : i32
        %dma_start3A_111 = arith.constant 0 : i32
        %dma_start3A_112 = tpu.memref_slice %arg18[%dma_start3A_110, %dma_start3A_111] : memref<10000x32xf32, #tpu.memory_space<vmem_shared>> -> memref<16x32xf32, #tpu.memory_space<vmem_shared>>
        %dma_start3A_113 = arith.constant 9984 : i32
        %dma_start3A_114 = arith.constant 0 : i32
        %dma_start3A_115 = tpu.memref_slice %arg18[%dma_start3A_113, %dma_start3A_114] : memref<10000x32xf32, #tpu.memory_space<vmem_shared>> -> memref<16x32xf32, #tpu.memory_space<vmem_shared>>
        %dma_start3A_116 = arith.constant 0 : i32
        %dma_start3A_117 = arith.constant 0 : i32
        %dma_start3A_118 = tpu.memref_slice %arg10[%dma_start3A_116, %dma_start3A_117] : memref<128x32xf32, #tpu.memory_space<vmem>> -> memref<16x32xf32, #tpu.memory_space<vmem>>
        tpu.enqueue_dma source(%dma_start3A_118 : memref<16x32xf32, #tpu.memory_space<vmem>>) target(%dma_start3A_115 : memref<16x32xf32, #tpu.memory_space<vmem_shared>>) target_semaphore(%run_scoped3A : memref<!tpu.dma_semaphore, #tpu.memory_space<semaphore_mem>>)
        %dma_wait3A = arith.constant 0 : i32
        %dma_wait3A_119 = arith.constant 0 : i32
        %dma_wait3A_120 = tpu.memref_slice %arg10[%dma_wait3A, %dma_wait3A_119] : memref<128x32xf32, #tpu.memory_space<vmem>> -> memref<16x32xf32, #tpu.memory_space<vmem>>
        %dma_wait3A_121 = arith.constant 9984 : i32
        %dma_wait3A_122 = arith.constant 0 : i32
        %dma_wait3A_123 = tpu.memref_slice %arg18[%dma_wait3A_121, %dma_wait3A_122] : memref<10000x32xf32, #tpu.memory_space<vmem_shared>> -> memref<16x32xf32, #tpu.memory_space<vmem_shared>>
        %dma_wait3A_124 = arith.constant 9984 : i32
        %dma_wait3A_125 = arith.constant 0 : i32
        %dma_wait3A_126 = tpu.memref_slice %arg18[%dma_wait3A_124, %dma_wait3A_125] : memref<10000x32xf32, #tpu.memory_space<vmem_shared>> -> memref<16x32xf32, #tpu.memory_space<vmem_shared>>
        %dma_wait3A_127 = arith.constant 0 : i32
        %dma_wait3A_128 = arith.constant 0 : i32
        %dma_wait3A_129 = tpu.memref_slice %arg10[%dma_wait3A_127, %dma_wait3A_128] : memref<128x32xf32, #tpu.memory_space<vmem>> -> memref<16x32xf32, #tpu.memory_space<vmem>>
        tpu.wait_dma2 semaphore(%run_scoped3A : memref<!tpu.dma_semaphore, #tpu.memory_space<semaphore_mem>>) src(%dma_wait3A_129 : memref<16x32xf32, #tpu.memory_space<vmem>>) dst(%dma_wait3A_126 : memref<16x32xf32, #tpu.memory_space<vmem_shared>>)
        tpu.yield
      }) : () -> ()
    } else {
    }
    "tpu.region"() ({
      %run_scoped3A = tpu.sem_alloc : memref<!tpu.dma_semaphore, #tpu.memory_space<semaphore_mem>>
      tpu.enqueue_dma source(%arg5 : memref<128x32xf32, #tpu.memory_space<hbm>>) target(%arg9 : memref<128x32xf32, #tpu.memory_space<vmem>>) target_semaphore(%run_scoped3A : memref<!tpu.dma_semaphore, #tpu.memory_space<semaphore_mem>>)
      tpu.wait_dma2 semaphore(%run_scoped3A : memref<!tpu.dma_semaphore, #tpu.memory_space<semaphore_mem>>) src(%arg5 : memref<128x32xf32, #tpu.memory_space<hbm>>) dst(%arg9 : memref<128x32xf32, #tpu.memory_space<vmem>>)
      tpu.yield
    }) : () -> ()
    %mul3A_27 = arith.constant 640 : i32
    %mul3A_28 = arith.muli %arg1, %mul3A_27 : i32
    %add3A_29 = arith.constant 0 : i32
    %add3A_30 = arith.addi %mul3A_28, %add3A_29 : i32
    "tpu.region"() ({
      %run_scoped3A = tpu.sem_alloc : memref<!tpu.dma_semaphore, #tpu.memory_space<semaphore_mem>>
      %dma_start3A_107 = arith.constant 0 : i32
      %dma_start3A_108 = tpu.memref_slice %arg13[%add3A_30, %dma_start3A_107] : memref<10240x32xf32, #tpu.memory_space<vmem_shared>> -> memref<128x32xf32, #tpu.memory_space<vmem_shared>>
      %dma_start3A_109 = arith.constant 0 : i32
      %dma_start3A_110 = tpu.memref_slice %arg13[%add3A_30, %dma_start3A_109] : memref<10240x32xf32, #tpu.memory_space<vmem_shared>> -> memref<128x32xf32, #tpu.memory_space<vmem_shared>>
      tpu.enqueue_dma source(%arg9 : memref<128x32xf32, #tpu.memory_space<vmem>>) target(%dma_start3A_110 : memref<128x32xf32, #tpu.memory_space<vmem_shared>>) target_semaphore(%run_scoped3A : memref<!tpu.dma_semaphore, #tpu.memory_space<semaphore_mem>>)
      %dma_wait3A = arith.constant 0 : i32
      %dma_wait3A_111 = tpu.memref_slice %arg13[%add3A_30, %dma_wait3A] : memref<10240x32xf32, #tpu.memory_space<vmem_shared>> -> memref<128x32xf32, #tpu.memory_space<vmem_shared>>
      %dma_wait3A_112 = arith.constant 0 : i32
      %dma_wait3A_113 = tpu.memref_slice %arg13[%add3A_30, %dma_wait3A_112] : memref<10240x32xf32, #tpu.memory_space<vmem_shared>> -> memref<128x32xf32, #tpu.memory_space<vmem_shared>>
      tpu.wait_dma2 semaphore(%run_scoped3A : memref<!tpu.dma_semaphore, #tpu.memory_space<semaphore_mem>>) src(%arg9 : memref<128x32xf32, #tpu.memory_space<vmem>>) dst(%dma_wait3A_113 : memref<128x32xf32, #tpu.memory_space<vmem_shared>>)
      tpu.yield
    }) : () -> ()
    %mul3A_31 = arith.constant 640 : i32
    %mul3A_32 = arith.muli %arg1, %mul3A_31 : i32
    %add3A_33 = arith.constant 128 : i32
    %add3A_34 = arith.addi %mul3A_32, %add3A_33 : i32
    "tpu.region"() ({
      %run_scoped3A = tpu.sem_alloc : memref<!tpu.dma_semaphore, #tpu.memory_space<semaphore_mem>>
      %dma_start3A_107 = arith.constant 0 : i32
      %dma_start3A_108 = tpu.memref_slice %arg13[%add3A_34, %dma_start3A_107] : memref<10240x32xf32, #tpu.memory_space<vmem_shared>> -> memref<128x32xf32, #tpu.memory_space<vmem_shared>>
      %dma_start3A_109 = arith.constant 0 : i32
      %dma_start3A_110 = tpu.memref_slice %arg13[%add3A_34, %dma_start3A_109] : memref<10240x32xf32, #tpu.memory_space<vmem_shared>> -> memref<128x32xf32, #tpu.memory_space<vmem_shared>>
      tpu.enqueue_dma source(%arg9 : memref<128x32xf32, #tpu.memory_space<vmem>>) target(%dma_start3A_110 : memref<128x32xf32, #tpu.memory_space<vmem_shared>>) target_semaphore(%run_scoped3A : memref<!tpu.dma_semaphore, #tpu.memory_space<semaphore_mem>>)
      %dma_wait3A = arith.constant 0 : i32
      %dma_wait3A_111 = tpu.memref_slice %arg13[%add3A_34, %dma_wait3A] : memref<10240x32xf32, #tpu.memory_space<vmem_shared>> -> memref<128x32xf32, #tpu.memory_space<vmem_shared>>
      %dma_wait3A_112 = arith.constant 0 : i32
      %dma_wait3A_113 = tpu.memref_slice %arg13[%add3A_34, %dma_wait3A_112] : memref<10240x32xf32, #tpu.memory_space<vmem_shared>> -> memref<128x32xf32, #tpu.memory_space<vmem_shared>>
      tpu.wait_dma2 semaphore(%run_scoped3A : memref<!tpu.dma_semaphore, #tpu.memory_space<semaphore_mem>>) src(%arg9 : memref<128x32xf32, #tpu.memory_space<vmem>>) dst(%dma_wait3A_113 : memref<128x32xf32, #tpu.memory_space<vmem_shared>>)
      tpu.yield
    }) : () -> ()
    %mul3A_35 = arith.constant 640 : i32
    %mul3A_36 = arith.muli %arg1, %mul3A_35 : i32
    %add3A_37 = arith.constant 256 : i32
    %add3A_38 = arith.addi %mul3A_36, %add3A_37 : i32
    "tpu.region"() ({
      %run_scoped3A = tpu.sem_alloc : memref<!tpu.dma_semaphore, #tpu.memory_space<semaphore_mem>>
      %dma_start3A_107 = arith.constant 0 : i32
      %dma_start3A_108 = tpu.memref_slice %arg13[%add3A_38, %dma_start3A_107] : memref<10240x32xf32, #tpu.memory_space<vmem_shared>> -> memref<128x32xf32, #tpu.memory_space<vmem_shared>>
      %dma_start3A_109 = arith.constant 0 : i32
      %dma_start3A_110 = tpu.memref_slice %arg13[%add3A_38, %dma_start3A_109] : memref<10240x32xf32, #tpu.memory_space<vmem_shared>> -> memref<128x32xf32, #tpu.memory_space<vmem_shared>>
      tpu.enqueue_dma source(%arg9 : memref<128x32xf32, #tpu.memory_space<vmem>>) target(%dma_start3A_110 : memref<128x32xf32, #tpu.memory_space<vmem_shared>>) target_semaphore(%run_scoped3A : memref<!tpu.dma_semaphore, #tpu.memory_space<semaphore_mem>>)
      %dma_wait3A = arith.constant 0 : i32
      %dma_wait3A_111 = tpu.memref_slice %arg13[%add3A_38, %dma_wait3A] : memref<10240x32xf32, #tpu.memory_space<vmem_shared>> -> memref<128x32xf32, #tpu.memory_space<vmem_shared>>
      %dma_wait3A_112 = arith.constant 0 : i32
      %dma_wait3A_113 = tpu.memref_slice %arg13[%add3A_38, %dma_wait3A_112] : memref<10240x32xf32, #tpu.memory_space<vmem_shared>> -> memref<128x32xf32, #tpu.memory_space<vmem_shared>>
      tpu.wait_dma2 semaphore(%run_scoped3A : memref<!tpu.dma_semaphore, #tpu.memory_space<semaphore_mem>>) src(%arg9 : memref<128x32xf32, #tpu.memory_space<vmem>>) dst(%dma_wait3A_113 : memref<128x32xf32, #tpu.memory_space<vmem_shared>>)
      tpu.yield
    }) : () -> ()
    %mul3A_39 = arith.constant 640 : i32
    %mul3A_40 = arith.muli %arg1, %mul3A_39 : i32
    %add3A_41 = arith.constant 384 : i32
    %add3A_42 = arith.addi %mul3A_40, %add3A_41 : i32
    "tpu.region"() ({
      %run_scoped3A = tpu.sem_alloc : memref<!tpu.dma_semaphore, #tpu.memory_space<semaphore_mem>>
      %dma_start3A_107 = arith.constant 0 : i32
      %dma_start3A_108 = tpu.memref_slice %arg13[%add3A_42, %dma_start3A_107] : memref<10240x32xf32, #tpu.memory_space<vmem_shared>> -> memref<128x32xf32, #tpu.memory_space<vmem_shared>>
      %dma_start3A_109 = arith.constant 0 : i32
      %dma_start3A_110 = tpu.memref_slice %arg13[%add3A_42, %dma_start3A_109] : memref<10240x32xf32, #tpu.memory_space<vmem_shared>> -> memref<128x32xf32, #tpu.memory_space<vmem_shared>>
      tpu.enqueue_dma source(%arg9 : memref<128x32xf32, #tpu.memory_space<vmem>>) target(%dma_start3A_110 : memref<128x32xf32, #tpu.memory_space<vmem_shared>>) target_semaphore(%run_scoped3A : memref<!tpu.dma_semaphore, #tpu.memory_space<semaphore_mem>>)
      %dma_wait3A = arith.constant 0 : i32
      %dma_wait3A_111 = tpu.memref_slice %arg13[%add3A_42, %dma_wait3A] : memref<10240x32xf32, #tpu.memory_space<vmem_shared>> -> memref<128x32xf32, #tpu.memory_space<vmem_shared>>
      %dma_wait3A_112 = arith.constant 0 : i32
      %dma_wait3A_113 = tpu.memref_slice %arg13[%add3A_42, %dma_wait3A_112] : memref<10240x32xf32, #tpu.memory_space<vmem_shared>> -> memref<128x32xf32, #tpu.memory_space<vmem_shared>>
      tpu.wait_dma2 semaphore(%run_scoped3A : memref<!tpu.dma_semaphore, #tpu.memory_space<semaphore_mem>>) src(%arg9 : memref<128x32xf32, #tpu.memory_space<vmem>>) dst(%dma_wait3A_113 : memref<128x32xf32, #tpu.memory_space<vmem_shared>>)
      tpu.yield
    }) : () -> ()
    %mul3A_43 = arith.constant 640 : i32
    %mul3A_44 = arith.muli %arg1, %mul3A_43 : i32
    %add3A_45 = arith.constant 512 : i32
    %add3A_46 = arith.addi %mul3A_44, %add3A_45 : i32
    "tpu.region"() ({
      %run_scoped3A = tpu.sem_alloc : memref<!tpu.dma_semaphore, #tpu.memory_space<semaphore_mem>>
      %dma_start3A_107 = arith.constant 0 : i32
      %dma_start3A_108 = tpu.memref_slice %arg13[%add3A_46, %dma_start3A_107] : memref<10240x32xf32, #tpu.memory_space<vmem_shared>> -> memref<128x32xf32, #tpu.memory_space<vmem_shared>>
      %dma_start3A_109 = arith.constant 0 : i32
      %dma_start3A_110 = tpu.memref_slice %arg13[%add3A_46, %dma_start3A_109] : memref<10240x32xf32, #tpu.memory_space<vmem_shared>> -> memref<128x32xf32, #tpu.memory_space<vmem_shared>>
      tpu.enqueue_dma source(%arg9 : memref<128x32xf32, #tpu.memory_space<vmem>>) target(%dma_start3A_110 : memref<128x32xf32, #tpu.memory_space<vmem_shared>>) target_semaphore(%run_scoped3A : memref<!tpu.dma_semaphore, #tpu.memory_space<semaphore_mem>>)
      %dma_wait3A = arith.constant 0 : i32
      %dma_wait3A_111 = tpu.memref_slice %arg13[%add3A_46, %dma_wait3A] : memref<10240x32xf32, #tpu.memory_space<vmem_shared>> -> memref<128x32xf32, #tpu.memory_space<vmem_shared>>
      %dma_wait3A_112 = arith.constant 0 : i32
      %dma_wait3A_113 = tpu.memref_slice %arg13[%add3A_46, %dma_wait3A_112] : memref<10240x32xf32, #tpu.memory_space<vmem_shared>> -> memref<128x32xf32, #tpu.memory_space<vmem_shared>>
      tpu.wait_dma2 semaphore(%run_scoped3A : memref<!tpu.dma_semaphore, #tpu.memory_space<semaphore_mem>>) src(%arg9 : memref<128x32xf32, #tpu.memory_space<vmem>>) dst(%dma_wait3A_113 : memref<128x32xf32, #tpu.memory_space<vmem_shared>>)
      tpu.yield
    }) : () -> ()
    %barrier3A = arith.constant 0 : index
    tpu.barrier barrier_id(%barrier3A)
    %dma_start3A = arith.constant 0 : i32
    %dma_start3A_47 = tpu.memref_slice %arg7[%dma_start3A] : memref<5120xi32, #tpu.memory_space<vmem>> -> memref<128xi32, #tpu.memory_space<vmem>>
    %dma_start3A_48 = arith.constant 0 : i32
    %dma_start3A_49 = arith.constant 0 : i32
    %dma_start3A_50 = tpu.memref_slice %arg18[%dma_start3A_48, %dma_start3A_49] : memref<10000x32xf32, #tpu.memory_space<vmem_shared>> -> memref<10000x32xf32, #tpu.memory_space<vmem_shared>>
    tpu.enqueue_indirect_dma source(%dma_start3A_50 : memref<10000x32xf32, #tpu.memory_space<vmem_shared>>) target(%arg9 : memref<128x32xf32, #tpu.memory_space<vmem>>) offsets(%dma_start3A_47 : memref<128xi32, #tpu.memory_space<vmem>>) semaphore(%arg14 : memref<!tpu.dma_semaphore, #tpu.memory_space<semaphore_mem>>)
    %dma_start3A_51 = arith.constant 128 : i32
    %dma_start3A_52 = tpu.memref_slice %arg7[%dma_start3A_51] : memref<5120xi32, #tpu.memory_space<vmem>> -> memref<128xi32, #tpu.memory_space<vmem>>
    %dma_start3A_53 = arith.constant 0 : i32
    %dma_start3A_54 = arith.constant 0 : i32
    %dma_start3A_55 = tpu.memref_slice %arg18[%dma_start3A_53, %dma_start3A_54] : memref<10000x32xf32, #tpu.memory_space<vmem_shared>> -> memref<10000x32xf32, #tpu.memory_space<vmem_shared>>
    tpu.enqueue_indirect_dma source(%dma_start3A_55 : memref<10000x32xf32, #tpu.memory_space<vmem_shared>>) target(%arg10 : memref<128x32xf32, #tpu.memory_space<vmem>>) offsets(%dma_start3A_52 : memref<128xi32, #tpu.memory_space<vmem>>) semaphore(%arg15 : memref<!tpu.dma_semaphore, #tpu.memory_space<semaphore_mem>>)
    %dma_start3A_56 = arith.constant 256 : i32
    %dma_start3A_57 = tpu.memref_slice %arg7[%dma_start3A_56] : memref<5120xi32, #tpu.memory_space<vmem>> -> memref<128xi32, #tpu.memory_space<vmem>>
    %dma_start3A_58 = arith.constant 0 : i32
    %dma_start3A_59 = arith.constant 0 : i32
    %dma_start3A_60 = tpu.memref_slice %arg18[%dma_start3A_58, %dma_start3A_59] : memref<10000x32xf32, #tpu.memory_space<vmem_shared>> -> memref<10000x32xf32, #tpu.memory_space<vmem_shared>>
    tpu.enqueue_indirect_dma source(%dma_start3A_60 : memref<10000x32xf32, #tpu.memory_space<vmem_shared>>) target(%arg11 : memref<128x32xf32, #tpu.memory_space<vmem>>) offsets(%dma_start3A_57 : memref<128xi32, #tpu.memory_space<vmem>>) semaphore(%arg16 : memref<!tpu.dma_semaphore, #tpu.memory_space<semaphore_mem>>)
    %dma_start3A_61 = arith.constant 384 : i32
    %dma_start3A_62 = tpu.memref_slice %arg7[%dma_start3A_61] : memref<5120xi32, #tpu.memory_space<vmem>> -> memref<128xi32, #tpu.memory_space<vmem>>
    %dma_start3A_63 = arith.constant 0 : i32
    %dma_start3A_64 = arith.constant 0 : i32
    %dma_start3A_65 = tpu.memref_slice %arg18[%dma_start3A_63, %dma_start3A_64] : memref<10000x32xf32, #tpu.memory_space<vmem_shared>> -> memref<10000x32xf32, #tpu.memory_space<vmem_shared>>
    tpu.enqueue_indirect_dma source(%dma_start3A_65 : memref<10000x32xf32, #tpu.memory_space<vmem_shared>>) target(%arg12 : memref<128x32xf32, #tpu.memory_space<vmem>>) offsets(%dma_start3A_62 : memref<128xi32, #tpu.memory_space<vmem>>) semaphore(%arg17 : memref<!tpu.dma_semaphore, #tpu.memory_space<semaphore_mem>>)
    %scan3A = arith.constant 0 : i32
    %scan3A_66 = arith.constant 0 : i32
    %scan3A_67 = arith.constant 10 : i32
    %scan3A_68 = arith.addi %scan3A_66, %scan3A_67 : i32
    %scan3A_69 = arith.constant 1 : i32
    scf.for %scan3A_107 = %scan3A_66 to %scan3A_68 step %scan3A_69  : i32 {
      %mul3A_108 = arith.constant 4 : i32
      %mul3A_109 = arith.muli %mul3A_108, %scan3A_107 : i32
      %add3A_110 = arith.constant 0 : i32
      %add3A_111 = arith.addi %mul3A_109, %add3A_110 : i32
      %mul3A_112 = arith.constant 128 : i32
      %mul3A_113 = arith.muli %add3A_111, %mul3A_112 : i32
      %dma_wait3A = tpu.memref_slice %arg7[%mul3A_113] : memref<5120xi32, #tpu.memory_space<vmem>> -> memref<128xi32, #tpu.memory_space<vmem>>
      %dma_wait3A_114 = arith.constant 0 : i32
      %dma_wait3A_115 = arith.constant 0 : i32
      %dma_wait3A_116 = tpu.memref_slice %arg18[%dma_wait3A_114, %dma_wait3A_115] : memref<10000x32xf32, #tpu.memory_space<vmem_shared>> -> memref<10000x32xf32, #tpu.memory_space<vmem_shared>>
      tpu.wait_indirect_dma semaphore(%arg14 : memref<!tpu.dma_semaphore, #tpu.memory_space<semaphore_mem>>) src(%dma_wait3A_116 : memref<10000x32xf32, #tpu.memory_space<vmem_shared>>) dst(%arg9 : memref<128x32xf32, #tpu.memory_space<vmem>>)
      %add3A_117 = arith.constant 0 : i32
      %add3A_118 = arith.addi %mul3A_109, %add3A_117 : i32
      "tpu.region"() ({
        %run_scoped3A = tpu.sem_alloc : memref<!tpu.dma_semaphore, #tpu.memory_space<semaphore_mem>>
        %dma_start3A_184 = arith.constant 0 : i32
        %dma_start3A_185 = tpu.memref_slice %arg8[%add3A_118, %dma_start3A_184] : memref<40x128xi32, #tpu.memory_space<vmem>> -> memref<1x128xi32, #tpu.memory_space<vmem>>
        %dma_start3A_186 = tpu.memref_squeeze %dma_start3A_185 : memref<1x128xi32, #tpu.memory_space<vmem>> -> memref<128xi32, #tpu.memory_space<vmem>>
        %dma_start3A_187 = arith.constant 0 : i32
        %dma_start3A_188 = arith.constant 0 : i32
        %dma_start3A_189 = tpu.memref_slice %arg13[%dma_start3A_187, %dma_start3A_188] : memref<10240x32xf32, #tpu.memory_space<vmem_shared>> -> memref<10240x32xf32, #tpu.memory_space<vmem_shared>>
        tpu.enqueue_indirect_dma source(%arg9 : memref<128x32xf32, #tpu.memory_space<vmem>>) target(%dma_start3A_189 : memref<10240x32xf32, #tpu.memory_space<vmem_shared>>) offsets(%dma_start3A_186 : memref<128xi32, #tpu.memory_space<vmem>>) semaphore(%run_scoped3A : memref<!tpu.dma_semaphore, #tpu.memory_space<semaphore_mem>>) {add = true}
        %dma_wait3A_190 = arith.constant 0 : i32
        %dma_wait3A_191 = tpu.memref_slice %arg8[%add3A_118, %dma_wait3A_190] : memref<40x128xi32, #tpu.memory_space<vmem>> -> memref<1x128xi32, #tpu.memory_space<vmem>>
        %dma_wait3A_192 = tpu.memref_squeeze %dma_wait3A_191 : memref<1x128xi32, #tpu.memory_space<vmem>> -> memref<128xi32, #tpu.memory_space<vmem>>
        %dma_wait3A_193 = arith.constant 0 : i32
        %dma_wait3A_194 = arith.constant 0 : i32
        %dma_wait3A_195 = tpu.memref_slice %arg13[%dma_wait3A_193, %dma_wait3A_194] : memref<10240x32xf32, #tpu.memory_space<vmem_shared>> -> memref<10240x32xf32, #tpu.memory_space<vmem_shared>>
        tpu.wait_indirect_dma semaphore(%run_scoped3A : memref<!tpu.dma_semaphore, #tpu.memory_space<semaphore_mem>>) src(%arg9 : memref<128x32xf32, #tpu.memory_space<vmem>>) dst(%dma_wait3A_195 : memref<10240x32xf32, #tpu.memory_space<vmem_shared>>)
        tpu.yield
      }) : () -> ()
      %add3A_119 = arith.constant 0 : i32
      %add3A_120 = arith.addi %mul3A_109, %add3A_119 : i32
      %add3A_121 = arith.constant 4 : i32
      %add3A_122 = arith.addi %add3A_120, %add3A_121 : i32
      %lt3A = arith.constant 40 : i32
      %lt3A_123 = arith.cmpi slt, %add3A_122, %lt3A : i32
      %convert_element_type3A_124 = arith.extui %lt3A_123 : i1 to i32
      %cond3A_125 = arith.constant 0 : i32
      %cond3A_126 = arith.cmpi ne, %convert_element_type3A_124, %cond3A_125 : i32
      scf.if %cond3A_126 {
        %add3A_184 = arith.constant 0 : i32
        %add3A_185 = arith.addi %mul3A_109, %add3A_184 : i32
        %add3A_186 = arith.constant 4 : i32
        %add3A_187 = arith.addi %add3A_185, %add3A_186 : i32
        %mul3A_188 = arith.constant 128 : i32
        %mul3A_189 = arith.muli %add3A_187, %mul3A_188 : i32
        %dma_start3A_190 = tpu.memref_slice %arg7[%mul3A_189] : memref<5120xi32, #tpu.memory_space<vmem>> -> memref<128xi32, #tpu.memory_space<vmem>>
        %dma_start3A_191 = arith.constant 0 : i32
        %dma_start3A_192 = arith.constant 0 : i32
        %dma_start3A_193 = tpu.memref_slice %arg18[%dma_start3A_191, %dma_start3A_192] : memref<10000x32xf32, #tpu.memory_space<vmem_shared>> -> memref<10000x32xf32, #tpu.memory_space<vmem_shared>>
        tpu.enqueue_indirect_dma source(%dma_start3A_193 : memref<10000x32xf32, #tpu.memory_space<vmem_shared>>) target(%arg9 : memref<128x32xf32, #tpu.memory_space<vmem>>) offsets(%dma_start3A_190 : memref<128xi32, #tpu.memory_space<vmem>>) semaphore(%arg14 : memref<!tpu.dma_semaphore, #tpu.memory_space<semaphore_mem>>)
      } else {
      }
      %add3A_127 = arith.constant 1 : i32
      %add3A_128 = arith.addi %mul3A_109, %add3A_127 : i32
      %mul3A_129 = arith.constant 128 : i32
      %mul3A_130 = arith.muli %add3A_128, %mul3A_129 : i32
      %dma_wait3A_131 = tpu.memref_slice %arg7[%mul3A_130] : memref<5120xi32, #tpu.memory_space<vmem>> -> memref<128xi32, #tpu.memory_space<vmem>>
      %dma_wait3A_132 = arith.constant 0 : i32
      %dma_wait3A_133 = arith.constant 0 : i32
      %dma_wait3A_134 = tpu.memref_slice %arg18[%dma_wait3A_132, %dma_wait3A_133] : memref<10000x32xf32, #tpu.memory_space<vmem_shared>> -> memref<10000x32xf32, #tpu.memory_space<vmem_shared>>
      tpu.wait_indirect_dma semaphore(%arg15 : memref<!tpu.dma_semaphore, #tpu.memory_space<semaphore_mem>>) src(%dma_wait3A_134 : memref<10000x32xf32, #tpu.memory_space<vmem_shared>>) dst(%arg10 : memref<128x32xf32, #tpu.memory_space<vmem>>)
      %add3A_135 = arith.constant 1 : i32
      %add3A_136 = arith.addi %mul3A_109, %add3A_135 : i32
      "tpu.region"() ({
        %run_scoped3A = tpu.sem_alloc : memref<!tpu.dma_semaphore, #tpu.memory_space<semaphore_mem>>
        %dma_start3A_184 = arith.constant 0 : i32
        %dma_start3A_185 = tpu.memref_slice %arg8[%add3A_136, %dma_start3A_184] : memref<40x128xi32, #tpu.memory_space<vmem>> -> memref<1x128xi32, #tpu.memory_space<vmem>>
        %dma_start3A_186 = tpu.memref_squeeze %dma_start3A_185 : memref<1x128xi32, #tpu.memory_space<vmem>> -> memref<128xi32, #tpu.memory_space<vmem>>
        %dma_start3A_187 = arith.constant 0 : i32
        %dma_start3A_188 = arith.constant 0 : i32
        %dma_start3A_189 = tpu.memref_slice %arg13[%dma_start3A_187, %dma_start3A_188] : memref<10240x32xf32, #tpu.memory_space<vmem_shared>> -> memref<10240x32xf32, #tpu.memory_space<vmem_shared>>
        tpu.enqueue_indirect_dma source(%arg10 : memref<128x32xf32, #tpu.memory_space<vmem>>) target(%dma_start3A_189 : memref<10240x32xf32, #tpu.memory_space<vmem_shared>>) offsets(%dma_start3A_186 : memref<128xi32, #tpu.memory_space<vmem>>) semaphore(%run_scoped3A : memref<!tpu.dma_semaphore, #tpu.memory_space<semaphore_mem>>) {add = true}
        %dma_wait3A_190 = arith.constant 0 : i32
        %dma_wait3A_191 = tpu.memref_slice %arg8[%add3A_136, %dma_wait3A_190] : memref<40x128xi32, #tpu.memory_space<vmem>> -> memref<1x128xi32, #tpu.memory_space<vmem>>
        %dma_wait3A_192 = tpu.memref_squeeze %dma_wait3A_191 : memref<1x128xi32, #tpu.memory_space<vmem>> -> memref<128xi32, #tpu.memory_space<vmem>>
        %dma_wait3A_193 = arith.constant 0 : i32
        %dma_wait3A_194 = arith.constant 0 : i32
        %dma_wait3A_195 = tpu.memref_slice %arg13[%dma_wait3A_193, %dma_wait3A_194] : memref<10240x32xf32, #tpu.memory_space<vmem_shared>> -> memref<10240x32xf32, #tpu.memory_space<vmem_shared>>
        tpu.wait_indirect_dma semaphore(%run_scoped3A : memref<!tpu.dma_semaphore, #tpu.memory_space<semaphore_mem>>) src(%arg10 : memref<128x32xf32, #tpu.memory_space<vmem>>) dst(%dma_wait3A_195 : memref<10240x32xf32, #tpu.memory_space<vmem_shared>>)
        tpu.yield
      }) : () -> ()
      %add3A_137 = arith.constant 1 : i32
      %add3A_138 = arith.addi %mul3A_109, %add3A_137 : i32
      %add3A_139 = arith.constant 4 : i32
      %add3A_140 = arith.addi %add3A_138, %add3A_139 : i32
      %lt3A_141 = arith.constant 40 : i32
      %lt3A_142 = arith.cmpi slt, %add3A_140, %lt3A_141 : i32
      %convert_element_type3A_143 = arith.extui %lt3A_142 : i1 to i32
      %cond3A_144 = arith.constant 0 : i32
      %cond3A_145 = arith.cmpi ne, %convert_element_type3A_143, %cond3A_144 : i32
      scf.if %cond3A_145 {
        %add3A_184 = arith.constant 1 : i32
        %add3A_185 = arith.addi %mul3A_109, %add3A_184 : i32
        %add3A_186 = arith.constant 4 : i32
        %add3A_187 = arith.addi %add3A_185, %add3A_186 : i32
        %mul3A_188 = arith.constant 128 : i32
        %mul3A_189 = arith.muli %add3A_187, %mul3A_188 : i32
        %dma_start3A_190 = tpu.memref_slice %arg7[%mul3A_189] : memref<5120xi32, #tpu.memory_space<vmem>> -> memref<128xi32, #tpu.memory_space<vmem>>
        %dma_start3A_191 = arith.constant 0 : i32
        %dma_start3A_192 = arith.constant 0 : i32
        %dma_start3A_193 = tpu.memref_slice %arg18[%dma_start3A_191, %dma_start3A_192] : memref<10000x32xf32, #tpu.memory_space<vmem_shared>> -> memref<10000x32xf32, #tpu.memory_space<vmem_shared>>
        tpu.enqueue_indirect_dma source(%dma_start3A_193 : memref<10000x32xf32, #tpu.memory_space<vmem_shared>>) target(%arg10 : memref<128x32xf32, #tpu.memory_space<vmem>>) offsets(%dma_start3A_190 : memref<128xi32, #tpu.memory_space<vmem>>) semaphore(%arg15 : memref<!tpu.dma_semaphore, #tpu.memory_space<semaphore_mem>>)
      } else {
      }
      %add3A_146 = arith.constant 2 : i32
      %add3A_147 = arith.addi %mul3A_109, %add3A_146 : i32
      %mul3A_148 = arith.constant 128 : i32
      %mul3A_149 = arith.muli %add3A_147, %mul3A_148 : i32
      %dma_wait3A_150 = tpu.memref_slice %arg7[%mul3A_149] : memref<5120xi32, #tpu.memory_space<vmem>> -> memref<128xi32, #tpu.memory_space<vmem>>
      %dma_wait3A_151 = arith.constant 0 : i32
      %dma_wait3A_152 = arith.constant 0 : i32
      %dma_wait3A_153 = tpu.memref_slice %arg18[%dma_wait3A_151, %dma_wait3A_152] : memref<10000x32xf32, #tpu.memory_space<vmem_shared>> -> memref<10000x32xf32, #tpu.memory_space<vmem_shared>>
      tpu.wait_indirect_dma semaphore(%arg16 : memref<!tpu.dma_semaphore, #tpu.memory_space<semaphore_mem>>) src(%dma_wait3A_153 : memref<10000x32xf32, #tpu.memory_space<vmem_shared>>) dst(%arg11 : memref<128x32xf32, #tpu.memory_space<vmem>>)
      %add3A_154 = arith.constant 2 : i32
      %add3A_155 = arith.addi %mul3A_109, %add3A_154 : i32
      "tpu.region"() ({
        %run_scoped3A = tpu.sem_alloc : memref<!tpu.dma_semaphore, #tpu.memory_space<semaphore_mem>>
        %dma_start3A_184 = arith.constant 0 : i32
        %dma_start3A_185 = tpu.memref_slice %arg8[%add3A_155, %dma_start3A_184] : memref<40x128xi32, #tpu.memory_space<vmem>> -> memref<1x128xi32, #tpu.memory_space<vmem>>
        %dma_start3A_186 = tpu.memref_squeeze %dma_start3A_185 : memref<1x128xi32, #tpu.memory_space<vmem>> -> memref<128xi32, #tpu.memory_space<vmem>>
        %dma_start3A_187 = arith.constant 0 : i32
        %dma_start3A_188 = arith.constant 0 : i32
        %dma_start3A_189 = tpu.memref_slice %arg13[%dma_start3A_187, %dma_start3A_188] : memref<10240x32xf32, #tpu.memory_space<vmem_shared>> -> memref<10240x32xf32, #tpu.memory_space<vmem_shared>>
        tpu.enqueue_indirect_dma source(%arg11 : memref<128x32xf32, #tpu.memory_space<vmem>>) target(%dma_start3A_189 : memref<10240x32xf32, #tpu.memory_space<vmem_shared>>) offsets(%dma_start3A_186 : memref<128xi32, #tpu.memory_space<vmem>>) semaphore(%run_scoped3A : memref<!tpu.dma_semaphore, #tpu.memory_space<semaphore_mem>>) {add = true}
        %dma_wait3A_190 = arith.constant 0 : i32
        %dma_wait3A_191 = tpu.memref_slice %arg8[%add3A_155, %dma_wait3A_190] : memref<40x128xi32, #tpu.memory_space<vmem>> -> memref<1x128xi32, #tpu.memory_space<vmem>>
        %dma_wait3A_192 = tpu.memref_squeeze %dma_wait3A_191 : memref<1x128xi32, #tpu.memory_space<vmem>> -> memref<128xi32, #tpu.memory_space<vmem>>
        %dma_wait3A_193 = arith.constant 0 : i32
        %dma_wait3A_194 = arith.constant 0 : i32
        %dma_wait3A_195 = tpu.memref_slice %arg13[%dma_wait3A_193, %dma_wait3A_194] : memref<10240x32xf32, #tpu.memory_space<vmem_shared>> -> memref<10240x32xf32, #tpu.memory_space<vmem_shared>>
        tpu.wait_indirect_dma semaphore(%run_scoped3A : memref<!tpu.dma_semaphore, #tpu.memory_space<semaphore_mem>>) src(%arg11 : memref<128x32xf32, #tpu.memory_space<vmem>>) dst(%dma_wait3A_195 : memref<10240x32xf32, #tpu.memory_space<vmem_shared>>)
        tpu.yield
      }) : () -> ()
      %add3A_156 = arith.constant 2 : i32
      %add3A_157 = arith.addi %mul3A_109, %add3A_156 : i32
      %add3A_158 = arith.constant 4 : i32
      %add3A_159 = arith.addi %add3A_157, %add3A_158 : i32
      %lt3A_160 = arith.constant 40 : i32
      %lt3A_161 = arith.cmpi slt, %add3A_159, %lt3A_160 : i32
      %convert_element_type3A_162 = arith.extui %lt3A_161 : i1 to i32
      %cond3A_163 = arith.constant 0 : i32
      %cond3A_164 = arith.cmpi ne, %convert_element_type3A_162, %cond3A_163 : i32
      scf.if %cond3A_164 {
        %add3A_184 = arith.constant 2 : i32
        %add3A_185 = arith.addi %mul3A_109, %add3A_184 : i32
        %add3A_186 = arith.constant 4 : i32
        %add3A_187 = arith.addi %add3A_185, %add3A_186 : i32
        %mul3A_188 = arith.constant 128 : i32
        %mul3A_189 = arith.muli %add3A_187, %mul3A_188 : i32
        %dma_start3A_190 = tpu.memref_slice %arg7[%mul3A_189] : memref<5120xi32, #tpu.memory_space<vmem>> -> memref<128xi32, #tpu.memory_space<vmem>>
        %dma_start3A_191 = arith.constant 0 : i32
        %dma_start3A_192 = arith.constant 0 : i32
        %dma_start3A_193 = tpu.memref_slice %arg18[%dma_start3A_191, %dma_start3A_192] : memref<10000x32xf32, #tpu.memory_space<vmem_shared>> -> memref<10000x32xf32, #tpu.memory_space<vmem_shared>>
        tpu.enqueue_indirect_dma source(%dma_start3A_193 : memref<10000x32xf32, #tpu.memory_space<vmem_shared>>) target(%arg11 : memref<128x32xf32, #tpu.memory_space<vmem>>) offsets(%dma_start3A_190 : memref<128xi32, #tpu.memory_space<vmem>>) semaphore(%arg16 : memref<!tpu.dma_semaphore, #tpu.memory_space<semaphore_mem>>)
      } else {
      }
      %add3A_165 = arith.constant 3 : i32
      %add3A_166 = arith.addi %mul3A_109, %add3A_165 : i32
      %mul3A_167 = arith.constant 128 : i32
      %mul3A_168 = arith.muli %add3A_166, %mul3A_167 : i32
      %dma_wait3A_169 = tpu.memref_slice %arg7[%mul3A_168] : memref<5120xi32, #tpu.memory_space<vmem>> -> memref<128xi32, #tpu.memory_space<vmem>>
      %dma_wait3A_170 = arith.constant 0 : i32
      %dma_wait3A_171 = arith.constant 0 : i32
      %dma_wait3A_172 = tpu.memref_slice %arg18[%dma_wait3A_170, %dma_wait3A_171] : memref<10000x32xf32, #tpu.memory_space<vmem_shared>> -> memref<10000x32xf32, #tpu.memory_space<vmem_shared>>
      tpu.wait_indirect_dma semaphore(%arg17 : memref<!tpu.dma_semaphore, #tpu.memory_space<semaphore_mem>>) src(%dma_wait3A_172 : memref<10000x32xf32, #tpu.memory_space<vmem_shared>>) dst(%arg12 : memref<128x32xf32, #tpu.memory_space<vmem>>)
      %add3A_173 = arith.constant 3 : i32
      %add3A_174 = arith.addi %mul3A_109, %add3A_173 : i32
      "tpu.region"() ({
        %run_scoped3A = tpu.sem_alloc : memref<!tpu.dma_semaphore, #tpu.memory_space<semaphore_mem>>
        %dma_start3A_184 = arith.constant 0 : i32
        %dma_start3A_185 = tpu.memref_slice %arg8[%add3A_174, %dma_start3A_184] : memref<40x128xi32, #tpu.memory_space<vmem>> -> memref<1x128xi32, #tpu.memory_space<vmem>>
        %dma_start3A_186 = tpu.memref_squeeze %dma_start3A_185 : memref<1x128xi32, #tpu.memory_space<vmem>> -> memref<128xi32, #tpu.memory_space<vmem>>
        %dma_start3A_187 = arith.constant 0 : i32
        %dma_start3A_188 = arith.constant 0 : i32
        %dma_start3A_189 = tpu.memref_slice %arg13[%dma_start3A_187, %dma_start3A_188] : memref<10240x32xf32, #tpu.memory_space<vmem_shared>> -> memref<10240x32xf32, #tpu.memory_space<vmem_shared>>
        tpu.enqueue_indirect_dma source(%arg12 : memref<128x32xf32, #tpu.memory_space<vmem>>) target(%dma_start3A_189 : memref<10240x32xf32, #tpu.memory_space<vmem_shared>>) offsets(%dma_start3A_186 : memref<128xi32, #tpu.memory_space<vmem>>) semaphore(%run_scoped3A : memref<!tpu.dma_semaphore, #tpu.memory_space<semaphore_mem>>) {add = true}
        %dma_wait3A_190 = arith.constant 0 : i32
        %dma_wait3A_191 = tpu.memref_slice %arg8[%add3A_174, %dma_wait3A_190] : memref<40x128xi32, #tpu.memory_space<vmem>> -> memref<1x128xi32, #tpu.memory_space<vmem>>
        %dma_wait3A_192 = tpu.memref_squeeze %dma_wait3A_191 : memref<1x128xi32, #tpu.memory_space<vmem>> -> memref<128xi32, #tpu.memory_space<vmem>>
        %dma_wait3A_193 = arith.constant 0 : i32
        %dma_wait3A_194 = arith.constant 0 : i32
        %dma_wait3A_195 = tpu.memref_slice %arg13[%dma_wait3A_193, %dma_wait3A_194] : memref<10240x32xf32, #tpu.memory_space<vmem_shared>> -> memref<10240x32xf32, #tpu.memory_space<vmem_shared>>
        tpu.wait_indirect_dma semaphore(%run_scoped3A : memref<!tpu.dma_semaphore, #tpu.memory_space<semaphore_mem>>) src(%arg12 : memref<128x32xf32, #tpu.memory_space<vmem>>) dst(%dma_wait3A_195 : memref<10240x32xf32, #tpu.memory_space<vmem_shared>>)
        tpu.yield
      }) : () -> ()
      %add3A_175 = arith.constant 3 : i32
      %add3A_176 = arith.addi %mul3A_109, %add3A_175 : i32
      %add3A_177 = arith.constant 4 : i32
      %add3A_178 = arith.addi %add3A_176, %add3A_177 : i32
      %lt3A_179 = arith.constant 40 : i32
      %lt3A_180 = arith.cmpi slt, %add3A_178, %lt3A_179 : i32
      %convert_element_type3A_181 = arith.extui %lt3A_180 : i1 to i32
      %cond3A_182 = arith.constant 0 : i32
      %cond3A_183 = arith.cmpi ne, %convert_element_type3A_181, %cond3A_182 : i32
      scf.if %cond3A_183 {
        %add3A_184 = arith.constant 3 : i32
        %add3A_185 = arith.addi %mul3A_109, %add3A_184 : i32
        %add3A_186 = arith.constant 4 : i32
        %add3A_187 = arith.addi %add3A_185, %add3A_186 : i32
        %mul3A_188 = arith.constant 128 : i32
        %mul3A_189 = arith.muli %add3A_187, %mul3A_188 : i32
        %dma_start3A_190 = tpu.memref_slice %arg7[%mul3A_189] : memref<5120xi32, #tpu.memory_space<vmem>> -> memref<128xi32, #tpu.memory_space<vmem>>
        %dma_start3A_191 = arith.constant 0 : i32
        %dma_start3A_192 = arith.constant 0 : i32
        %dma_start3A_193 = tpu.memref_slice %arg18[%dma_start3A_191, %dma_start3A_192] : memref<10000x32xf32, #tpu.memory_space<vmem_shared>> -> memref<10000x32xf32, #tpu.memory_space<vmem_shared>>
        tpu.enqueue_indirect_dma source(%dma_start3A_193 : memref<10000x32xf32, #tpu.memory_space<vmem_shared>>) target(%arg12 : memref<128x32xf32, #tpu.memory_space<vmem>>) offsets(%dma_start3A_190 : memref<128xi32, #tpu.memory_space<vmem>>) semaphore(%arg17 : memref<!tpu.dma_semaphore, #tpu.memory_space<semaphore_mem>>)
      } else {
      }
    }
    %scan3A_70 = arith.constant 10 : i32
    %barrier3A_71 = arith.constant 0 : index
    tpu.barrier barrier_id(%barrier3A_71)
    %mul3A_72 = arith.constant 624 : i32
    %mul3A_73 = arith.muli %arg1, %mul3A_72 : i32
    %add3A_74 = arith.constant 0 : i32
    %add3A_75 = arith.addi %mul3A_73, %add3A_74 : i32
    "tpu.region"() ({
      %run_scoped3A = tpu.sem_alloc : memref<!tpu.dma_semaphore, #tpu.memory_space<semaphore_mem>>
      %dma_start3A_107 = arith.constant 0 : i32
      %dma_start3A_108 = arith.constant 0 : i32
      %dma_start3A_109 = tpu.memref_slice %arg9[%dma_start3A_107, %dma_start3A_108] : memref<128x32xf32, #tpu.memory_space<vmem>> -> memref<128x32xf32, #tpu.memory_space<vmem>>
      %dma_start3A_110 = arith.constant 0 : i32
      %dma_start3A_111 = tpu.memref_slice %arg13[%add3A_75, %dma_start3A_110] : memref<10240x32xf32, #tpu.memory_space<vmem_shared>> -> memref<128x32xf32, #tpu.memory_space<vmem_shared>>
      %dma_start3A_112 = arith.constant 0 : i32
      %dma_start3A_113 = arith.constant 0 : i32
      %dma_start3A_114 = tpu.memref_slice %arg9[%dma_start3A_112, %dma_start3A_113] : memref<128x32xf32, #tpu.memory_space<vmem>> -> memref<128x32xf32, #tpu.memory_space<vmem>>
      %dma_start3A_115 = arith.constant 0 : i32
      %dma_start3A_116 = tpu.memref_slice %arg13[%add3A_75, %dma_start3A_115] : memref<10240x32xf32, #tpu.memory_space<vmem_shared>> -> memref<128x32xf32, #tpu.memory_space<vmem_shared>>
      tpu.enqueue_dma source(%dma_start3A_116 : memref<128x32xf32, #tpu.memory_space<vmem_shared>>) target(%dma_start3A_114 : memref<128x32xf32, #tpu.memory_space<vmem>>) target_semaphore(%run_scoped3A : memref<!tpu.dma_semaphore, #tpu.memory_space<semaphore_mem>>)
      %dma_wait3A = arith.constant 0 : i32
      %dma_wait3A_117 = arith.constant 0 : i32
      %dma_wait3A_118 = tpu.memref_slice %arg9[%dma_wait3A, %dma_wait3A_117] : memref<128x32xf32, #tpu.memory_space<vmem>> -> memref<128x32xf32, #tpu.memory_space<vmem>>
      %dma_wait3A_119 = arith.constant 0 : i32
      %dma_wait3A_120 = tpu.memref_slice %arg13[%add3A_75, %dma_wait3A_119] : memref<10240x32xf32, #tpu.memory_space<vmem_shared>> -> memref<128x32xf32, #tpu.memory_space<vmem_shared>>
      %dma_wait3A_121 = arith.constant 0 : i32
      %dma_wait3A_122 = arith.constant 0 : i32
      %dma_wait3A_123 = tpu.memref_slice %arg9[%dma_wait3A_121, %dma_wait3A_122] : memref<128x32xf32, #tpu.memory_space<vmem>> -> memref<128x32xf32, #tpu.memory_space<vmem>>
      %dma_wait3A_124 = arith.constant 0 : i32
      %dma_wait3A_125 = tpu.memref_slice %arg13[%add3A_75, %dma_wait3A_124] : memref<10240x32xf32, #tpu.memory_space<vmem_shared>> -> memref<128x32xf32, #tpu.memory_space<vmem_shared>>
      tpu.wait_dma2 semaphore(%run_scoped3A : memref<!tpu.dma_semaphore, #tpu.memory_space<semaphore_mem>>) src(%dma_wait3A_125 : memref<128x32xf32, #tpu.memory_space<vmem_shared>>) dst(%dma_wait3A_123 : memref<128x32xf32, #tpu.memory_space<vmem>>)
      tpu.yield
    }) : () -> ()
    %mul3A_76 = arith.constant 32 : i32
    %mul3A_77 = arith.muli %arg0, %mul3A_76 : i32
    "tpu.region"() ({
      %run_scoped3A = tpu.sem_alloc : memref<!tpu.dma_semaphore, #tpu.memory_space<semaphore_mem>>
      %dma_start3A_107 = arith.constant 0 : i32
      %dma_start3A_108 = arith.constant 0 : i32
      %dma_start3A_109 = tpu.memref_slice %arg9[%dma_start3A_107, %dma_start3A_108] : memref<128x32xf32, #tpu.memory_space<vmem>> -> memref<128x32xf32, #tpu.memory_space<vmem>>
      %dma_start3A_110 = tpu.memref_slice %arg6[%add3A_75, %mul3A_77] : memref<10000x128xf32, #tpu.memory_space<hbm>> -> memref<128x32xf32, #tpu.memory_space<hbm>>
      %dma_start3A_111 = tpu.memref_slice %arg6[%add3A_75, %mul3A_77] : memref<10000x128xf32, #tpu.memory_space<hbm>> -> memref<128x32xf32, #tpu.memory_space<hbm>>
      %dma_start3A_112 = arith.constant 0 : i32
      %dma_start3A_113 = arith.constant 0 : i32
      %dma_start3A_114 = tpu.memref_slice %arg9[%dma_start3A_112, %dma_start3A_113] : memref<128x32xf32, #tpu.memory_space<vmem>> -> memref<128x32xf32, #tpu.memory_space<vmem>>
      tpu.enqueue_dma source(%dma_start3A_114 : memref<128x32xf32, #tpu.memory_space<vmem>>) target(%dma_start3A_111 : memref<128x32xf32, #tpu.memory_space<hbm>>) target_semaphore(%run_scoped3A : memref<!tpu.dma_semaphore, #tpu.memory_space<semaphore_mem>>)
      %dma_wait3A = arith.constant 0 : i32
      %dma_wait3A_115 = arith.constant 0 : i32
      %dma_wait3A_116 = tpu.memref_slice %arg9[%dma_wait3A, %dma_wait3A_115] : memref<128x32xf32, #tpu.memory_space<vmem>> -> memref<128x32xf32, #tpu.memory_space<vmem>>
      %dma_wait3A_117 = tpu.memref_slice %arg6[%add3A_75, %mul3A_77] : memref<10000x128xf32, #tpu.memory_space<hbm>> -> memref<128x32xf32, #tpu.memory_space<hbm>>
      %dma_wait3A_118 = tpu.memref_slice %arg6[%add3A_75, %mul3A_77] : memref<10000x128xf32, #tpu.memory_space<hbm>> -> memref<128x32xf32, #tpu.memory_space<hbm>>
      %dma_wait3A_119 = arith.constant 0 : i32
      %dma_wait3A_120 = arith.constant 0 : i32
      %dma_wait3A_121 = tpu.memref_slice %arg9[%dma_wait3A_119, %dma_wait3A_120] : memref<128x32xf32, #tpu.memory_space<vmem>> -> memref<128x32xf32, #tpu.memory_space<vmem>>
      tpu.wait_dma2 semaphore(%run_scoped3A : memref<!tpu.dma_semaphore, #tpu.memory_space<semaphore_mem>>) src(%dma_wait3A_121 : memref<128x32xf32, #tpu.memory_space<vmem>>) dst(%dma_wait3A_118 : memref<128x32xf32, #tpu.memory_space<hbm>>)
      tpu.yield
    }) : () -> ()
    %mul3A_78 = arith.constant 624 : i32
    %mul3A_79 = arith.muli %arg1, %mul3A_78 : i32
    %add3A_80 = arith.constant 128 : i32
    %add3A_81 = arith.addi %mul3A_79, %add3A_80 : i32
    "tpu.region"() ({
      %run_scoped3A = tpu.sem_alloc : memref<!tpu.dma_semaphore, #tpu.memory_space<semaphore_mem>>
      %dma_start3A_107 = arith.constant 0 : i32
      %dma_start3A_108 = arith.constant 0 : i32
      %dma_start3A_109 = tpu.memref_slice %arg9[%dma_start3A_107, %dma_start3A_108] : memref<128x32xf32, #tpu.memory_space<vmem>> -> memref<128x32xf32, #tpu.memory_space<vmem>>
      %dma_start3A_110 = arith.constant 0 : i32
      %dma_start3A_111 = tpu.memref_slice %arg13[%add3A_81, %dma_start3A_110] : memref<10240x32xf32, #tpu.memory_space<vmem_shared>> -> memref<128x32xf32, #tpu.memory_space<vmem_shared>>
      %dma_start3A_112 = arith.constant 0 : i32
      %dma_start3A_113 = arith.constant 0 : i32
      %dma_start3A_114 = tpu.memref_slice %arg9[%dma_start3A_112, %dma_start3A_113] : memref<128x32xf32, #tpu.memory_space<vmem>> -> memref<128x32xf32, #tpu.memory_space<vmem>>
      %dma_start3A_115 = arith.constant 0 : i32
      %dma_start3A_116 = tpu.memref_slice %arg13[%add3A_81, %dma_start3A_115] : memref<10240x32xf32, #tpu.memory_space<vmem_shared>> -> memref<128x32xf32, #tpu.memory_space<vmem_shared>>
      tpu.enqueue_dma source(%dma_start3A_116 : memref<128x32xf32, #tpu.memory_space<vmem_shared>>) target(%dma_start3A_114 : memref<128x32xf32, #tpu.memory_space<vmem>>) target_semaphore(%run_scoped3A : memref<!tpu.dma_semaphore, #tpu.memory_space<semaphore_mem>>)
      %dma_wait3A = arith.constant 0 : i32
      %dma_wait3A_117 = arith.constant 0 : i32
      %dma_wait3A_118 = tpu.memref_slice %arg9[%dma_wait3A, %dma_wait3A_117] : memref<128x32xf32, #tpu.memory_space<vmem>> -> memref<128x32xf32, #tpu.memory_space<vmem>>
      %dma_wait3A_119 = arith.constant 0 : i32
      %dma_wait3A_120 = tpu.memref_slice %arg13[%add3A_81, %dma_wait3A_119] : memref<10240x32xf32, #tpu.memory_space<vmem_shared>> -> memref<128x32xf32, #tpu.memory_space<vmem_shared>>
      %dma_wait3A_121 = arith.constant 0 : i32
      %dma_wait3A_122 = arith.constant 0 : i32
      %dma_wait3A_123 = tpu.memref_slice %arg9[%dma_wait3A_121, %dma_wait3A_122] : memref<128x32xf32, #tpu.memory_space<vmem>> -> memref<128x32xf32, #tpu.memory_space<vmem>>
      %dma_wait3A_124 = arith.constant 0 : i32
      %dma_wait3A_125 = tpu.memref_slice %arg13[%add3A_81, %dma_wait3A_124] : memref<10240x32xf32, #tpu.memory_space<vmem_shared>> -> memref<128x32xf32, #tpu.memory_space<vmem_shared>>
      tpu.wait_dma2 semaphore(%run_scoped3A : memref<!tpu.dma_semaphore, #tpu.memory_space<semaphore_mem>>) src(%dma_wait3A_125 : memref<128x32xf32, #tpu.memory_space<vmem_shared>>) dst(%dma_wait3A_123 : memref<128x32xf32, #tpu.memory_space<vmem>>)
      tpu.yield
    }) : () -> ()
    %mul3A_82 = arith.constant 32 : i32
    %mul3A_83 = arith.muli %arg0, %mul3A_82 : i32
    "tpu.region"() ({
      %run_scoped3A = tpu.sem_alloc : memref<!tpu.dma_semaphore, #tpu.memory_space<semaphore_mem>>
      %dma_start3A_107 = arith.constant 0 : i32
      %dma_start3A_108 = arith.constant 0 : i32
      %dma_start3A_109 = tpu.memref_slice %arg9[%dma_start3A_107, %dma_start3A_108] : memref<128x32xf32, #tpu.memory_space<vmem>> -> memref<128x32xf32, #tpu.memory_space<vmem>>
      %dma_start3A_110 = tpu.memref_slice %arg6[%add3A_81, %mul3A_83] : memref<10000x128xf32, #tpu.memory_space<hbm>> -> memref<128x32xf32, #tpu.memory_space<hbm>>
      %dma_start3A_111 = tpu.memref_slice %arg6[%add3A_81, %mul3A_83] : memref<10000x128xf32, #tpu.memory_space<hbm>> -> memref<128x32xf32, #tpu.memory_space<hbm>>
      %dma_start3A_112 = arith.constant 0 : i32
      %dma_start3A_113 = arith.constant 0 : i32
      %dma_start3A_114 = tpu.memref_slice %arg9[%dma_start3A_112, %dma_start3A_113] : memref<128x32xf32, #tpu.memory_space<vmem>> -> memref<128x32xf32, #tpu.memory_space<vmem>>
      tpu.enqueue_dma source(%dma_start3A_114 : memref<128x32xf32, #tpu.memory_space<vmem>>) target(%dma_start3A_111 : memref<128x32xf32, #tpu.memory_space<hbm>>) target_semaphore(%run_scoped3A : memref<!tpu.dma_semaphore, #tpu.memory_space<semaphore_mem>>)
      %dma_wait3A = arith.constant 0 : i32
      %dma_wait3A_115 = arith.constant 0 : i32
      %dma_wait3A_116 = tpu.memref_slice %arg9[%dma_wait3A, %dma_wait3A_115] : memref<128x32xf32, #tpu.memory_space<vmem>> -> memref<128x32xf32, #tpu.memory_space<vmem>>
      %dma_wait3A_117 = tpu.memref_slice %arg6[%add3A_81, %mul3A_83] : memref<10000x128xf32, #tpu.memory_space<hbm>> -> memref<128x32xf32, #tpu.memory_space<hbm>>
      %dma_wait3A_118 = tpu.memref_slice %arg6[%add3A_81, %mul3A_83] : memref<10000x128xf32, #tpu.memory_space<hbm>> -> memref<128x32xf32, #tpu.memory_space<hbm>>
      %dma_wait3A_119 = arith.constant 0 : i32
      %dma_wait3A_120 = arith.constant 0 : i32
      %dma_wait3A_121 = tpu.memref_slice %arg9[%dma_wait3A_119, %dma_wait3A_120] : memref<128x32xf32, #tpu.memory_space<vmem>> -> memref<128x32xf32, #tpu.memory_space<vmem>>
      tpu.wait_dma2 semaphore(%run_scoped3A : memref<!tpu.dma_semaphore, #tpu.memory_space<semaphore_mem>>) src(%dma_wait3A_121 : memref<128x32xf32, #tpu.memory_space<vmem>>) dst(%dma_wait3A_118 : memref<128x32xf32, #tpu.memory_space<hbm>>)
      tpu.yield
    }) : () -> ()
    %mul3A_84 = arith.constant 624 : i32
    %mul3A_85 = arith.muli %arg1, %mul3A_84 : i32
    %add3A_86 = arith.constant 256 : i32
    %add3A_87 = arith.addi %mul3A_85, %add3A_86 : i32
    "tpu.region"() ({
      %run_scoped3A = tpu.sem_alloc : memref<!tpu.dma_semaphore, #tpu.memory_space<semaphore_mem>>
      %dma_start3A_107 = arith.constant 0 : i32
      %dma_start3A_108 = arith.constant 0 : i32
      %dma_start3A_109 = tpu.memref_slice %arg9[%dma_start3A_107, %dma_start3A_108] : memref<128x32xf32, #tpu.memory_space<vmem>> -> memref<128x32xf32, #tpu.memory_space<vmem>>
      %dma_start3A_110 = arith.constant 0 : i32
      %dma_start3A_111 = tpu.memref_slice %arg13[%add3A_87, %dma_start3A_110] : memref<10240x32xf32, #tpu.memory_space<vmem_shared>> -> memref<128x32xf32, #tpu.memory_space<vmem_shared>>
      %dma_start3A_112 = arith.constant 0 : i32
      %dma_start3A_113 = arith.constant 0 : i32
      %dma_start3A_114 = tpu.memref_slice %arg9[%dma_start3A_112, %dma_start3A_113] : memref<128x32xf32, #tpu.memory_space<vmem>> -> memref<128x32xf32, #tpu.memory_space<vmem>>
      %dma_start3A_115 = arith.constant 0 : i32
      %dma_start3A_116 = tpu.memref_slice %arg13[%add3A_87, %dma_start3A_115] : memref<10240x32xf32, #tpu.memory_space<vmem_shared>> -> memref<128x32xf32, #tpu.memory_space<vmem_shared>>
      tpu.enqueue_dma source(%dma_start3A_116 : memref<128x32xf32, #tpu.memory_space<vmem_shared>>) target(%dma_start3A_114 : memref<128x32xf32, #tpu.memory_space<vmem>>) target_semaphore(%run_scoped3A : memref<!tpu.dma_semaphore, #tpu.memory_space<semaphore_mem>>)
      %dma_wait3A = arith.constant 0 : i32
      %dma_wait3A_117 = arith.constant 0 : i32
      %dma_wait3A_118 = tpu.memref_slice %arg9[%dma_wait3A, %dma_wait3A_117] : memref<128x32xf32, #tpu.memory_space<vmem>> -> memref<128x32xf32, #tpu.memory_space<vmem>>
      %dma_wait3A_119 = arith.constant 0 : i32
      %dma_wait3A_120 = tpu.memref_slice %arg13[%add3A_87, %dma_wait3A_119] : memref<10240x32xf32, #tpu.memory_space<vmem_shared>> -> memref<128x32xf32, #tpu.memory_space<vmem_shared>>
      %dma_wait3A_121 = arith.constant 0 : i32
      %dma_wait3A_122 = arith.constant 0 : i32
      %dma_wait3A_123 = tpu.memref_slice %arg9[%dma_wait3A_121, %dma_wait3A_122] : memref<128x32xf32, #tpu.memory_space<vmem>> -> memref<128x32xf32, #tpu.memory_space<vmem>>
      %dma_wait3A_124 = arith.constant 0 : i32
      %dma_wait3A_125 = tpu.memref_slice %arg13[%add3A_87, %dma_wait3A_124] : memref<10240x32xf32, #tpu.memory_space<vmem_shared>> -> memref<128x32xf32, #tpu.memory_space<vmem_shared>>
      tpu.wait_dma2 semaphore(%run_scoped3A : memref<!tpu.dma_semaphore, #tpu.memory_space<semaphore_mem>>) src(%dma_wait3A_125 : memref<128x32xf32, #tpu.memory_space<vmem_shared>>) dst(%dma_wait3A_123 : memref<128x32xf32, #tpu.memory_space<vmem>>)
      tpu.yield
    }) : () -> ()
    %mul3A_88 = arith.constant 32 : i32
    %mul3A_89 = arith.muli %arg0, %mul3A_88 : i32
    "tpu.region"() ({
      %run_scoped3A = tpu.sem_alloc : memref<!tpu.dma_semaphore, #tpu.memory_space<semaphore_mem>>
      %dma_start3A_107 = arith.constant 0 : i32
      %dma_start3A_108 = arith.constant 0 : i32
      %dma_start3A_109 = tpu.memref_slice %arg9[%dma_start3A_107, %dma_start3A_108] : memref<128x32xf32, #tpu.memory_space<vmem>> -> memref<128x32xf32, #tpu.memory_space<vmem>>
      %dma_start3A_110 = tpu.memref_slice %arg6[%add3A_87, %mul3A_89] : memref<10000x128xf32, #tpu.memory_space<hbm>> -> memref<128x32xf32, #tpu.memory_space<hbm>>
      %dma_start3A_111 = tpu.memref_slice %arg6[%add3A_87, %mul3A_89] : memref<10000x128xf32, #tpu.memory_space<hbm>> -> memref<128x32xf32, #tpu.memory_space<hbm>>
      %dma_start3A_112 = arith.constant 0 : i32
      %dma_start3A_113 = arith.constant 0 : i32
      %dma_start3A_114 = tpu.memref_slice %arg9[%dma_start3A_112, %dma_start3A_113] : memref<128x32xf32, #tpu.memory_space<vmem>> -> memref<128x32xf32, #tpu.memory_space<vmem>>
      tpu.enqueue_dma source(%dma_start3A_114 : memref<128x32xf32, #tpu.memory_space<vmem>>) target(%dma_start3A_111 : memref<128x32xf32, #tpu.memory_space<hbm>>) target_semaphore(%run_scoped3A : memref<!tpu.dma_semaphore, #tpu.memory_space<semaphore_mem>>)
      %dma_wait3A = arith.constant 0 : i32
      %dma_wait3A_115 = arith.constant 0 : i32
      %dma_wait3A_116 = tpu.memref_slice %arg9[%dma_wait3A, %dma_wait3A_115] : memref<128x32xf32, #tpu.memory_space<vmem>> -> memref<128x32xf32, #tpu.memory_space<vmem>>
      %dma_wait3A_117 = tpu.memref_slice %arg6[%add3A_87, %mul3A_89] : memref<10000x128xf32, #tpu.memory_space<hbm>> -> memref<128x32xf32, #tpu.memory_space<hbm>>
      %dma_wait3A_118 = tpu.memref_slice %arg6[%add3A_87, %mul3A_89] : memref<10000x128xf32, #tpu.memory_space<hbm>> -> memref<128x32xf32, #tpu.memory_space<hbm>>
      %dma_wait3A_119 = arith.constant 0 : i32
      %dma_wait3A_120 = arith.constant 0 : i32
      %dma_wait3A_121 = tpu.memref_slice %arg9[%dma_wait3A_119, %dma_wait3A_120] : memref<128x32xf32, #tpu.memory_space<vmem>> -> memref<128x32xf32, #tpu.memory_space<vmem>>
      tpu.wait_dma2 semaphore(%run_scoped3A : memref<!tpu.dma_semaphore, #tpu.memory_space<semaphore_mem>>) src(%dma_wait3A_121 : memref<128x32xf32, #tpu.memory_space<vmem>>) dst(%dma_wait3A_118 : memref<128x32xf32, #tpu.memory_space<hbm>>)
      tpu.yield
    }) : () -> ()
    %mul3A_90 = arith.constant 624 : i32
    %mul3A_91 = arith.muli %arg1, %mul3A_90 : i32
    %add3A_92 = arith.constant 384 : i32
    %add3A_93 = arith.addi %mul3A_91, %add3A_92 : i32
    "tpu.region"() ({
      %run_scoped3A = tpu.sem_alloc : memref<!tpu.dma_semaphore, #tpu.memory_space<semaphore_mem>>
      %dma_start3A_107 = arith.constant 0 : i32
      %dma_start3A_108 = arith.constant 0 : i32
      %dma_start3A_109 = tpu.memref_slice %arg9[%dma_start3A_107, %dma_start3A_108] : memref<128x32xf32, #tpu.memory_space<vmem>> -> memref<128x32xf32, #tpu.memory_space<vmem>>
      %dma_start3A_110 = arith.constant 0 : i32
      %dma_start3A_111 = tpu.memref_slice %arg13[%add3A_93, %dma_start3A_110] : memref<10240x32xf32, #tpu.memory_space<vmem_shared>> -> memref<128x32xf32, #tpu.memory_space<vmem_shared>>
      %dma_start3A_112 = arith.constant 0 : i32
      %dma_start3A_113 = arith.constant 0 : i32
      %dma_start3A_114 = tpu.memref_slice %arg9[%dma_start3A_112, %dma_start3A_113] : memref<128x32xf32, #tpu.memory_space<vmem>> -> memref<128x32xf32, #tpu.memory_space<vmem>>
      %dma_start3A_115 = arith.constant 0 : i32
      %dma_start3A_116 = tpu.memref_slice %arg13[%add3A_93, %dma_start3A_115] : memref<10240x32xf32, #tpu.memory_space<vmem_shared>> -> memref<128x32xf32, #tpu.memory_space<vmem_shared>>
      tpu.enqueue_dma source(%dma_start3A_116 : memref<128x32xf32, #tpu.memory_space<vmem_shared>>) target(%dma_start3A_114 : memref<128x32xf32, #tpu.memory_space<vmem>>) target_semaphore(%run_scoped3A : memref<!tpu.dma_semaphore, #tpu.memory_space<semaphore_mem>>)
      %dma_wait3A = arith.constant 0 : i32
      %dma_wait3A_117 = arith.constant 0 : i32
      %dma_wait3A_118 = tpu.memref_slice %arg9[%dma_wait3A, %dma_wait3A_117] : memref<128x32xf32, #tpu.memory_space<vmem>> -> memref<128x32xf32, #tpu.memory_space<vmem>>
      %dma_wait3A_119 = arith.constant 0 : i32
      %dma_wait3A_120 = tpu.memref_slice %arg13[%add3A_93, %dma_wait3A_119] : memref<10240x32xf32, #tpu.memory_space<vmem_shared>> -> memref<128x32xf32, #tpu.memory_space<vmem_shared>>
      %dma_wait3A_121 = arith.constant 0 : i32
      %dma_wait3A_122 = arith.constant 0 : i32
      %dma_wait3A_123 = tpu.memref_slice %arg9[%dma_wait3A_121, %dma_wait3A_122] : memref<128x32xf32, #tpu.memory_space<vmem>> -> memref<128x32xf32, #tpu.memory_space<vmem>>
      %dma_wait3A_124 = arith.constant 0 : i32
      %dma_wait3A_125 = tpu.memref_slice %arg13[%add3A_93, %dma_wait3A_124] : memref<10240x32xf32, #tpu.memory_space<vmem_shared>> -> memref<128x32xf32, #tpu.memory_space<vmem_shared>>
      tpu.wait_dma2 semaphore(%run_scoped3A : memref<!tpu.dma_semaphore, #tpu.memory_space<semaphore_mem>>) src(%dma_wait3A_125 : memref<128x32xf32, #tpu.memory_space<vmem_shared>>) dst(%dma_wait3A_123 : memref<128x32xf32, #tpu.memory_space<vmem>>)
      tpu.yield
    }) : () -> ()
    %mul3A_94 = arith.constant 32 : i32
    %mul3A_95 = arith.muli %arg0, %mul3A_94 : i32
    "tpu.region"() ({
      %run_scoped3A = tpu.sem_alloc : memref<!tpu.dma_semaphore, #tpu.memory_space<semaphore_mem>>
      %dma_start3A_107 = arith.constant 0 : i32
      %dma_start3A_108 = arith.constant 0 : i32
      %dma_start3A_109 = tpu.memref_slice %arg9[%dma_start3A_107, %dma_start3A_108] : memref<128x32xf32, #tpu.memory_space<vmem>> -> memref<128x32xf32, #tpu.memory_space<vmem>>
      %dma_start3A_110 = tpu.memref_slice %arg6[%add3A_93, %mul3A_95] : memref<10000x128xf32, #tpu.memory_space<hbm>> -> memref<128x32xf32, #tpu.memory_space<hbm>>
      %dma_start3A_111 = tpu.memref_slice %arg6[%add3A_93, %mul3A_95] : memref<10000x128xf32, #tpu.memory_space<hbm>> -> memref<128x32xf32, #tpu.memory_space<hbm>>
      %dma_start3A_112 = arith.constant 0 : i32
      %dma_start3A_113 = arith.constant 0 : i32
      %dma_start3A_114 = tpu.memref_slice %arg9[%dma_start3A_112, %dma_start3A_113] : memref<128x32xf32, #tpu.memory_space<vmem>> -> memref<128x32xf32, #tpu.memory_space<vmem>>
      tpu.enqueue_dma source(%dma_start3A_114 : memref<128x32xf32, #tpu.memory_space<vmem>>) target(%dma_start3A_111 : memref<128x32xf32, #tpu.memory_space<hbm>>) target_semaphore(%run_scoped3A : memref<!tpu.dma_semaphore, #tpu.memory_space<semaphore_mem>>)
      %dma_wait3A = arith.constant 0 : i32
      %dma_wait3A_115 = arith.constant 0 : i32
      %dma_wait3A_116 = tpu.memref_slice %arg9[%dma_wait3A, %dma_wait3A_115] : memref<128x32xf32, #tpu.memory_space<vmem>> -> memref<128x32xf32, #tpu.memory_space<vmem>>
      %dma_wait3A_117 = tpu.memref_slice %arg6[%add3A_93, %mul3A_95] : memref<10000x128xf32, #tpu.memory_space<hbm>> -> memref<128x32xf32, #tpu.memory_space<hbm>>
      %dma_wait3A_118 = tpu.memref_slice %arg6[%add3A_93, %mul3A_95] : memref<10000x128xf32, #tpu.memory_space<hbm>> -> memref<128x32xf32, #tpu.memory_space<hbm>>
      %dma_wait3A_119 = arith.constant 0 : i32
      %dma_wait3A_120 = arith.constant 0 : i32
      %dma_wait3A_121 = tpu.memref_slice %arg9[%dma_wait3A_119, %dma_wait3A_120] : memref<128x32xf32, #tpu.memory_space<vmem>> -> memref<128x32xf32, #tpu.memory_space<vmem>>
      tpu.wait_dma2 semaphore(%run_scoped3A : memref<!tpu.dma_semaphore, #tpu.memory_space<semaphore_mem>>) src(%dma_wait3A_121 : memref<128x32xf32, #tpu.memory_space<vmem>>) dst(%dma_wait3A_118 : memref<128x32xf32, #tpu.memory_space<hbm>>)
      tpu.yield
    }) : () -> ()
    %mul3A_96 = arith.constant 624 : i32
    %mul3A_97 = arith.muli %arg1, %mul3A_96 : i32
    %add3A_98 = arith.constant 512 : i32
    %add3A_99 = arith.addi %mul3A_97, %add3A_98 : i32
    "tpu.region"() ({
      %run_scoped3A = tpu.sem_alloc : memref<!tpu.dma_semaphore, #tpu.memory_space<semaphore_mem>>
      %dma_start3A_107 = arith.constant 0 : i32
      %dma_start3A_108 = arith.constant 0 : i32
      %dma_start3A_109 = tpu.memref_slice %arg9[%dma_start3A_107, %dma_start3A_108] : memref<128x32xf32, #tpu.memory_space<vmem>> -> memref<112x32xf32, #tpu.memory_space<vmem>>
      %dma_start3A_110 = arith.constant 0 : i32
      %dma_start3A_111 = tpu.memref_slice %arg13[%add3A_99, %dma_start3A_110] : memref<10240x32xf32, #tpu.memory_space<vmem_shared>> -> memref<112x32xf32, #tpu.memory_space<vmem_shared>>
      %dma_start3A_112 = arith.constant 0 : i32
      %dma_start3A_113 = arith.constant 0 : i32
      %dma_start3A_114 = tpu.memref_slice %arg9[%dma_start3A_112, %dma_start3A_113] : memref<128x32xf32, #tpu.memory_space<vmem>> -> memref<112x32xf32, #tpu.memory_space<vmem>>
      %dma_start3A_115 = arith.constant 0 : i32
      %dma_start3A_116 = tpu.memref_slice %arg13[%add3A_99, %dma_start3A_115] : memref<10240x32xf32, #tpu.memory_space<vmem_shared>> -> memref<112x32xf32, #tpu.memory_space<vmem_shared>>
      tpu.enqueue_dma source(%dma_start3A_116 : memref<112x32xf32, #tpu.memory_space<vmem_shared>>) target(%dma_start3A_114 : memref<112x32xf32, #tpu.memory_space<vmem>>) target_semaphore(%run_scoped3A : memref<!tpu.dma_semaphore, #tpu.memory_space<semaphore_mem>>)
      %dma_wait3A = arith.constant 0 : i32
      %dma_wait3A_117 = arith.constant 0 : i32
      %dma_wait3A_118 = tpu.memref_slice %arg9[%dma_wait3A, %dma_wait3A_117] : memref<128x32xf32, #tpu.memory_space<vmem>> -> memref<112x32xf32, #tpu.memory_space<vmem>>
      %dma_wait3A_119 = arith.constant 0 : i32
      %dma_wait3A_120 = tpu.memref_slice %arg13[%add3A_99, %dma_wait3A_119] : memref<10240x32xf32, #tpu.memory_space<vmem_shared>> -> memref<112x32xf32, #tpu.memory_space<vmem_shared>>
      %dma_wait3A_121 = arith.constant 0 : i32
      %dma_wait3A_122 = arith.constant 0 : i32
      %dma_wait3A_123 = tpu.memref_slice %arg9[%dma_wait3A_121, %dma_wait3A_122] : memref<128x32xf32, #tpu.memory_space<vmem>> -> memref<112x32xf32, #tpu.memory_space<vmem>>
      %dma_wait3A_124 = arith.constant 0 : i32
      %dma_wait3A_125 = tpu.memref_slice %arg13[%add3A_99, %dma_wait3A_124] : memref<10240x32xf32, #tpu.memory_space<vmem_shared>> -> memref<112x32xf32, #tpu.memory_space<vmem_shared>>
      tpu.wait_dma2 semaphore(%run_scoped3A : memref<!tpu.dma_semaphore, #tpu.memory_space<semaphore_mem>>) src(%dma_wait3A_125 : memref<112x32xf32, #tpu.memory_space<vmem_shared>>) dst(%dma_wait3A_123 : memref<112x32xf32, #tpu.memory_space<vmem>>)
      tpu.yield
    }) : () -> ()
    %mul3A_100 = arith.constant 32 : i32
    %mul3A_101 = arith.muli %arg0, %mul3A_100 : i32
    "tpu.region"() ({
      %run_scoped3A = tpu.sem_alloc : memref<!tpu.dma_semaphore, #tpu.memory_space<semaphore_mem>>
      %dma_start3A_107 = arith.constant 0 : i32
      %dma_start3A_108 = arith.constant 0 : i32
      %dma_start3A_109 = tpu.memref_slice %arg9[%dma_start3A_107, %dma_start3A_108] : memref<128x32xf32, #tpu.memory_space<vmem>> -> memref<112x32xf32, #tpu.memory_space<vmem>>
      %dma_start3A_110 = tpu.memref_slice %arg6[%add3A_99, %mul3A_101] : memref<10000x128xf32, #tpu.memory_space<hbm>> -> memref<112x32xf32, #tpu.memory_space<hbm>>
      %dma_start3A_111 = tpu.memref_slice %arg6[%add3A_99, %mul3A_101] : memref<10000x128xf32, #tpu.memory_space<hbm>> -> memref<112x32xf32, #tpu.memory_space<hbm>>
      %dma_start3A_112 = arith.constant 0 : i32
      %dma_start3A_113 = arith.constant 0 : i32
      %dma_start3A_114 = tpu.memref_slice %arg9[%dma_start3A_112, %dma_start3A_113] : memref<128x32xf32, #tpu.memory_space<vmem>> -> memref<112x32xf32, #tpu.memory_space<vmem>>
      tpu.enqueue_dma source(%dma_start3A_114 : memref<112x32xf32, #tpu.memory_space<vmem>>) target(%dma_start3A_111 : memref<112x32xf32, #tpu.memory_space<hbm>>) target_semaphore(%run_scoped3A : memref<!tpu.dma_semaphore, #tpu.memory_space<semaphore_mem>>)
      %dma_wait3A = arith.constant 0 : i32
      %dma_wait3A_115 = arith.constant 0 : i32
      %dma_wait3A_116 = tpu.memref_slice %arg9[%dma_wait3A, %dma_wait3A_115] : memref<128x32xf32, #tpu.memory_space<vmem>> -> memref<112x32xf32, #tpu.memory_space<vmem>>
      %dma_wait3A_117 = tpu.memref_slice %arg6[%add3A_99, %mul3A_101] : memref<10000x128xf32, #tpu.memory_space<hbm>> -> memref<112x32xf32, #tpu.memory_space<hbm>>
      %dma_wait3A_118 = tpu.memref_slice %arg6[%add3A_99, %mul3A_101] : memref<10000x128xf32, #tpu.memory_space<hbm>> -> memref<112x32xf32, #tpu.memory_space<hbm>>
      %dma_wait3A_119 = arith.constant 0 : i32
      %dma_wait3A_120 = arith.constant 0 : i32
      %dma_wait3A_121 = tpu.memref_slice %arg9[%dma_wait3A_119, %dma_wait3A_120] : memref<128x32xf32, #tpu.memory_space<vmem>> -> memref<112x32xf32, #tpu.memory_space<vmem>>
      tpu.wait_dma2 semaphore(%run_scoped3A : memref<!tpu.dma_semaphore, #tpu.memory_space<semaphore_mem>>) src(%dma_wait3A_121 : memref<112x32xf32, #tpu.memory_space<vmem>>) dst(%dma_wait3A_118 : memref<112x32xf32, #tpu.memory_space<hbm>>)
      tpu.yield
    }) : () -> ()
    %eq3A_102 = arith.constant 15 : i32
    %eq3A_103 = arith.cmpi eq, %arg1, %eq3A_102 : i32
    %convert_element_type3A_104 = arith.extui %eq3A_103 : i1 to i32
    %cond3A_105 = arith.constant 0 : i32
    %cond3A_106 = arith.cmpi ne, %convert_element_type3A_104, %cond3A_105 : i32
    scf.if %cond3A_106 {
      "tpu.region"() ({
        %run_scoped3A = tpu.sem_alloc : memref<!tpu.dma_semaphore, #tpu.memory_space<semaphore_mem>>
        %dma_start3A_109 = arith.constant 0 : i32
        %dma_start3A_110 = arith.constant 0 : i32
        %dma_start3A_111 = tpu.memref_slice %arg9[%dma_start3A_109, %dma_start3A_110] : memref<128x32xf32, #tpu.memory_space<vmem>> -> memref<16x32xf32, #tpu.memory_space<vmem>>
        %dma_start3A_112 = arith.constant 9984 : i32
        %dma_start3A_113 = arith.constant 0 : i32
        %dma_start3A_114 = tpu.memref_slice %arg13[%dma_start3A_112, %dma_start3A_113] : memref<10240x32xf32, #tpu.memory_space<vmem_shared>> -> memref<16x32xf32, #tpu.memory_space<vmem_shared>>
        %dma_start3A_115 = arith.constant 0 : i32
        %dma_start3A_116 = arith.constant 0 : i32
        %dma_start3A_117 = tpu.memref_slice %arg9[%dma_start3A_115, %dma_start3A_116] : memref<128x32xf32, #tpu.memory_space<vmem>> -> memref<16x32xf32, #tpu.memory_space<vmem>>
        %dma_start3A_118 = arith.constant 9984 : i32
        %dma_start3A_119 = arith.constant 0 : i32
        %dma_start3A_120 = tpu.memref_slice %arg13[%dma_start3A_118, %dma_start3A_119] : memref<10240x32xf32, #tpu.memory_space<vmem_shared>> -> memref<16x32xf32, #tpu.memory_space<vmem_shared>>
        tpu.enqueue_dma source(%dma_start3A_120 : memref<16x32xf32, #tpu.memory_space<vmem_shared>>) target(%dma_start3A_117 : memref<16x32xf32, #tpu.memory_space<vmem>>) target_semaphore(%run_scoped3A : memref<!tpu.dma_semaphore, #tpu.memory_space<semaphore_mem>>)
        %dma_wait3A = arith.constant 0 : i32
        %dma_wait3A_121 = arith.constant 0 : i32
        %dma_wait3A_122 = tpu.memref_slice %arg9[%dma_wait3A, %dma_wait3A_121] : memref<128x32xf32, #tpu.memory_space<vmem>> -> memref<16x32xf32, #tpu.memory_space<vmem>>
        %dma_wait3A_123 = arith.constant 9984 : i32
        %dma_wait3A_124 = arith.constant 0 : i32
        %dma_wait3A_125 = tpu.memref_slice %arg13[%dma_wait3A_123, %dma_wait3A_124] : memref<10240x32xf32, #tpu.memory_space<vmem_shared>> -> memref<16x32xf32, #tpu.memory_space<vmem_shared>>
        %dma_wait3A_126 = arith.constant 0 : i32
        %dma_wait3A_127 = arith.constant 0 : i32
        %dma_wait3A_128 = tpu.memref_slice %arg9[%dma_wait3A_126, %dma_wait3A_127] : memref<128x32xf32, #tpu.memory_space<vmem>> -> memref<16x32xf32, #tpu.memory_space<vmem>>
        %dma_wait3A_129 = arith.constant 9984 : i32
        %dma_wait3A_130 = arith.constant 0 : i32
        %dma_wait3A_131 = tpu.memref_slice %arg13[%dma_wait3A_129, %dma_wait3A_130] : memref<10240x32xf32, #tpu.memory_space<vmem_shared>> -> memref<16x32xf32, #tpu.memory_space<vmem_shared>>
        tpu.wait_dma2 semaphore(%run_scoped3A : memref<!tpu.dma_semaphore, #tpu.memory_space<semaphore_mem>>) src(%dma_wait3A_131 : memref<16x32xf32, #tpu.memory_space<vmem_shared>>) dst(%dma_wait3A_128 : memref<16x32xf32, #tpu.memory_space<vmem>>)
        tpu.yield
      }) : () -> ()
      %mul3A_107 = arith.constant 32 : i32
      %mul3A_108 = arith.muli %arg0, %mul3A_107 : i32
      "tpu.region"() ({
        %run_scoped3A = tpu.sem_alloc : memref<!tpu.dma_semaphore, #tpu.memory_space<semaphore_mem>>
        %dma_start3A_109 = arith.constant 0 : i32
        %dma_start3A_110 = arith.constant 0 : i32
        %dma_start3A_111 = tpu.memref_slice %arg9[%dma_start3A_109, %dma_start3A_110] : memref<128x32xf32, #tpu.memory_space<vmem>> -> memref<16x32xf32, #tpu.memory_space<vmem>>
        %dma_start3A_112 = arith.constant 9984 : i32
        %dma_start3A_113 = tpu.memref_slice %arg6[%dma_start3A_112, %mul3A_108] : memref<10000x128xf32, #tpu.memory_space<hbm>> -> memref<16x32xf32, #tpu.memory_space<hbm>>
        %dma_start3A_114 = arith.constant 9984 : i32
        %dma_start3A_115 = tpu.memref_slice %arg6[%dma_start3A_114, %mul3A_108] : memref<10000x128xf32, #tpu.memory_space<hbm>> -> memref<16x32xf32, #tpu.memory_space<hbm>>
        %dma_start3A_116 = arith.constant 0 : i32
        %dma_start3A_117 = arith.constant 0 : i32
        %dma_start3A_118 = tpu.memref_slice %arg9[%dma_start3A_116, %dma_start3A_117] : memref<128x32xf32, #tpu.memory_space<vmem>> -> memref<16x32xf32, #tpu.memory_space<vmem>>
        tpu.enqueue_dma source(%dma_start3A_118 : memref<16x32xf32, #tpu.memory_space<vmem>>) target(%dma_start3A_115 : memref<16x32xf32, #tpu.memory_space<hbm>>) target_semaphore(%run_scoped3A : memref<!tpu.dma_semaphore, #tpu.memory_space<semaphore_mem>>)
        %dma_wait3A = arith.constant 0 : i32
        %dma_wait3A_119 = arith.constant 0 : i32
        %dma_wait3A_120 = tpu.memref_slice %arg9[%dma_wait3A, %dma_wait3A_119] : memref<128x32xf32, #tpu.memory_space<vmem>> -> memref<16x32xf32, #tpu.memory_space<vmem>>
        %dma_wait3A_121 = arith.constant 9984 : i32
        %dma_wait3A_122 = tpu.memref_slice %arg6[%dma_wait3A_121, %mul3A_108] : memref<10000x128xf32, #tpu.memory_space<hbm>> -> memref<16x32xf32, #tpu.memory_space<hbm>>
        %dma_wait3A_123 = arith.constant 9984 : i32
        %dma_wait3A_124 = tpu.memref_slice %arg6[%dma_wait3A_123, %mul3A_108] : memref<10000x128xf32, #tpu.memory_space<hbm>> -> memref<16x32xf32, #tpu.memory_space<hbm>>
        %dma_wait3A_125 = arith.constant 0 : i32
        %dma_wait3A_126 = arith.constant 0 : i32
        %dma_wait3A_127 = tpu.memref_slice %arg9[%dma_wait3A_125, %dma_wait3A_126] : memref<128x32xf32, #tpu.memory_space<vmem>> -> memref<16x32xf32, #tpu.memory_space<vmem>>
        tpu.wait_dma2 semaphore(%run_scoped3A : memref<!tpu.dma_semaphore, #tpu.memory_space<semaphore_mem>>) src(%dma_wait3A_127 : memref<16x32xf32, #tpu.memory_space<vmem>>) dst(%dma_wait3A_124 : memref<16x32xf32, #tpu.memory_space<hbm>>)
        tpu.yield
      }) : () -> ()
    } else {
    }
    return
  }
}

#map = affine_map<(d0, d1) -> (0, 0)>
#map1 = affine_map<(d0, d1) -> (0)>
#map2 = affine_map<(d0, d1) -> (0, 0, 0)>
module attributes {stable_mosaic.version = 14 : i64} {
  func.func @body_fn(%arg0: i32, %arg1: i32, %arg2: memref<10000x128xf32, #tpu.memory_space<hbm>>, %arg3: memref<163840xi32, #tpu.memory_space<hbm>>, %arg4: memref<16x80x128xi32, #tpu.memory_space<hbm>>, %arg5: memref<128x64xf32, #tpu.memory_space<hbm>>, %arg6: memref<10000x128xf32, #tpu.memory_space<hbm>>, %arg7: memref<10240xi32, #tpu.memory_space<vmem>>, %arg8: memref<80x128xi32, #tpu.memory_space<vmem>>, %arg9: memref<128x64xf32, #tpu.memory_space<vmem>>, %arg10: memref<128x64xf32, #tpu.memory_space<vmem>>, %arg11: memref<10240x64xf32, #tpu.memory_space<vmem_shared>>, %arg12: memref<!tpu.dma_semaphore, #tpu.memory_space<semaphore_mem>>, %arg13: memref<!tpu.dma_semaphore, #tpu.memory_space<semaphore_mem>>, %arg14: memref<10000x64xf32, #tpu.memory_space<vmem_shared>>) attributes {dimension_semantics = [#tpu.dimension_semantics<core_parallel>, #tpu.dimension_semantics<subcore_parallel>], iteration_bounds = array<i64: 2, 16>, scalar_prefetch = 0 : i64, scratch_operands = 8 : i64, tpu.core_type = #tpu.core_type<sc_vector_subcore>, window_params = [{transform_indices = #map}, {transform_indices = #map1}, {transform_indices = #map2}, {transform_indices = #map}, {transform_indices = #map}]} {
    %mul3A = arith.constant 80 : i32
    %mul3A_0 = arith.muli %arg1, %mul3A : i32
    %mul3A_1 = arith.constant 128 : i32
    %mul3A_2 = arith.muli %mul3A_0, %mul3A_1 : i32
    "tpu.region"() ({
      %run_scoped3A = tpu.sem_alloc : memref<!tpu.dma_semaphore, #tpu.memory_space<semaphore_mem>>
      %dma_start3A_96 = tpu.memref_slice %arg3[%mul3A_2] : memref<163840xi32, #tpu.memory_space<hbm>> -> memref<10240xi32, #tpu.memory_space<hbm>>
      %dma_start3A_97 = tpu.memref_slice %arg3[%mul3A_2] : memref<163840xi32, #tpu.memory_space<hbm>> -> memref<10240xi32, #tpu.memory_space<hbm>>
      tpu.enqueue_dma source(%dma_start3A_97 : memref<10240xi32, #tpu.memory_space<hbm>>) target(%arg7 : memref<10240xi32, #tpu.memory_space<vmem>>) target_semaphore(%run_scoped3A : memref<!tpu.dma_semaphore, #tpu.memory_space<semaphore_mem>>)
      %dma_wait3A = tpu.memref_slice %arg3[%mul3A_2] : memref<163840xi32, #tpu.memory_space<hbm>> -> memref<10240xi32, #tpu.memory_space<hbm>>
      %dma_wait3A_98 = tpu.memref_slice %arg3[%mul3A_2] : memref<163840xi32, #tpu.memory_space<hbm>> -> memref<10240xi32, #tpu.memory_space<hbm>>
      tpu.wait_dma2 semaphore(%run_scoped3A : memref<!tpu.dma_semaphore, #tpu.memory_space<semaphore_mem>>) src(%dma_wait3A_98 : memref<10240xi32, #tpu.memory_space<hbm>>) dst(%arg7 : memref<10240xi32, #tpu.memory_space<vmem>>)
      tpu.yield
    }) : () -> ()
    "tpu.region"() ({
      %run_scoped3A = tpu.sem_alloc : memref<!tpu.dma_semaphore, #tpu.memory_space<semaphore_mem>>
      %dma_start3A_96 = arith.constant 0 : i32
      %dma_start3A_97 = arith.constant 0 : i32
      %dma_start3A_98 = tpu.memref_slice %arg4[%arg1, %dma_start3A_96, %dma_start3A_97] : memref<16x80x128xi32, #tpu.memory_space<hbm>> -> memref<1x80x128xi32, #tpu.memory_space<hbm>>
      %dma_start3A_99 = tpu.memref_squeeze %dma_start3A_98 : memref<1x80x128xi32, #tpu.memory_space<hbm>> -> memref<80x128xi32, #tpu.memory_space<hbm>>
      %dma_start3A_100 = arith.constant 0 : i32
      %dma_start3A_101 = arith.constant 0 : i32
      %dma_start3A_102 = tpu.memref_slice %arg4[%arg1, %dma_start3A_100, %dma_start3A_101] : memref<16x80x128xi32, #tpu.memory_space<hbm>> -> memref<1x80x128xi32, #tpu.memory_space<hbm>>
      %dma_start3A_103 = tpu.memref_squeeze %dma_start3A_102 : memref<1x80x128xi32, #tpu.memory_space<hbm>> -> memref<80x128xi32, #tpu.memory_space<hbm>>
      tpu.enqueue_dma source(%dma_start3A_103 : memref<80x128xi32, #tpu.memory_space<hbm>>) target(%arg8 : memref<80x128xi32, #tpu.memory_space<vmem>>) target_semaphore(%run_scoped3A : memref<!tpu.dma_semaphore, #tpu.memory_space<semaphore_mem>>)
      %dma_wait3A = arith.constant 0 : i32
      %dma_wait3A_104 = arith.constant 0 : i32
      %dma_wait3A_105 = tpu.memref_slice %arg4[%arg1, %dma_wait3A, %dma_wait3A_104] : memref<16x80x128xi32, #tpu.memory_space<hbm>> -> memref<1x80x128xi32, #tpu.memory_space<hbm>>
      %dma_wait3A_106 = tpu.memref_squeeze %dma_wait3A_105 : memref<1x80x128xi32, #tpu.memory_space<hbm>> -> memref<80x128xi32, #tpu.memory_space<hbm>>
      %dma_wait3A_107 = arith.constant 0 : i32
      %dma_wait3A_108 = arith.constant 0 : i32
      %dma_wait3A_109 = tpu.memref_slice %arg4[%arg1, %dma_wait3A_107, %dma_wait3A_108] : memref<16x80x128xi32, #tpu.memory_space<hbm>> -> memref<1x80x128xi32, #tpu.memory_space<hbm>>
      %dma_wait3A_110 = tpu.memref_squeeze %dma_wait3A_109 : memref<1x80x128xi32, #tpu.memory_space<hbm>> -> memref<80x128xi32, #tpu.memory_space<hbm>>
      tpu.wait_dma2 semaphore(%run_scoped3A : memref<!tpu.dma_semaphore, #tpu.memory_space<semaphore_mem>>) src(%dma_wait3A_110 : memref<80x128xi32, #tpu.memory_space<hbm>>) dst(%arg8 : memref<80x128xi32, #tpu.memory_space<vmem>>)
      tpu.yield
    }) : () -> ()
    %mul3A_3 = arith.constant 64 : i32
    %mul3A_4 = arith.muli %arg0, %mul3A_3 : i32
    %mul3A_5 = arith.constant 624 : i32
    %mul3A_6 = arith.muli %arg1, %mul3A_5 : i32
    %add3A = arith.constant 0 : i32
    %add3A_7 = arith.addi %mul3A_6, %add3A : i32
    "tpu.region"() ({
      %run_scoped3A = tpu.sem_alloc : memref<!tpu.dma_semaphore, #tpu.memory_space<semaphore_mem>>
      %dma_start3A_96 = arith.constant 0 : i32
      %dma_start3A_97 = arith.constant 0 : i32
      %dma_start3A_98 = tpu.memref_slice %arg10[%dma_start3A_96, %dma_start3A_97] : memref<128x64xf32, #tpu.memory_space<vmem>> -> memref<128x64xf32, #tpu.memory_space<vmem>>
      %dma_start3A_99 = tpu.memref_slice %arg2[%add3A_7, %mul3A_4] : memref<10000x128xf32, #tpu.memory_space<hbm>> -> memref<128x64xf32, #tpu.memory_space<hbm>>
      %dma_start3A_100 = arith.constant 0 : i32
      %dma_start3A_101 = arith.constant 0 : i32
      %dma_start3A_102 = tpu.memref_slice %arg10[%dma_start3A_100, %dma_start3A_101] : memref<128x64xf32, #tpu.memory_space<vmem>> -> memref<128x64xf32, #tpu.memory_space<vmem>>
      %dma_start3A_103 = tpu.memref_slice %arg2[%add3A_7, %mul3A_4] : memref<10000x128xf32, #tpu.memory_space<hbm>> -> memref<128x64xf32, #tpu.memory_space<hbm>>
      tpu.enqueue_dma source(%dma_start3A_103 : memref<128x64xf32, #tpu.memory_space<hbm>>) target(%dma_start3A_102 : memref<128x64xf32, #tpu.memory_space<vmem>>) target_semaphore(%run_scoped3A : memref<!tpu.dma_semaphore, #tpu.memory_space<semaphore_mem>>)
      %dma_wait3A = arith.constant 0 : i32
      %dma_wait3A_104 = arith.constant 0 : i32
      %dma_wait3A_105 = tpu.memref_slice %arg10[%dma_wait3A, %dma_wait3A_104] : memref<128x64xf32, #tpu.memory_space<vmem>> -> memref<128x64xf32, #tpu.memory_space<vmem>>
      %dma_wait3A_106 = tpu.memref_slice %arg2[%add3A_7, %mul3A_4] : memref<10000x128xf32, #tpu.memory_space<hbm>> -> memref<128x64xf32, #tpu.memory_space<hbm>>
      %dma_wait3A_107 = arith.constant 0 : i32
      %dma_wait3A_108 = arith.constant 0 : i32
      %dma_wait3A_109 = tpu.memref_slice %arg10[%dma_wait3A_107, %dma_wait3A_108] : memref<128x64xf32, #tpu.memory_space<vmem>> -> memref<128x64xf32, #tpu.memory_space<vmem>>
      %dma_wait3A_110 = tpu.memref_slice %arg2[%add3A_7, %mul3A_4] : memref<10000x128xf32, #tpu.memory_space<hbm>> -> memref<128x64xf32, #tpu.memory_space<hbm>>
      tpu.wait_dma2 semaphore(%run_scoped3A : memref<!tpu.dma_semaphore, #tpu.memory_space<semaphore_mem>>) src(%dma_wait3A_110 : memref<128x64xf32, #tpu.memory_space<hbm>>) dst(%dma_wait3A_109 : memref<128x64xf32, #tpu.memory_space<vmem>>)
      tpu.yield
    }) : () -> ()
    "tpu.region"() ({
      %run_scoped3A = tpu.sem_alloc : memref<!tpu.dma_semaphore, #tpu.memory_space<semaphore_mem>>
      %dma_start3A_96 = arith.constant 0 : i32
      %dma_start3A_97 = arith.constant 0 : i32
      %dma_start3A_98 = tpu.memref_slice %arg10[%dma_start3A_96, %dma_start3A_97] : memref<128x64xf32, #tpu.memory_space<vmem>> -> memref<128x64xf32, #tpu.memory_space<vmem>>
      %dma_start3A_99 = arith.constant 0 : i32
      %dma_start3A_100 = tpu.memref_slice %arg14[%add3A_7, %dma_start3A_99] : memref<10000x64xf32, #tpu.memory_space<vmem_shared>> -> memref<128x64xf32, #tpu.memory_space<vmem_shared>>
      %dma_start3A_101 = arith.constant 0 : i32
      %dma_start3A_102 = tpu.memref_slice %arg14[%add3A_7, %dma_start3A_101] : memref<10000x64xf32, #tpu.memory_space<vmem_shared>> -> memref<128x64xf32, #tpu.memory_space<vmem_shared>>
      %dma_start3A_103 = arith.constant 0 : i32
      %dma_start3A_104 = arith.constant 0 : i32
      %dma_start3A_105 = tpu.memref_slice %arg10[%dma_start3A_103, %dma_start3A_104] : memref<128x64xf32, #tpu.memory_space<vmem>> -> memref<128x64xf32, #tpu.memory_space<vmem>>
      tpu.enqueue_dma source(%dma_start3A_105 : memref<128x64xf32, #tpu.memory_space<vmem>>) target(%dma_start3A_102 : memref<128x64xf32, #tpu.memory_space<vmem_shared>>) target_semaphore(%run_scoped3A : memref<!tpu.dma_semaphore, #tpu.memory_space<semaphore_mem>>)
      %dma_wait3A = arith.constant 0 : i32
      %dma_wait3A_106 = arith.constant 0 : i32
      %dma_wait3A_107 = tpu.memref_slice %arg10[%dma_wait3A, %dma_wait3A_106] : memref<128x64xf32, #tpu.memory_space<vmem>> -> memref<128x64xf32, #tpu.memory_space<vmem>>
      %dma_wait3A_108 = arith.constant 0 : i32
      %dma_wait3A_109 = tpu.memref_slice %arg14[%add3A_7, %dma_wait3A_108] : memref<10000x64xf32, #tpu.memory_space<vmem_shared>> -> memref<128x64xf32, #tpu.memory_space<vmem_shared>>
      %dma_wait3A_110 = arith.constant 0 : i32
      %dma_wait3A_111 = tpu.memref_slice %arg14[%add3A_7, %dma_wait3A_110] : memref<10000x64xf32, #tpu.memory_space<vmem_shared>> -> memref<128x64xf32, #tpu.memory_space<vmem_shared>>
      %dma_wait3A_112 = arith.constant 0 : i32
      %dma_wait3A_113 = arith.constant 0 : i32
      %dma_wait3A_114 = tpu.memref_slice %arg10[%dma_wait3A_112, %dma_wait3A_113] : memref<128x64xf32, #tpu.memory_space<vmem>> -> memref<128x64xf32, #tpu.memory_space<vmem>>
      tpu.wait_dma2 semaphore(%run_scoped3A : memref<!tpu.dma_semaphore, #tpu.memory_space<semaphore_mem>>) src(%dma_wait3A_114 : memref<128x64xf32, #tpu.memory_space<vmem>>) dst(%dma_wait3A_111 : memref<128x64xf32, #tpu.memory_space<vmem_shared>>)
      tpu.yield
    }) : () -> ()
    %mul3A_8 = arith.constant 624 : i32
    %mul3A_9 = arith.muli %arg1, %mul3A_8 : i32
    %add3A_10 = arith.constant 128 : i32
    %add3A_11 = arith.addi %mul3A_9, %add3A_10 : i32
    "tpu.region"() ({
      %run_scoped3A = tpu.sem_alloc : memref<!tpu.dma_semaphore, #tpu.memory_space<semaphore_mem>>
      %dma_start3A_96 = arith.constant 0 : i32
      %dma_start3A_97 = arith.constant 0 : i32
      %dma_start3A_98 = tpu.memref_slice %arg10[%dma_start3A_96, %dma_start3A_97] : memref<128x64xf32, #tpu.memory_space<vmem>> -> memref<128x64xf32, #tpu.memory_space<vmem>>
      %dma_start3A_99 = tpu.memref_slice %arg2[%add3A_11, %mul3A_4] : memref<10000x128xf32, #tpu.memory_space<hbm>> -> memref<128x64xf32, #tpu.memory_space<hbm>>
      %dma_start3A_100 = arith.constant 0 : i32
      %dma_start3A_101 = arith.constant 0 : i32
      %dma_start3A_102 = tpu.memref_slice %arg10[%dma_start3A_100, %dma_start3A_101] : memref<128x64xf32, #tpu.memory_space<vmem>> -> memref<128x64xf32, #tpu.memory_space<vmem>>
      %dma_start3A_103 = tpu.memref_slice %arg2[%add3A_11, %mul3A_4] : memref<10000x128xf32, #tpu.memory_space<hbm>> -> memref<128x64xf32, #tpu.memory_space<hbm>>
      tpu.enqueue_dma source(%dma_start3A_103 : memref<128x64xf32, #tpu.memory_space<hbm>>) target(%dma_start3A_102 : memref<128x64xf32, #tpu.memory_space<vmem>>) target_semaphore(%run_scoped3A : memref<!tpu.dma_semaphore, #tpu.memory_space<semaphore_mem>>)
      %dma_wait3A = arith.constant 0 : i32
      %dma_wait3A_104 = arith.constant 0 : i32
      %dma_wait3A_105 = tpu.memref_slice %arg10[%dma_wait3A, %dma_wait3A_104] : memref<128x64xf32, #tpu.memory_space<vmem>> -> memref<128x64xf32, #tpu.memory_space<vmem>>
      %dma_wait3A_106 = tpu.memref_slice %arg2[%add3A_11, %mul3A_4] : memref<10000x128xf32, #tpu.memory_space<hbm>> -> memref<128x64xf32, #tpu.memory_space<hbm>>
      %dma_wait3A_107 = arith.constant 0 : i32
      %dma_wait3A_108 = arith.constant 0 : i32
      %dma_wait3A_109 = tpu.memref_slice %arg10[%dma_wait3A_107, %dma_wait3A_108] : memref<128x64xf32, #tpu.memory_space<vmem>> -> memref<128x64xf32, #tpu.memory_space<vmem>>
      %dma_wait3A_110 = tpu.memref_slice %arg2[%add3A_11, %mul3A_4] : memref<10000x128xf32, #tpu.memory_space<hbm>> -> memref<128x64xf32, #tpu.memory_space<hbm>>
      tpu.wait_dma2 semaphore(%run_scoped3A : memref<!tpu.dma_semaphore, #tpu.memory_space<semaphore_mem>>) src(%dma_wait3A_110 : memref<128x64xf32, #tpu.memory_space<hbm>>) dst(%dma_wait3A_109 : memref<128x64xf32, #tpu.memory_space<vmem>>)
      tpu.yield
    }) : () -> ()
    "tpu.region"() ({
      %run_scoped3A = tpu.sem_alloc : memref<!tpu.dma_semaphore, #tpu.memory_space<semaphore_mem>>
      %dma_start3A_96 = arith.constant 0 : i32
      %dma_start3A_97 = arith.constant 0 : i32
      %dma_start3A_98 = tpu.memref_slice %arg10[%dma_start3A_96, %dma_start3A_97] : memref<128x64xf32, #tpu.memory_space<vmem>> -> memref<128x64xf32, #tpu.memory_space<vmem>>
      %dma_start3A_99 = arith.constant 0 : i32
      %dma_start3A_100 = tpu.memref_slice %arg14[%add3A_11, %dma_start3A_99] : memref<10000x64xf32, #tpu.memory_space<vmem_shared>> -> memref<128x64xf32, #tpu.memory_space<vmem_shared>>
      %dma_start3A_101 = arith.constant 0 : i32
      %dma_start3A_102 = tpu.memref_slice %arg14[%add3A_11, %dma_start3A_101] : memref<10000x64xf32, #tpu.memory_space<vmem_shared>> -> memref<128x64xf32, #tpu.memory_space<vmem_shared>>
      %dma_start3A_103 = arith.constant 0 : i32
      %dma_start3A_104 = arith.constant 0 : i32
      %dma_start3A_105 = tpu.memref_slice %arg10[%dma_start3A_103, %dma_start3A_104] : memref<128x64xf32, #tpu.memory_space<vmem>> -> memref<128x64xf32, #tpu.memory_space<vmem>>
      tpu.enqueue_dma source(%dma_start3A_105 : memref<128x64xf32, #tpu.memory_space<vmem>>) target(%dma_start3A_102 : memref<128x64xf32, #tpu.memory_space<vmem_shared>>) target_semaphore(%run_scoped3A : memref<!tpu.dma_semaphore, #tpu.memory_space<semaphore_mem>>)
      %dma_wait3A = arith.constant 0 : i32
      %dma_wait3A_106 = arith.constant 0 : i32
      %dma_wait3A_107 = tpu.memref_slice %arg10[%dma_wait3A, %dma_wait3A_106] : memref<128x64xf32, #tpu.memory_space<vmem>> -> memref<128x64xf32, #tpu.memory_space<vmem>>
      %dma_wait3A_108 = arith.constant 0 : i32
      %dma_wait3A_109 = tpu.memref_slice %arg14[%add3A_11, %dma_wait3A_108] : memref<10000x64xf32, #tpu.memory_space<vmem_shared>> -> memref<128x64xf32, #tpu.memory_space<vmem_shared>>
      %dma_wait3A_110 = arith.constant 0 : i32
      %dma_wait3A_111 = tpu.memref_slice %arg14[%add3A_11, %dma_wait3A_110] : memref<10000x64xf32, #tpu.memory_space<vmem_shared>> -> memref<128x64xf32, #tpu.memory_space<vmem_shared>>
      %dma_wait3A_112 = arith.constant 0 : i32
      %dma_wait3A_113 = arith.constant 0 : i32
      %dma_wait3A_114 = tpu.memref_slice %arg10[%dma_wait3A_112, %dma_wait3A_113] : memref<128x64xf32, #tpu.memory_space<vmem>> -> memref<128x64xf32, #tpu.memory_space<vmem>>
      tpu.wait_dma2 semaphore(%run_scoped3A : memref<!tpu.dma_semaphore, #tpu.memory_space<semaphore_mem>>) src(%dma_wait3A_114 : memref<128x64xf32, #tpu.memory_space<vmem>>) dst(%dma_wait3A_111 : memref<128x64xf32, #tpu.memory_space<vmem_shared>>)
      tpu.yield
    }) : () -> ()
    %mul3A_12 = arith.constant 624 : i32
    %mul3A_13 = arith.muli %arg1, %mul3A_12 : i32
    %add3A_14 = arith.constant 256 : i32
    %add3A_15 = arith.addi %mul3A_13, %add3A_14 : i32
    "tpu.region"() ({
      %run_scoped3A = tpu.sem_alloc : memref<!tpu.dma_semaphore, #tpu.memory_space<semaphore_mem>>
      %dma_start3A_96 = arith.constant 0 : i32
      %dma_start3A_97 = arith.constant 0 : i32
      %dma_start3A_98 = tpu.memref_slice %arg10[%dma_start3A_96, %dma_start3A_97] : memref<128x64xf32, #tpu.memory_space<vmem>> -> memref<128x64xf32, #tpu.memory_space<vmem>>
      %dma_start3A_99 = tpu.memref_slice %arg2[%add3A_15, %mul3A_4] : memref<10000x128xf32, #tpu.memory_space<hbm>> -> memref<128x64xf32, #tpu.memory_space<hbm>>
      %dma_start3A_100 = arith.constant 0 : i32
      %dma_start3A_101 = arith.constant 0 : i32
      %dma_start3A_102 = tpu.memref_slice %arg10[%dma_start3A_100, %dma_start3A_101] : memref<128x64xf32, #tpu.memory_space<vmem>> -> memref<128x64xf32, #tpu.memory_space<vmem>>
      %dma_start3A_103 = tpu.memref_slice %arg2[%add3A_15, %mul3A_4] : memref<10000x128xf32, #tpu.memory_space<hbm>> -> memref<128x64xf32, #tpu.memory_space<hbm>>
      tpu.enqueue_dma source(%dma_start3A_103 : memref<128x64xf32, #tpu.memory_space<hbm>>) target(%dma_start3A_102 : memref<128x64xf32, #tpu.memory_space<vmem>>) target_semaphore(%run_scoped3A : memref<!tpu.dma_semaphore, #tpu.memory_space<semaphore_mem>>)
      %dma_wait3A = arith.constant 0 : i32
      %dma_wait3A_104 = arith.constant 0 : i32
      %dma_wait3A_105 = tpu.memref_slice %arg10[%dma_wait3A, %dma_wait3A_104] : memref<128x64xf32, #tpu.memory_space<vmem>> -> memref<128x64xf32, #tpu.memory_space<vmem>>
      %dma_wait3A_106 = tpu.memref_slice %arg2[%add3A_15, %mul3A_4] : memref<10000x128xf32, #tpu.memory_space<hbm>> -> memref<128x64xf32, #tpu.memory_space<hbm>>
      %dma_wait3A_107 = arith.constant 0 : i32
      %dma_wait3A_108 = arith.constant 0 : i32
      %dma_wait3A_109 = tpu.memref_slice %arg10[%dma_wait3A_107, %dma_wait3A_108] : memref<128x64xf32, #tpu.memory_space<vmem>> -> memref<128x64xf32, #tpu.memory_space<vmem>>
      %dma_wait3A_110 = tpu.memref_slice %arg2[%add3A_15, %mul3A_4] : memref<10000x128xf32, #tpu.memory_space<hbm>> -> memref<128x64xf32, #tpu.memory_space<hbm>>
      tpu.wait_dma2 semaphore(%run_scoped3A : memref<!tpu.dma_semaphore, #tpu.memory_space<semaphore_mem>>) src(%dma_wait3A_110 : memref<128x64xf32, #tpu.memory_space<hbm>>) dst(%dma_wait3A_109 : memref<128x64xf32, #tpu.memory_space<vmem>>)
      tpu.yield
    }) : () -> ()
    "tpu.region"() ({
      %run_scoped3A = tpu.sem_alloc : memref<!tpu.dma_semaphore, #tpu.memory_space<semaphore_mem>>
      %dma_start3A_96 = arith.constant 0 : i32
      %dma_start3A_97 = arith.constant 0 : i32
      %dma_start3A_98 = tpu.memref_slice %arg10[%dma_start3A_96, %dma_start3A_97] : memref<128x64xf32, #tpu.memory_space<vmem>> -> memref<128x64xf32, #tpu.memory_space<vmem>>
      %dma_start3A_99 = arith.constant 0 : i32
      %dma_start3A_100 = tpu.memref_slice %arg14[%add3A_15, %dma_start3A_99] : memref<10000x64xf32, #tpu.memory_space<vmem_shared>> -> memref<128x64xf32, #tpu.memory_space<vmem_shared>>
      %dma_start3A_101 = arith.constant 0 : i32
      %dma_start3A_102 = tpu.memref_slice %arg14[%add3A_15, %dma_start3A_101] : memref<10000x64xf32, #tpu.memory_space<vmem_shared>> -> memref<128x64xf32, #tpu.memory_space<vmem_shared>>
      %dma_start3A_103 = arith.constant 0 : i32
      %dma_start3A_104 = arith.constant 0 : i32
      %dma_start3A_105 = tpu.memref_slice %arg10[%dma_start3A_103, %dma_start3A_104] : memref<128x64xf32, #tpu.memory_space<vmem>> -> memref<128x64xf32, #tpu.memory_space<vmem>>
      tpu.enqueue_dma source(%dma_start3A_105 : memref<128x64xf32, #tpu.memory_space<vmem>>) target(%dma_start3A_102 : memref<128x64xf32, #tpu.memory_space<vmem_shared>>) target_semaphore(%run_scoped3A : memref<!tpu.dma_semaphore, #tpu.memory_space<semaphore_mem>>)
      %dma_wait3A = arith.constant 0 : i32
      %dma_wait3A_106 = arith.constant 0 : i32
      %dma_wait3A_107 = tpu.memref_slice %arg10[%dma_wait3A, %dma_wait3A_106] : memref<128x64xf32, #tpu.memory_space<vmem>> -> memref<128x64xf32, #tpu.memory_space<vmem>>
      %dma_wait3A_108 = arith.constant 0 : i32
      %dma_wait3A_109 = tpu.memref_slice %arg14[%add3A_15, %dma_wait3A_108] : memref<10000x64xf32, #tpu.memory_space<vmem_shared>> -> memref<128x64xf32, #tpu.memory_space<vmem_shared>>
      %dma_wait3A_110 = arith.constant 0 : i32
      %dma_wait3A_111 = tpu.memref_slice %arg14[%add3A_15, %dma_wait3A_110] : memref<10000x64xf32, #tpu.memory_space<vmem_shared>> -> memref<128x64xf32, #tpu.memory_space<vmem_shared>>
      %dma_wait3A_112 = arith.constant 0 : i32
      %dma_wait3A_113 = arith.constant 0 : i32
      %dma_wait3A_114 = tpu.memref_slice %arg10[%dma_wait3A_112, %dma_wait3A_113] : memref<128x64xf32, #tpu.memory_space<vmem>> -> memref<128x64xf32, #tpu.memory_space<vmem>>
      tpu.wait_dma2 semaphore(%run_scoped3A : memref<!tpu.dma_semaphore, #tpu.memory_space<semaphore_mem>>) src(%dma_wait3A_114 : memref<128x64xf32, #tpu.memory_space<vmem>>) dst(%dma_wait3A_111 : memref<128x64xf32, #tpu.memory_space<vmem_shared>>)
      tpu.yield
    }) : () -> ()
    %mul3A_16 = arith.constant 624 : i32
    %mul3A_17 = arith.muli %arg1, %mul3A_16 : i32
    %add3A_18 = arith.constant 384 : i32
    %add3A_19 = arith.addi %mul3A_17, %add3A_18 : i32
    "tpu.region"() ({
      %run_scoped3A = tpu.sem_alloc : memref<!tpu.dma_semaphore, #tpu.memory_space<semaphore_mem>>
      %dma_start3A_96 = arith.constant 0 : i32
      %dma_start3A_97 = arith.constant 0 : i32
      %dma_start3A_98 = tpu.memref_slice %arg10[%dma_start3A_96, %dma_start3A_97] : memref<128x64xf32, #tpu.memory_space<vmem>> -> memref<128x64xf32, #tpu.memory_space<vmem>>
      %dma_start3A_99 = tpu.memref_slice %arg2[%add3A_19, %mul3A_4] : memref<10000x128xf32, #tpu.memory_space<hbm>> -> memref<128x64xf32, #tpu.memory_space<hbm>>
      %dma_start3A_100 = arith.constant 0 : i32
      %dma_start3A_101 = arith.constant 0 : i32
      %dma_start3A_102 = tpu.memref_slice %arg10[%dma_start3A_100, %dma_start3A_101] : memref<128x64xf32, #tpu.memory_space<vmem>> -> memref<128x64xf32, #tpu.memory_space<vmem>>
      %dma_start3A_103 = tpu.memref_slice %arg2[%add3A_19, %mul3A_4] : memref<10000x128xf32, #tpu.memory_space<hbm>> -> memref<128x64xf32, #tpu.memory_space<hbm>>
      tpu.enqueue_dma source(%dma_start3A_103 : memref<128x64xf32, #tpu.memory_space<hbm>>) target(%dma_start3A_102 : memref<128x64xf32, #tpu.memory_space<vmem>>) target_semaphore(%run_scoped3A : memref<!tpu.dma_semaphore, #tpu.memory_space<semaphore_mem>>)
      %dma_wait3A = arith.constant 0 : i32
      %dma_wait3A_104 = arith.constant 0 : i32
      %dma_wait3A_105 = tpu.memref_slice %arg10[%dma_wait3A, %dma_wait3A_104] : memref<128x64xf32, #tpu.memory_space<vmem>> -> memref<128x64xf32, #tpu.memory_space<vmem>>
      %dma_wait3A_106 = tpu.memref_slice %arg2[%add3A_19, %mul3A_4] : memref<10000x128xf32, #tpu.memory_space<hbm>> -> memref<128x64xf32, #tpu.memory_space<hbm>>
      %dma_wait3A_107 = arith.constant 0 : i32
      %dma_wait3A_108 = arith.constant 0 : i32
      %dma_wait3A_109 = tpu.memref_slice %arg10[%dma_wait3A_107, %dma_wait3A_108] : memref<128x64xf32, #tpu.memory_space<vmem>> -> memref<128x64xf32, #tpu.memory_space<vmem>>
      %dma_wait3A_110 = tpu.memref_slice %arg2[%add3A_19, %mul3A_4] : memref<10000x128xf32, #tpu.memory_space<hbm>> -> memref<128x64xf32, #tpu.memory_space<hbm>>
      tpu.wait_dma2 semaphore(%run_scoped3A : memref<!tpu.dma_semaphore, #tpu.memory_space<semaphore_mem>>) src(%dma_wait3A_110 : memref<128x64xf32, #tpu.memory_space<hbm>>) dst(%dma_wait3A_109 : memref<128x64xf32, #tpu.memory_space<vmem>>)
      tpu.yield
    }) : () -> ()
    "tpu.region"() ({
      %run_scoped3A = tpu.sem_alloc : memref<!tpu.dma_semaphore, #tpu.memory_space<semaphore_mem>>
      %dma_start3A_96 = arith.constant 0 : i32
      %dma_start3A_97 = arith.constant 0 : i32
      %dma_start3A_98 = tpu.memref_slice %arg10[%dma_start3A_96, %dma_start3A_97] : memref<128x64xf32, #tpu.memory_space<vmem>> -> memref<128x64xf32, #tpu.memory_space<vmem>>
      %dma_start3A_99 = arith.constant 0 : i32
      %dma_start3A_100 = tpu.memref_slice %arg14[%add3A_19, %dma_start3A_99] : memref<10000x64xf32, #tpu.memory_space<vmem_shared>> -> memref<128x64xf32, #tpu.memory_space<vmem_shared>>
      %dma_start3A_101 = arith.constant 0 : i32
      %dma_start3A_102 = tpu.memref_slice %arg14[%add3A_19, %dma_start3A_101] : memref<10000x64xf32, #tpu.memory_space<vmem_shared>> -> memref<128x64xf32, #tpu.memory_space<vmem_shared>>
      %dma_start3A_103 = arith.constant 0 : i32
      %dma_start3A_104 = arith.constant 0 : i32
      %dma_start3A_105 = tpu.memref_slice %arg10[%dma_start3A_103, %dma_start3A_104] : memref<128x64xf32, #tpu.memory_space<vmem>> -> memref<128x64xf32, #tpu.memory_space<vmem>>
      tpu.enqueue_dma source(%dma_start3A_105 : memref<128x64xf32, #tpu.memory_space<vmem>>) target(%dma_start3A_102 : memref<128x64xf32, #tpu.memory_space<vmem_shared>>) target_semaphore(%run_scoped3A : memref<!tpu.dma_semaphore, #tpu.memory_space<semaphore_mem>>)
      %dma_wait3A = arith.constant 0 : i32
      %dma_wait3A_106 = arith.constant 0 : i32
      %dma_wait3A_107 = tpu.memref_slice %arg10[%dma_wait3A, %dma_wait3A_106] : memref<128x64xf32, #tpu.memory_space<vmem>> -> memref<128x64xf32, #tpu.memory_space<vmem>>
      %dma_wait3A_108 = arith.constant 0 : i32
      %dma_wait3A_109 = tpu.memref_slice %arg14[%add3A_19, %dma_wait3A_108] : memref<10000x64xf32, #tpu.memory_space<vmem_shared>> -> memref<128x64xf32, #tpu.memory_space<vmem_shared>>
      %dma_wait3A_110 = arith.constant 0 : i32
      %dma_wait3A_111 = tpu.memref_slice %arg14[%add3A_19, %dma_wait3A_110] : memref<10000x64xf32, #tpu.memory_space<vmem_shared>> -> memref<128x64xf32, #tpu.memory_space<vmem_shared>>
      %dma_wait3A_112 = arith.constant 0 : i32
      %dma_wait3A_113 = arith.constant 0 : i32
      %dma_wait3A_114 = tpu.memref_slice %arg10[%dma_wait3A_112, %dma_wait3A_113] : memref<128x64xf32, #tpu.memory_space<vmem>> -> memref<128x64xf32, #tpu.memory_space<vmem>>
      tpu.wait_dma2 semaphore(%run_scoped3A : memref<!tpu.dma_semaphore, #tpu.memory_space<semaphore_mem>>) src(%dma_wait3A_114 : memref<128x64xf32, #tpu.memory_space<vmem>>) dst(%dma_wait3A_111 : memref<128x64xf32, #tpu.memory_space<vmem_shared>>)
      tpu.yield
    }) : () -> ()
    %mul3A_20 = arith.constant 624 : i32
    %mul3A_21 = arith.muli %arg1, %mul3A_20 : i32
    %add3A_22 = arith.constant 512 : i32
    %add3A_23 = arith.addi %mul3A_21, %add3A_22 : i32
    "tpu.region"() ({
      %run_scoped3A = tpu.sem_alloc : memref<!tpu.dma_semaphore, #tpu.memory_space<semaphore_mem>>
      %dma_start3A_96 = arith.constant 0 : i32
      %dma_start3A_97 = arith.constant 0 : i32
      %dma_start3A_98 = tpu.memref_slice %arg10[%dma_start3A_96, %dma_start3A_97] : memref<128x64xf32, #tpu.memory_space<vmem>> -> memref<112x64xf32, #tpu.memory_space<vmem>>
      %dma_start3A_99 = tpu.memref_slice %arg2[%add3A_23, %mul3A_4] : memref<10000x128xf32, #tpu.memory_space<hbm>> -> memref<112x64xf32, #tpu.memory_space<hbm>>
      %dma_start3A_100 = arith.constant 0 : i32
      %dma_start3A_101 = arith.constant 0 : i32
      %dma_start3A_102 = tpu.memref_slice %arg10[%dma_start3A_100, %dma_start3A_101] : memref<128x64xf32, #tpu.memory_space<vmem>> -> memref<112x64xf32, #tpu.memory_space<vmem>>
      %dma_start3A_103 = tpu.memref_slice %arg2[%add3A_23, %mul3A_4] : memref<10000x128xf32, #tpu.memory_space<hbm>> -> memref<112x64xf32, #tpu.memory_space<hbm>>
      tpu.enqueue_dma source(%dma_start3A_103 : memref<112x64xf32, #tpu.memory_space<hbm>>) target(%dma_start3A_102 : memref<112x64xf32, #tpu.memory_space<vmem>>) target_semaphore(%run_scoped3A : memref<!tpu.dma_semaphore, #tpu.memory_space<semaphore_mem>>)
      %dma_wait3A = arith.constant 0 : i32
      %dma_wait3A_104 = arith.constant 0 : i32
      %dma_wait3A_105 = tpu.memref_slice %arg10[%dma_wait3A, %dma_wait3A_104] : memref<128x64xf32, #tpu.memory_space<vmem>> -> memref<112x64xf32, #tpu.memory_space<vmem>>
      %dma_wait3A_106 = tpu.memref_slice %arg2[%add3A_23, %mul3A_4] : memref<10000x128xf32, #tpu.memory_space<hbm>> -> memref<112x64xf32, #tpu.memory_space<hbm>>
      %dma_wait3A_107 = arith.constant 0 : i32
      %dma_wait3A_108 = arith.constant 0 : i32
      %dma_wait3A_109 = tpu.memref_slice %arg10[%dma_wait3A_107, %dma_wait3A_108] : memref<128x64xf32, #tpu.memory_space<vmem>> -> memref<112x64xf32, #tpu.memory_space<vmem>>
      %dma_wait3A_110 = tpu.memref_slice %arg2[%add3A_23, %mul3A_4] : memref<10000x128xf32, #tpu.memory_space<hbm>> -> memref<112x64xf32, #tpu.memory_space<hbm>>
      tpu.wait_dma2 semaphore(%run_scoped3A : memref<!tpu.dma_semaphore, #tpu.memory_space<semaphore_mem>>) src(%dma_wait3A_110 : memref<112x64xf32, #tpu.memory_space<hbm>>) dst(%dma_wait3A_109 : memref<112x64xf32, #tpu.memory_space<vmem>>)
      tpu.yield
    }) : () -> ()
    "tpu.region"() ({
      %run_scoped3A = tpu.sem_alloc : memref<!tpu.dma_semaphore, #tpu.memory_space<semaphore_mem>>
      %dma_start3A_96 = arith.constant 0 : i32
      %dma_start3A_97 = arith.constant 0 : i32
      %dma_start3A_98 = tpu.memref_slice %arg10[%dma_start3A_96, %dma_start3A_97] : memref<128x64xf32, #tpu.memory_space<vmem>> -> memref<112x64xf32, #tpu.memory_space<vmem>>
      %dma_start3A_99 = arith.constant 0 : i32
      %dma_start3A_100 = tpu.memref_slice %arg14[%add3A_23, %dma_start3A_99] : memref<10000x64xf32, #tpu.memory_space<vmem_shared>> -> memref<112x64xf32, #tpu.memory_space<vmem_shared>>
      %dma_start3A_101 = arith.constant 0 : i32
      %dma_start3A_102 = tpu.memref_slice %arg14[%add3A_23, %dma_start3A_101] : memref<10000x64xf32, #tpu.memory_space<vmem_shared>> -> memref<112x64xf32, #tpu.memory_space<vmem_shared>>
      %dma_start3A_103 = arith.constant 0 : i32
      %dma_start3A_104 = arith.constant 0 : i32
      %dma_start3A_105 = tpu.memref_slice %arg10[%dma_start3A_103, %dma_start3A_104] : memref<128x64xf32, #tpu.memory_space<vmem>> -> memref<112x64xf32, #tpu.memory_space<vmem>>
      tpu.enqueue_dma source(%dma_start3A_105 : memref<112x64xf32, #tpu.memory_space<vmem>>) target(%dma_start3A_102 : memref<112x64xf32, #tpu.memory_space<vmem_shared>>) target_semaphore(%run_scoped3A : memref<!tpu.dma_semaphore, #tpu.memory_space<semaphore_mem>>)
      %dma_wait3A = arith.constant 0 : i32
      %dma_wait3A_106 = arith.constant 0 : i32
      %dma_wait3A_107 = tpu.memref_slice %arg10[%dma_wait3A, %dma_wait3A_106] : memref<128x64xf32, #tpu.memory_space<vmem>> -> memref<112x64xf32, #tpu.memory_space<vmem>>
      %dma_wait3A_108 = arith.constant 0 : i32
      %dma_wait3A_109 = tpu.memref_slice %arg14[%add3A_23, %dma_wait3A_108] : memref<10000x64xf32, #tpu.memory_space<vmem_shared>> -> memref<112x64xf32, #tpu.memory_space<vmem_shared>>
      %dma_wait3A_110 = arith.constant 0 : i32
      %dma_wait3A_111 = tpu.memref_slice %arg14[%add3A_23, %dma_wait3A_110] : memref<10000x64xf32, #tpu.memory_space<vmem_shared>> -> memref<112x64xf32, #tpu.memory_space<vmem_shared>>
      %dma_wait3A_112 = arith.constant 0 : i32
      %dma_wait3A_113 = arith.constant 0 : i32
      %dma_wait3A_114 = tpu.memref_slice %arg10[%dma_wait3A_112, %dma_wait3A_113] : memref<128x64xf32, #tpu.memory_space<vmem>> -> memref<112x64xf32, #tpu.memory_space<vmem>>
      tpu.wait_dma2 semaphore(%run_scoped3A : memref<!tpu.dma_semaphore, #tpu.memory_space<semaphore_mem>>) src(%dma_wait3A_114 : memref<112x64xf32, #tpu.memory_space<vmem>>) dst(%dma_wait3A_111 : memref<112x64xf32, #tpu.memory_space<vmem_shared>>)
      tpu.yield
    }) : () -> ()
    %eq3A = arith.constant 15 : i32
    %eq3A_24 = arith.cmpi eq, %arg1, %eq3A : i32
    %convert_element_type3A = arith.extui %eq3A_24 : i1 to i32
    %cond3A = arith.constant 0 : i32
    %cond3A_25 = arith.cmpi ne, %convert_element_type3A, %cond3A : i32
    scf.if %cond3A_25 {
      "tpu.region"() ({
        %run_scoped3A = tpu.sem_alloc : memref<!tpu.dma_semaphore, #tpu.memory_space<semaphore_mem>>
        %dma_start3A_96 = arith.constant 0 : i32
        %dma_start3A_97 = arith.constant 0 : i32
        %dma_start3A_98 = tpu.memref_slice %arg10[%dma_start3A_96, %dma_start3A_97] : memref<128x64xf32, #tpu.memory_space<vmem>> -> memref<16x64xf32, #tpu.memory_space<vmem>>
        %dma_start3A_99 = arith.constant 9984 : i32
        %dma_start3A_100 = tpu.memref_slice %arg2[%dma_start3A_99, %mul3A_4] : memref<10000x128xf32, #tpu.memory_space<hbm>> -> memref<16x64xf32, #tpu.memory_space<hbm>>
        %dma_start3A_101 = arith.constant 0 : i32
        %dma_start3A_102 = arith.constant 0 : i32
        %dma_start3A_103 = tpu.memref_slice %arg10[%dma_start3A_101, %dma_start3A_102] : memref<128x64xf32, #tpu.memory_space<vmem>> -> memref<16x64xf32, #tpu.memory_space<vmem>>
        %dma_start3A_104 = arith.constant 9984 : i32
        %dma_start3A_105 = tpu.memref_slice %arg2[%dma_start3A_104, %mul3A_4] : memref<10000x128xf32, #tpu.memory_space<hbm>> -> memref<16x64xf32, #tpu.memory_space<hbm>>
        tpu.enqueue_dma source(%dma_start3A_105 : memref<16x64xf32, #tpu.memory_space<hbm>>) target(%dma_start3A_103 : memref<16x64xf32, #tpu.memory_space<vmem>>) target_semaphore(%run_scoped3A : memref<!tpu.dma_semaphore, #tpu.memory_space<semaphore_mem>>)
        %dma_wait3A = arith.constant 0 : i32
        %dma_wait3A_106 = arith.constant 0 : i32
        %dma_wait3A_107 = tpu.memref_slice %arg10[%dma_wait3A, %dma_wait3A_106] : memref<128x64xf32, #tpu.memory_space<vmem>> -> memref<16x64xf32, #tpu.memory_space<vmem>>
        %dma_wait3A_108 = arith.constant 9984 : i32
        %dma_wait3A_109 = tpu.memref_slice %arg2[%dma_wait3A_108, %mul3A_4] : memref<10000x128xf32, #tpu.memory_space<hbm>> -> memref<16x64xf32, #tpu.memory_space<hbm>>
        %dma_wait3A_110 = arith.constant 0 : i32
        %dma_wait3A_111 = arith.constant 0 : i32
        %dma_wait3A_112 = tpu.memref_slice %arg10[%dma_wait3A_110, %dma_wait3A_111] : memref<128x64xf32, #tpu.memory_space<vmem>> -> memref<16x64xf32, #tpu.memory_space<vmem>>
        %dma_wait3A_113 = arith.constant 9984 : i32
        %dma_wait3A_114 = tpu.memref_slice %arg2[%dma_wait3A_113, %mul3A_4] : memref<10000x128xf32, #tpu.memory_space<hbm>> -> memref<16x64xf32, #tpu.memory_space<hbm>>
        tpu.wait_dma2 semaphore(%run_scoped3A : memref<!tpu.dma_semaphore, #tpu.memory_space<semaphore_mem>>) src(%dma_wait3A_114 : memref<16x64xf32, #tpu.memory_space<hbm>>) dst(%dma_wait3A_112 : memref<16x64xf32, #tpu.memory_space<vmem>>)
        tpu.yield
      }) : () -> ()
      "tpu.region"() ({
        %run_scoped3A = tpu.sem_alloc : memref<!tpu.dma_semaphore, #tpu.memory_space<semaphore_mem>>
        %dma_start3A_96 = arith.constant 0 : i32
        %dma_start3A_97 = arith.constant 0 : i32
        %dma_start3A_98 = tpu.memref_slice %arg10[%dma_start3A_96, %dma_start3A_97] : memref<128x64xf32, #tpu.memory_space<vmem>> -> memref<16x64xf32, #tpu.memory_space<vmem>>
        %dma_start3A_99 = arith.constant 9984 : i32
        %dma_start3A_100 = arith.constant 0 : i32
        %dma_start3A_101 = tpu.memref_slice %arg14[%dma_start3A_99, %dma_start3A_100] : memref<10000x64xf32, #tpu.memory_space<vmem_shared>> -> memref<16x64xf32, #tpu.memory_space<vmem_shared>>
        %dma_start3A_102 = arith.constant 9984 : i32
        %dma_start3A_103 = arith.constant 0 : i32
        %dma_start3A_104 = tpu.memref_slice %arg14[%dma_start3A_102, %dma_start3A_103] : memref<10000x64xf32, #tpu.memory_space<vmem_shared>> -> memref<16x64xf32, #tpu.memory_space<vmem_shared>>
        %dma_start3A_105 = arith.constant 0 : i32
        %dma_start3A_106 = arith.constant 0 : i32
        %dma_start3A_107 = tpu.memref_slice %arg10[%dma_start3A_105, %dma_start3A_106] : memref<128x64xf32, #tpu.memory_space<vmem>> -> memref<16x64xf32, #tpu.memory_space<vmem>>
        tpu.enqueue_dma source(%dma_start3A_107 : memref<16x64xf32, #tpu.memory_space<vmem>>) target(%dma_start3A_104 : memref<16x64xf32, #tpu.memory_space<vmem_shared>>) target_semaphore(%run_scoped3A : memref<!tpu.dma_semaphore, #tpu.memory_space<semaphore_mem>>)
        %dma_wait3A = arith.constant 0 : i32
        %dma_wait3A_108 = arith.constant 0 : i32
        %dma_wait3A_109 = tpu.memref_slice %arg10[%dma_wait3A, %dma_wait3A_108] : memref<128x64xf32, #tpu.memory_space<vmem>> -> memref<16x64xf32, #tpu.memory_space<vmem>>
        %dma_wait3A_110 = arith.constant 9984 : i32
        %dma_wait3A_111 = arith.constant 0 : i32
        %dma_wait3A_112 = tpu.memref_slice %arg14[%dma_wait3A_110, %dma_wait3A_111] : memref<10000x64xf32, #tpu.memory_space<vmem_shared>> -> memref<16x64xf32, #tpu.memory_space<vmem_shared>>
        %dma_wait3A_113 = arith.constant 9984 : i32
        %dma_wait3A_114 = arith.constant 0 : i32
        %dma_wait3A_115 = tpu.memref_slice %arg14[%dma_wait3A_113, %dma_wait3A_114] : memref<10000x64xf32, #tpu.memory_space<vmem_shared>> -> memref<16x64xf32, #tpu.memory_space<vmem_shared>>
        %dma_wait3A_116 = arith.constant 0 : i32
        %dma_wait3A_117 = arith.constant 0 : i32
        %dma_wait3A_118 = tpu.memref_slice %arg10[%dma_wait3A_116, %dma_wait3A_117] : memref<128x64xf32, #tpu.memory_space<vmem>> -> memref<16x64xf32, #tpu.memory_space<vmem>>
        tpu.wait_dma2 semaphore(%run_scoped3A : memref<!tpu.dma_semaphore, #tpu.memory_space<semaphore_mem>>) src(%dma_wait3A_118 : memref<16x64xf32, #tpu.memory_space<vmem>>) dst(%dma_wait3A_115 : memref<16x64xf32, #tpu.memory_space<vmem_shared>>)
        tpu.yield
      }) : () -> ()
    } else {
    }
    "tpu.region"() ({
      %run_scoped3A = tpu.sem_alloc : memref<!tpu.dma_semaphore, #tpu.memory_space<semaphore_mem>>
      tpu.enqueue_dma source(%arg5 : memref<128x64xf32, #tpu.memory_space<hbm>>) target(%arg9 : memref<128x64xf32, #tpu.memory_space<vmem>>) target_semaphore(%run_scoped3A : memref<!tpu.dma_semaphore, #tpu.memory_space<semaphore_mem>>)
      tpu.wait_dma2 semaphore(%run_scoped3A : memref<!tpu.dma_semaphore, #tpu.memory_space<semaphore_mem>>) src(%arg5 : memref<128x64xf32, #tpu.memory_space<hbm>>) dst(%arg9 : memref<128x64xf32, #tpu.memory_space<vmem>>)
      tpu.yield
    }) : () -> ()
    %mul3A_26 = arith.constant 640 : i32
    %mul3A_27 = arith.muli %arg1, %mul3A_26 : i32
    %add3A_28 = arith.constant 0 : i32
    %add3A_29 = arith.addi %mul3A_27, %add3A_28 : i32
    "tpu.region"() ({
      %run_scoped3A = tpu.sem_alloc : memref<!tpu.dma_semaphore, #tpu.memory_space<semaphore_mem>>
      %dma_start3A_96 = arith.constant 0 : i32
      %dma_start3A_97 = tpu.memref_slice %arg11[%add3A_29, %dma_start3A_96] : memref<10240x64xf32, #tpu.memory_space<vmem_shared>> -> memref<128x64xf32, #tpu.memory_space<vmem_shared>>
      %dma_start3A_98 = arith.constant 0 : i32
      %dma_start3A_99 = tpu.memref_slice %arg11[%add3A_29, %dma_start3A_98] : memref<10240x64xf32, #tpu.memory_space<vmem_shared>> -> memref<128x64xf32, #tpu.memory_space<vmem_shared>>
      tpu.enqueue_dma source(%arg9 : memref<128x64xf32, #tpu.memory_space<vmem>>) target(%dma_start3A_99 : memref<128x64xf32, #tpu.memory_space<vmem_shared>>) target_semaphore(%run_scoped3A : memref<!tpu.dma_semaphore, #tpu.memory_space<semaphore_mem>>)
      %dma_wait3A = arith.constant 0 : i32
      %dma_wait3A_100 = tpu.memref_slice %arg11[%add3A_29, %dma_wait3A] : memref<10240x64xf32, #tpu.memory_space<vmem_shared>> -> memref<128x64xf32, #tpu.memory_space<vmem_shared>>
      %dma_wait3A_101 = arith.constant 0 : i32
      %dma_wait3A_102 = tpu.memref_slice %arg11[%add3A_29, %dma_wait3A_101] : memref<10240x64xf32, #tpu.memory_space<vmem_shared>> -> memref<128x64xf32, #tpu.memory_space<vmem_shared>>
      tpu.wait_dma2 semaphore(%run_scoped3A : memref<!tpu.dma_semaphore, #tpu.memory_space<semaphore_mem>>) src(%arg9 : memref<128x64xf32, #tpu.memory_space<vmem>>) dst(%dma_wait3A_102 : memref<128x64xf32, #tpu.memory_space<vmem_shared>>)
      tpu.yield
    }) : () -> ()
    %mul3A_30 = arith.constant 640 : i32
    %mul3A_31 = arith.muli %arg1, %mul3A_30 : i32
    %add3A_32 = arith.constant 128 : i32
    %add3A_33 = arith.addi %mul3A_31, %add3A_32 : i32
    "tpu.region"() ({
      %run_scoped3A = tpu.sem_alloc : memref<!tpu.dma_semaphore, #tpu.memory_space<semaphore_mem>>
      %dma_start3A_96 = arith.constant 0 : i32
      %dma_start3A_97 = tpu.memref_slice %arg11[%add3A_33, %dma_start3A_96] : memref<10240x64xf32, #tpu.memory_space<vmem_shared>> -> memref<128x64xf32, #tpu.memory_space<vmem_shared>>
      %dma_start3A_98 = arith.constant 0 : i32
      %dma_start3A_99 = tpu.memref_slice %arg11[%add3A_33, %dma_start3A_98] : memref<10240x64xf32, #tpu.memory_space<vmem_shared>> -> memref<128x64xf32, #tpu.memory_space<vmem_shared>>
      tpu.enqueue_dma source(%arg9 : memref<128x64xf32, #tpu.memory_space<vmem>>) target(%dma_start3A_99 : memref<128x64xf32, #tpu.memory_space<vmem_shared>>) target_semaphore(%run_scoped3A : memref<!tpu.dma_semaphore, #tpu.memory_space<semaphore_mem>>)
      %dma_wait3A = arith.constant 0 : i32
      %dma_wait3A_100 = tpu.memref_slice %arg11[%add3A_33, %dma_wait3A] : memref<10240x64xf32, #tpu.memory_space<vmem_shared>> -> memref<128x64xf32, #tpu.memory_space<vmem_shared>>
      %dma_wait3A_101 = arith.constant 0 : i32
      %dma_wait3A_102 = tpu.memref_slice %arg11[%add3A_33, %dma_wait3A_101] : memref<10240x64xf32, #tpu.memory_space<vmem_shared>> -> memref<128x64xf32, #tpu.memory_space<vmem_shared>>
      tpu.wait_dma2 semaphore(%run_scoped3A : memref<!tpu.dma_semaphore, #tpu.memory_space<semaphore_mem>>) src(%arg9 : memref<128x64xf32, #tpu.memory_space<vmem>>) dst(%dma_wait3A_102 : memref<128x64xf32, #tpu.memory_space<vmem_shared>>)
      tpu.yield
    }) : () -> ()
    %mul3A_34 = arith.constant 640 : i32
    %mul3A_35 = arith.muli %arg1, %mul3A_34 : i32
    %add3A_36 = arith.constant 256 : i32
    %add3A_37 = arith.addi %mul3A_35, %add3A_36 : i32
    "tpu.region"() ({
      %run_scoped3A = tpu.sem_alloc : memref<!tpu.dma_semaphore, #tpu.memory_space<semaphore_mem>>
      %dma_start3A_96 = arith.constant 0 : i32
      %dma_start3A_97 = tpu.memref_slice %arg11[%add3A_37, %dma_start3A_96] : memref<10240x64xf32, #tpu.memory_space<vmem_shared>> -> memref<128x64xf32, #tpu.memory_space<vmem_shared>>
      %dma_start3A_98 = arith.constant 0 : i32
      %dma_start3A_99 = tpu.memref_slice %arg11[%add3A_37, %dma_start3A_98] : memref<10240x64xf32, #tpu.memory_space<vmem_shared>> -> memref<128x64xf32, #tpu.memory_space<vmem_shared>>
      tpu.enqueue_dma source(%arg9 : memref<128x64xf32, #tpu.memory_space<vmem>>) target(%dma_start3A_99 : memref<128x64xf32, #tpu.memory_space<vmem_shared>>) target_semaphore(%run_scoped3A : memref<!tpu.dma_semaphore, #tpu.memory_space<semaphore_mem>>)
      %dma_wait3A = arith.constant 0 : i32
      %dma_wait3A_100 = tpu.memref_slice %arg11[%add3A_37, %dma_wait3A] : memref<10240x64xf32, #tpu.memory_space<vmem_shared>> -> memref<128x64xf32, #tpu.memory_space<vmem_shared>>
      %dma_wait3A_101 = arith.constant 0 : i32
      %dma_wait3A_102 = tpu.memref_slice %arg11[%add3A_37, %dma_wait3A_101] : memref<10240x64xf32, #tpu.memory_space<vmem_shared>> -> memref<128x64xf32, #tpu.memory_space<vmem_shared>>
      tpu.wait_dma2 semaphore(%run_scoped3A : memref<!tpu.dma_semaphore, #tpu.memory_space<semaphore_mem>>) src(%arg9 : memref<128x64xf32, #tpu.memory_space<vmem>>) dst(%dma_wait3A_102 : memref<128x64xf32, #tpu.memory_space<vmem_shared>>)
      tpu.yield
    }) : () -> ()
    %mul3A_38 = arith.constant 640 : i32
    %mul3A_39 = arith.muli %arg1, %mul3A_38 : i32
    %add3A_40 = arith.constant 384 : i32
    %add3A_41 = arith.addi %mul3A_39, %add3A_40 : i32
    "tpu.region"() ({
      %run_scoped3A = tpu.sem_alloc : memref<!tpu.dma_semaphore, #tpu.memory_space<semaphore_mem>>
      %dma_start3A_96 = arith.constant 0 : i32
      %dma_start3A_97 = tpu.memref_slice %arg11[%add3A_41, %dma_start3A_96] : memref<10240x64xf32, #tpu.memory_space<vmem_shared>> -> memref<128x64xf32, #tpu.memory_space<vmem_shared>>
      %dma_start3A_98 = arith.constant 0 : i32
      %dma_start3A_99 = tpu.memref_slice %arg11[%add3A_41, %dma_start3A_98] : memref<10240x64xf32, #tpu.memory_space<vmem_shared>> -> memref<128x64xf32, #tpu.memory_space<vmem_shared>>
      tpu.enqueue_dma source(%arg9 : memref<128x64xf32, #tpu.memory_space<vmem>>) target(%dma_start3A_99 : memref<128x64xf32, #tpu.memory_space<vmem_shared>>) target_semaphore(%run_scoped3A : memref<!tpu.dma_semaphore, #tpu.memory_space<semaphore_mem>>)
      %dma_wait3A = arith.constant 0 : i32
      %dma_wait3A_100 = tpu.memref_slice %arg11[%add3A_41, %dma_wait3A] : memref<10240x64xf32, #tpu.memory_space<vmem_shared>> -> memref<128x64xf32, #tpu.memory_space<vmem_shared>>
      %dma_wait3A_101 = arith.constant 0 : i32
      %dma_wait3A_102 = tpu.memref_slice %arg11[%add3A_41, %dma_wait3A_101] : memref<10240x64xf32, #tpu.memory_space<vmem_shared>> -> memref<128x64xf32, #tpu.memory_space<vmem_shared>>
      tpu.wait_dma2 semaphore(%run_scoped3A : memref<!tpu.dma_semaphore, #tpu.memory_space<semaphore_mem>>) src(%arg9 : memref<128x64xf32, #tpu.memory_space<vmem>>) dst(%dma_wait3A_102 : memref<128x64xf32, #tpu.memory_space<vmem_shared>>)
      tpu.yield
    }) : () -> ()
    %mul3A_42 = arith.constant 640 : i32
    %mul3A_43 = arith.muli %arg1, %mul3A_42 : i32
    %add3A_44 = arith.constant 512 : i32
    %add3A_45 = arith.addi %mul3A_43, %add3A_44 : i32
    "tpu.region"() ({
      %run_scoped3A = tpu.sem_alloc : memref<!tpu.dma_semaphore, #tpu.memory_space<semaphore_mem>>
      %dma_start3A_96 = arith.constant 0 : i32
      %dma_start3A_97 = tpu.memref_slice %arg11[%add3A_45, %dma_start3A_96] : memref<10240x64xf32, #tpu.memory_space<vmem_shared>> -> memref<128x64xf32, #tpu.memory_space<vmem_shared>>
      %dma_start3A_98 = arith.constant 0 : i32
      %dma_start3A_99 = tpu.memref_slice %arg11[%add3A_45, %dma_start3A_98] : memref<10240x64xf32, #tpu.memory_space<vmem_shared>> -> memref<128x64xf32, #tpu.memory_space<vmem_shared>>
      tpu.enqueue_dma source(%arg9 : memref<128x64xf32, #tpu.memory_space<vmem>>) target(%dma_start3A_99 : memref<128x64xf32, #tpu.memory_space<vmem_shared>>) target_semaphore(%run_scoped3A : memref<!tpu.dma_semaphore, #tpu.memory_space<semaphore_mem>>)
      %dma_wait3A = arith.constant 0 : i32
      %dma_wait3A_100 = tpu.memref_slice %arg11[%add3A_45, %dma_wait3A] : memref<10240x64xf32, #tpu.memory_space<vmem_shared>> -> memref<128x64xf32, #tpu.memory_space<vmem_shared>>
      %dma_wait3A_101 = arith.constant 0 : i32
      %dma_wait3A_102 = tpu.memref_slice %arg11[%add3A_45, %dma_wait3A_101] : memref<10240x64xf32, #tpu.memory_space<vmem_shared>> -> memref<128x64xf32, #tpu.memory_space<vmem_shared>>
      tpu.wait_dma2 semaphore(%run_scoped3A : memref<!tpu.dma_semaphore, #tpu.memory_space<semaphore_mem>>) src(%arg9 : memref<128x64xf32, #tpu.memory_space<vmem>>) dst(%dma_wait3A_102 : memref<128x64xf32, #tpu.memory_space<vmem_shared>>)
      tpu.yield
    }) : () -> ()
    %barrier3A = arith.constant 0 : index
    tpu.barrier barrier_id(%barrier3A)
    %dma_start3A = arith.constant 0 : i32
    %dma_start3A_46 = tpu.memref_slice %arg7[%dma_start3A] : memref<10240xi32, #tpu.memory_space<vmem>> -> memref<128xi32, #tpu.memory_space<vmem>>
    %dma_start3A_47 = arith.constant 0 : i32
    %dma_start3A_48 = arith.constant 0 : i32
    %dma_start3A_49 = tpu.memref_slice %arg14[%dma_start3A_47, %dma_start3A_48] : memref<10000x64xf32, #tpu.memory_space<vmem_shared>> -> memref<10000x64xf32, #tpu.memory_space<vmem_shared>>
    tpu.enqueue_indirect_dma source(%dma_start3A_49 : memref<10000x64xf32, #tpu.memory_space<vmem_shared>>) target(%arg9 : memref<128x64xf32, #tpu.memory_space<vmem>>) offsets(%dma_start3A_46 : memref<128xi32, #tpu.memory_space<vmem>>) semaphore(%arg12 : memref<!tpu.dma_semaphore, #tpu.memory_space<semaphore_mem>>)
    %dma_start3A_50 = arith.constant 128 : i32
    %dma_start3A_51 = tpu.memref_slice %arg7[%dma_start3A_50] : memref<10240xi32, #tpu.memory_space<vmem>> -> memref<128xi32, #tpu.memory_space<vmem>>
    %dma_start3A_52 = arith.constant 0 : i32
    %dma_start3A_53 = arith.constant 0 : i32
    %dma_start3A_54 = tpu.memref_slice %arg14[%dma_start3A_52, %dma_start3A_53] : memref<10000x64xf32, #tpu.memory_space<vmem_shared>> -> memref<10000x64xf32, #tpu.memory_space<vmem_shared>>
    tpu.enqueue_indirect_dma source(%dma_start3A_54 : memref<10000x64xf32, #tpu.memory_space<vmem_shared>>) target(%arg10 : memref<128x64xf32, #tpu.memory_space<vmem>>) offsets(%dma_start3A_51 : memref<128xi32, #tpu.memory_space<vmem>>) semaphore(%arg13 : memref<!tpu.dma_semaphore, #tpu.memory_space<semaphore_mem>>)
    %scan3A = arith.constant 0 : i32
    %scan3A_55 = arith.constant 0 : i32
    %scan3A_56 = arith.constant 40 : i32
    %scan3A_57 = arith.addi %scan3A_55, %scan3A_56 : i32
    %scan3A_58 = arith.constant 1 : i32
    scf.for %scan3A_96 = %scan3A_55 to %scan3A_57 step %scan3A_58  : i32 {
      %mul3A_97 = arith.constant 2 : i32
      %mul3A_98 = arith.muli %mul3A_97, %scan3A_96 : i32
      %add3A_99 = arith.constant 0 : i32
      %add3A_100 = arith.addi %mul3A_98, %add3A_99 : i32
      %mul3A_101 = arith.constant 128 : i32
      %mul3A_102 = arith.muli %add3A_100, %mul3A_101 : i32
      %dma_wait3A = tpu.memref_slice %arg7[%mul3A_102] : memref<10240xi32, #tpu.memory_space<vmem>> -> memref<128xi32, #tpu.memory_space<vmem>>
      %dma_wait3A_103 = arith.constant 0 : i32
      %dma_wait3A_104 = arith.constant 0 : i32
      %dma_wait3A_105 = tpu.memref_slice %arg14[%dma_wait3A_103, %dma_wait3A_104] : memref<10000x64xf32, #tpu.memory_space<vmem_shared>> -> memref<10000x64xf32, #tpu.memory_space<vmem_shared>>
      tpu.wait_indirect_dma semaphore(%arg12 : memref<!tpu.dma_semaphore, #tpu.memory_space<semaphore_mem>>) src(%dma_wait3A_105 : memref<10000x64xf32, #tpu.memory_space<vmem_shared>>) dst(%arg9 : memref<128x64xf32, #tpu.memory_space<vmem>>)
      %add3A_106 = arith.constant 0 : i32
      %add3A_107 = arith.addi %mul3A_98, %add3A_106 : i32
      "tpu.region"() ({
        %run_scoped3A = tpu.sem_alloc : memref<!tpu.dma_semaphore, #tpu.memory_space<semaphore_mem>>
        %dma_start3A_135 = arith.constant 0 : i32
        %dma_start3A_136 = tpu.memref_slice %arg8[%add3A_107, %dma_start3A_135] : memref<80x128xi32, #tpu.memory_space<vmem>> -> memref<1x128xi32, #tpu.memory_space<vmem>>
        %dma_start3A_137 = tpu.memref_squeeze %dma_start3A_136 : memref<1x128xi32, #tpu.memory_space<vmem>> -> memref<128xi32, #tpu.memory_space<vmem>>
        %dma_start3A_138 = arith.constant 0 : i32
        %dma_start3A_139 = arith.constant 0 : i32
        %dma_start3A_140 = tpu.memref_slice %arg11[%dma_start3A_138, %dma_start3A_139] : memref<10240x64xf32, #tpu.memory_space<vmem_shared>> -> memref<10240x64xf32, #tpu.memory_space<vmem_shared>>
        tpu.enqueue_indirect_dma source(%arg9 : memref<128x64xf32, #tpu.memory_space<vmem>>) target(%dma_start3A_140 : memref<10240x64xf32, #tpu.memory_space<vmem_shared>>) offsets(%dma_start3A_137 : memref<128xi32, #tpu.memory_space<vmem>>) semaphore(%run_scoped3A : memref<!tpu.dma_semaphore, #tpu.memory_space<semaphore_mem>>) {add = true}
        %dma_wait3A_141 = arith.constant 0 : i32
        %dma_wait3A_142 = tpu.memref_slice %arg8[%add3A_107, %dma_wait3A_141] : memref<80x128xi32, #tpu.memory_space<vmem>> -> memref<1x128xi32, #tpu.memory_space<vmem>>
        %dma_wait3A_143 = tpu.memref_squeeze %dma_wait3A_142 : memref<1x128xi32, #tpu.memory_space<vmem>> -> memref<128xi32, #tpu.memory_space<vmem>>
        %dma_wait3A_144 = arith.constant 0 : i32
        %dma_wait3A_145 = arith.constant 0 : i32
        %dma_wait3A_146 = tpu.memref_slice %arg11[%dma_wait3A_144, %dma_wait3A_145] : memref<10240x64xf32, #tpu.memory_space<vmem_shared>> -> memref<10240x64xf32, #tpu.memory_space<vmem_shared>>
        tpu.wait_indirect_dma semaphore(%run_scoped3A : memref<!tpu.dma_semaphore, #tpu.memory_space<semaphore_mem>>) src(%arg9 : memref<128x64xf32, #tpu.memory_space<vmem>>) dst(%dma_wait3A_146 : memref<10240x64xf32, #tpu.memory_space<vmem_shared>>)
        tpu.yield
      }) : () -> ()
      %add3A_108 = arith.constant 0 : i32
      %add3A_109 = arith.addi %mul3A_98, %add3A_108 : i32
      %add3A_110 = arith.constant 2 : i32
      %add3A_111 = arith.addi %add3A_109, %add3A_110 : i32
      %lt3A = arith.constant 80 : i32
      %lt3A_112 = arith.cmpi slt, %add3A_111, %lt3A : i32
      %convert_element_type3A_113 = arith.extui %lt3A_112 : i1 to i32
      %cond3A_114 = arith.constant 0 : i32
      %cond3A_115 = arith.cmpi ne, %convert_element_type3A_113, %cond3A_114 : i32
      scf.if %cond3A_115 {
        %add3A_135 = arith.constant 0 : i32
        %add3A_136 = arith.addi %mul3A_98, %add3A_135 : i32
        %add3A_137 = arith.constant 2 : i32
        %add3A_138 = arith.addi %add3A_136, %add3A_137 : i32
        %mul3A_139 = arith.constant 128 : i32
        %mul3A_140 = arith.muli %add3A_138, %mul3A_139 : i32
        %dma_start3A_141 = tpu.memref_slice %arg7[%mul3A_140] : memref<10240xi32, #tpu.memory_space<vmem>> -> memref<128xi32, #tpu.memory_space<vmem>>
        %dma_start3A_142 = arith.constant 0 : i32
        %dma_start3A_143 = arith.constant 0 : i32
        %dma_start3A_144 = tpu.memref_slice %arg14[%dma_start3A_142, %dma_start3A_143] : memref<10000x64xf32, #tpu.memory_space<vmem_shared>> -> memref<10000x64xf32, #tpu.memory_space<vmem_shared>>
        tpu.enqueue_indirect_dma source(%dma_start3A_144 : memref<10000x64xf32, #tpu.memory_space<vmem_shared>>) target(%arg9 : memref<128x64xf32, #tpu.memory_space<vmem>>) offsets(%dma_start3A_141 : memref<128xi32, #tpu.memory_space<vmem>>) semaphore(%arg12 : memref<!tpu.dma_semaphore, #tpu.memory_space<semaphore_mem>>)
      } else {
      }
      %add3A_116 = arith.constant 1 : i32
      %add3A_117 = arith.addi %mul3A_98, %add3A_116 : i32
      %mul3A_118 = arith.constant 128 : i32
      %mul3A_119 = arith.muli %add3A_117, %mul3A_118 : i32
      %dma_wait3A_120 = tpu.memref_slice %arg7[%mul3A_119] : memref<10240xi32, #tpu.memory_space<vmem>> -> memref<128xi32, #tpu.memory_space<vmem>>
      %dma_wait3A_121 = arith.constant 0 : i32
      %dma_wait3A_122 = arith.constant 0 : i32
      %dma_wait3A_123 = tpu.memref_slice %arg14[%dma_wait3A_121, %dma_wait3A_122] : memref<10000x64xf32, #tpu.memory_space<vmem_shared>> -> memref<10000x64xf32, #tpu.memory_space<vmem_shared>>
      tpu.wait_indirect_dma semaphore(%arg13 : memref<!tpu.dma_semaphore, #tpu.memory_space<semaphore_mem>>) src(%dma_wait3A_123 : memref<10000x64xf32, #tpu.memory_space<vmem_shared>>) dst(%arg10 : memref<128x64xf32, #tpu.memory_space<vmem>>)
      %add3A_124 = arith.constant 1 : i32
      %add3A_125 = arith.addi %mul3A_98, %add3A_124 : i32
      "tpu.region"() ({
        %run_scoped3A = tpu.sem_alloc : memref<!tpu.dma_semaphore, #tpu.memory_space<semaphore_mem>>
        %dma_start3A_135 = arith.constant 0 : i32
        %dma_start3A_136 = tpu.memref_slice %arg8[%add3A_125, %dma_start3A_135] : memref<80x128xi32, #tpu.memory_space<vmem>> -> memref<1x128xi32, #tpu.memory_space<vmem>>
        %dma_start3A_137 = tpu.memref_squeeze %dma_start3A_136 : memref<1x128xi32, #tpu.memory_space<vmem>> -> memref<128xi32, #tpu.memory_space<vmem>>
        %dma_start3A_138 = arith.constant 0 : i32
        %dma_start3A_139 = arith.constant 0 : i32
        %dma_start3A_140 = tpu.memref_slice %arg11[%dma_start3A_138, %dma_start3A_139] : memref<10240x64xf32, #tpu.memory_space<vmem_shared>> -> memref<10240x64xf32, #tpu.memory_space<vmem_shared>>
        tpu.enqueue_indirect_dma source(%arg10 : memref<128x64xf32, #tpu.memory_space<vmem>>) target(%dma_start3A_140 : memref<10240x64xf32, #tpu.memory_space<vmem_shared>>) offsets(%dma_start3A_137 : memref<128xi32, #tpu.memory_space<vmem>>) semaphore(%run_scoped3A : memref<!tpu.dma_semaphore, #tpu.memory_space<semaphore_mem>>) {add = true}
        %dma_wait3A_141 = arith.constant 0 : i32
        %dma_wait3A_142 = tpu.memref_slice %arg8[%add3A_125, %dma_wait3A_141] : memref<80x128xi32, #tpu.memory_space<vmem>> -> memref<1x128xi32, #tpu.memory_space<vmem>>
        %dma_wait3A_143 = tpu.memref_squeeze %dma_wait3A_142 : memref<1x128xi32, #tpu.memory_space<vmem>> -> memref<128xi32, #tpu.memory_space<vmem>>
        %dma_wait3A_144 = arith.constant 0 : i32
        %dma_wait3A_145 = arith.constant 0 : i32
        %dma_wait3A_146 = tpu.memref_slice %arg11[%dma_wait3A_144, %dma_wait3A_145] : memref<10240x64xf32, #tpu.memory_space<vmem_shared>> -> memref<10240x64xf32, #tpu.memory_space<vmem_shared>>
        tpu.wait_indirect_dma semaphore(%run_scoped3A : memref<!tpu.dma_semaphore, #tpu.memory_space<semaphore_mem>>) src(%arg10 : memref<128x64xf32, #tpu.memory_space<vmem>>) dst(%dma_wait3A_146 : memref<10240x64xf32, #tpu.memory_space<vmem_shared>>)
        tpu.yield
      }) : () -> ()
      %add3A_126 = arith.constant 1 : i32
      %add3A_127 = arith.addi %mul3A_98, %add3A_126 : i32
      %add3A_128 = arith.constant 2 : i32
      %add3A_129 = arith.addi %add3A_127, %add3A_128 : i32
      %lt3A_130 = arith.constant 80 : i32
      %lt3A_131 = arith.cmpi slt, %add3A_129, %lt3A_130 : i32
      %convert_element_type3A_132 = arith.extui %lt3A_131 : i1 to i32
      %cond3A_133 = arith.constant 0 : i32
      %cond3A_134 = arith.cmpi ne, %convert_element_type3A_132, %cond3A_133 : i32
      scf.if %cond3A_134 {
        %add3A_135 = arith.constant 1 : i32
        %add3A_136 = arith.addi %mul3A_98, %add3A_135 : i32
        %add3A_137 = arith.constant 2 : i32
        %add3A_138 = arith.addi %add3A_136, %add3A_137 : i32
        %mul3A_139 = arith.constant 128 : i32
        %mul3A_140 = arith.muli %add3A_138, %mul3A_139 : i32
        %dma_start3A_141 = tpu.memref_slice %arg7[%mul3A_140] : memref<10240xi32, #tpu.memory_space<vmem>> -> memref<128xi32, #tpu.memory_space<vmem>>
        %dma_start3A_142 = arith.constant 0 : i32
        %dma_start3A_143 = arith.constant 0 : i32
        %dma_start3A_144 = tpu.memref_slice %arg14[%dma_start3A_142, %dma_start3A_143] : memref<10000x64xf32, #tpu.memory_space<vmem_shared>> -> memref<10000x64xf32, #tpu.memory_space<vmem_shared>>
        tpu.enqueue_indirect_dma source(%dma_start3A_144 : memref<10000x64xf32, #tpu.memory_space<vmem_shared>>) target(%arg10 : memref<128x64xf32, #tpu.memory_space<vmem>>) offsets(%dma_start3A_141 : memref<128xi32, #tpu.memory_space<vmem>>) semaphore(%arg13 : memref<!tpu.dma_semaphore, #tpu.memory_space<semaphore_mem>>)
      } else {
      }
    }
    %scan3A_59 = arith.constant 40 : i32
    %barrier3A_60 = arith.constant 0 : index
    tpu.barrier barrier_id(%barrier3A_60)
    %mul3A_61 = arith.constant 624 : i32
    %mul3A_62 = arith.muli %arg1, %mul3A_61 : i32
    %add3A_63 = arith.constant 0 : i32
    %add3A_64 = arith.addi %mul3A_62, %add3A_63 : i32
    "tpu.region"() ({
      %run_scoped3A = tpu.sem_alloc : memref<!tpu.dma_semaphore, #tpu.memory_space<semaphore_mem>>
      %dma_start3A_96 = arith.constant 0 : i32
      %dma_start3A_97 = arith.constant 0 : i32
      %dma_start3A_98 = tpu.memref_slice %arg9[%dma_start3A_96, %dma_start3A_97] : memref<128x64xf32, #tpu.memory_space<vmem>> -> memref<128x64xf32, #tpu.memory_space<vmem>>
      %dma_start3A_99 = arith.constant 0 : i32
      %dma_start3A_100 = tpu.memref_slice %arg11[%add3A_64, %dma_start3A_99] : memref<10240x64xf32, #tpu.memory_space<vmem_shared>> -> memref<128x64xf32, #tpu.memory_space<vmem_shared>>
      %dma_start3A_101 = arith.constant 0 : i32
      %dma_start3A_102 = arith.constant 0 : i32
      %dma_start3A_103 = tpu.memref_slice %arg9[%dma_start3A_101, %dma_start3A_102] : memref<128x64xf32, #tpu.memory_space<vmem>> -> memref<128x64xf32, #tpu.memory_space<vmem>>
      %dma_start3A_104 = arith.constant 0 : i32
      %dma_start3A_105 = tpu.memref_slice %arg11[%add3A_64, %dma_start3A_104] : memref<10240x64xf32, #tpu.memory_space<vmem_shared>> -> memref<128x64xf32, #tpu.memory_space<vmem_shared>>
      tpu.enqueue_dma source(%dma_start3A_105 : memref<128x64xf32, #tpu.memory_space<vmem_shared>>) target(%dma_start3A_103 : memref<128x64xf32, #tpu.memory_space<vmem>>) target_semaphore(%run_scoped3A : memref<!tpu.dma_semaphore, #tpu.memory_space<semaphore_mem>>)
      %dma_wait3A = arith.constant 0 : i32
      %dma_wait3A_106 = arith.constant 0 : i32
      %dma_wait3A_107 = tpu.memref_slice %arg9[%dma_wait3A, %dma_wait3A_106] : memref<128x64xf32, #tpu.memory_space<vmem>> -> memref<128x64xf32, #tpu.memory_space<vmem>>
      %dma_wait3A_108 = arith.constant 0 : i32
      %dma_wait3A_109 = tpu.memref_slice %arg11[%add3A_64, %dma_wait3A_108] : memref<10240x64xf32, #tpu.memory_space<vmem_shared>> -> memref<128x64xf32, #tpu.memory_space<vmem_shared>>
      %dma_wait3A_110 = arith.constant 0 : i32
      %dma_wait3A_111 = arith.constant 0 : i32
      %dma_wait3A_112 = tpu.memref_slice %arg9[%dma_wait3A_110, %dma_wait3A_111] : memref<128x64xf32, #tpu.memory_space<vmem>> -> memref<128x64xf32, #tpu.memory_space<vmem>>
      %dma_wait3A_113 = arith.constant 0 : i32
      %dma_wait3A_114 = tpu.memref_slice %arg11[%add3A_64, %dma_wait3A_113] : memref<10240x64xf32, #tpu.memory_space<vmem_shared>> -> memref<128x64xf32, #tpu.memory_space<vmem_shared>>
      tpu.wait_dma2 semaphore(%run_scoped3A : memref<!tpu.dma_semaphore, #tpu.memory_space<semaphore_mem>>) src(%dma_wait3A_114 : memref<128x64xf32, #tpu.memory_space<vmem_shared>>) dst(%dma_wait3A_112 : memref<128x64xf32, #tpu.memory_space<vmem>>)
      tpu.yield
    }) : () -> ()
    %mul3A_65 = arith.constant 64 : i32
    %mul3A_66 = arith.muli %arg0, %mul3A_65 : i32
    "tpu.region"() ({
      %run_scoped3A = tpu.sem_alloc : memref<!tpu.dma_semaphore, #tpu.memory_space<semaphore_mem>>
      %dma_start3A_96 = arith.constant 0 : i32
      %dma_start3A_97 = arith.constant 0 : i32
      %dma_start3A_98 = tpu.memref_slice %arg9[%dma_start3A_96, %dma_start3A_97] : memref<128x64xf32, #tpu.memory_space<vmem>> -> memref<128x64xf32, #tpu.memory_space<vmem>>
      %dma_start3A_99 = tpu.memref_slice %arg6[%add3A_64, %mul3A_66] : memref<10000x128xf32, #tpu.memory_space<hbm>> -> memref<128x64xf32, #tpu.memory_space<hbm>>
      %dma_start3A_100 = tpu.memref_slice %arg6[%add3A_64, %mul3A_66] : memref<10000x128xf32, #tpu.memory_space<hbm>> -> memref<128x64xf32, #tpu.memory_space<hbm>>
      %dma_start3A_101 = arith.constant 0 : i32
      %dma_start3A_102 = arith.constant 0 : i32
      %dma_start3A_103 = tpu.memref_slice %arg9[%dma_start3A_101, %dma_start3A_102] : memref<128x64xf32, #tpu.memory_space<vmem>> -> memref<128x64xf32, #tpu.memory_space<vmem>>
      tpu.enqueue_dma source(%dma_start3A_103 : memref<128x64xf32, #tpu.memory_space<vmem>>) target(%dma_start3A_100 : memref<128x64xf32, #tpu.memory_space<hbm>>) target_semaphore(%run_scoped3A : memref<!tpu.dma_semaphore, #tpu.memory_space<semaphore_mem>>)
      %dma_wait3A = arith.constant 0 : i32
      %dma_wait3A_104 = arith.constant 0 : i32
      %dma_wait3A_105 = tpu.memref_slice %arg9[%dma_wait3A, %dma_wait3A_104] : memref<128x64xf32, #tpu.memory_space<vmem>> -> memref<128x64xf32, #tpu.memory_space<vmem>>
      %dma_wait3A_106 = tpu.memref_slice %arg6[%add3A_64, %mul3A_66] : memref<10000x128xf32, #tpu.memory_space<hbm>> -> memref<128x64xf32, #tpu.memory_space<hbm>>
      %dma_wait3A_107 = tpu.memref_slice %arg6[%add3A_64, %mul3A_66] : memref<10000x128xf32, #tpu.memory_space<hbm>> -> memref<128x64xf32, #tpu.memory_space<hbm>>
      %dma_wait3A_108 = arith.constant 0 : i32
      %dma_wait3A_109 = arith.constant 0 : i32
      %dma_wait3A_110 = tpu.memref_slice %arg9[%dma_wait3A_108, %dma_wait3A_109] : memref<128x64xf32, #tpu.memory_space<vmem>> -> memref<128x64xf32, #tpu.memory_space<vmem>>
      tpu.wait_dma2 semaphore(%run_scoped3A : memref<!tpu.dma_semaphore, #tpu.memory_space<semaphore_mem>>) src(%dma_wait3A_110 : memref<128x64xf32, #tpu.memory_space<vmem>>) dst(%dma_wait3A_107 : memref<128x64xf32, #tpu.memory_space<hbm>>)
      tpu.yield
    }) : () -> ()
    %mul3A_67 = arith.constant 624 : i32
    %mul3A_68 = arith.muli %arg1, %mul3A_67 : i32
    %add3A_69 = arith.constant 128 : i32
    %add3A_70 = arith.addi %mul3A_68, %add3A_69 : i32
    "tpu.region"() ({
      %run_scoped3A = tpu.sem_alloc : memref<!tpu.dma_semaphore, #tpu.memory_space<semaphore_mem>>
      %dma_start3A_96 = arith.constant 0 : i32
      %dma_start3A_97 = arith.constant 0 : i32
      %dma_start3A_98 = tpu.memref_slice %arg9[%dma_start3A_96, %dma_start3A_97] : memref<128x64xf32, #tpu.memory_space<vmem>> -> memref<128x64xf32, #tpu.memory_space<vmem>>
      %dma_start3A_99 = arith.constant 0 : i32
      %dma_start3A_100 = tpu.memref_slice %arg11[%add3A_70, %dma_start3A_99] : memref<10240x64xf32, #tpu.memory_space<vmem_shared>> -> memref<128x64xf32, #tpu.memory_space<vmem_shared>>
      %dma_start3A_101 = arith.constant 0 : i32
      %dma_start3A_102 = arith.constant 0 : i32
      %dma_start3A_103 = tpu.memref_slice %arg9[%dma_start3A_101, %dma_start3A_102] : memref<128x64xf32, #tpu.memory_space<vmem>> -> memref<128x64xf32, #tpu.memory_space<vmem>>
      %dma_start3A_104 = arith.constant 0 : i32
      %dma_start3A_105 = tpu.memref_slice %arg11[%add3A_70, %dma_start3A_104] : memref<10240x64xf32, #tpu.memory_space<vmem_shared>> -> memref<128x64xf32, #tpu.memory_space<vmem_shared>>
      tpu.enqueue_dma source(%dma_start3A_105 : memref<128x64xf32, #tpu.memory_space<vmem_shared>>) target(%dma_start3A_103 : memref<128x64xf32, #tpu.memory_space<vmem>>) target_semaphore(%run_scoped3A : memref<!tpu.dma_semaphore, #tpu.memory_space<semaphore_mem>>)
      %dma_wait3A = arith.constant 0 : i32
      %dma_wait3A_106 = arith.constant 0 : i32
      %dma_wait3A_107 = tpu.memref_slice %arg9[%dma_wait3A, %dma_wait3A_106] : memref<128x64xf32, #tpu.memory_space<vmem>> -> memref<128x64xf32, #tpu.memory_space<vmem>>
      %dma_wait3A_108 = arith.constant 0 : i32
      %dma_wait3A_109 = tpu.memref_slice %arg11[%add3A_70, %dma_wait3A_108] : memref<10240x64xf32, #tpu.memory_space<vmem_shared>> -> memref<128x64xf32, #tpu.memory_space<vmem_shared>>
      %dma_wait3A_110 = arith.constant 0 : i32
      %dma_wait3A_111 = arith.constant 0 : i32
      %dma_wait3A_112 = tpu.memref_slice %arg9[%dma_wait3A_110, %dma_wait3A_111] : memref<128x64xf32, #tpu.memory_space<vmem>> -> memref<128x64xf32, #tpu.memory_space<vmem>>
      %dma_wait3A_113 = arith.constant 0 : i32
      %dma_wait3A_114 = tpu.memref_slice %arg11[%add3A_70, %dma_wait3A_113] : memref<10240x64xf32, #tpu.memory_space<vmem_shared>> -> memref<128x64xf32, #tpu.memory_space<vmem_shared>>
      tpu.wait_dma2 semaphore(%run_scoped3A : memref<!tpu.dma_semaphore, #tpu.memory_space<semaphore_mem>>) src(%dma_wait3A_114 : memref<128x64xf32, #tpu.memory_space<vmem_shared>>) dst(%dma_wait3A_112 : memref<128x64xf32, #tpu.memory_space<vmem>>)
      tpu.yield
    }) : () -> ()
    %mul3A_71 = arith.constant 64 : i32
    %mul3A_72 = arith.muli %arg0, %mul3A_71 : i32
    "tpu.region"() ({
      %run_scoped3A = tpu.sem_alloc : memref<!tpu.dma_semaphore, #tpu.memory_space<semaphore_mem>>
      %dma_start3A_96 = arith.constant 0 : i32
      %dma_start3A_97 = arith.constant 0 : i32
      %dma_start3A_98 = tpu.memref_slice %arg9[%dma_start3A_96, %dma_start3A_97] : memref<128x64xf32, #tpu.memory_space<vmem>> -> memref<128x64xf32, #tpu.memory_space<vmem>>
      %dma_start3A_99 = tpu.memref_slice %arg6[%add3A_70, %mul3A_72] : memref<10000x128xf32, #tpu.memory_space<hbm>> -> memref<128x64xf32, #tpu.memory_space<hbm>>
      %dma_start3A_100 = tpu.memref_slice %arg6[%add3A_70, %mul3A_72] : memref<10000x128xf32, #tpu.memory_space<hbm>> -> memref<128x64xf32, #tpu.memory_space<hbm>>
      %dma_start3A_101 = arith.constant 0 : i32
      %dma_start3A_102 = arith.constant 0 : i32
      %dma_start3A_103 = tpu.memref_slice %arg9[%dma_start3A_101, %dma_start3A_102] : memref<128x64xf32, #tpu.memory_space<vmem>> -> memref<128x64xf32, #tpu.memory_space<vmem>>
      tpu.enqueue_dma source(%dma_start3A_103 : memref<128x64xf32, #tpu.memory_space<vmem>>) target(%dma_start3A_100 : memref<128x64xf32, #tpu.memory_space<hbm>>) target_semaphore(%run_scoped3A : memref<!tpu.dma_semaphore, #tpu.memory_space<semaphore_mem>>)
      %dma_wait3A = arith.constant 0 : i32
      %dma_wait3A_104 = arith.constant 0 : i32
      %dma_wait3A_105 = tpu.memref_slice %arg9[%dma_wait3A, %dma_wait3A_104] : memref<128x64xf32, #tpu.memory_space<vmem>> -> memref<128x64xf32, #tpu.memory_space<vmem>>
      %dma_wait3A_106 = tpu.memref_slice %arg6[%add3A_70, %mul3A_72] : memref<10000x128xf32, #tpu.memory_space<hbm>> -> memref<128x64xf32, #tpu.memory_space<hbm>>
      %dma_wait3A_107 = tpu.memref_slice %arg6[%add3A_70, %mul3A_72] : memref<10000x128xf32, #tpu.memory_space<hbm>> -> memref<128x64xf32, #tpu.memory_space<hbm>>
      %dma_wait3A_108 = arith.constant 0 : i32
      %dma_wait3A_109 = arith.constant 0 : i32
      %dma_wait3A_110 = tpu.memref_slice %arg9[%dma_wait3A_108, %dma_wait3A_109] : memref<128x64xf32, #tpu.memory_space<vmem>> -> memref<128x64xf32, #tpu.memory_space<vmem>>
      tpu.wait_dma2 semaphore(%run_scoped3A : memref<!tpu.dma_semaphore, #tpu.memory_space<semaphore_mem>>) src(%dma_wait3A_110 : memref<128x64xf32, #tpu.memory_space<vmem>>) dst(%dma_wait3A_107 : memref<128x64xf32, #tpu.memory_space<hbm>>)
      tpu.yield
    }) : () -> ()
    %mul3A_73 = arith.constant 624 : i32
    %mul3A_74 = arith.muli %arg1, %mul3A_73 : i32
    %add3A_75 = arith.constant 256 : i32
    %add3A_76 = arith.addi %mul3A_74, %add3A_75 : i32
    "tpu.region"() ({
      %run_scoped3A = tpu.sem_alloc : memref<!tpu.dma_semaphore, #tpu.memory_space<semaphore_mem>>
      %dma_start3A_96 = arith.constant 0 : i32
      %dma_start3A_97 = arith.constant 0 : i32
      %dma_start3A_98 = tpu.memref_slice %arg9[%dma_start3A_96, %dma_start3A_97] : memref<128x64xf32, #tpu.memory_space<vmem>> -> memref<128x64xf32, #tpu.memory_space<vmem>>
      %dma_start3A_99 = arith.constant 0 : i32
      %dma_start3A_100 = tpu.memref_slice %arg11[%add3A_76, %dma_start3A_99] : memref<10240x64xf32, #tpu.memory_space<vmem_shared>> -> memref<128x64xf32, #tpu.memory_space<vmem_shared>>
      %dma_start3A_101 = arith.constant 0 : i32
      %dma_start3A_102 = arith.constant 0 : i32
      %dma_start3A_103 = tpu.memref_slice %arg9[%dma_start3A_101, %dma_start3A_102] : memref<128x64xf32, #tpu.memory_space<vmem>> -> memref<128x64xf32, #tpu.memory_space<vmem>>
      %dma_start3A_104 = arith.constant 0 : i32
      %dma_start3A_105 = tpu.memref_slice %arg11[%add3A_76, %dma_start3A_104] : memref<10240x64xf32, #tpu.memory_space<vmem_shared>> -> memref<128x64xf32, #tpu.memory_space<vmem_shared>>
      tpu.enqueue_dma source(%dma_start3A_105 : memref<128x64xf32, #tpu.memory_space<vmem_shared>>) target(%dma_start3A_103 : memref<128x64xf32, #tpu.memory_space<vmem>>) target_semaphore(%run_scoped3A : memref<!tpu.dma_semaphore, #tpu.memory_space<semaphore_mem>>)
      %dma_wait3A = arith.constant 0 : i32
      %dma_wait3A_106 = arith.constant 0 : i32
      %dma_wait3A_107 = tpu.memref_slice %arg9[%dma_wait3A, %dma_wait3A_106] : memref<128x64xf32, #tpu.memory_space<vmem>> -> memref<128x64xf32, #tpu.memory_space<vmem>>
      %dma_wait3A_108 = arith.constant 0 : i32
      %dma_wait3A_109 = tpu.memref_slice %arg11[%add3A_76, %dma_wait3A_108] : memref<10240x64xf32, #tpu.memory_space<vmem_shared>> -> memref<128x64xf32, #tpu.memory_space<vmem_shared>>
      %dma_wait3A_110 = arith.constant 0 : i32
      %dma_wait3A_111 = arith.constant 0 : i32
      %dma_wait3A_112 = tpu.memref_slice %arg9[%dma_wait3A_110, %dma_wait3A_111] : memref<128x64xf32, #tpu.memory_space<vmem>> -> memref<128x64xf32, #tpu.memory_space<vmem>>
      %dma_wait3A_113 = arith.constant 0 : i32
      %dma_wait3A_114 = tpu.memref_slice %arg11[%add3A_76, %dma_wait3A_113] : memref<10240x64xf32, #tpu.memory_space<vmem_shared>> -> memref<128x64xf32, #tpu.memory_space<vmem_shared>>
      tpu.wait_dma2 semaphore(%run_scoped3A : memref<!tpu.dma_semaphore, #tpu.memory_space<semaphore_mem>>) src(%dma_wait3A_114 : memref<128x64xf32, #tpu.memory_space<vmem_shared>>) dst(%dma_wait3A_112 : memref<128x64xf32, #tpu.memory_space<vmem>>)
      tpu.yield
    }) : () -> ()
    %mul3A_77 = arith.constant 64 : i32
    %mul3A_78 = arith.muli %arg0, %mul3A_77 : i32
    "tpu.region"() ({
      %run_scoped3A = tpu.sem_alloc : memref<!tpu.dma_semaphore, #tpu.memory_space<semaphore_mem>>
      %dma_start3A_96 = arith.constant 0 : i32
      %dma_start3A_97 = arith.constant 0 : i32
      %dma_start3A_98 = tpu.memref_slice %arg9[%dma_start3A_96, %dma_start3A_97] : memref<128x64xf32, #tpu.memory_space<vmem>> -> memref<128x64xf32, #tpu.memory_space<vmem>>
      %dma_start3A_99 = tpu.memref_slice %arg6[%add3A_76, %mul3A_78] : memref<10000x128xf32, #tpu.memory_space<hbm>> -> memref<128x64xf32, #tpu.memory_space<hbm>>
      %dma_start3A_100 = tpu.memref_slice %arg6[%add3A_76, %mul3A_78] : memref<10000x128xf32, #tpu.memory_space<hbm>> -> memref<128x64xf32, #tpu.memory_space<hbm>>
      %dma_start3A_101 = arith.constant 0 : i32
      %dma_start3A_102 = arith.constant 0 : i32
      %dma_start3A_103 = tpu.memref_slice %arg9[%dma_start3A_101, %dma_start3A_102] : memref<128x64xf32, #tpu.memory_space<vmem>> -> memref<128x64xf32, #tpu.memory_space<vmem>>
      tpu.enqueue_dma source(%dma_start3A_103 : memref<128x64xf32, #tpu.memory_space<vmem>>) target(%dma_start3A_100 : memref<128x64xf32, #tpu.memory_space<hbm>>) target_semaphore(%run_scoped3A : memref<!tpu.dma_semaphore, #tpu.memory_space<semaphore_mem>>)
      %dma_wait3A = arith.constant 0 : i32
      %dma_wait3A_104 = arith.constant 0 : i32
      %dma_wait3A_105 = tpu.memref_slice %arg9[%dma_wait3A, %dma_wait3A_104] : memref<128x64xf32, #tpu.memory_space<vmem>> -> memref<128x64xf32, #tpu.memory_space<vmem>>
      %dma_wait3A_106 = tpu.memref_slice %arg6[%add3A_76, %mul3A_78] : memref<10000x128xf32, #tpu.memory_space<hbm>> -> memref<128x64xf32, #tpu.memory_space<hbm>>
      %dma_wait3A_107 = tpu.memref_slice %arg6[%add3A_76, %mul3A_78] : memref<10000x128xf32, #tpu.memory_space<hbm>> -> memref<128x64xf32, #tpu.memory_space<hbm>>
      %dma_wait3A_108 = arith.constant 0 : i32
      %dma_wait3A_109 = arith.constant 0 : i32
      %dma_wait3A_110 = tpu.memref_slice %arg9[%dma_wait3A_108, %dma_wait3A_109] : memref<128x64xf32, #tpu.memory_space<vmem>> -> memref<128x64xf32, #tpu.memory_space<vmem>>
      tpu.wait_dma2 semaphore(%run_scoped3A : memref<!tpu.dma_semaphore, #tpu.memory_space<semaphore_mem>>) src(%dma_wait3A_110 : memref<128x64xf32, #tpu.memory_space<vmem>>) dst(%dma_wait3A_107 : memref<128x64xf32, #tpu.memory_space<hbm>>)
      tpu.yield
    }) : () -> ()
    %mul3A_79 = arith.constant 624 : i32
    %mul3A_80 = arith.muli %arg1, %mul3A_79 : i32
    %add3A_81 = arith.constant 384 : i32
    %add3A_82 = arith.addi %mul3A_80, %add3A_81 : i32
    "tpu.region"() ({
      %run_scoped3A = tpu.sem_alloc : memref<!tpu.dma_semaphore, #tpu.memory_space<semaphore_mem>>
      %dma_start3A_96 = arith.constant 0 : i32
      %dma_start3A_97 = arith.constant 0 : i32
      %dma_start3A_98 = tpu.memref_slice %arg9[%dma_start3A_96, %dma_start3A_97] : memref<128x64xf32, #tpu.memory_space<vmem>> -> memref<128x64xf32, #tpu.memory_space<vmem>>
      %dma_start3A_99 = arith.constant 0 : i32
      %dma_start3A_100 = tpu.memref_slice %arg11[%add3A_82, %dma_start3A_99] : memref<10240x64xf32, #tpu.memory_space<vmem_shared>> -> memref<128x64xf32, #tpu.memory_space<vmem_shared>>
      %dma_start3A_101 = arith.constant 0 : i32
      %dma_start3A_102 = arith.constant 0 : i32
      %dma_start3A_103 = tpu.memref_slice %arg9[%dma_start3A_101, %dma_start3A_102] : memref<128x64xf32, #tpu.memory_space<vmem>> -> memref<128x64xf32, #tpu.memory_space<vmem>>
      %dma_start3A_104 = arith.constant 0 : i32
      %dma_start3A_105 = tpu.memref_slice %arg11[%add3A_82, %dma_start3A_104] : memref<10240x64xf32, #tpu.memory_space<vmem_shared>> -> memref<128x64xf32, #tpu.memory_space<vmem_shared>>
      tpu.enqueue_dma source(%dma_start3A_105 : memref<128x64xf32, #tpu.memory_space<vmem_shared>>) target(%dma_start3A_103 : memref<128x64xf32, #tpu.memory_space<vmem>>) target_semaphore(%run_scoped3A : memref<!tpu.dma_semaphore, #tpu.memory_space<semaphore_mem>>)
      %dma_wait3A = arith.constant 0 : i32
      %dma_wait3A_106 = arith.constant 0 : i32
      %dma_wait3A_107 = tpu.memref_slice %arg9[%dma_wait3A, %dma_wait3A_106] : memref<128x64xf32, #tpu.memory_space<vmem>> -> memref<128x64xf32, #tpu.memory_space<vmem>>
      %dma_wait3A_108 = arith.constant 0 : i32
      %dma_wait3A_109 = tpu.memref_slice %arg11[%add3A_82, %dma_wait3A_108] : memref<10240x64xf32, #tpu.memory_space<vmem_shared>> -> memref<128x64xf32, #tpu.memory_space<vmem_shared>>
      %dma_wait3A_110 = arith.constant 0 : i32
      %dma_wait3A_111 = arith.constant 0 : i32
      %dma_wait3A_112 = tpu.memref_slice %arg9[%dma_wait3A_110, %dma_wait3A_111] : memref<128x64xf32, #tpu.memory_space<vmem>> -> memref<128x64xf32, #tpu.memory_space<vmem>>
      %dma_wait3A_113 = arith.constant 0 : i32
      %dma_wait3A_114 = tpu.memref_slice %arg11[%add3A_82, %dma_wait3A_113] : memref<10240x64xf32, #tpu.memory_space<vmem_shared>> -> memref<128x64xf32, #tpu.memory_space<vmem_shared>>
      tpu.wait_dma2 semaphore(%run_scoped3A : memref<!tpu.dma_semaphore, #tpu.memory_space<semaphore_mem>>) src(%dma_wait3A_114 : memref<128x64xf32, #tpu.memory_space<vmem_shared>>) dst(%dma_wait3A_112 : memref<128x64xf32, #tpu.memory_space<vmem>>)
      tpu.yield
    }) : () -> ()
    %mul3A_83 = arith.constant 64 : i32
    %mul3A_84 = arith.muli %arg0, %mul3A_83 : i32
    "tpu.region"() ({
      %run_scoped3A = tpu.sem_alloc : memref<!tpu.dma_semaphore, #tpu.memory_space<semaphore_mem>>
      %dma_start3A_96 = arith.constant 0 : i32
      %dma_start3A_97 = arith.constant 0 : i32
      %dma_start3A_98 = tpu.memref_slice %arg9[%dma_start3A_96, %dma_start3A_97] : memref<128x64xf32, #tpu.memory_space<vmem>> -> memref<128x64xf32, #tpu.memory_space<vmem>>
      %dma_start3A_99 = tpu.memref_slice %arg6[%add3A_82, %mul3A_84] : memref<10000x128xf32, #tpu.memory_space<hbm>> -> memref<128x64xf32, #tpu.memory_space<hbm>>
      %dma_start3A_100 = tpu.memref_slice %arg6[%add3A_82, %mul3A_84] : memref<10000x128xf32, #tpu.memory_space<hbm>> -> memref<128x64xf32, #tpu.memory_space<hbm>>
      %dma_start3A_101 = arith.constant 0 : i32
      %dma_start3A_102 = arith.constant 0 : i32
      %dma_start3A_103 = tpu.memref_slice %arg9[%dma_start3A_101, %dma_start3A_102] : memref<128x64xf32, #tpu.memory_space<vmem>> -> memref<128x64xf32, #tpu.memory_space<vmem>>
      tpu.enqueue_dma source(%dma_start3A_103 : memref<128x64xf32, #tpu.memory_space<vmem>>) target(%dma_start3A_100 : memref<128x64xf32, #tpu.memory_space<hbm>>) target_semaphore(%run_scoped3A : memref<!tpu.dma_semaphore, #tpu.memory_space<semaphore_mem>>)
      %dma_wait3A = arith.constant 0 : i32
      %dma_wait3A_104 = arith.constant 0 : i32
      %dma_wait3A_105 = tpu.memref_slice %arg9[%dma_wait3A, %dma_wait3A_104] : memref<128x64xf32, #tpu.memory_space<vmem>> -> memref<128x64xf32, #tpu.memory_space<vmem>>
      %dma_wait3A_106 = tpu.memref_slice %arg6[%add3A_82, %mul3A_84] : memref<10000x128xf32, #tpu.memory_space<hbm>> -> memref<128x64xf32, #tpu.memory_space<hbm>>
      %dma_wait3A_107 = tpu.memref_slice %arg6[%add3A_82, %mul3A_84] : memref<10000x128xf32, #tpu.memory_space<hbm>> -> memref<128x64xf32, #tpu.memory_space<hbm>>
      %dma_wait3A_108 = arith.constant 0 : i32
      %dma_wait3A_109 = arith.constant 0 : i32
      %dma_wait3A_110 = tpu.memref_slice %arg9[%dma_wait3A_108, %dma_wait3A_109] : memref<128x64xf32, #tpu.memory_space<vmem>> -> memref<128x64xf32, #tpu.memory_space<vmem>>
      tpu.wait_dma2 semaphore(%run_scoped3A : memref<!tpu.dma_semaphore, #tpu.memory_space<semaphore_mem>>) src(%dma_wait3A_110 : memref<128x64xf32, #tpu.memory_space<vmem>>) dst(%dma_wait3A_107 : memref<128x64xf32, #tpu.memory_space<hbm>>)
      tpu.yield
    }) : () -> ()
    %mul3A_85 = arith.constant 624 : i32
    %mul3A_86 = arith.muli %arg1, %mul3A_85 : i32
    %add3A_87 = arith.constant 512 : i32
    %add3A_88 = arith.addi %mul3A_86, %add3A_87 : i32
    "tpu.region"() ({
      %run_scoped3A = tpu.sem_alloc : memref<!tpu.dma_semaphore, #tpu.memory_space<semaphore_mem>>
      %dma_start3A_96 = arith.constant 0 : i32
      %dma_start3A_97 = arith.constant 0 : i32
      %dma_start3A_98 = tpu.memref_slice %arg9[%dma_start3A_96, %dma_start3A_97] : memref<128x64xf32, #tpu.memory_space<vmem>> -> memref<112x64xf32, #tpu.memory_space<vmem>>
      %dma_start3A_99 = arith.constant 0 : i32
      %dma_start3A_100 = tpu.memref_slice %arg11[%add3A_88, %dma_start3A_99] : memref<10240x64xf32, #tpu.memory_space<vmem_shared>> -> memref<112x64xf32, #tpu.memory_space<vmem_shared>>
      %dma_start3A_101 = arith.constant 0 : i32
      %dma_start3A_102 = arith.constant 0 : i32
      %dma_start3A_103 = tpu.memref_slice %arg9[%dma_start3A_101, %dma_start3A_102] : memref<128x64xf32, #tpu.memory_space<vmem>> -> memref<112x64xf32, #tpu.memory_space<vmem>>
      %dma_start3A_104 = arith.constant 0 : i32
      %dma_start3A_105 = tpu.memref_slice %arg11[%add3A_88, %dma_start3A_104] : memref<10240x64xf32, #tpu.memory_space<vmem_shared>> -> memref<112x64xf32, #tpu.memory_space<vmem_shared>>
      tpu.enqueue_dma source(%dma_start3A_105 : memref<112x64xf32, #tpu.memory_space<vmem_shared>>) target(%dma_start3A_103 : memref<112x64xf32, #tpu.memory_space<vmem>>) target_semaphore(%run_scoped3A : memref<!tpu.dma_semaphore, #tpu.memory_space<semaphore_mem>>)
      %dma_wait3A = arith.constant 0 : i32
      %dma_wait3A_106 = arith.constant 0 : i32
      %dma_wait3A_107 = tpu.memref_slice %arg9[%dma_wait3A, %dma_wait3A_106] : memref<128x64xf32, #tpu.memory_space<vmem>> -> memref<112x64xf32, #tpu.memory_space<vmem>>
      %dma_wait3A_108 = arith.constant 0 : i32
      %dma_wait3A_109 = tpu.memref_slice %arg11[%add3A_88, %dma_wait3A_108] : memref<10240x64xf32, #tpu.memory_space<vmem_shared>> -> memref<112x64xf32, #tpu.memory_space<vmem_shared>>
      %dma_wait3A_110 = arith.constant 0 : i32
      %dma_wait3A_111 = arith.constant 0 : i32
      %dma_wait3A_112 = tpu.memref_slice %arg9[%dma_wait3A_110, %dma_wait3A_111] : memref<128x64xf32, #tpu.memory_space<vmem>> -> memref<112x64xf32, #tpu.memory_space<vmem>>
      %dma_wait3A_113 = arith.constant 0 : i32
      %dma_wait3A_114 = tpu.memref_slice %arg11[%add3A_88, %dma_wait3A_113] : memref<10240x64xf32, #tpu.memory_space<vmem_shared>> -> memref<112x64xf32, #tpu.memory_space<vmem_shared>>
      tpu.wait_dma2 semaphore(%run_scoped3A : memref<!tpu.dma_semaphore, #tpu.memory_space<semaphore_mem>>) src(%dma_wait3A_114 : memref<112x64xf32, #tpu.memory_space<vmem_shared>>) dst(%dma_wait3A_112 : memref<112x64xf32, #tpu.memory_space<vmem>>)
      tpu.yield
    }) : () -> ()
    %mul3A_89 = arith.constant 64 : i32
    %mul3A_90 = arith.muli %arg0, %mul3A_89 : i32
    "tpu.region"() ({
      %run_scoped3A = tpu.sem_alloc : memref<!tpu.dma_semaphore, #tpu.memory_space<semaphore_mem>>
      %dma_start3A_96 = arith.constant 0 : i32
      %dma_start3A_97 = arith.constant 0 : i32
      %dma_start3A_98 = tpu.memref_slice %arg9[%dma_start3A_96, %dma_start3A_97] : memref<128x64xf32, #tpu.memory_space<vmem>> -> memref<112x64xf32, #tpu.memory_space<vmem>>
      %dma_start3A_99 = tpu.memref_slice %arg6[%add3A_88, %mul3A_90] : memref<10000x128xf32, #tpu.memory_space<hbm>> -> memref<112x64xf32, #tpu.memory_space<hbm>>
      %dma_start3A_100 = tpu.memref_slice %arg6[%add3A_88, %mul3A_90] : memref<10000x128xf32, #tpu.memory_space<hbm>> -> memref<112x64xf32, #tpu.memory_space<hbm>>
      %dma_start3A_101 = arith.constant 0 : i32
      %dma_start3A_102 = arith.constant 0 : i32
      %dma_start3A_103 = tpu.memref_slice %arg9[%dma_start3A_101, %dma_start3A_102] : memref<128x64xf32, #tpu.memory_space<vmem>> -> memref<112x64xf32, #tpu.memory_space<vmem>>
      tpu.enqueue_dma source(%dma_start3A_103 : memref<112x64xf32, #tpu.memory_space<vmem>>) target(%dma_start3A_100 : memref<112x64xf32, #tpu.memory_space<hbm>>) target_semaphore(%run_scoped3A : memref<!tpu.dma_semaphore, #tpu.memory_space<semaphore_mem>>)
      %dma_wait3A = arith.constant 0 : i32
      %dma_wait3A_104 = arith.constant 0 : i32
      %dma_wait3A_105 = tpu.memref_slice %arg9[%dma_wait3A, %dma_wait3A_104] : memref<128x64xf32, #tpu.memory_space<vmem>> -> memref<112x64xf32, #tpu.memory_space<vmem>>
      %dma_wait3A_106 = tpu.memref_slice %arg6[%add3A_88, %mul3A_90] : memref<10000x128xf32, #tpu.memory_space<hbm>> -> memref<112x64xf32, #tpu.memory_space<hbm>>
      %dma_wait3A_107 = tpu.memref_slice %arg6[%add3A_88, %mul3A_90] : memref<10000x128xf32, #tpu.memory_space<hbm>> -> memref<112x64xf32, #tpu.memory_space<hbm>>
      %dma_wait3A_108 = arith.constant 0 : i32
      %dma_wait3A_109 = arith.constant 0 : i32
      %dma_wait3A_110 = tpu.memref_slice %arg9[%dma_wait3A_108, %dma_wait3A_109] : memref<128x64xf32, #tpu.memory_space<vmem>> -> memref<112x64xf32, #tpu.memory_space<vmem>>
      tpu.wait_dma2 semaphore(%run_scoped3A : memref<!tpu.dma_semaphore, #tpu.memory_space<semaphore_mem>>) src(%dma_wait3A_110 : memref<112x64xf32, #tpu.memory_space<vmem>>) dst(%dma_wait3A_107 : memref<112x64xf32, #tpu.memory_space<hbm>>)
      tpu.yield
    }) : () -> ()
    %eq3A_91 = arith.constant 15 : i32
    %eq3A_92 = arith.cmpi eq, %arg1, %eq3A_91 : i32
    %convert_element_type3A_93 = arith.extui %eq3A_92 : i1 to i32
    %cond3A_94 = arith.constant 0 : i32
    %cond3A_95 = arith.cmpi ne, %convert_element_type3A_93, %cond3A_94 : i32
    scf.if %cond3A_95 {
      "tpu.region"() ({
        %run_scoped3A = tpu.sem_alloc : memref<!tpu.dma_semaphore, #tpu.memory_space<semaphore_mem>>
        %dma_start3A_98 = arith.constant 0 : i32
        %dma_start3A_99 = arith.constant 0 : i32
        %dma_start3A_100 = tpu.memref_slice %arg9[%dma_start3A_98, %dma_start3A_99] : memref<128x64xf32, #tpu.memory_space<vmem>> -> memref<16x64xf32, #tpu.memory_space<vmem>>
        %dma_start3A_101 = arith.constant 9984 : i32
        %dma_start3A_102 = arith.constant 0 : i32
        %dma_start3A_103 = tpu.memref_slice %arg11[%dma_start3A_101, %dma_start3A_102] : memref<10240x64xf32, #tpu.memory_space<vmem_shared>> -> memref<16x64xf32, #tpu.memory_space<vmem_shared>>
        %dma_start3A_104 = arith.constant 0 : i32
        %dma_start3A_105 = arith.constant 0 : i32
        %dma_start3A_106 = tpu.memref_slice %arg9[%dma_start3A_104, %dma_start3A_105] : memref<128x64xf32, #tpu.memory_space<vmem>> -> memref<16x64xf32, #tpu.memory_space<vmem>>
        %dma_start3A_107 = arith.constant 9984 : i32
        %dma_start3A_108 = arith.constant 0 : i32
        %dma_start3A_109 = tpu.memref_slice %arg11[%dma_start3A_107, %dma_start3A_108] : memref<10240x64xf32, #tpu.memory_space<vmem_shared>> -> memref<16x64xf32, #tpu.memory_space<vmem_shared>>
        tpu.enqueue_dma source(%dma_start3A_109 : memref<16x64xf32, #tpu.memory_space<vmem_shared>>) target(%dma_start3A_106 : memref<16x64xf32, #tpu.memory_space<vmem>>) target_semaphore(%run_scoped3A : memref<!tpu.dma_semaphore, #tpu.memory_space<semaphore_mem>>)
        %dma_wait3A = arith.constant 0 : i32
        %dma_wait3A_110 = arith.constant 0 : i32
        %dma_wait3A_111 = tpu.memref_slice %arg9[%dma_wait3A, %dma_wait3A_110] : memref<128x64xf32, #tpu.memory_space<vmem>> -> memref<16x64xf32, #tpu.memory_space<vmem>>
        %dma_wait3A_112 = arith.constant 9984 : i32
        %dma_wait3A_113 = arith.constant 0 : i32
        %dma_wait3A_114 = tpu.memref_slice %arg11[%dma_wait3A_112, %dma_wait3A_113] : memref<10240x64xf32, #tpu.memory_space<vmem_shared>> -> memref<16x64xf32, #tpu.memory_space<vmem_shared>>
        %dma_wait3A_115 = arith.constant 0 : i32
        %dma_wait3A_116 = arith.constant 0 : i32
        %dma_wait3A_117 = tpu.memref_slice %arg9[%dma_wait3A_115, %dma_wait3A_116] : memref<128x64xf32, #tpu.memory_space<vmem>> -> memref<16x64xf32, #tpu.memory_space<vmem>>
        %dma_wait3A_118 = arith.constant 9984 : i32
        %dma_wait3A_119 = arith.constant 0 : i32
        %dma_wait3A_120 = tpu.memref_slice %arg11[%dma_wait3A_118, %dma_wait3A_119] : memref<10240x64xf32, #tpu.memory_space<vmem_shared>> -> memref<16x64xf32, #tpu.memory_space<vmem_shared>>
        tpu.wait_dma2 semaphore(%run_scoped3A : memref<!tpu.dma_semaphore, #tpu.memory_space<semaphore_mem>>) src(%dma_wait3A_120 : memref<16x64xf32, #tpu.memory_space<vmem_shared>>) dst(%dma_wait3A_117 : memref<16x64xf32, #tpu.memory_space<vmem>>)
        tpu.yield
      }) : () -> ()
      %mul3A_96 = arith.constant 64 : i32
      %mul3A_97 = arith.muli %arg0, %mul3A_96 : i32
      "tpu.region"() ({
        %run_scoped3A = tpu.sem_alloc : memref<!tpu.dma_semaphore, #tpu.memory_space<semaphore_mem>>
        %dma_start3A_98 = arith.constant 0 : i32
        %dma_start3A_99 = arith.constant 0 : i32
        %dma_start3A_100 = tpu.memref_slice %arg9[%dma_start3A_98, %dma_start3A_99] : memref<128x64xf32, #tpu.memory_space<vmem>> -> memref<16x64xf32, #tpu.memory_space<vmem>>
        %dma_start3A_101 = arith.constant 9984 : i32
        %dma_start3A_102 = tpu.memref_slice %arg6[%dma_start3A_101, %mul3A_97] : memref<10000x128xf32, #tpu.memory_space<hbm>> -> memref<16x64xf32, #tpu.memory_space<hbm>>
        %dma_start3A_103 = arith.constant 9984 : i32
        %dma_start3A_104 = tpu.memref_slice %arg6[%dma_start3A_103, %mul3A_97] : memref<10000x128xf32, #tpu.memory_space<hbm>> -> memref<16x64xf32, #tpu.memory_space<hbm>>
        %dma_start3A_105 = arith.constant 0 : i32
        %dma_start3A_106 = arith.constant 0 : i32
        %dma_start3A_107 = tpu.memref_slice %arg9[%dma_start3A_105, %dma_start3A_106] : memref<128x64xf32, #tpu.memory_space<vmem>> -> memref<16x64xf32, #tpu.memory_space<vmem>>
        tpu.enqueue_dma source(%dma_start3A_107 : memref<16x64xf32, #tpu.memory_space<vmem>>) target(%dma_start3A_104 : memref<16x64xf32, #tpu.memory_space<hbm>>) target_semaphore(%run_scoped3A : memref<!tpu.dma_semaphore, #tpu.memory_space<semaphore_mem>>)
        %dma_wait3A = arith.constant 0 : i32
        %dma_wait3A_108 = arith.constant 0 : i32
        %dma_wait3A_109 = tpu.memref_slice %arg9[%dma_wait3A, %dma_wait3A_108] : memref<128x64xf32, #tpu.memory_space<vmem>> -> memref<16x64xf32, #tpu.memory_space<vmem>>
        %dma_wait3A_110 = arith.constant 9984 : i32
        %dma_wait3A_111 = tpu.memref_slice %arg6[%dma_wait3A_110, %mul3A_97] : memref<10000x128xf32, #tpu.memory_space<hbm>> -> memref<16x64xf32, #tpu.memory_space<hbm>>
        %dma_wait3A_112 = arith.constant 9984 : i32
        %dma_wait3A_113 = tpu.memref_slice %arg6[%dma_wait3A_112, %mul3A_97] : memref<10000x128xf32, #tpu.memory_space<hbm>> -> memref<16x64xf32, #tpu.memory_space<hbm>>
        %dma_wait3A_114 = arith.constant 0 : i32
        %dma_wait3A_115 = arith.constant 0 : i32
        %dma_wait3A_116 = tpu.memref_slice %arg9[%dma_wait3A_114, %dma_wait3A_115] : memref<128x64xf32, #tpu.memory_space<vmem>> -> memref<16x64xf32, #tpu.memory_space<vmem>>
        tpu.wait_dma2 semaphore(%run_scoped3A : memref<!tpu.dma_semaphore, #tpu.memory_space<semaphore_mem>>) src(%dma_wait3A_116 : memref<16x64xf32, #tpu.memory_space<vmem>>) dst(%dma_wait3A_113 : memref<16x64xf32, #tpu.memory_space<hbm>>)
        tpu.yield
      }) : () -> ()
    } else {
    }
    return
  }
}

#map = affine_map<(d0, d1) -> (0, 0)>
#map1 = affine_map<(d0, d1) -> (0)>
#map2 = affine_map<(d0, d1) -> (0, 0, 0)>
module attributes {stable_mosaic.version = 14 : i64} {
  func.func @body_fn(%arg0: i32, %arg1: i32, %arg2: memref<10000x128xf32, #tpu.memory_space<hbm>>, %arg3: memref<163840xi32, #tpu.memory_space<hbm>>, %arg4: memref<32x40x128xi32, #tpu.memory_space<hbm>>, %arg5: memref<128x64xf32, #tpu.memory_space<hbm>>, %arg6: memref<10000x128xf32, #tpu.memory_space<hbm>>, %arg7: memref<5120xi32, #tpu.memory_space<vmem>>, %arg8: memref<40x128xi32, #tpu.memory_space<vmem>>, %arg9: memref<128x64xf32, #tpu.memory_space<vmem>>, %arg10: memref<128x64xf32, #tpu.memory_space<vmem>>, %arg11: memref<128x64xf32, #tpu.memory_space<vmem>>, %arg12: memref<128x64xf32, #tpu.memory_space<vmem>>, %arg13: memref<10240x64xf32, #tpu.memory_space<vmem_shared>>, %arg14: memref<!tpu.dma_semaphore, #tpu.memory_space<semaphore_mem>>, %arg15: memref<!tpu.dma_semaphore, #tpu.memory_space<semaphore_mem>>, %arg16: memref<!tpu.dma_semaphore, #tpu.memory_space<semaphore_mem>>, %arg17: memref<!tpu.dma_semaphore, #tpu.memory_space<semaphore_mem>>, %arg18: memref<10000x64xf32, #tpu.memory_space<vmem_shared>>) attributes {dimension_semantics = [#tpu.dimension_semantics<core_parallel>, #tpu.dimension_semantics<subcore_parallel>], iteration_bounds = array<i64: 2, 16>, scalar_prefetch = 0 : i64, scratch_operands = 12 : i64, tpu.core_type = #tpu.core_type<sc_vector_subcore>, window_params = [{transform_indices = #map}, {transform_indices = #map1}, {transform_indices = #map2}, {transform_indices = #map}, {transform_indices = #map}]} {
    %mul3A = arith.constant 16 : i32
    %mul3A_0 = arith.muli %arg0, %mul3A : i32
    %add3A = arith.addi %mul3A_0, %arg1 : i32
    %mul3A_1 = arith.constant 40 : i32
    %mul3A_2 = arith.muli %add3A, %mul3A_1 : i32
    %mul3A_3 = arith.constant 128 : i32
    %mul3A_4 = arith.muli %mul3A_2, %mul3A_3 : i32
    "tpu.region"() ({
      %run_scoped3A = tpu.sem_alloc : memref<!tpu.dma_semaphore, #tpu.memory_space<semaphore_mem>>
      %dma_start3A_107 = tpu.memref_slice %arg3[%mul3A_4] : memref<163840xi32, #tpu.memory_space<hbm>> -> memref<5120xi32, #tpu.memory_space<hbm>>
      %dma_start3A_108 = tpu.memref_slice %arg3[%mul3A_4] : memref<163840xi32, #tpu.memory_space<hbm>> -> memref<5120xi32, #tpu.memory_space<hbm>>
      tpu.enqueue_dma source(%dma_start3A_108 : memref<5120xi32, #tpu.memory_space<hbm>>) target(%arg7 : memref<5120xi32, #tpu.memory_space<vmem>>) target_semaphore(%run_scoped3A : memref<!tpu.dma_semaphore, #tpu.memory_space<semaphore_mem>>)
      %dma_wait3A = tpu.memref_slice %arg3[%mul3A_4] : memref<163840xi32, #tpu.memory_space<hbm>> -> memref<5120xi32, #tpu.memory_space<hbm>>
      %dma_wait3A_109 = tpu.memref_slice %arg3[%mul3A_4] : memref<163840xi32, #tpu.memory_space<hbm>> -> memref<5120xi32, #tpu.memory_space<hbm>>
      tpu.wait_dma2 semaphore(%run_scoped3A : memref<!tpu.dma_semaphore, #tpu.memory_space<semaphore_mem>>) src(%dma_wait3A_109 : memref<5120xi32, #tpu.memory_space<hbm>>) dst(%arg7 : memref<5120xi32, #tpu.memory_space<vmem>>)
      tpu.yield
    }) : () -> ()
    "tpu.region"() ({
      %run_scoped3A = tpu.sem_alloc : memref<!tpu.dma_semaphore, #tpu.memory_space<semaphore_mem>>
      %dma_start3A_107 = arith.constant 0 : i32
      %dma_start3A_108 = arith.constant 0 : i32
      %dma_start3A_109 = tpu.memref_slice %arg4[%add3A, %dma_start3A_107, %dma_start3A_108] : memref<32x40x128xi32, #tpu.memory_space<hbm>> -> memref<1x40x128xi32, #tpu.memory_space<hbm>>
      %dma_start3A_110 = tpu.memref_squeeze %dma_start3A_109 : memref<1x40x128xi32, #tpu.memory_space<hbm>> -> memref<40x128xi32, #tpu.memory_space<hbm>>
      %dma_start3A_111 = arith.constant 0 : i32
      %dma_start3A_112 = arith.constant 0 : i32
      %dma_start3A_113 = tpu.memref_slice %arg4[%add3A, %dma_start3A_111, %dma_start3A_112] : memref<32x40x128xi32, #tpu.memory_space<hbm>> -> memref<1x40x128xi32, #tpu.memory_space<hbm>>
      %dma_start3A_114 = tpu.memref_squeeze %dma_start3A_113 : memref<1x40x128xi32, #tpu.memory_space<hbm>> -> memref<40x128xi32, #tpu.memory_space<hbm>>
      tpu.enqueue_dma source(%dma_start3A_114 : memref<40x128xi32, #tpu.memory_space<hbm>>) target(%arg8 : memref<40x128xi32, #tpu.memory_space<vmem>>) target_semaphore(%run_scoped3A : memref<!tpu.dma_semaphore, #tpu.memory_space<semaphore_mem>>)
      %dma_wait3A = arith.constant 0 : i32
      %dma_wait3A_115 = arith.constant 0 : i32
      %dma_wait3A_116 = tpu.memref_slice %arg4[%add3A, %dma_wait3A, %dma_wait3A_115] : memref<32x40x128xi32, #tpu.memory_space<hbm>> -> memref<1x40x128xi32, #tpu.memory_space<hbm>>
      %dma_wait3A_117 = tpu.memref_squeeze %dma_wait3A_116 : memref<1x40x128xi32, #tpu.memory_space<hbm>> -> memref<40x128xi32, #tpu.memory_space<hbm>>
      %dma_wait3A_118 = arith.constant 0 : i32
      %dma_wait3A_119 = arith.constant 0 : i32
      %dma_wait3A_120 = tpu.memref_slice %arg4[%add3A, %dma_wait3A_118, %dma_wait3A_119] : memref<32x40x128xi32, #tpu.memory_space<hbm>> -> memref<1x40x128xi32, #tpu.memory_space<hbm>>
      %dma_wait3A_121 = tpu.memref_squeeze %dma_wait3A_120 : memref<1x40x128xi32, #tpu.memory_space<hbm>> -> memref<40x128xi32, #tpu.memory_space<hbm>>
      tpu.wait_dma2 semaphore(%run_scoped3A : memref<!tpu.dma_semaphore, #tpu.memory_space<semaphore_mem>>) src(%dma_wait3A_121 : memref<40x128xi32, #tpu.memory_space<hbm>>) dst(%arg8 : memref<40x128xi32, #tpu.memory_space<vmem>>)
      tpu.yield
    }) : () -> ()
    %mul3A_5 = arith.constant 624 : i32
    %mul3A_6 = arith.muli %arg1, %mul3A_5 : i32
    %add3A_7 = arith.constant 0 : i32
    %add3A_8 = arith.addi %mul3A_6, %add3A_7 : i32
    "tpu.region"() ({
      %run_scoped3A = tpu.sem_alloc : memref<!tpu.dma_semaphore, #tpu.memory_space<semaphore_mem>>
      %dma_start3A_107 = arith.constant 0 : i32
      %dma_start3A_108 = arith.constant 0 : i32
      %dma_start3A_109 = tpu.memref_slice %arg10[%dma_start3A_107, %dma_start3A_108] : memref<128x64xf32, #tpu.memory_space<vmem>> -> memref<128x64xf32, #tpu.memory_space<vmem>>
      %dma_start3A_110 = arith.constant 0 : i32
      %dma_start3A_111 = tpu.memref_slice %arg2[%add3A_8, %dma_start3A_110] : memref<10000x128xf32, #tpu.memory_space<hbm>> -> memref<128x64xf32, #tpu.memory_space<hbm>>
      %dma_start3A_112 = arith.constant 0 : i32
      %dma_start3A_113 = arith.constant 0 : i32
      %dma_start3A_114 = tpu.memref_slice %arg10[%dma_start3A_112, %dma_start3A_113] : memref<128x64xf32, #tpu.memory_space<vmem>> -> memref<128x64xf32, #tpu.memory_space<vmem>>
      %dma_start3A_115 = arith.constant 0 : i32
      %dma_start3A_116 = tpu.memref_slice %arg2[%add3A_8, %dma_start3A_115] : memref<10000x128xf32, #tpu.memory_space<hbm>> -> memref<128x64xf32, #tpu.memory_space<hbm>>
      tpu.enqueue_dma source(%dma_start3A_116 : memref<128x64xf32, #tpu.memory_space<hbm>>) target(%dma_start3A_114 : memref<128x64xf32, #tpu.memory_space<vmem>>) target_semaphore(%run_scoped3A : memref<!tpu.dma_semaphore, #tpu.memory_space<semaphore_mem>>)
      %dma_wait3A = arith.constant 0 : i32
      %dma_wait3A_117 = arith.constant 0 : i32
      %dma_wait3A_118 = tpu.memref_slice %arg10[%dma_wait3A, %dma_wait3A_117] : memref<128x64xf32, #tpu.memory_space<vmem>> -> memref<128x64xf32, #tpu.memory_space<vmem>>
      %dma_wait3A_119 = arith.constant 0 : i32
      %dma_wait3A_120 = tpu.memref_slice %arg2[%add3A_8, %dma_wait3A_119] : memref<10000x128xf32, #tpu.memory_space<hbm>> -> memref<128x64xf32, #tpu.memory_space<hbm>>
      %dma_wait3A_121 = arith.constant 0 : i32
      %dma_wait3A_122 = arith.constant 0 : i32
      %dma_wait3A_123 = tpu.memref_slice %arg10[%dma_wait3A_121, %dma_wait3A_122] : memref<128x64xf32, #tpu.memory_space<vmem>> -> memref<128x64xf32, #tpu.memory_space<vmem>>
      %dma_wait3A_124 = arith.constant 0 : i32
      %dma_wait3A_125 = tpu.memref_slice %arg2[%add3A_8, %dma_wait3A_124] : memref<10000x128xf32, #tpu.memory_space<hbm>> -> memref<128x64xf32, #tpu.memory_space<hbm>>
      tpu.wait_dma2 semaphore(%run_scoped3A : memref<!tpu.dma_semaphore, #tpu.memory_space<semaphore_mem>>) src(%dma_wait3A_125 : memref<128x64xf32, #tpu.memory_space<hbm>>) dst(%dma_wait3A_123 : memref<128x64xf32, #tpu.memory_space<vmem>>)
      tpu.yield
    }) : () -> ()
    "tpu.region"() ({
      %run_scoped3A = tpu.sem_alloc : memref<!tpu.dma_semaphore, #tpu.memory_space<semaphore_mem>>
      %dma_start3A_107 = arith.constant 0 : i32
      %dma_start3A_108 = arith.constant 0 : i32
      %dma_start3A_109 = tpu.memref_slice %arg10[%dma_start3A_107, %dma_start3A_108] : memref<128x64xf32, #tpu.memory_space<vmem>> -> memref<128x64xf32, #tpu.memory_space<vmem>>
      %dma_start3A_110 = arith.constant 0 : i32
      %dma_start3A_111 = tpu.memref_slice %arg18[%add3A_8, %dma_start3A_110] : memref<10000x64xf32, #tpu.memory_space<vmem_shared>> -> memref<128x64xf32, #tpu.memory_space<vmem_shared>>
      %dma_start3A_112 = arith.constant 0 : i32
      %dma_start3A_113 = tpu.memref_slice %arg18[%add3A_8, %dma_start3A_112] : memref<10000x64xf32, #tpu.memory_space<vmem_shared>> -> memref<128x64xf32, #tpu.memory_space<vmem_shared>>
      %dma_start3A_114 = arith.constant 0 : i32
      %dma_start3A_115 = arith.constant 0 : i32
      %dma_start3A_116 = tpu.memref_slice %arg10[%dma_start3A_114, %dma_start3A_115] : memref<128x64xf32, #tpu.memory_space<vmem>> -> memref<128x64xf32, #tpu.memory_space<vmem>>
      tpu.enqueue_dma source(%dma_start3A_116 : memref<128x64xf32, #tpu.memory_space<vmem>>) target(%dma_start3A_113 : memref<128x64xf32, #tpu.memory_space<vmem_shared>>) target_semaphore(%run_scoped3A : memref<!tpu.dma_semaphore, #tpu.memory_space<semaphore_mem>>)
      %dma_wait3A = arith.constant 0 : i32
      %dma_wait3A_117 = arith.constant 0 : i32
      %dma_wait3A_118 = tpu.memref_slice %arg10[%dma_wait3A, %dma_wait3A_117] : memref<128x64xf32, #tpu.memory_space<vmem>> -> memref<128x64xf32, #tpu.memory_space<vmem>>
      %dma_wait3A_119 = arith.constant 0 : i32
      %dma_wait3A_120 = tpu.memref_slice %arg18[%add3A_8, %dma_wait3A_119] : memref<10000x64xf32, #tpu.memory_space<vmem_shared>> -> memref<128x64xf32, #tpu.memory_space<vmem_shared>>
      %dma_wait3A_121 = arith.constant 0 : i32
      %dma_wait3A_122 = tpu.memref_slice %arg18[%add3A_8, %dma_wait3A_121] : memref<10000x64xf32, #tpu.memory_space<vmem_shared>> -> memref<128x64xf32, #tpu.memory_space<vmem_shared>>
      %dma_wait3A_123 = arith.constant 0 : i32
      %dma_wait3A_124 = arith.constant 0 : i32
      %dma_wait3A_125 = tpu.memref_slice %arg10[%dma_wait3A_123, %dma_wait3A_124] : memref<128x64xf32, #tpu.memory_space<vmem>> -> memref<128x64xf32, #tpu.memory_space<vmem>>
      tpu.wait_dma2 semaphore(%run_scoped3A : memref<!tpu.dma_semaphore, #tpu.memory_space<semaphore_mem>>) src(%dma_wait3A_125 : memref<128x64xf32, #tpu.memory_space<vmem>>) dst(%dma_wait3A_122 : memref<128x64xf32, #tpu.memory_space<vmem_shared>>)
      tpu.yield
    }) : () -> ()
    %mul3A_9 = arith.constant 624 : i32
    %mul3A_10 = arith.muli %arg1, %mul3A_9 : i32
    %add3A_11 = arith.constant 128 : i32
    %add3A_12 = arith.addi %mul3A_10, %add3A_11 : i32
    "tpu.region"() ({
      %run_scoped3A = tpu.sem_alloc : memref<!tpu.dma_semaphore, #tpu.memory_space<semaphore_mem>>
      %dma_start3A_107 = arith.constant 0 : i32
      %dma_start3A_108 = arith.constant 0 : i32
      %dma_start3A_109 = tpu.memref_slice %arg10[%dma_start3A_107, %dma_start3A_108] : memref<128x64xf32, #tpu.memory_space<vmem>> -> memref<128x64xf32, #tpu.memory_space<vmem>>
      %dma_start3A_110 = arith.constant 0 : i32
      %dma_start3A_111 = tpu.memref_slice %arg2[%add3A_12, %dma_start3A_110] : memref<10000x128xf32, #tpu.memory_space<hbm>> -> memref<128x64xf32, #tpu.memory_space<hbm>>
      %dma_start3A_112 = arith.constant 0 : i32
      %dma_start3A_113 = arith.constant 0 : i32
      %dma_start3A_114 = tpu.memref_slice %arg10[%dma_start3A_112, %dma_start3A_113] : memref<128x64xf32, #tpu.memory_space<vmem>> -> memref<128x64xf32, #tpu.memory_space<vmem>>
      %dma_start3A_115 = arith.constant 0 : i32
      %dma_start3A_116 = tpu.memref_slice %arg2[%add3A_12, %dma_start3A_115] : memref<10000x128xf32, #tpu.memory_space<hbm>> -> memref<128x64xf32, #tpu.memory_space<hbm>>
      tpu.enqueue_dma source(%dma_start3A_116 : memref<128x64xf32, #tpu.memory_space<hbm>>) target(%dma_start3A_114 : memref<128x64xf32, #tpu.memory_space<vmem>>) target_semaphore(%run_scoped3A : memref<!tpu.dma_semaphore, #tpu.memory_space<semaphore_mem>>)
      %dma_wait3A = arith.constant 0 : i32
      %dma_wait3A_117 = arith.constant 0 : i32
      %dma_wait3A_118 = tpu.memref_slice %arg10[%dma_wait3A, %dma_wait3A_117] : memref<128x64xf32, #tpu.memory_space<vmem>> -> memref<128x64xf32, #tpu.memory_space<vmem>>
      %dma_wait3A_119 = arith.constant 0 : i32
      %dma_wait3A_120 = tpu.memref_slice %arg2[%add3A_12, %dma_wait3A_119] : memref<10000x128xf32, #tpu.memory_space<hbm>> -> memref<128x64xf32, #tpu.memory_space<hbm>>
      %dma_wait3A_121 = arith.constant 0 : i32
      %dma_wait3A_122 = arith.constant 0 : i32
      %dma_wait3A_123 = tpu.memref_slice %arg10[%dma_wait3A_121, %dma_wait3A_122] : memref<128x64xf32, #tpu.memory_space<vmem>> -> memref<128x64xf32, #tpu.memory_space<vmem>>
      %dma_wait3A_124 = arith.constant 0 : i32
      %dma_wait3A_125 = tpu.memref_slice %arg2[%add3A_12, %dma_wait3A_124] : memref<10000x128xf32, #tpu.memory_space<hbm>> -> memref<128x64xf32, #tpu.memory_space<hbm>>
      tpu.wait_dma2 semaphore(%run_scoped3A : memref<!tpu.dma_semaphore, #tpu.memory_space<semaphore_mem>>) src(%dma_wait3A_125 : memref<128x64xf32, #tpu.memory_space<hbm>>) dst(%dma_wait3A_123 : memref<128x64xf32, #tpu.memory_space<vmem>>)
      tpu.yield
    }) : () -> ()
    "tpu.region"() ({
      %run_scoped3A = tpu.sem_alloc : memref<!tpu.dma_semaphore, #tpu.memory_space<semaphore_mem>>
      %dma_start3A_107 = arith.constant 0 : i32
      %dma_start3A_108 = arith.constant 0 : i32
      %dma_start3A_109 = tpu.memref_slice %arg10[%dma_start3A_107, %dma_start3A_108] : memref<128x64xf32, #tpu.memory_space<vmem>> -> memref<128x64xf32, #tpu.memory_space<vmem>>
      %dma_start3A_110 = arith.constant 0 : i32
      %dma_start3A_111 = tpu.memref_slice %arg18[%add3A_12, %dma_start3A_110] : memref<10000x64xf32, #tpu.memory_space<vmem_shared>> -> memref<128x64xf32, #tpu.memory_space<vmem_shared>>
      %dma_start3A_112 = arith.constant 0 : i32
      %dma_start3A_113 = tpu.memref_slice %arg18[%add3A_12, %dma_start3A_112] : memref<10000x64xf32, #tpu.memory_space<vmem_shared>> -> memref<128x64xf32, #tpu.memory_space<vmem_shared>>
      %dma_start3A_114 = arith.constant 0 : i32
      %dma_start3A_115 = arith.constant 0 : i32
      %dma_start3A_116 = tpu.memref_slice %arg10[%dma_start3A_114, %dma_start3A_115] : memref<128x64xf32, #tpu.memory_space<vmem>> -> memref<128x64xf32, #tpu.memory_space<vmem>>
      tpu.enqueue_dma source(%dma_start3A_116 : memref<128x64xf32, #tpu.memory_space<vmem>>) target(%dma_start3A_113 : memref<128x64xf32, #tpu.memory_space<vmem_shared>>) target_semaphore(%run_scoped3A : memref<!tpu.dma_semaphore, #tpu.memory_space<semaphore_mem>>)
      %dma_wait3A = arith.constant 0 : i32
      %dma_wait3A_117 = arith.constant 0 : i32
      %dma_wait3A_118 = tpu.memref_slice %arg10[%dma_wait3A, %dma_wait3A_117] : memref<128x64xf32, #tpu.memory_space<vmem>> -> memref<128x64xf32, #tpu.memory_space<vmem>>
      %dma_wait3A_119 = arith.constant 0 : i32
      %dma_wait3A_120 = tpu.memref_slice %arg18[%add3A_12, %dma_wait3A_119] : memref<10000x64xf32, #tpu.memory_space<vmem_shared>> -> memref<128x64xf32, #tpu.memory_space<vmem_shared>>
      %dma_wait3A_121 = arith.constant 0 : i32
      %dma_wait3A_122 = tpu.memref_slice %arg18[%add3A_12, %dma_wait3A_121] : memref<10000x64xf32, #tpu.memory_space<vmem_shared>> -> memref<128x64xf32, #tpu.memory_space<vmem_shared>>
      %dma_wait3A_123 = arith.constant 0 : i32
      %dma_wait3A_124 = arith.constant 0 : i32
      %dma_wait3A_125 = tpu.memref_slice %arg10[%dma_wait3A_123, %dma_wait3A_124] : memref<128x64xf32, #tpu.memory_space<vmem>> -> memref<128x64xf32, #tpu.memory_space<vmem>>
      tpu.wait_dma2 semaphore(%run_scoped3A : memref<!tpu.dma_semaphore, #tpu.memory_space<semaphore_mem>>) src(%dma_wait3A_125 : memref<128x64xf32, #tpu.memory_space<vmem>>) dst(%dma_wait3A_122 : memref<128x64xf32, #tpu.memory_space<vmem_shared>>)
      tpu.yield
    }) : () -> ()
    %mul3A_13 = arith.constant 624 : i32
    %mul3A_14 = arith.muli %arg1, %mul3A_13 : i32
    %add3A_15 = arith.constant 256 : i32
    %add3A_16 = arith.addi %mul3A_14, %add3A_15 : i32
    "tpu.region"() ({
      %run_scoped3A = tpu.sem_alloc : memref<!tpu.dma_semaphore, #tpu.memory_space<semaphore_mem>>
      %dma_start3A_107 = arith.constant 0 : i32
      %dma_start3A_108 = arith.constant 0 : i32
      %dma_start3A_109 = tpu.memref_slice %arg10[%dma_start3A_107, %dma_start3A_108] : memref<128x64xf32, #tpu.memory_space<vmem>> -> memref<128x64xf32, #tpu.memory_space<vmem>>
      %dma_start3A_110 = arith.constant 0 : i32
      %dma_start3A_111 = tpu.memref_slice %arg2[%add3A_16, %dma_start3A_110] : memref<10000x128xf32, #tpu.memory_space<hbm>> -> memref<128x64xf32, #tpu.memory_space<hbm>>
      %dma_start3A_112 = arith.constant 0 : i32
      %dma_start3A_113 = arith.constant 0 : i32
      %dma_start3A_114 = tpu.memref_slice %arg10[%dma_start3A_112, %dma_start3A_113] : memref<128x64xf32, #tpu.memory_space<vmem>> -> memref<128x64xf32, #tpu.memory_space<vmem>>
      %dma_start3A_115 = arith.constant 0 : i32
      %dma_start3A_116 = tpu.memref_slice %arg2[%add3A_16, %dma_start3A_115] : memref<10000x128xf32, #tpu.memory_space<hbm>> -> memref<128x64xf32, #tpu.memory_space<hbm>>
      tpu.enqueue_dma source(%dma_start3A_116 : memref<128x64xf32, #tpu.memory_space<hbm>>) target(%dma_start3A_114 : memref<128x64xf32, #tpu.memory_space<vmem>>) target_semaphore(%run_scoped3A : memref<!tpu.dma_semaphore, #tpu.memory_space<semaphore_mem>>)
      %dma_wait3A = arith.constant 0 : i32
      %dma_wait3A_117 = arith.constant 0 : i32
      %dma_wait3A_118 = tpu.memref_slice %arg10[%dma_wait3A, %dma_wait3A_117] : memref<128x64xf32, #tpu.memory_space<vmem>> -> memref<128x64xf32, #tpu.memory_space<vmem>>
      %dma_wait3A_119 = arith.constant 0 : i32
      %dma_wait3A_120 = tpu.memref_slice %arg2[%add3A_16, %dma_wait3A_119] : memref<10000x128xf32, #tpu.memory_space<hbm>> -> memref<128x64xf32, #tpu.memory_space<hbm>>
      %dma_wait3A_121 = arith.constant 0 : i32
      %dma_wait3A_122 = arith.constant 0 : i32
      %dma_wait3A_123 = tpu.memref_slice %arg10[%dma_wait3A_121, %dma_wait3A_122] : memref<128x64xf32, #tpu.memory_space<vmem>> -> memref<128x64xf32, #tpu.memory_space<vmem>>
      %dma_wait3A_124 = arith.constant 0 : i32
      %dma_wait3A_125 = tpu.memref_slice %arg2[%add3A_16, %dma_wait3A_124] : memref<10000x128xf32, #tpu.memory_space<hbm>> -> memref<128x64xf32, #tpu.memory_space<hbm>>
      tpu.wait_dma2 semaphore(%run_scoped3A : memref<!tpu.dma_semaphore, #tpu.memory_space<semaphore_mem>>) src(%dma_wait3A_125 : memref<128x64xf32, #tpu.memory_space<hbm>>) dst(%dma_wait3A_123 : memref<128x64xf32, #tpu.memory_space<vmem>>)
      tpu.yield
    }) : () -> ()
    "tpu.region"() ({
      %run_scoped3A = tpu.sem_alloc : memref<!tpu.dma_semaphore, #tpu.memory_space<semaphore_mem>>
      %dma_start3A_107 = arith.constant 0 : i32
      %dma_start3A_108 = arith.constant 0 : i32
      %dma_start3A_109 = tpu.memref_slice %arg10[%dma_start3A_107, %dma_start3A_108] : memref<128x64xf32, #tpu.memory_space<vmem>> -> memref<128x64xf32, #tpu.memory_space<vmem>>
      %dma_start3A_110 = arith.constant 0 : i32
      %dma_start3A_111 = tpu.memref_slice %arg18[%add3A_16, %dma_start3A_110] : memref<10000x64xf32, #tpu.memory_space<vmem_shared>> -> memref<128x64xf32, #tpu.memory_space<vmem_shared>>
      %dma_start3A_112 = arith.constant 0 : i32
      %dma_start3A_113 = tpu.memref_slice %arg18[%add3A_16, %dma_start3A_112] : memref<10000x64xf32, #tpu.memory_space<vmem_shared>> -> memref<128x64xf32, #tpu.memory_space<vmem_shared>>
      %dma_start3A_114 = arith.constant 0 : i32
      %dma_start3A_115 = arith.constant 0 : i32
      %dma_start3A_116 = tpu.memref_slice %arg10[%dma_start3A_114, %dma_start3A_115] : memref<128x64xf32, #tpu.memory_space<vmem>> -> memref<128x64xf32, #tpu.memory_space<vmem>>
      tpu.enqueue_dma source(%dma_start3A_116 : memref<128x64xf32, #tpu.memory_space<vmem>>) target(%dma_start3A_113 : memref<128x64xf32, #tpu.memory_space<vmem_shared>>) target_semaphore(%run_scoped3A : memref<!tpu.dma_semaphore, #tpu.memory_space<semaphore_mem>>)
      %dma_wait3A = arith.constant 0 : i32
      %dma_wait3A_117 = arith.constant 0 : i32
      %dma_wait3A_118 = tpu.memref_slice %arg10[%dma_wait3A, %dma_wait3A_117] : memref<128x64xf32, #tpu.memory_space<vmem>> -> memref<128x64xf32, #tpu.memory_space<vmem>>
      %dma_wait3A_119 = arith.constant 0 : i32
      %dma_wait3A_120 = tpu.memref_slice %arg18[%add3A_16, %dma_wait3A_119] : memref<10000x64xf32, #tpu.memory_space<vmem_shared>> -> memref<128x64xf32, #tpu.memory_space<vmem_shared>>
      %dma_wait3A_121 = arith.constant 0 : i32
      %dma_wait3A_122 = tpu.memref_slice %arg18[%add3A_16, %dma_wait3A_121] : memref<10000x64xf32, #tpu.memory_space<vmem_shared>> -> memref<128x64xf32, #tpu.memory_space<vmem_shared>>
      %dma_wait3A_123 = arith.constant 0 : i32
      %dma_wait3A_124 = arith.constant 0 : i32
      %dma_wait3A_125 = tpu.memref_slice %arg10[%dma_wait3A_123, %dma_wait3A_124] : memref<128x64xf32, #tpu.memory_space<vmem>> -> memref<128x64xf32, #tpu.memory_space<vmem>>
      tpu.wait_dma2 semaphore(%run_scoped3A : memref<!tpu.dma_semaphore, #tpu.memory_space<semaphore_mem>>) src(%dma_wait3A_125 : memref<128x64xf32, #tpu.memory_space<vmem>>) dst(%dma_wait3A_122 : memref<128x64xf32, #tpu.memory_space<vmem_shared>>)
      tpu.yield
    }) : () -> ()
    %mul3A_17 = arith.constant 624 : i32
    %mul3A_18 = arith.muli %arg1, %mul3A_17 : i32
    %add3A_19 = arith.constant 384 : i32
    %add3A_20 = arith.addi %mul3A_18, %add3A_19 : i32
    "tpu.region"() ({
      %run_scoped3A = tpu.sem_alloc : memref<!tpu.dma_semaphore, #tpu.memory_space<semaphore_mem>>
      %dma_start3A_107 = arith.constant 0 : i32
      %dma_start3A_108 = arith.constant 0 : i32
      %dma_start3A_109 = tpu.memref_slice %arg10[%dma_start3A_107, %dma_start3A_108] : memref<128x64xf32, #tpu.memory_space<vmem>> -> memref<128x64xf32, #tpu.memory_space<vmem>>
      %dma_start3A_110 = arith.constant 0 : i32
      %dma_start3A_111 = tpu.memref_slice %arg2[%add3A_20, %dma_start3A_110] : memref<10000x128xf32, #tpu.memory_space<hbm>> -> memref<128x64xf32, #tpu.memory_space<hbm>>
      %dma_start3A_112 = arith.constant 0 : i32
      %dma_start3A_113 = arith.constant 0 : i32
      %dma_start3A_114 = tpu.memref_slice %arg10[%dma_start3A_112, %dma_start3A_113] : memref<128x64xf32, #tpu.memory_space<vmem>> -> memref<128x64xf32, #tpu.memory_space<vmem>>
      %dma_start3A_115 = arith.constant 0 : i32
      %dma_start3A_116 = tpu.memref_slice %arg2[%add3A_20, %dma_start3A_115] : memref<10000x128xf32, #tpu.memory_space<hbm>> -> memref<128x64xf32, #tpu.memory_space<hbm>>
      tpu.enqueue_dma source(%dma_start3A_116 : memref<128x64xf32, #tpu.memory_space<hbm>>) target(%dma_start3A_114 : memref<128x64xf32, #tpu.memory_space<vmem>>) target_semaphore(%run_scoped3A : memref<!tpu.dma_semaphore, #tpu.memory_space<semaphore_mem>>)
      %dma_wait3A = arith.constant 0 : i32
      %dma_wait3A_117 = arith.constant 0 : i32
      %dma_wait3A_118 = tpu.memref_slice %arg10[%dma_wait3A, %dma_wait3A_117] : memref<128x64xf32, #tpu.memory_space<vmem>> -> memref<128x64xf32, #tpu.memory_space<vmem>>
      %dma_wait3A_119 = arith.constant 0 : i32
      %dma_wait3A_120 = tpu.memref_slice %arg2[%add3A_20, %dma_wait3A_119] : memref<10000x128xf32, #tpu.memory_space<hbm>> -> memref<128x64xf32, #tpu.memory_space<hbm>>
      %dma_wait3A_121 = arith.constant 0 : i32
      %dma_wait3A_122 = arith.constant 0 : i32
      %dma_wait3A_123 = tpu.memref_slice %arg10[%dma_wait3A_121, %dma_wait3A_122] : memref<128x64xf32, #tpu.memory_space<vmem>> -> memref<128x64xf32, #tpu.memory_space<vmem>>
      %dma_wait3A_124 = arith.constant 0 : i32
      %dma_wait3A_125 = tpu.memref_slice %arg2[%add3A_20, %dma_wait3A_124] : memref<10000x128xf32, #tpu.memory_space<hbm>> -> memref<128x64xf32, #tpu.memory_space<hbm>>
      tpu.wait_dma2 semaphore(%run_scoped3A : memref<!tpu.dma_semaphore, #tpu.memory_space<semaphore_mem>>) src(%dma_wait3A_125 : memref<128x64xf32, #tpu.memory_space<hbm>>) dst(%dma_wait3A_123 : memref<128x64xf32, #tpu.memory_space<vmem>>)
      tpu.yield
    }) : () -> ()
    "tpu.region"() ({
      %run_scoped3A = tpu.sem_alloc : memref<!tpu.dma_semaphore, #tpu.memory_space<semaphore_mem>>
      %dma_start3A_107 = arith.constant 0 : i32
      %dma_start3A_108 = arith.constant 0 : i32
      %dma_start3A_109 = tpu.memref_slice %arg10[%dma_start3A_107, %dma_start3A_108] : memref<128x64xf32, #tpu.memory_space<vmem>> -> memref<128x64xf32, #tpu.memory_space<vmem>>
      %dma_start3A_110 = arith.constant 0 : i32
      %dma_start3A_111 = tpu.memref_slice %arg18[%add3A_20, %dma_start3A_110] : memref<10000x64xf32, #tpu.memory_space<vmem_shared>> -> memref<128x64xf32, #tpu.memory_space<vmem_shared>>
      %dma_start3A_112 = arith.constant 0 : i32
      %dma_start3A_113 = tpu.memref_slice %arg18[%add3A_20, %dma_start3A_112] : memref<10000x64xf32, #tpu.memory_space<vmem_shared>> -> memref<128x64xf32, #tpu.memory_space<vmem_shared>>
      %dma_start3A_114 = arith.constant 0 : i32
      %dma_start3A_115 = arith.constant 0 : i32
      %dma_start3A_116 = tpu.memref_slice %arg10[%dma_start3A_114, %dma_start3A_115] : memref<128x64xf32, #tpu.memory_space<vmem>> -> memref<128x64xf32, #tpu.memory_space<vmem>>
      tpu.enqueue_dma source(%dma_start3A_116 : memref<128x64xf32, #tpu.memory_space<vmem>>) target(%dma_start3A_113 : memref<128x64xf32, #tpu.memory_space<vmem_shared>>) target_semaphore(%run_scoped3A : memref<!tpu.dma_semaphore, #tpu.memory_space<semaphore_mem>>)
      %dma_wait3A = arith.constant 0 : i32
      %dma_wait3A_117 = arith.constant 0 : i32
      %dma_wait3A_118 = tpu.memref_slice %arg10[%dma_wait3A, %dma_wait3A_117] : memref<128x64xf32, #tpu.memory_space<vmem>> -> memref<128x64xf32, #tpu.memory_space<vmem>>
      %dma_wait3A_119 = arith.constant 0 : i32
      %dma_wait3A_120 = tpu.memref_slice %arg18[%add3A_20, %dma_wait3A_119] : memref<10000x64xf32, #tpu.memory_space<vmem_shared>> -> memref<128x64xf32, #tpu.memory_space<vmem_shared>>
      %dma_wait3A_121 = arith.constant 0 : i32
      %dma_wait3A_122 = tpu.memref_slice %arg18[%add3A_20, %dma_wait3A_121] : memref<10000x64xf32, #tpu.memory_space<vmem_shared>> -> memref<128x64xf32, #tpu.memory_space<vmem_shared>>
      %dma_wait3A_123 = arith.constant 0 : i32
      %dma_wait3A_124 = arith.constant 0 : i32
      %dma_wait3A_125 = tpu.memref_slice %arg10[%dma_wait3A_123, %dma_wait3A_124] : memref<128x64xf32, #tpu.memory_space<vmem>> -> memref<128x64xf32, #tpu.memory_space<vmem>>
      tpu.wait_dma2 semaphore(%run_scoped3A : memref<!tpu.dma_semaphore, #tpu.memory_space<semaphore_mem>>) src(%dma_wait3A_125 : memref<128x64xf32, #tpu.memory_space<vmem>>) dst(%dma_wait3A_122 : memref<128x64xf32, #tpu.memory_space<vmem_shared>>)
      tpu.yield
    }) : () -> ()
    %mul3A_21 = arith.constant 624 : i32
    %mul3A_22 = arith.muli %arg1, %mul3A_21 : i32
    %add3A_23 = arith.constant 512 : i32
    %add3A_24 = arith.addi %mul3A_22, %add3A_23 : i32
    "tpu.region"() ({
      %run_scoped3A = tpu.sem_alloc : memref<!tpu.dma_semaphore, #tpu.memory_space<semaphore_mem>>
      %dma_start3A_107 = arith.constant 0 : i32
      %dma_start3A_108 = arith.constant 0 : i32
      %dma_start3A_109 = tpu.memref_slice %arg10[%dma_start3A_107, %dma_start3A_108] : memref<128x64xf32, #tpu.memory_space<vmem>> -> memref<112x64xf32, #tpu.memory_space<vmem>>
      %dma_start3A_110 = arith.constant 0 : i32
      %dma_start3A_111 = tpu.memref_slice %arg2[%add3A_24, %dma_start3A_110] : memref<10000x128xf32, #tpu.memory_space<hbm>> -> memref<112x64xf32, #tpu.memory_space<hbm>>
      %dma_start3A_112 = arith.constant 0 : i32
      %dma_start3A_113 = arith.constant 0 : i32
      %dma_start3A_114 = tpu.memref_slice %arg10[%dma_start3A_112, %dma_start3A_113] : memref<128x64xf32, #tpu.memory_space<vmem>> -> memref<112x64xf32, #tpu.memory_space<vmem>>
      %dma_start3A_115 = arith.constant 0 : i32
      %dma_start3A_116 = tpu.memref_slice %arg2[%add3A_24, %dma_start3A_115] : memref<10000x128xf32, #tpu.memory_space<hbm>> -> memref<112x64xf32, #tpu.memory_space<hbm>>
      tpu.enqueue_dma source(%dma_start3A_116 : memref<112x64xf32, #tpu.memory_space<hbm>>) target(%dma_start3A_114 : memref<112x64xf32, #tpu.memory_space<vmem>>) target_semaphore(%run_scoped3A : memref<!tpu.dma_semaphore, #tpu.memory_space<semaphore_mem>>)
      %dma_wait3A = arith.constant 0 : i32
      %dma_wait3A_117 = arith.constant 0 : i32
      %dma_wait3A_118 = tpu.memref_slice %arg10[%dma_wait3A, %dma_wait3A_117] : memref<128x64xf32, #tpu.memory_space<vmem>> -> memref<112x64xf32, #tpu.memory_space<vmem>>
      %dma_wait3A_119 = arith.constant 0 : i32
      %dma_wait3A_120 = tpu.memref_slice %arg2[%add3A_24, %dma_wait3A_119] : memref<10000x128xf32, #tpu.memory_space<hbm>> -> memref<112x64xf32, #tpu.memory_space<hbm>>
      %dma_wait3A_121 = arith.constant 0 : i32
      %dma_wait3A_122 = arith.constant 0 : i32
      %dma_wait3A_123 = tpu.memref_slice %arg10[%dma_wait3A_121, %dma_wait3A_122] : memref<128x64xf32, #tpu.memory_space<vmem>> -> memref<112x64xf32, #tpu.memory_space<vmem>>
      %dma_wait3A_124 = arith.constant 0 : i32
      %dma_wait3A_125 = tpu.memref_slice %arg2[%add3A_24, %dma_wait3A_124] : memref<10000x128xf32, #tpu.memory_space<hbm>> -> memref<112x64xf32, #tpu.memory_space<hbm>>
      tpu.wait_dma2 semaphore(%run_scoped3A : memref<!tpu.dma_semaphore, #tpu.memory_space<semaphore_mem>>) src(%dma_wait3A_125 : memref<112x64xf32, #tpu.memory_space<hbm>>) dst(%dma_wait3A_123 : memref<112x64xf32, #tpu.memory_space<vmem>>)
      tpu.yield
    }) : () -> ()
    "tpu.region"() ({
      %run_scoped3A = tpu.sem_alloc : memref<!tpu.dma_semaphore, #tpu.memory_space<semaphore_mem>>
      %dma_start3A_107 = arith.constant 0 : i32
      %dma_start3A_108 = arith.constant 0 : i32
      %dma_start3A_109 = tpu.memref_slice %arg10[%dma_start3A_107, %dma_start3A_108] : memref<128x64xf32, #tpu.memory_space<vmem>> -> memref<112x64xf32, #tpu.memory_space<vmem>>
      %dma_start3A_110 = arith.constant 0 : i32
      %dma_start3A_111 = tpu.memref_slice %arg18[%add3A_24, %dma_start3A_110] : memref<10000x64xf32, #tpu.memory_space<vmem_shared>> -> memref<112x64xf32, #tpu.memory_space<vmem_shared>>
      %dma_start3A_112 = arith.constant 0 : i32
      %dma_start3A_113 = tpu.memref_slice %arg18[%add3A_24, %dma_start3A_112] : memref<10000x64xf32, #tpu.memory_space<vmem_shared>> -> memref<112x64xf32, #tpu.memory_space<vmem_shared>>
      %dma_start3A_114 = arith.constant 0 : i32
      %dma_start3A_115 = arith.constant 0 : i32
      %dma_start3A_116 = tpu.memref_slice %arg10[%dma_start3A_114, %dma_start3A_115] : memref<128x64xf32, #tpu.memory_space<vmem>> -> memref<112x64xf32, #tpu.memory_space<vmem>>
      tpu.enqueue_dma source(%dma_start3A_116 : memref<112x64xf32, #tpu.memory_space<vmem>>) target(%dma_start3A_113 : memref<112x64xf32, #tpu.memory_space<vmem_shared>>) target_semaphore(%run_scoped3A : memref<!tpu.dma_semaphore, #tpu.memory_space<semaphore_mem>>)
      %dma_wait3A = arith.constant 0 : i32
      %dma_wait3A_117 = arith.constant 0 : i32
      %dma_wait3A_118 = tpu.memref_slice %arg10[%dma_wait3A, %dma_wait3A_117] : memref<128x64xf32, #tpu.memory_space<vmem>> -> memref<112x64xf32, #tpu.memory_space<vmem>>
      %dma_wait3A_119 = arith.constant 0 : i32
      %dma_wait3A_120 = tpu.memref_slice %arg18[%add3A_24, %dma_wait3A_119] : memref<10000x64xf32, #tpu.memory_space<vmem_shared>> -> memref<112x64xf32, #tpu.memory_space<vmem_shared>>
      %dma_wait3A_121 = arith.constant 0 : i32
      %dma_wait3A_122 = tpu.memref_slice %arg18[%add3A_24, %dma_wait3A_121] : memref<10000x64xf32, #tpu.memory_space<vmem_shared>> -> memref<112x64xf32, #tpu.memory_space<vmem_shared>>
      %dma_wait3A_123 = arith.constant 0 : i32
      %dma_wait3A_124 = arith.constant 0 : i32
      %dma_wait3A_125 = tpu.memref_slice %arg10[%dma_wait3A_123, %dma_wait3A_124] : memref<128x64xf32, #tpu.memory_space<vmem>> -> memref<112x64xf32, #tpu.memory_space<vmem>>
      tpu.wait_dma2 semaphore(%run_scoped3A : memref<!tpu.dma_semaphore, #tpu.memory_space<semaphore_mem>>) src(%dma_wait3A_125 : memref<112x64xf32, #tpu.memory_space<vmem>>) dst(%dma_wait3A_122 : memref<112x64xf32, #tpu.memory_space<vmem_shared>>)
      tpu.yield
    }) : () -> ()
    %eq3A = arith.constant 15 : i32
    %eq3A_25 = arith.cmpi eq, %arg1, %eq3A : i32
    %convert_element_type3A = arith.extui %eq3A_25 : i1 to i32
    %cond3A = arith.constant 0 : i32
    %cond3A_26 = arith.cmpi ne, %convert_element_type3A, %cond3A : i32
    scf.if %cond3A_26 {
      "tpu.region"() ({
        %run_scoped3A = tpu.sem_alloc : memref<!tpu.dma_semaphore, #tpu.memory_space<semaphore_mem>>
        %dma_start3A_107 = arith.constant 0 : i32
        %dma_start3A_108 = arith.constant 0 : i32
        %dma_start3A_109 = tpu.memref_slice %arg10[%dma_start3A_107, %dma_start3A_108] : memref<128x64xf32, #tpu.memory_space<vmem>> -> memref<16x64xf32, #tpu.memory_space<vmem>>
        %dma_start3A_110 = arith.constant 9984 : i32
        %dma_start3A_111 = arith.constant 0 : i32
        %dma_start3A_112 = tpu.memref_slice %arg2[%dma_start3A_110, %dma_start3A_111] : memref<10000x128xf32, #tpu.memory_space<hbm>> -> memref<16x64xf32, #tpu.memory_space<hbm>>
        %dma_start3A_113 = arith.constant 0 : i32
        %dma_start3A_114 = arith.constant 0 : i32
        %dma_start3A_115 = tpu.memref_slice %arg10[%dma_start3A_113, %dma_start3A_114] : memref<128x64xf32, #tpu.memory_space<vmem>> -> memref<16x64xf32, #tpu.memory_space<vmem>>
        %dma_start3A_116 = arith.constant 9984 : i32
        %dma_start3A_117 = arith.constant 0 : i32
        %dma_start3A_118 = tpu.memref_slice %arg2[%dma_start3A_116, %dma_start3A_117] : memref<10000x128xf32, #tpu.memory_space<hbm>> -> memref<16x64xf32, #tpu.memory_space<hbm>>
        tpu.enqueue_dma source(%dma_start3A_118 : memref<16x64xf32, #tpu.memory_space<hbm>>) target(%dma_start3A_115 : memref<16x64xf32, #tpu.memory_space<vmem>>) target_semaphore(%run_scoped3A : memref<!tpu.dma_semaphore, #tpu.memory_space<semaphore_mem>>)
        %dma_wait3A = arith.constant 0 : i32
        %dma_wait3A_119 = arith.constant 0 : i32
        %dma_wait3A_120 = tpu.memref_slice %arg10[%dma_wait3A, %dma_wait3A_119] : memref<128x64xf32, #tpu.memory_space<vmem>> -> memref<16x64xf32, #tpu.memory_space<vmem>>
        %dma_wait3A_121 = arith.constant 9984 : i32
        %dma_wait3A_122 = arith.constant 0 : i32
        %dma_wait3A_123 = tpu.memref_slice %arg2[%dma_wait3A_121, %dma_wait3A_122] : memref<10000x128xf32, #tpu.memory_space<hbm>> -> memref<16x64xf32, #tpu.memory_space<hbm>>
        %dma_wait3A_124 = arith.constant 0 : i32
        %dma_wait3A_125 = arith.constant 0 : i32
        %dma_wait3A_126 = tpu.memref_slice %arg10[%dma_wait3A_124, %dma_wait3A_125] : memref<128x64xf32, #tpu.memory_space<vmem>> -> memref<16x64xf32, #tpu.memory_space<vmem>>
        %dma_wait3A_127 = arith.constant 9984 : i32
        %dma_wait3A_128 = arith.constant 0 : i32
        %dma_wait3A_129 = tpu.memref_slice %arg2[%dma_wait3A_127, %dma_wait3A_128] : memref<10000x128xf32, #tpu.memory_space<hbm>> -> memref<16x64xf32, #tpu.memory_space<hbm>>
        tpu.wait_dma2 semaphore(%run_scoped3A : memref<!tpu.dma_semaphore, #tpu.memory_space<semaphore_mem>>) src(%dma_wait3A_129 : memref<16x64xf32, #tpu.memory_space<hbm>>) dst(%dma_wait3A_126 : memref<16x64xf32, #tpu.memory_space<vmem>>)
        tpu.yield
      }) : () -> ()
      "tpu.region"() ({
        %run_scoped3A = tpu.sem_alloc : memref<!tpu.dma_semaphore, #tpu.memory_space<semaphore_mem>>
        %dma_start3A_107 = arith.constant 0 : i32
        %dma_start3A_108 = arith.constant 0 : i32
        %dma_start3A_109 = tpu.memref_slice %arg10[%dma_start3A_107, %dma_start3A_108] : memref<128x64xf32, #tpu.memory_space<vmem>> -> memref<16x64xf32, #tpu.memory_space<vmem>>
        %dma_start3A_110 = arith.constant 9984 : i32
        %dma_start3A_111 = arith.constant 0 : i32
        %dma_start3A_112 = tpu.memref_slice %arg18[%dma_start3A_110, %dma_start3A_111] : memref<10000x64xf32, #tpu.memory_space<vmem_shared>> -> memref<16x64xf32, #tpu.memory_space<vmem_shared>>
        %dma_start3A_113 = arith.constant 9984 : i32
        %dma_start3A_114 = arith.constant 0 : i32
        %dma_start3A_115 = tpu.memref_slice %arg18[%dma_start3A_113, %dma_start3A_114] : memref<10000x64xf32, #tpu.memory_space<vmem_shared>> -> memref<16x64xf32, #tpu.memory_space<vmem_shared>>
        %dma_start3A_116 = arith.constant 0 : i32
        %dma_start3A_117 = arith.constant 0 : i32
        %dma_start3A_118 = tpu.memref_slice %arg10[%dma_start3A_116, %dma_start3A_117] : memref<128x64xf32, #tpu.memory_space<vmem>> -> memref<16x64xf32, #tpu.memory_space<vmem>>
        tpu.enqueue_dma source(%dma_start3A_118 : memref<16x64xf32, #tpu.memory_space<vmem>>) target(%dma_start3A_115 : memref<16x64xf32, #tpu.memory_space<vmem_shared>>) target_semaphore(%run_scoped3A : memref<!tpu.dma_semaphore, #tpu.memory_space<semaphore_mem>>)
        %dma_wait3A = arith.constant 0 : i32
        %dma_wait3A_119 = arith.constant 0 : i32
        %dma_wait3A_120 = tpu.memref_slice %arg10[%dma_wait3A, %dma_wait3A_119] : memref<128x64xf32, #tpu.memory_space<vmem>> -> memref<16x64xf32, #tpu.memory_space<vmem>>
        %dma_wait3A_121 = arith.constant 9984 : i32
        %dma_wait3A_122 = arith.constant 0 : i32
        %dma_wait3A_123 = tpu.memref_slice %arg18[%dma_wait3A_121, %dma_wait3A_122] : memref<10000x64xf32, #tpu.memory_space<vmem_shared>> -> memref<16x64xf32, #tpu.memory_space<vmem_shared>>
        %dma_wait3A_124 = arith.constant 9984 : i32
        %dma_wait3A_125 = arith.constant 0 : i32
        %dma_wait3A_126 = tpu.memref_slice %arg18[%dma_wait3A_124, %dma_wait3A_125] : memref<10000x64xf32, #tpu.memory_space<vmem_shared>> -> memref<16x64xf32, #tpu.memory_space<vmem_shared>>
        %dma_wait3A_127 = arith.constant 0 : i32
        %dma_wait3A_128 = arith.constant 0 : i32
        %dma_wait3A_129 = tpu.memref_slice %arg10[%dma_wait3A_127, %dma_wait3A_128] : memref<128x64xf32, #tpu.memory_space<vmem>> -> memref<16x64xf32, #tpu.memory_space<vmem>>
        tpu.wait_dma2 semaphore(%run_scoped3A : memref<!tpu.dma_semaphore, #tpu.memory_space<semaphore_mem>>) src(%dma_wait3A_129 : memref<16x64xf32, #tpu.memory_space<vmem>>) dst(%dma_wait3A_126 : memref<16x64xf32, #tpu.memory_space<vmem_shared>>)
        tpu.yield
      }) : () -> ()
    } else {
    }
    "tpu.region"() ({
      %run_scoped3A = tpu.sem_alloc : memref<!tpu.dma_semaphore, #tpu.memory_space<semaphore_mem>>
      tpu.enqueue_dma source(%arg5 : memref<128x64xf32, #tpu.memory_space<hbm>>) target(%arg9 : memref<128x64xf32, #tpu.memory_space<vmem>>) target_semaphore(%run_scoped3A : memref<!tpu.dma_semaphore, #tpu.memory_space<semaphore_mem>>)
      tpu.wait_dma2 semaphore(%run_scoped3A : memref<!tpu.dma_semaphore, #tpu.memory_space<semaphore_mem>>) src(%arg5 : memref<128x64xf32, #tpu.memory_space<hbm>>) dst(%arg9 : memref<128x64xf32, #tpu.memory_space<vmem>>)
      tpu.yield
    }) : () -> ()
    %mul3A_27 = arith.constant 640 : i32
    %mul3A_28 = arith.muli %arg1, %mul3A_27 : i32
    %add3A_29 = arith.constant 0 : i32
    %add3A_30 = arith.addi %mul3A_28, %add3A_29 : i32
    "tpu.region"() ({
      %run_scoped3A = tpu.sem_alloc : memref<!tpu.dma_semaphore, #tpu.memory_space<semaphore_mem>>
      %dma_start3A_107 = arith.constant 0 : i32
      %dma_start3A_108 = tpu.memref_slice %arg13[%add3A_30, %dma_start3A_107] : memref<10240x64xf32, #tpu.memory_space<vmem_shared>> -> memref<128x64xf32, #tpu.memory_space<vmem_shared>>
      %dma_start3A_109 = arith.constant 0 : i32
      %dma_start3A_110 = tpu.memref_slice %arg13[%add3A_30, %dma_start3A_109] : memref<10240x64xf32, #tpu.memory_space<vmem_shared>> -> memref<128x64xf32, #tpu.memory_space<vmem_shared>>
      tpu.enqueue_dma source(%arg9 : memref<128x64xf32, #tpu.memory_space<vmem>>) target(%dma_start3A_110 : memref<128x64xf32, #tpu.memory_space<vmem_shared>>) target_semaphore(%run_scoped3A : memref<!tpu.dma_semaphore, #tpu.memory_space<semaphore_mem>>)
      %dma_wait3A = arith.constant 0 : i32
      %dma_wait3A_111 = tpu.memref_slice %arg13[%add3A_30, %dma_wait3A] : memref<10240x64xf32, #tpu.memory_space<vmem_shared>> -> memref<128x64xf32, #tpu.memory_space<vmem_shared>>
      %dma_wait3A_112 = arith.constant 0 : i32
      %dma_wait3A_113 = tpu.memref_slice %arg13[%add3A_30, %dma_wait3A_112] : memref<10240x64xf32, #tpu.memory_space<vmem_shared>> -> memref<128x64xf32, #tpu.memory_space<vmem_shared>>
      tpu.wait_dma2 semaphore(%run_scoped3A : memref<!tpu.dma_semaphore, #tpu.memory_space<semaphore_mem>>) src(%arg9 : memref<128x64xf32, #tpu.memory_space<vmem>>) dst(%dma_wait3A_113 : memref<128x64xf32, #tpu.memory_space<vmem_shared>>)
      tpu.yield
    }) : () -> ()
    %mul3A_31 = arith.constant 640 : i32
    %mul3A_32 = arith.muli %arg1, %mul3A_31 : i32
    %add3A_33 = arith.constant 128 : i32
    %add3A_34 = arith.addi %mul3A_32, %add3A_33 : i32
    "tpu.region"() ({
      %run_scoped3A = tpu.sem_alloc : memref<!tpu.dma_semaphore, #tpu.memory_space<semaphore_mem>>
      %dma_start3A_107 = arith.constant 0 : i32
      %dma_start3A_108 = tpu.memref_slice %arg13[%add3A_34, %dma_start3A_107] : memref<10240x64xf32, #tpu.memory_space<vmem_shared>> -> memref<128x64xf32, #tpu.memory_space<vmem_shared>>
      %dma_start3A_109 = arith.constant 0 : i32
      %dma_start3A_110 = tpu.memref_slice %arg13[%add3A_34, %dma_start3A_109] : memref<10240x64xf32, #tpu.memory_space<vmem_shared>> -> memref<128x64xf32, #tpu.memory_space<vmem_shared>>
      tpu.enqueue_dma source(%arg9 : memref<128x64xf32, #tpu.memory_space<vmem>>) target(%dma_start3A_110 : memref<128x64xf32, #tpu.memory_space<vmem_shared>>) target_semaphore(%run_scoped3A : memref<!tpu.dma_semaphore, #tpu.memory_space<semaphore_mem>>)
      %dma_wait3A = arith.constant 0 : i32
      %dma_wait3A_111 = tpu.memref_slice %arg13[%add3A_34, %dma_wait3A] : memref<10240x64xf32, #tpu.memory_space<vmem_shared>> -> memref<128x64xf32, #tpu.memory_space<vmem_shared>>
      %dma_wait3A_112 = arith.constant 0 : i32
      %dma_wait3A_113 = tpu.memref_slice %arg13[%add3A_34, %dma_wait3A_112] : memref<10240x64xf32, #tpu.memory_space<vmem_shared>> -> memref<128x64xf32, #tpu.memory_space<vmem_shared>>
      tpu.wait_dma2 semaphore(%run_scoped3A : memref<!tpu.dma_semaphore, #tpu.memory_space<semaphore_mem>>) src(%arg9 : memref<128x64xf32, #tpu.memory_space<vmem>>) dst(%dma_wait3A_113 : memref<128x64xf32, #tpu.memory_space<vmem_shared>>)
      tpu.yield
    }) : () -> ()
    %mul3A_35 = arith.constant 640 : i32
    %mul3A_36 = arith.muli %arg1, %mul3A_35 : i32
    %add3A_37 = arith.constant 256 : i32
    %add3A_38 = arith.addi %mul3A_36, %add3A_37 : i32
    "tpu.region"() ({
      %run_scoped3A = tpu.sem_alloc : memref<!tpu.dma_semaphore, #tpu.memory_space<semaphore_mem>>
      %dma_start3A_107 = arith.constant 0 : i32
      %dma_start3A_108 = tpu.memref_slice %arg13[%add3A_38, %dma_start3A_107] : memref<10240x64xf32, #tpu.memory_space<vmem_shared>> -> memref<128x64xf32, #tpu.memory_space<vmem_shared>>
      %dma_start3A_109 = arith.constant 0 : i32
      %dma_start3A_110 = tpu.memref_slice %arg13[%add3A_38, %dma_start3A_109] : memref<10240x64xf32, #tpu.memory_space<vmem_shared>> -> memref<128x64xf32, #tpu.memory_space<vmem_shared>>
      tpu.enqueue_dma source(%arg9 : memref<128x64xf32, #tpu.memory_space<vmem>>) target(%dma_start3A_110 : memref<128x64xf32, #tpu.memory_space<vmem_shared>>) target_semaphore(%run_scoped3A : memref<!tpu.dma_semaphore, #tpu.memory_space<semaphore_mem>>)
      %dma_wait3A = arith.constant 0 : i32
      %dma_wait3A_111 = tpu.memref_slice %arg13[%add3A_38, %dma_wait3A] : memref<10240x64xf32, #tpu.memory_space<vmem_shared>> -> memref<128x64xf32, #tpu.memory_space<vmem_shared>>
      %dma_wait3A_112 = arith.constant 0 : i32
      %dma_wait3A_113 = tpu.memref_slice %arg13[%add3A_38, %dma_wait3A_112] : memref<10240x64xf32, #tpu.memory_space<vmem_shared>> -> memref<128x64xf32, #tpu.memory_space<vmem_shared>>
      tpu.wait_dma2 semaphore(%run_scoped3A : memref<!tpu.dma_semaphore, #tpu.memory_space<semaphore_mem>>) src(%arg9 : memref<128x64xf32, #tpu.memory_space<vmem>>) dst(%dma_wait3A_113 : memref<128x64xf32, #tpu.memory_space<vmem_shared>>)
      tpu.yield
    }) : () -> ()
    %mul3A_39 = arith.constant 640 : i32
    %mul3A_40 = arith.muli %arg1, %mul3A_39 : i32
    %add3A_41 = arith.constant 384 : i32
    %add3A_42 = arith.addi %mul3A_40, %add3A_41 : i32
    "tpu.region"() ({
      %run_scoped3A = tpu.sem_alloc : memref<!tpu.dma_semaphore, #tpu.memory_space<semaphore_mem>>
      %dma_start3A_107 = arith.constant 0 : i32
      %dma_start3A_108 = tpu.memref_slice %arg13[%add3A_42, %dma_start3A_107] : memref<10240x64xf32, #tpu.memory_space<vmem_shared>> -> memref<128x64xf32, #tpu.memory_space<vmem_shared>>
      %dma_start3A_109 = arith.constant 0 : i32
      %dma_start3A_110 = tpu.memref_slice %arg13[%add3A_42, %dma_start3A_109] : memref<10240x64xf32, #tpu.memory_space<vmem_shared>> -> memref<128x64xf32, #tpu.memory_space<vmem_shared>>
      tpu.enqueue_dma source(%arg9 : memref<128x64xf32, #tpu.memory_space<vmem>>) target(%dma_start3A_110 : memref<128x64xf32, #tpu.memory_space<vmem_shared>>) target_semaphore(%run_scoped3A : memref<!tpu.dma_semaphore, #tpu.memory_space<semaphore_mem>>)
      %dma_wait3A = arith.constant 0 : i32
      %dma_wait3A_111 = tpu.memref_slice %arg13[%add3A_42, %dma_wait3A] : memref<10240x64xf32, #tpu.memory_space<vmem_shared>> -> memref<128x64xf32, #tpu.memory_space<vmem_shared>>
      %dma_wait3A_112 = arith.constant 0 : i32
      %dma_wait3A_113 = tpu.memref_slice %arg13[%add3A_42, %dma_wait3A_112] : memref<10240x64xf32, #tpu.memory_space<vmem_shared>> -> memref<128x64xf32, #tpu.memory_space<vmem_shared>>
      tpu.wait_dma2 semaphore(%run_scoped3A : memref<!tpu.dma_semaphore, #tpu.memory_space<semaphore_mem>>) src(%arg9 : memref<128x64xf32, #tpu.memory_space<vmem>>) dst(%dma_wait3A_113 : memref<128x64xf32, #tpu.memory_space<vmem_shared>>)
      tpu.yield
    }) : () -> ()
    %mul3A_43 = arith.constant 640 : i32
    %mul3A_44 = arith.muli %arg1, %mul3A_43 : i32
    %add3A_45 = arith.constant 512 : i32
    %add3A_46 = arith.addi %mul3A_44, %add3A_45 : i32
    "tpu.region"() ({
      %run_scoped3A = tpu.sem_alloc : memref<!tpu.dma_semaphore, #tpu.memory_space<semaphore_mem>>
      %dma_start3A_107 = arith.constant 0 : i32
      %dma_start3A_108 = tpu.memref_slice %arg13[%add3A_46, %dma_start3A_107] : memref<10240x64xf32, #tpu.memory_space<vmem_shared>> -> memref<128x64xf32, #tpu.memory_space<vmem_shared>>
      %dma_start3A_109 = arith.constant 0 : i32
      %dma_start3A_110 = tpu.memref_slice %arg13[%add3A_46, %dma_start3A_109] : memref<10240x64xf32, #tpu.memory_space<vmem_shared>> -> memref<128x64xf32, #tpu.memory_space<vmem_shared>>
      tpu.enqueue_dma source(%arg9 : memref<128x64xf32, #tpu.memory_space<vmem>>) target(%dma_start3A_110 : memref<128x64xf32, #tpu.memory_space<vmem_shared>>) target_semaphore(%run_scoped3A : memref<!tpu.dma_semaphore, #tpu.memory_space<semaphore_mem>>)
      %dma_wait3A = arith.constant 0 : i32
      %dma_wait3A_111 = tpu.memref_slice %arg13[%add3A_46, %dma_wait3A] : memref<10240x64xf32, #tpu.memory_space<vmem_shared>> -> memref<128x64xf32, #tpu.memory_space<vmem_shared>>
      %dma_wait3A_112 = arith.constant 0 : i32
      %dma_wait3A_113 = tpu.memref_slice %arg13[%add3A_46, %dma_wait3A_112] : memref<10240x64xf32, #tpu.memory_space<vmem_shared>> -> memref<128x64xf32, #tpu.memory_space<vmem_shared>>
      tpu.wait_dma2 semaphore(%run_scoped3A : memref<!tpu.dma_semaphore, #tpu.memory_space<semaphore_mem>>) src(%arg9 : memref<128x64xf32, #tpu.memory_space<vmem>>) dst(%dma_wait3A_113 : memref<128x64xf32, #tpu.memory_space<vmem_shared>>)
      tpu.yield
    }) : () -> ()
    %barrier3A = arith.constant 0 : index
    tpu.barrier barrier_id(%barrier3A)
    %dma_start3A = arith.constant 0 : i32
    %dma_start3A_47 = tpu.memref_slice %arg7[%dma_start3A] : memref<5120xi32, #tpu.memory_space<vmem>> -> memref<128xi32, #tpu.memory_space<vmem>>
    %dma_start3A_48 = arith.constant 0 : i32
    %dma_start3A_49 = arith.constant 0 : i32
    %dma_start3A_50 = tpu.memref_slice %arg18[%dma_start3A_48, %dma_start3A_49] : memref<10000x64xf32, #tpu.memory_space<vmem_shared>> -> memref<10000x64xf32, #tpu.memory_space<vmem_shared>>
    tpu.enqueue_indirect_dma source(%dma_start3A_50 : memref<10000x64xf32, #tpu.memory_space<vmem_shared>>) target(%arg9 : memref<128x64xf32, #tpu.memory_space<vmem>>) offsets(%dma_start3A_47 : memref<128xi32, #tpu.memory_space<vmem>>) semaphore(%arg14 : memref<!tpu.dma_semaphore, #tpu.memory_space<semaphore_mem>>)
    %dma_start3A_51 = arith.constant 128 : i32
    %dma_start3A_52 = tpu.memref_slice %arg7[%dma_start3A_51] : memref<5120xi32, #tpu.memory_space<vmem>> -> memref<128xi32, #tpu.memory_space<vmem>>
    %dma_start3A_53 = arith.constant 0 : i32
    %dma_start3A_54 = arith.constant 0 : i32
    %dma_start3A_55 = tpu.memref_slice %arg18[%dma_start3A_53, %dma_start3A_54] : memref<10000x64xf32, #tpu.memory_space<vmem_shared>> -> memref<10000x64xf32, #tpu.memory_space<vmem_shared>>
    tpu.enqueue_indirect_dma source(%dma_start3A_55 : memref<10000x64xf32, #tpu.memory_space<vmem_shared>>) target(%arg10 : memref<128x64xf32, #tpu.memory_space<vmem>>) offsets(%dma_start3A_52 : memref<128xi32, #tpu.memory_space<vmem>>) semaphore(%arg15 : memref<!tpu.dma_semaphore, #tpu.memory_space<semaphore_mem>>)
    %dma_start3A_56 = arith.constant 256 : i32
    %dma_start3A_57 = tpu.memref_slice %arg7[%dma_start3A_56] : memref<5120xi32, #tpu.memory_space<vmem>> -> memref<128xi32, #tpu.memory_space<vmem>>
    %dma_start3A_58 = arith.constant 0 : i32
    %dma_start3A_59 = arith.constant 0 : i32
    %dma_start3A_60 = tpu.memref_slice %arg18[%dma_start3A_58, %dma_start3A_59] : memref<10000x64xf32, #tpu.memory_space<vmem_shared>> -> memref<10000x64xf32, #tpu.memory_space<vmem_shared>>
    tpu.enqueue_indirect_dma source(%dma_start3A_60 : memref<10000x64xf32, #tpu.memory_space<vmem_shared>>) target(%arg11 : memref<128x64xf32, #tpu.memory_space<vmem>>) offsets(%dma_start3A_57 : memref<128xi32, #tpu.memory_space<vmem>>) semaphore(%arg16 : memref<!tpu.dma_semaphore, #tpu.memory_space<semaphore_mem>>)
    %dma_start3A_61 = arith.constant 384 : i32
    %dma_start3A_62 = tpu.memref_slice %arg7[%dma_start3A_61] : memref<5120xi32, #tpu.memory_space<vmem>> -> memref<128xi32, #tpu.memory_space<vmem>>
    %dma_start3A_63 = arith.constant 0 : i32
    %dma_start3A_64 = arith.constant 0 : i32
    %dma_start3A_65 = tpu.memref_slice %arg18[%dma_start3A_63, %dma_start3A_64] : memref<10000x64xf32, #tpu.memory_space<vmem_shared>> -> memref<10000x64xf32, #tpu.memory_space<vmem_shared>>
    tpu.enqueue_indirect_dma source(%dma_start3A_65 : memref<10000x64xf32, #tpu.memory_space<vmem_shared>>) target(%arg12 : memref<128x64xf32, #tpu.memory_space<vmem>>) offsets(%dma_start3A_62 : memref<128xi32, #tpu.memory_space<vmem>>) semaphore(%arg17 : memref<!tpu.dma_semaphore, #tpu.memory_space<semaphore_mem>>)
    %scan3A = arith.constant 0 : i32
    %scan3A_66 = arith.constant 0 : i32
    %scan3A_67 = arith.constant 10 : i32
    %scan3A_68 = arith.addi %scan3A_66, %scan3A_67 : i32
    %scan3A_69 = arith.constant 1 : i32
    scf.for %scan3A_107 = %scan3A_66 to %scan3A_68 step %scan3A_69  : i32 {
      %mul3A_108 = arith.constant 4 : i32
      %mul3A_109 = arith.muli %mul3A_108, %scan3A_107 : i32
      %add3A_110 = arith.constant 0 : i32
      %add3A_111 = arith.addi %mul3A_109, %add3A_110 : i32
      %mul3A_112 = arith.constant 128 : i32
      %mul3A_113 = arith.muli %add3A_111, %mul3A_112 : i32
      %dma_wait3A = tpu.memref_slice %arg7[%mul3A_113] : memref<5120xi32, #tpu.memory_space<vmem>> -> memref<128xi32, #tpu.memory_space<vmem>>
      %dma_wait3A_114 = arith.constant 0 : i32
      %dma_wait3A_115 = arith.constant 0 : i32
      %dma_wait3A_116 = tpu.memref_slice %arg18[%dma_wait3A_114, %dma_wait3A_115] : memref<10000x64xf32, #tpu.memory_space<vmem_shared>> -> memref<10000x64xf32, #tpu.memory_space<vmem_shared>>
      tpu.wait_indirect_dma semaphore(%arg14 : memref<!tpu.dma_semaphore, #tpu.memory_space<semaphore_mem>>) src(%dma_wait3A_116 : memref<10000x64xf32, #tpu.memory_space<vmem_shared>>) dst(%arg9 : memref<128x64xf32, #tpu.memory_space<vmem>>)
      %add3A_117 = arith.constant 0 : i32
      %add3A_118 = arith.addi %mul3A_109, %add3A_117 : i32
      "tpu.region"() ({
        %run_scoped3A = tpu.sem_alloc : memref<!tpu.dma_semaphore, #tpu.memory_space<semaphore_mem>>
        %dma_start3A_184 = arith.constant 0 : i32
        %dma_start3A_185 = tpu.memref_slice %arg8[%add3A_118, %dma_start3A_184] : memref<40x128xi32, #tpu.memory_space<vmem>> -> memref<1x128xi32, #tpu.memory_space<vmem>>
        %dma_start3A_186 = tpu.memref_squeeze %dma_start3A_185 : memref<1x128xi32, #tpu.memory_space<vmem>> -> memref<128xi32, #tpu.memory_space<vmem>>
        %dma_start3A_187 = arith.constant 0 : i32
        %dma_start3A_188 = arith.constant 0 : i32
        %dma_start3A_189 = tpu.memref_slice %arg13[%dma_start3A_187, %dma_start3A_188] : memref<10240x64xf32, #tpu.memory_space<vmem_shared>> -> memref<10240x64xf32, #tpu.memory_space<vmem_shared>>
        tpu.enqueue_indirect_dma source(%arg9 : memref<128x64xf32, #tpu.memory_space<vmem>>) target(%dma_start3A_189 : memref<10240x64xf32, #tpu.memory_space<vmem_shared>>) offsets(%dma_start3A_186 : memref<128xi32, #tpu.memory_space<vmem>>) semaphore(%run_scoped3A : memref<!tpu.dma_semaphore, #tpu.memory_space<semaphore_mem>>) {add = true}
        %dma_wait3A_190 = arith.constant 0 : i32
        %dma_wait3A_191 = tpu.memref_slice %arg8[%add3A_118, %dma_wait3A_190] : memref<40x128xi32, #tpu.memory_space<vmem>> -> memref<1x128xi32, #tpu.memory_space<vmem>>
        %dma_wait3A_192 = tpu.memref_squeeze %dma_wait3A_191 : memref<1x128xi32, #tpu.memory_space<vmem>> -> memref<128xi32, #tpu.memory_space<vmem>>
        %dma_wait3A_193 = arith.constant 0 : i32
        %dma_wait3A_194 = arith.constant 0 : i32
        %dma_wait3A_195 = tpu.memref_slice %arg13[%dma_wait3A_193, %dma_wait3A_194] : memref<10240x64xf32, #tpu.memory_space<vmem_shared>> -> memref<10240x64xf32, #tpu.memory_space<vmem_shared>>
        tpu.wait_indirect_dma semaphore(%run_scoped3A : memref<!tpu.dma_semaphore, #tpu.memory_space<semaphore_mem>>) src(%arg9 : memref<128x64xf32, #tpu.memory_space<vmem>>) dst(%dma_wait3A_195 : memref<10240x64xf32, #tpu.memory_space<vmem_shared>>)
        tpu.yield
      }) : () -> ()
      %add3A_119 = arith.constant 0 : i32
      %add3A_120 = arith.addi %mul3A_109, %add3A_119 : i32
      %add3A_121 = arith.constant 4 : i32
      %add3A_122 = arith.addi %add3A_120, %add3A_121 : i32
      %lt3A = arith.constant 40 : i32
      %lt3A_123 = arith.cmpi slt, %add3A_122, %lt3A : i32
      %convert_element_type3A_124 = arith.extui %lt3A_123 : i1 to i32
      %cond3A_125 = arith.constant 0 : i32
      %cond3A_126 = arith.cmpi ne, %convert_element_type3A_124, %cond3A_125 : i32
      scf.if %cond3A_126 {
        %add3A_184 = arith.constant 0 : i32
        %add3A_185 = arith.addi %mul3A_109, %add3A_184 : i32
        %add3A_186 = arith.constant 4 : i32
        %add3A_187 = arith.addi %add3A_185, %add3A_186 : i32
        %mul3A_188 = arith.constant 128 : i32
        %mul3A_189 = arith.muli %add3A_187, %mul3A_188 : i32
        %dma_start3A_190 = tpu.memref_slice %arg7[%mul3A_189] : memref<5120xi32, #tpu.memory_space<vmem>> -> memref<128xi32, #tpu.memory_space<vmem>>
        %dma_start3A_191 = arith.constant 0 : i32
        %dma_start3A_192 = arith.constant 0 : i32
        %dma_start3A_193 = tpu.memref_slice %arg18[%dma_start3A_191, %dma_start3A_192] : memref<10000x64xf32, #tpu.memory_space<vmem_shared>> -> memref<10000x64xf32, #tpu.memory_space<vmem_shared>>
        tpu.enqueue_indirect_dma source(%dma_start3A_193 : memref<10000x64xf32, #tpu.memory_space<vmem_shared>>) target(%arg9 : memref<128x64xf32, #tpu.memory_space<vmem>>) offsets(%dma_start3A_190 : memref<128xi32, #tpu.memory_space<vmem>>) semaphore(%arg14 : memref<!tpu.dma_semaphore, #tpu.memory_space<semaphore_mem>>)
      } else {
      }
      %add3A_127 = arith.constant 1 : i32
      %add3A_128 = arith.addi %mul3A_109, %add3A_127 : i32
      %mul3A_129 = arith.constant 128 : i32
      %mul3A_130 = arith.muli %add3A_128, %mul3A_129 : i32
      %dma_wait3A_131 = tpu.memref_slice %arg7[%mul3A_130] : memref<5120xi32, #tpu.memory_space<vmem>> -> memref<128xi32, #tpu.memory_space<vmem>>
      %dma_wait3A_132 = arith.constant 0 : i32
      %dma_wait3A_133 = arith.constant 0 : i32
      %dma_wait3A_134 = tpu.memref_slice %arg18[%dma_wait3A_132, %dma_wait3A_133] : memref<10000x64xf32, #tpu.memory_space<vmem_shared>> -> memref<10000x64xf32, #tpu.memory_space<vmem_shared>>
      tpu.wait_indirect_dma semaphore(%arg15 : memref<!tpu.dma_semaphore, #tpu.memory_space<semaphore_mem>>) src(%dma_wait3A_134 : memref<10000x64xf32, #tpu.memory_space<vmem_shared>>) dst(%arg10 : memref<128x64xf32, #tpu.memory_space<vmem>>)
      %add3A_135 = arith.constant 1 : i32
      %add3A_136 = arith.addi %mul3A_109, %add3A_135 : i32
      "tpu.region"() ({
        %run_scoped3A = tpu.sem_alloc : memref<!tpu.dma_semaphore, #tpu.memory_space<semaphore_mem>>
        %dma_start3A_184 = arith.constant 0 : i32
        %dma_start3A_185 = tpu.memref_slice %arg8[%add3A_136, %dma_start3A_184] : memref<40x128xi32, #tpu.memory_space<vmem>> -> memref<1x128xi32, #tpu.memory_space<vmem>>
        %dma_start3A_186 = tpu.memref_squeeze %dma_start3A_185 : memref<1x128xi32, #tpu.memory_space<vmem>> -> memref<128xi32, #tpu.memory_space<vmem>>
        %dma_start3A_187 = arith.constant 0 : i32
        %dma_start3A_188 = arith.constant 0 : i32
        %dma_start3A_189 = tpu.memref_slice %arg13[%dma_start3A_187, %dma_start3A_188] : memref<10240x64xf32, #tpu.memory_space<vmem_shared>> -> memref<10240x64xf32, #tpu.memory_space<vmem_shared>>
        tpu.enqueue_indirect_dma source(%arg10 : memref<128x64xf32, #tpu.memory_space<vmem>>) target(%dma_start3A_189 : memref<10240x64xf32, #tpu.memory_space<vmem_shared>>) offsets(%dma_start3A_186 : memref<128xi32, #tpu.memory_space<vmem>>) semaphore(%run_scoped3A : memref<!tpu.dma_semaphore, #tpu.memory_space<semaphore_mem>>) {add = true}
        %dma_wait3A_190 = arith.constant 0 : i32
        %dma_wait3A_191 = tpu.memref_slice %arg8[%add3A_136, %dma_wait3A_190] : memref<40x128xi32, #tpu.memory_space<vmem>> -> memref<1x128xi32, #tpu.memory_space<vmem>>
        %dma_wait3A_192 = tpu.memref_squeeze %dma_wait3A_191 : memref<1x128xi32, #tpu.memory_space<vmem>> -> memref<128xi32, #tpu.memory_space<vmem>>
        %dma_wait3A_193 = arith.constant 0 : i32
        %dma_wait3A_194 = arith.constant 0 : i32
        %dma_wait3A_195 = tpu.memref_slice %arg13[%dma_wait3A_193, %dma_wait3A_194] : memref<10240x64xf32, #tpu.memory_space<vmem_shared>> -> memref<10240x64xf32, #tpu.memory_space<vmem_shared>>
        tpu.wait_indirect_dma semaphore(%run_scoped3A : memref<!tpu.dma_semaphore, #tpu.memory_space<semaphore_mem>>) src(%arg10 : memref<128x64xf32, #tpu.memory_space<vmem>>) dst(%dma_wait3A_195 : memref<10240x64xf32, #tpu.memory_space<vmem_shared>>)
        tpu.yield
      }) : () -> ()
      %add3A_137 = arith.constant 1 : i32
      %add3A_138 = arith.addi %mul3A_109, %add3A_137 : i32
      %add3A_139 = arith.constant 4 : i32
      %add3A_140 = arith.addi %add3A_138, %add3A_139 : i32
      %lt3A_141 = arith.constant 40 : i32
      %lt3A_142 = arith.cmpi slt, %add3A_140, %lt3A_141 : i32
      %convert_element_type3A_143 = arith.extui %lt3A_142 : i1 to i32
      %cond3A_144 = arith.constant 0 : i32
      %cond3A_145 = arith.cmpi ne, %convert_element_type3A_143, %cond3A_144 : i32
      scf.if %cond3A_145 {
        %add3A_184 = arith.constant 1 : i32
        %add3A_185 = arith.addi %mul3A_109, %add3A_184 : i32
        %add3A_186 = arith.constant 4 : i32
        %add3A_187 = arith.addi %add3A_185, %add3A_186 : i32
        %mul3A_188 = arith.constant 128 : i32
        %mul3A_189 = arith.muli %add3A_187, %mul3A_188 : i32
        %dma_start3A_190 = tpu.memref_slice %arg7[%mul3A_189] : memref<5120xi32, #tpu.memory_space<vmem>> -> memref<128xi32, #tpu.memory_space<vmem>>
        %dma_start3A_191 = arith.constant 0 : i32
        %dma_start3A_192 = arith.constant 0 : i32
        %dma_start3A_193 = tpu.memref_slice %arg18[%dma_start3A_191, %dma_start3A_192] : memref<10000x64xf32, #tpu.memory_space<vmem_shared>> -> memref<10000x64xf32, #tpu.memory_space<vmem_shared>>
        tpu.enqueue_indirect_dma source(%dma_start3A_193 : memref<10000x64xf32, #tpu.memory_space<vmem_shared>>) target(%arg10 : memref<128x64xf32, #tpu.memory_space<vmem>>) offsets(%dma_start3A_190 : memref<128xi32, #tpu.memory_space<vmem>>) semaphore(%arg15 : memref<!tpu.dma_semaphore, #tpu.memory_space<semaphore_mem>>)
      } else {
      }
      %add3A_146 = arith.constant 2 : i32
      %add3A_147 = arith.addi %mul3A_109, %add3A_146 : i32
      %mul3A_148 = arith.constant 128 : i32
      %mul3A_149 = arith.muli %add3A_147, %mul3A_148 : i32
      %dma_wait3A_150 = tpu.memref_slice %arg7[%mul3A_149] : memref<5120xi32, #tpu.memory_space<vmem>> -> memref<128xi32, #tpu.memory_space<vmem>>
      %dma_wait3A_151 = arith.constant 0 : i32
      %dma_wait3A_152 = arith.constant 0 : i32
      %dma_wait3A_153 = tpu.memref_slice %arg18[%dma_wait3A_151, %dma_wait3A_152] : memref<10000x64xf32, #tpu.memory_space<vmem_shared>> -> memref<10000x64xf32, #tpu.memory_space<vmem_shared>>
      tpu.wait_indirect_dma semaphore(%arg16 : memref<!tpu.dma_semaphore, #tpu.memory_space<semaphore_mem>>) src(%dma_wait3A_153 : memref<10000x64xf32, #tpu.memory_space<vmem_shared>>) dst(%arg11 : memref<128x64xf32, #tpu.memory_space<vmem>>)
      %add3A_154 = arith.constant 2 : i32
      %add3A_155 = arith.addi %mul3A_109, %add3A_154 : i32
      "tpu.region"() ({
        %run_scoped3A = tpu.sem_alloc : memref<!tpu.dma_semaphore, #tpu.memory_space<semaphore_mem>>
        %dma_start3A_184 = arith.constant 0 : i32
        %dma_start3A_185 = tpu.memref_slice %arg8[%add3A_155, %dma_start3A_184] : memref<40x128xi32, #tpu.memory_space<vmem>> -> memref<1x128xi32, #tpu.memory_space<vmem>>
        %dma_start3A_186 = tpu.memref_squeeze %dma_start3A_185 : memref<1x128xi32, #tpu.memory_space<vmem>> -> memref<128xi32, #tpu.memory_space<vmem>>
        %dma_start3A_187 = arith.constant 0 : i32
        %dma_start3A_188 = arith.constant 0 : i32
        %dma_start3A_189 = tpu.memref_slice %arg13[%dma_start3A_187, %dma_start3A_188] : memref<10240x64xf32, #tpu.memory_space<vmem_shared>> -> memref<10240x64xf32, #tpu.memory_space<vmem_shared>>
        tpu.enqueue_indirect_dma source(%arg11 : memref<128x64xf32, #tpu.memory_space<vmem>>) target(%dma_start3A_189 : memref<10240x64xf32, #tpu.memory_space<vmem_shared>>) offsets(%dma_start3A_186 : memref<128xi32, #tpu.memory_space<vmem>>) semaphore(%run_scoped3A : memref<!tpu.dma_semaphore, #tpu.memory_space<semaphore_mem>>) {add = true}
        %dma_wait3A_190 = arith.constant 0 : i32
        %dma_wait3A_191 = tpu.memref_slice %arg8[%add3A_155, %dma_wait3A_190] : memref<40x128xi32, #tpu.memory_space<vmem>> -> memref<1x128xi32, #tpu.memory_space<vmem>>
        %dma_wait3A_192 = tpu.memref_squeeze %dma_wait3A_191 : memref<1x128xi32, #tpu.memory_space<vmem>> -> memref<128xi32, #tpu.memory_space<vmem>>
        %dma_wait3A_193 = arith.constant 0 : i32
        %dma_wait3A_194 = arith.constant 0 : i32
        %dma_wait3A_195 = tpu.memref_slice %arg13[%dma_wait3A_193, %dma_wait3A_194] : memref<10240x64xf32, #tpu.memory_space<vmem_shared>> -> memref<10240x64xf32, #tpu.memory_space<vmem_shared>>
        tpu.wait_indirect_dma semaphore(%run_scoped3A : memref<!tpu.dma_semaphore, #tpu.memory_space<semaphore_mem>>) src(%arg11 : memref<128x64xf32, #tpu.memory_space<vmem>>) dst(%dma_wait3A_195 : memref<10240x64xf32, #tpu.memory_space<vmem_shared>>)
        tpu.yield
      }) : () -> ()
      %add3A_156 = arith.constant 2 : i32
      %add3A_157 = arith.addi %mul3A_109, %add3A_156 : i32
      %add3A_158 = arith.constant 4 : i32
      %add3A_159 = arith.addi %add3A_157, %add3A_158 : i32
      %lt3A_160 = arith.constant 40 : i32
      %lt3A_161 = arith.cmpi slt, %add3A_159, %lt3A_160 : i32
      %convert_element_type3A_162 = arith.extui %lt3A_161 : i1 to i32
      %cond3A_163 = arith.constant 0 : i32
      %cond3A_164 = arith.cmpi ne, %convert_element_type3A_162, %cond3A_163 : i32
      scf.if %cond3A_164 {
        %add3A_184 = arith.constant 2 : i32
        %add3A_185 = arith.addi %mul3A_109, %add3A_184 : i32
        %add3A_186 = arith.constant 4 : i32
        %add3A_187 = arith.addi %add3A_185, %add3A_186 : i32
        %mul3A_188 = arith.constant 128 : i32
        %mul3A_189 = arith.muli %add3A_187, %mul3A_188 : i32
        %dma_start3A_190 = tpu.memref_slice %arg7[%mul3A_189] : memref<5120xi32, #tpu.memory_space<vmem>> -> memref<128xi32, #tpu.memory_space<vmem>>
        %dma_start3A_191 = arith.constant 0 : i32
        %dma_start3A_192 = arith.constant 0 : i32
        %dma_start3A_193 = tpu.memref_slice %arg18[%dma_start3A_191, %dma_start3A_192] : memref<10000x64xf32, #tpu.memory_space<vmem_shared>> -> memref<10000x64xf32, #tpu.memory_space<vmem_shared>>
        tpu.enqueue_indirect_dma source(%dma_start3A_193 : memref<10000x64xf32, #tpu.memory_space<vmem_shared>>) target(%arg11 : memref<128x64xf32, #tpu.memory_space<vmem>>) offsets(%dma_start3A_190 : memref<128xi32, #tpu.memory_space<vmem>>) semaphore(%arg16 : memref<!tpu.dma_semaphore, #tpu.memory_space<semaphore_mem>>)
      } else {
      }
      %add3A_165 = arith.constant 3 : i32
      %add3A_166 = arith.addi %mul3A_109, %add3A_165 : i32
      %mul3A_167 = arith.constant 128 : i32
      %mul3A_168 = arith.muli %add3A_166, %mul3A_167 : i32
      %dma_wait3A_169 = tpu.memref_slice %arg7[%mul3A_168] : memref<5120xi32, #tpu.memory_space<vmem>> -> memref<128xi32, #tpu.memory_space<vmem>>
      %dma_wait3A_170 = arith.constant 0 : i32
      %dma_wait3A_171 = arith.constant 0 : i32
      %dma_wait3A_172 = tpu.memref_slice %arg18[%dma_wait3A_170, %dma_wait3A_171] : memref<10000x64xf32, #tpu.memory_space<vmem_shared>> -> memref<10000x64xf32, #tpu.memory_space<vmem_shared>>
      tpu.wait_indirect_dma semaphore(%arg17 : memref<!tpu.dma_semaphore, #tpu.memory_space<semaphore_mem>>) src(%dma_wait3A_172 : memref<10000x64xf32, #tpu.memory_space<vmem_shared>>) dst(%arg12 : memref<128x64xf32, #tpu.memory_space<vmem>>)
      %add3A_173 = arith.constant 3 : i32
      %add3A_174 = arith.addi %mul3A_109, %add3A_173 : i32
      "tpu.region"() ({
        %run_scoped3A = tpu.sem_alloc : memref<!tpu.dma_semaphore, #tpu.memory_space<semaphore_mem>>
        %dma_start3A_184 = arith.constant 0 : i32
        %dma_start3A_185 = tpu.memref_slice %arg8[%add3A_174, %dma_start3A_184] : memref<40x128xi32, #tpu.memory_space<vmem>> -> memref<1x128xi32, #tpu.memory_space<vmem>>
        %dma_start3A_186 = tpu.memref_squeeze %dma_start3A_185 : memref<1x128xi32, #tpu.memory_space<vmem>> -> memref<128xi32, #tpu.memory_space<vmem>>
        %dma_start3A_187 = arith.constant 0 : i32
        %dma_start3A_188 = arith.constant 0 : i32
        %dma_start3A_189 = tpu.memref_slice %arg13[%dma_start3A_187, %dma_start3A_188] : memref<10240x64xf32, #tpu.memory_space<vmem_shared>> -> memref<10240x64xf32, #tpu.memory_space<vmem_shared>>
        tpu.enqueue_indirect_dma source(%arg12 : memref<128x64xf32, #tpu.memory_space<vmem>>) target(%dma_start3A_189 : memref<10240x64xf32, #tpu.memory_space<vmem_shared>>) offsets(%dma_start3A_186 : memref<128xi32, #tpu.memory_space<vmem>>) semaphore(%run_scoped3A : memref<!tpu.dma_semaphore, #tpu.memory_space<semaphore_mem>>) {add = true}
        %dma_wait3A_190 = arith.constant 0 : i32
        %dma_wait3A_191 = tpu.memref_slice %arg8[%add3A_174, %dma_wait3A_190] : memref<40x128xi32, #tpu.memory_space<vmem>> -> memref<1x128xi32, #tpu.memory_space<vmem>>
        %dma_wait3A_192 = tpu.memref_squeeze %dma_wait3A_191 : memref<1x128xi32, #tpu.memory_space<vmem>> -> memref<128xi32, #tpu.memory_space<vmem>>
        %dma_wait3A_193 = arith.constant 0 : i32
        %dma_wait3A_194 = arith.constant 0 : i32
        %dma_wait3A_195 = tpu.memref_slice %arg13[%dma_wait3A_193, %dma_wait3A_194] : memref<10240x64xf32, #tpu.memory_space<vmem_shared>> -> memref<10240x64xf32, #tpu.memory_space<vmem_shared>>
        tpu.wait_indirect_dma semaphore(%run_scoped3A : memref<!tpu.dma_semaphore, #tpu.memory_space<semaphore_mem>>) src(%arg12 : memref<128x64xf32, #tpu.memory_space<vmem>>) dst(%dma_wait3A_195 : memref<10240x64xf32, #tpu.memory_space<vmem_shared>>)
        tpu.yield
      }) : () -> ()
      %add3A_175 = arith.constant 3 : i32
      %add3A_176 = arith.addi %mul3A_109, %add3A_175 : i32
      %add3A_177 = arith.constant 4 : i32
      %add3A_178 = arith.addi %add3A_176, %add3A_177 : i32
      %lt3A_179 = arith.constant 40 : i32
      %lt3A_180 = arith.cmpi slt, %add3A_178, %lt3A_179 : i32
      %convert_element_type3A_181 = arith.extui %lt3A_180 : i1 to i32
      %cond3A_182 = arith.constant 0 : i32
      %cond3A_183 = arith.cmpi ne, %convert_element_type3A_181, %cond3A_182 : i32
      scf.if %cond3A_183 {
        %add3A_184 = arith.constant 3 : i32
        %add3A_185 = arith.addi %mul3A_109, %add3A_184 : i32
        %add3A_186 = arith.constant 4 : i32
        %add3A_187 = arith.addi %add3A_185, %add3A_186 : i32
        %mul3A_188 = arith.constant 128 : i32
        %mul3A_189 = arith.muli %add3A_187, %mul3A_188 : i32
        %dma_start3A_190 = tpu.memref_slice %arg7[%mul3A_189] : memref<5120xi32, #tpu.memory_space<vmem>> -> memref<128xi32, #tpu.memory_space<vmem>>
        %dma_start3A_191 = arith.constant 0 : i32
        %dma_start3A_192 = arith.constant 0 : i32
        %dma_start3A_193 = tpu.memref_slice %arg18[%dma_start3A_191, %dma_start3A_192] : memref<10000x64xf32, #tpu.memory_space<vmem_shared>> -> memref<10000x64xf32, #tpu.memory_space<vmem_shared>>
        tpu.enqueue_indirect_dma source(%dma_start3A_193 : memref<10000x64xf32, #tpu.memory_space<vmem_shared>>) target(%arg12 : memref<128x64xf32, #tpu.memory_space<vmem>>) offsets(%dma_start3A_190 : memref<128xi32, #tpu.memory_space<vmem>>) semaphore(%arg17 : memref<!tpu.dma_semaphore, #tpu.memory_space<semaphore_mem>>)
      } else {
      }
    }
    %scan3A_70 = arith.constant 10 : i32
    %barrier3A_71 = arith.constant 0 : index
    tpu.barrier barrier_id(%barrier3A_71)
    %mul3A_72 = arith.constant 624 : i32
    %mul3A_73 = arith.muli %arg1, %mul3A_72 : i32
    %add3A_74 = arith.constant 0 : i32
    %add3A_75 = arith.addi %mul3A_73, %add3A_74 : i32
    "tpu.region"() ({
      %run_scoped3A = tpu.sem_alloc : memref<!tpu.dma_semaphore, #tpu.memory_space<semaphore_mem>>
      %dma_start3A_107 = arith.constant 0 : i32
      %dma_start3A_108 = arith.constant 0 : i32
      %dma_start3A_109 = tpu.memref_slice %arg9[%dma_start3A_107, %dma_start3A_108] : memref<128x64xf32, #tpu.memory_space<vmem>> -> memref<128x64xf32, #tpu.memory_space<vmem>>
      %dma_start3A_110 = arith.constant 0 : i32
      %dma_start3A_111 = tpu.memref_slice %arg13[%add3A_75, %dma_start3A_110] : memref<10240x64xf32, #tpu.memory_space<vmem_shared>> -> memref<128x64xf32, #tpu.memory_space<vmem_shared>>
      %dma_start3A_112 = arith.constant 0 : i32
      %dma_start3A_113 = arith.constant 0 : i32
      %dma_start3A_114 = tpu.memref_slice %arg9[%dma_start3A_112, %dma_start3A_113] : memref<128x64xf32, #tpu.memory_space<vmem>> -> memref<128x64xf32, #tpu.memory_space<vmem>>
      %dma_start3A_115 = arith.constant 0 : i32
      %dma_start3A_116 = tpu.memref_slice %arg13[%add3A_75, %dma_start3A_115] : memref<10240x64xf32, #tpu.memory_space<vmem_shared>> -> memref<128x64xf32, #tpu.memory_space<vmem_shared>>
      tpu.enqueue_dma source(%dma_start3A_116 : memref<128x64xf32, #tpu.memory_space<vmem_shared>>) target(%dma_start3A_114 : memref<128x64xf32, #tpu.memory_space<vmem>>) target_semaphore(%run_scoped3A : memref<!tpu.dma_semaphore, #tpu.memory_space<semaphore_mem>>)
      %dma_wait3A = arith.constant 0 : i32
      %dma_wait3A_117 = arith.constant 0 : i32
      %dma_wait3A_118 = tpu.memref_slice %arg9[%dma_wait3A, %dma_wait3A_117] : memref<128x64xf32, #tpu.memory_space<vmem>> -> memref<128x64xf32, #tpu.memory_space<vmem>>
      %dma_wait3A_119 = arith.constant 0 : i32
      %dma_wait3A_120 = tpu.memref_slice %arg13[%add3A_75, %dma_wait3A_119] : memref<10240x64xf32, #tpu.memory_space<vmem_shared>> -> memref<128x64xf32, #tpu.memory_space<vmem_shared>>
      %dma_wait3A_121 = arith.constant 0 : i32
      %dma_wait3A_122 = arith.constant 0 : i32
      %dma_wait3A_123 = tpu.memref_slice %arg9[%dma_wait3A_121, %dma_wait3A_122] : memref<128x64xf32, #tpu.memory_space<vmem>> -> memref<128x64xf32, #tpu.memory_space<vmem>>
      %dma_wait3A_124 = arith.constant 0 : i32
      %dma_wait3A_125 = tpu.memref_slice %arg13[%add3A_75, %dma_wait3A_124] : memref<10240x64xf32, #tpu.memory_space<vmem_shared>> -> memref<128x64xf32, #tpu.memory_space<vmem_shared>>
      tpu.wait_dma2 semaphore(%run_scoped3A : memref<!tpu.dma_semaphore, #tpu.memory_space<semaphore_mem>>) src(%dma_wait3A_125 : memref<128x64xf32, #tpu.memory_space<vmem_shared>>) dst(%dma_wait3A_123 : memref<128x64xf32, #tpu.memory_space<vmem>>)
      tpu.yield
    }) : () -> ()
    %mul3A_76 = arith.constant 64 : i32
    %mul3A_77 = arith.muli %arg0, %mul3A_76 : i32
    "tpu.region"() ({
      %run_scoped3A = tpu.sem_alloc : memref<!tpu.dma_semaphore, #tpu.memory_space<semaphore_mem>>
      %dma_start3A_107 = arith.constant 0 : i32
      %dma_start3A_108 = arith.constant 0 : i32
      %dma_start3A_109 = tpu.memref_slice %arg9[%dma_start3A_107, %dma_start3A_108] : memref<128x64xf32, #tpu.memory_space<vmem>> -> memref<128x64xf32, #tpu.memory_space<vmem>>
      %dma_start3A_110 = tpu.memref_slice %arg6[%add3A_75, %mul3A_77] : memref<10000x128xf32, #tpu.memory_space<hbm>> -> memref<128x64xf32, #tpu.memory_space<hbm>>
      %dma_start3A_111 = tpu.memref_slice %arg6[%add3A_75, %mul3A_77] : memref<10000x128xf32, #tpu.memory_space<hbm>> -> memref<128x64xf32, #tpu.memory_space<hbm>>
      %dma_start3A_112 = arith.constant 0 : i32
      %dma_start3A_113 = arith.constant 0 : i32
      %dma_start3A_114 = tpu.memref_slice %arg9[%dma_start3A_112, %dma_start3A_113] : memref<128x64xf32, #tpu.memory_space<vmem>> -> memref<128x64xf32, #tpu.memory_space<vmem>>
      tpu.enqueue_dma source(%dma_start3A_114 : memref<128x64xf32, #tpu.memory_space<vmem>>) target(%dma_start3A_111 : memref<128x64xf32, #tpu.memory_space<hbm>>) target_semaphore(%run_scoped3A : memref<!tpu.dma_semaphore, #tpu.memory_space<semaphore_mem>>)
      %dma_wait3A = arith.constant 0 : i32
      %dma_wait3A_115 = arith.constant 0 : i32
      %dma_wait3A_116 = tpu.memref_slice %arg9[%dma_wait3A, %dma_wait3A_115] : memref<128x64xf32, #tpu.memory_space<vmem>> -> memref<128x64xf32, #tpu.memory_space<vmem>>
      %dma_wait3A_117 = tpu.memref_slice %arg6[%add3A_75, %mul3A_77] : memref<10000x128xf32, #tpu.memory_space<hbm>> -> memref<128x64xf32, #tpu.memory_space<hbm>>
      %dma_wait3A_118 = tpu.memref_slice %arg6[%add3A_75, %mul3A_77] : memref<10000x128xf32, #tpu.memory_space<hbm>> -> memref<128x64xf32, #tpu.memory_space<hbm>>
      %dma_wait3A_119 = arith.constant 0 : i32
      %dma_wait3A_120 = arith.constant 0 : i32
      %dma_wait3A_121 = tpu.memref_slice %arg9[%dma_wait3A_119, %dma_wait3A_120] : memref<128x64xf32, #tpu.memory_space<vmem>> -> memref<128x64xf32, #tpu.memory_space<vmem>>
      tpu.wait_dma2 semaphore(%run_scoped3A : memref<!tpu.dma_semaphore, #tpu.memory_space<semaphore_mem>>) src(%dma_wait3A_121 : memref<128x64xf32, #tpu.memory_space<vmem>>) dst(%dma_wait3A_118 : memref<128x64xf32, #tpu.memory_space<hbm>>)
      tpu.yield
    }) : () -> ()
    %mul3A_78 = arith.constant 624 : i32
    %mul3A_79 = arith.muli %arg1, %mul3A_78 : i32
    %add3A_80 = arith.constant 128 : i32
    %add3A_81 = arith.addi %mul3A_79, %add3A_80 : i32
    "tpu.region"() ({
      %run_scoped3A = tpu.sem_alloc : memref<!tpu.dma_semaphore, #tpu.memory_space<semaphore_mem>>
      %dma_start3A_107 = arith.constant 0 : i32
      %dma_start3A_108 = arith.constant 0 : i32
      %dma_start3A_109 = tpu.memref_slice %arg9[%dma_start3A_107, %dma_start3A_108] : memref<128x64xf32, #tpu.memory_space<vmem>> -> memref<128x64xf32, #tpu.memory_space<vmem>>
      %dma_start3A_110 = arith.constant 0 : i32
      %dma_start3A_111 = tpu.memref_slice %arg13[%add3A_81, %dma_start3A_110] : memref<10240x64xf32, #tpu.memory_space<vmem_shared>> -> memref<128x64xf32, #tpu.memory_space<vmem_shared>>
      %dma_start3A_112 = arith.constant 0 : i32
      %dma_start3A_113 = arith.constant 0 : i32
      %dma_start3A_114 = tpu.memref_slice %arg9[%dma_start3A_112, %dma_start3A_113] : memref<128x64xf32, #tpu.memory_space<vmem>> -> memref<128x64xf32, #tpu.memory_space<vmem>>
      %dma_start3A_115 = arith.constant 0 : i32
      %dma_start3A_116 = tpu.memref_slice %arg13[%add3A_81, %dma_start3A_115] : memref<10240x64xf32, #tpu.memory_space<vmem_shared>> -> memref<128x64xf32, #tpu.memory_space<vmem_shared>>
      tpu.enqueue_dma source(%dma_start3A_116 : memref<128x64xf32, #tpu.memory_space<vmem_shared>>) target(%dma_start3A_114 : memref<128x64xf32, #tpu.memory_space<vmem>>) target_semaphore(%run_scoped3A : memref<!tpu.dma_semaphore, #tpu.memory_space<semaphore_mem>>)
      %dma_wait3A = arith.constant 0 : i32
      %dma_wait3A_117 = arith.constant 0 : i32
      %dma_wait3A_118 = tpu.memref_slice %arg9[%dma_wait3A, %dma_wait3A_117] : memref<128x64xf32, #tpu.memory_space<vmem>> -> memref<128x64xf32, #tpu.memory_space<vmem>>
      %dma_wait3A_119 = arith.constant 0 : i32
      %dma_wait3A_120 = tpu.memref_slice %arg13[%add3A_81, %dma_wait3A_119] : memref<10240x64xf32, #tpu.memory_space<vmem_shared>> -> memref<128x64xf32, #tpu.memory_space<vmem_shared>>
      %dma_wait3A_121 = arith.constant 0 : i32
      %dma_wait3A_122 = arith.constant 0 : i32
      %dma_wait3A_123 = tpu.memref_slice %arg9[%dma_wait3A_121, %dma_wait3A_122] : memref<128x64xf32, #tpu.memory_space<vmem>> -> memref<128x64xf32, #tpu.memory_space<vmem>>
      %dma_wait3A_124 = arith.constant 0 : i32
      %dma_wait3A_125 = tpu.memref_slice %arg13[%add3A_81, %dma_wait3A_124] : memref<10240x64xf32, #tpu.memory_space<vmem_shared>> -> memref<128x64xf32, #tpu.memory_space<vmem_shared>>
      tpu.wait_dma2 semaphore(%run_scoped3A : memref<!tpu.dma_semaphore, #tpu.memory_space<semaphore_mem>>) src(%dma_wait3A_125 : memref<128x64xf32, #tpu.memory_space<vmem_shared>>) dst(%dma_wait3A_123 : memref<128x64xf32, #tpu.memory_space<vmem>>)
      tpu.yield
    }) : () -> ()
    %mul3A_82 = arith.constant 64 : i32
    %mul3A_83 = arith.muli %arg0, %mul3A_82 : i32
    "tpu.region"() ({
      %run_scoped3A = tpu.sem_alloc : memref<!tpu.dma_semaphore, #tpu.memory_space<semaphore_mem>>
      %dma_start3A_107 = arith.constant 0 : i32
      %dma_start3A_108 = arith.constant 0 : i32
      %dma_start3A_109 = tpu.memref_slice %arg9[%dma_start3A_107, %dma_start3A_108] : memref<128x64xf32, #tpu.memory_space<vmem>> -> memref<128x64xf32, #tpu.memory_space<vmem>>
      %dma_start3A_110 = tpu.memref_slice %arg6[%add3A_81, %mul3A_83] : memref<10000x128xf32, #tpu.memory_space<hbm>> -> memref<128x64xf32, #tpu.memory_space<hbm>>
      %dma_start3A_111 = tpu.memref_slice %arg6[%add3A_81, %mul3A_83] : memref<10000x128xf32, #tpu.memory_space<hbm>> -> memref<128x64xf32, #tpu.memory_space<hbm>>
      %dma_start3A_112 = arith.constant 0 : i32
      %dma_start3A_113 = arith.constant 0 : i32
      %dma_start3A_114 = tpu.memref_slice %arg9[%dma_start3A_112, %dma_start3A_113] : memref<128x64xf32, #tpu.memory_space<vmem>> -> memref<128x64xf32, #tpu.memory_space<vmem>>
      tpu.enqueue_dma source(%dma_start3A_114 : memref<128x64xf32, #tpu.memory_space<vmem>>) target(%dma_start3A_111 : memref<128x64xf32, #tpu.memory_space<hbm>>) target_semaphore(%run_scoped3A : memref<!tpu.dma_semaphore, #tpu.memory_space<semaphore_mem>>)
      %dma_wait3A = arith.constant 0 : i32
      %dma_wait3A_115 = arith.constant 0 : i32
      %dma_wait3A_116 = tpu.memref_slice %arg9[%dma_wait3A, %dma_wait3A_115] : memref<128x64xf32, #tpu.memory_space<vmem>> -> memref<128x64xf32, #tpu.memory_space<vmem>>
      %dma_wait3A_117 = tpu.memref_slice %arg6[%add3A_81, %mul3A_83] : memref<10000x128xf32, #tpu.memory_space<hbm>> -> memref<128x64xf32, #tpu.memory_space<hbm>>
      %dma_wait3A_118 = tpu.memref_slice %arg6[%add3A_81, %mul3A_83] : memref<10000x128xf32, #tpu.memory_space<hbm>> -> memref<128x64xf32, #tpu.memory_space<hbm>>
      %dma_wait3A_119 = arith.constant 0 : i32
      %dma_wait3A_120 = arith.constant 0 : i32
      %dma_wait3A_121 = tpu.memref_slice %arg9[%dma_wait3A_119, %dma_wait3A_120] : memref<128x64xf32, #tpu.memory_space<vmem>> -> memref<128x64xf32, #tpu.memory_space<vmem>>
      tpu.wait_dma2 semaphore(%run_scoped3A : memref<!tpu.dma_semaphore, #tpu.memory_space<semaphore_mem>>) src(%dma_wait3A_121 : memref<128x64xf32, #tpu.memory_space<vmem>>) dst(%dma_wait3A_118 : memref<128x64xf32, #tpu.memory_space<hbm>>)
      tpu.yield
    }) : () -> ()
    %mul3A_84 = arith.constant 624 : i32
    %mul3A_85 = arith.muli %arg1, %mul3A_84 : i32
    %add3A_86 = arith.constant 256 : i32
    %add3A_87 = arith.addi %mul3A_85, %add3A_86 : i32
    "tpu.region"() ({
      %run_scoped3A = tpu.sem_alloc : memref<!tpu.dma_semaphore, #tpu.memory_space<semaphore_mem>>
      %dma_start3A_107 = arith.constant 0 : i32
      %dma_start3A_108 = arith.constant 0 : i32
      %dma_start3A_109 = tpu.memref_slice %arg9[%dma_start3A_107, %dma_start3A_108] : memref<128x64xf32, #tpu.memory_space<vmem>> -> memref<128x64xf32, #tpu.memory_space<vmem>>
      %dma_start3A_110 = arith.constant 0 : i32
      %dma_start3A_111 = tpu.memref_slice %arg13[%add3A_87, %dma_start3A_110] : memref<10240x64xf32, #tpu.memory_space<vmem_shared>> -> memref<128x64xf32, #tpu.memory_space<vmem_shared>>
      %dma_start3A_112 = arith.constant 0 : i32
      %dma_start3A_113 = arith.constant 0 : i32
      %dma_start3A_114 = tpu.memref_slice %arg9[%dma_start3A_112, %dma_start3A_113] : memref<128x64xf32, #tpu.memory_space<vmem>> -> memref<128x64xf32, #tpu.memory_space<vmem>>
      %dma_start3A_115 = arith.constant 0 : i32
      %dma_start3A_116 = tpu.memref_slice %arg13[%add3A_87, %dma_start3A_115] : memref<10240x64xf32, #tpu.memory_space<vmem_shared>> -> memref<128x64xf32, #tpu.memory_space<vmem_shared>>
      tpu.enqueue_dma source(%dma_start3A_116 : memref<128x64xf32, #tpu.memory_space<vmem_shared>>) target(%dma_start3A_114 : memref<128x64xf32, #tpu.memory_space<vmem>>) target_semaphore(%run_scoped3A : memref<!tpu.dma_semaphore, #tpu.memory_space<semaphore_mem>>)
      %dma_wait3A = arith.constant 0 : i32
      %dma_wait3A_117 = arith.constant 0 : i32
      %dma_wait3A_118 = tpu.memref_slice %arg9[%dma_wait3A, %dma_wait3A_117] : memref<128x64xf32, #tpu.memory_space<vmem>> -> memref<128x64xf32, #tpu.memory_space<vmem>>
      %dma_wait3A_119 = arith.constant 0 : i32
      %dma_wait3A_120 = tpu.memref_slice %arg13[%add3A_87, %dma_wait3A_119] : memref<10240x64xf32, #tpu.memory_space<vmem_shared>> -> memref<128x64xf32, #tpu.memory_space<vmem_shared>>
      %dma_wait3A_121 = arith.constant 0 : i32
      %dma_wait3A_122 = arith.constant 0 : i32
      %dma_wait3A_123 = tpu.memref_slice %arg9[%dma_wait3A_121, %dma_wait3A_122] : memref<128x64xf32, #tpu.memory_space<vmem>> -> memref<128x64xf32, #tpu.memory_space<vmem>>
      %dma_wait3A_124 = arith.constant 0 : i32
      %dma_wait3A_125 = tpu.memref_slice %arg13[%add3A_87, %dma_wait3A_124] : memref<10240x64xf32, #tpu.memory_space<vmem_shared>> -> memref<128x64xf32, #tpu.memory_space<vmem_shared>>
      tpu.wait_dma2 semaphore(%run_scoped3A : memref<!tpu.dma_semaphore, #tpu.memory_space<semaphore_mem>>) src(%dma_wait3A_125 : memref<128x64xf32, #tpu.memory_space<vmem_shared>>) dst(%dma_wait3A_123 : memref<128x64xf32, #tpu.memory_space<vmem>>)
      tpu.yield
    }) : () -> ()
    %mul3A_88 = arith.constant 64 : i32
    %mul3A_89 = arith.muli %arg0, %mul3A_88 : i32
    "tpu.region"() ({
      %run_scoped3A = tpu.sem_alloc : memref<!tpu.dma_semaphore, #tpu.memory_space<semaphore_mem>>
      %dma_start3A_107 = arith.constant 0 : i32
      %dma_start3A_108 = arith.constant 0 : i32
      %dma_start3A_109 = tpu.memref_slice %arg9[%dma_start3A_107, %dma_start3A_108] : memref<128x64xf32, #tpu.memory_space<vmem>> -> memref<128x64xf32, #tpu.memory_space<vmem>>
      %dma_start3A_110 = tpu.memref_slice %arg6[%add3A_87, %mul3A_89] : memref<10000x128xf32, #tpu.memory_space<hbm>> -> memref<128x64xf32, #tpu.memory_space<hbm>>
      %dma_start3A_111 = tpu.memref_slice %arg6[%add3A_87, %mul3A_89] : memref<10000x128xf32, #tpu.memory_space<hbm>> -> memref<128x64xf32, #tpu.memory_space<hbm>>
      %dma_start3A_112 = arith.constant 0 : i32
      %dma_start3A_113 = arith.constant 0 : i32
      %dma_start3A_114 = tpu.memref_slice %arg9[%dma_start3A_112, %dma_start3A_113] : memref<128x64xf32, #tpu.memory_space<vmem>> -> memref<128x64xf32, #tpu.memory_space<vmem>>
      tpu.enqueue_dma source(%dma_start3A_114 : memref<128x64xf32, #tpu.memory_space<vmem>>) target(%dma_start3A_111 : memref<128x64xf32, #tpu.memory_space<hbm>>) target_semaphore(%run_scoped3A : memref<!tpu.dma_semaphore, #tpu.memory_space<semaphore_mem>>)
      %dma_wait3A = arith.constant 0 : i32
      %dma_wait3A_115 = arith.constant 0 : i32
      %dma_wait3A_116 = tpu.memref_slice %arg9[%dma_wait3A, %dma_wait3A_115] : memref<128x64xf32, #tpu.memory_space<vmem>> -> memref<128x64xf32, #tpu.memory_space<vmem>>
      %dma_wait3A_117 = tpu.memref_slice %arg6[%add3A_87, %mul3A_89] : memref<10000x128xf32, #tpu.memory_space<hbm>> -> memref<128x64xf32, #tpu.memory_space<hbm>>
      %dma_wait3A_118 = tpu.memref_slice %arg6[%add3A_87, %mul3A_89] : memref<10000x128xf32, #tpu.memory_space<hbm>> -> memref<128x64xf32, #tpu.memory_space<hbm>>
      %dma_wait3A_119 = arith.constant 0 : i32
      %dma_wait3A_120 = arith.constant 0 : i32
      %dma_wait3A_121 = tpu.memref_slice %arg9[%dma_wait3A_119, %dma_wait3A_120] : memref<128x64xf32, #tpu.memory_space<vmem>> -> memref<128x64xf32, #tpu.memory_space<vmem>>
      tpu.wait_dma2 semaphore(%run_scoped3A : memref<!tpu.dma_semaphore, #tpu.memory_space<semaphore_mem>>) src(%dma_wait3A_121 : memref<128x64xf32, #tpu.memory_space<vmem>>) dst(%dma_wait3A_118 : memref<128x64xf32, #tpu.memory_space<hbm>>)
      tpu.yield
    }) : () -> ()
    %mul3A_90 = arith.constant 624 : i32
    %mul3A_91 = arith.muli %arg1, %mul3A_90 : i32
    %add3A_92 = arith.constant 384 : i32
    %add3A_93 = arith.addi %mul3A_91, %add3A_92 : i32
    "tpu.region"() ({
      %run_scoped3A = tpu.sem_alloc : memref<!tpu.dma_semaphore, #tpu.memory_space<semaphore_mem>>
      %dma_start3A_107 = arith.constant 0 : i32
      %dma_start3A_108 = arith.constant 0 : i32
      %dma_start3A_109 = tpu.memref_slice %arg9[%dma_start3A_107, %dma_start3A_108] : memref<128x64xf32, #tpu.memory_space<vmem>> -> memref<128x64xf32, #tpu.memory_space<vmem>>
      %dma_start3A_110 = arith.constant 0 : i32
      %dma_start3A_111 = tpu.memref_slice %arg13[%add3A_93, %dma_start3A_110] : memref<10240x64xf32, #tpu.memory_space<vmem_shared>> -> memref<128x64xf32, #tpu.memory_space<vmem_shared>>
      %dma_start3A_112 = arith.constant 0 : i32
      %dma_start3A_113 = arith.constant 0 : i32
      %dma_start3A_114 = tpu.memref_slice %arg9[%dma_start3A_112, %dma_start3A_113] : memref<128x64xf32, #tpu.memory_space<vmem>> -> memref<128x64xf32, #tpu.memory_space<vmem>>
      %dma_start3A_115 = arith.constant 0 : i32
      %dma_start3A_116 = tpu.memref_slice %arg13[%add3A_93, %dma_start3A_115] : memref<10240x64xf32, #tpu.memory_space<vmem_shared>> -> memref<128x64xf32, #tpu.memory_space<vmem_shared>>
      tpu.enqueue_dma source(%dma_start3A_116 : memref<128x64xf32, #tpu.memory_space<vmem_shared>>) target(%dma_start3A_114 : memref<128x64xf32, #tpu.memory_space<vmem>>) target_semaphore(%run_scoped3A : memref<!tpu.dma_semaphore, #tpu.memory_space<semaphore_mem>>)
      %dma_wait3A = arith.constant 0 : i32
      %dma_wait3A_117 = arith.constant 0 : i32
      %dma_wait3A_118 = tpu.memref_slice %arg9[%dma_wait3A, %dma_wait3A_117] : memref<128x64xf32, #tpu.memory_space<vmem>> -> memref<128x64xf32, #tpu.memory_space<vmem>>
      %dma_wait3A_119 = arith.constant 0 : i32
      %dma_wait3A_120 = tpu.memref_slice %arg13[%add3A_93, %dma_wait3A_119] : memref<10240x64xf32, #tpu.memory_space<vmem_shared>> -> memref<128x64xf32, #tpu.memory_space<vmem_shared>>
      %dma_wait3A_121 = arith.constant 0 : i32
      %dma_wait3A_122 = arith.constant 0 : i32
      %dma_wait3A_123 = tpu.memref_slice %arg9[%dma_wait3A_121, %dma_wait3A_122] : memref<128x64xf32, #tpu.memory_space<vmem>> -> memref<128x64xf32, #tpu.memory_space<vmem>>
      %dma_wait3A_124 = arith.constant 0 : i32
      %dma_wait3A_125 = tpu.memref_slice %arg13[%add3A_93, %dma_wait3A_124] : memref<10240x64xf32, #tpu.memory_space<vmem_shared>> -> memref<128x64xf32, #tpu.memory_space<vmem_shared>>
      tpu.wait_dma2 semaphore(%run_scoped3A : memref<!tpu.dma_semaphore, #tpu.memory_space<semaphore_mem>>) src(%dma_wait3A_125 : memref<128x64xf32, #tpu.memory_space<vmem_shared>>) dst(%dma_wait3A_123 : memref<128x64xf32, #tpu.memory_space<vmem>>)
      tpu.yield
    }) : () -> ()
    %mul3A_94 = arith.constant 64 : i32
    %mul3A_95 = arith.muli %arg0, %mul3A_94 : i32
    "tpu.region"() ({
      %run_scoped3A = tpu.sem_alloc : memref<!tpu.dma_semaphore, #tpu.memory_space<semaphore_mem>>
      %dma_start3A_107 = arith.constant 0 : i32
      %dma_start3A_108 = arith.constant 0 : i32
      %dma_start3A_109 = tpu.memref_slice %arg9[%dma_start3A_107, %dma_start3A_108] : memref<128x64xf32, #tpu.memory_space<vmem>> -> memref<128x64xf32, #tpu.memory_space<vmem>>
      %dma_start3A_110 = tpu.memref_slice %arg6[%add3A_93, %mul3A_95] : memref<10000x128xf32, #tpu.memory_space<hbm>> -> memref<128x64xf32, #tpu.memory_space<hbm>>
      %dma_start3A_111 = tpu.memref_slice %arg6[%add3A_93, %mul3A_95] : memref<10000x128xf32, #tpu.memory_space<hbm>> -> memref<128x64xf32, #tpu.memory_space<hbm>>
      %dma_start3A_112 = arith.constant 0 : i32
      %dma_start3A_113 = arith.constant 0 : i32
      %dma_start3A_114 = tpu.memref_slice %arg9[%dma_start3A_112, %dma_start3A_113] : memref<128x64xf32, #tpu.memory_space<vmem>> -> memref<128x64xf32, #tpu.memory_space<vmem>>
      tpu.enqueue_dma source(%dma_start3A_114 : memref<128x64xf32, #tpu.memory_space<vmem>>) target(%dma_start3A_111 : memref<128x64xf32, #tpu.memory_space<hbm>>) target_semaphore(%run_scoped3A : memref<!tpu.dma_semaphore, #tpu.memory_space<semaphore_mem>>)
      %dma_wait3A = arith.constant 0 : i32
      %dma_wait3A_115 = arith.constant 0 : i32
      %dma_wait3A_116 = tpu.memref_slice %arg9[%dma_wait3A, %dma_wait3A_115] : memref<128x64xf32, #tpu.memory_space<vmem>> -> memref<128x64xf32, #tpu.memory_space<vmem>>
      %dma_wait3A_117 = tpu.memref_slice %arg6[%add3A_93, %mul3A_95] : memref<10000x128xf32, #tpu.memory_space<hbm>> -> memref<128x64xf32, #tpu.memory_space<hbm>>
      %dma_wait3A_118 = tpu.memref_slice %arg6[%add3A_93, %mul3A_95] : memref<10000x128xf32, #tpu.memory_space<hbm>> -> memref<128x64xf32, #tpu.memory_space<hbm>>
      %dma_wait3A_119 = arith.constant 0 : i32
      %dma_wait3A_120 = arith.constant 0 : i32
      %dma_wait3A_121 = tpu.memref_slice %arg9[%dma_wait3A_119, %dma_wait3A_120] : memref<128x64xf32, #tpu.memory_space<vmem>> -> memref<128x64xf32, #tpu.memory_space<vmem>>
      tpu.wait_dma2 semaphore(%run_scoped3A : memref<!tpu.dma_semaphore, #tpu.memory_space<semaphore_mem>>) src(%dma_wait3A_121 : memref<128x64xf32, #tpu.memory_space<vmem>>) dst(%dma_wait3A_118 : memref<128x64xf32, #tpu.memory_space<hbm>>)
      tpu.yield
    }) : () -> ()
    %mul3A_96 = arith.constant 624 : i32
    %mul3A_97 = arith.muli %arg1, %mul3A_96 : i32
    %add3A_98 = arith.constant 512 : i32
    %add3A_99 = arith.addi %mul3A_97, %add3A_98 : i32
    "tpu.region"() ({
      %run_scoped3A = tpu.sem_alloc : memref<!tpu.dma_semaphore, #tpu.memory_space<semaphore_mem>>
      %dma_start3A_107 = arith.constant 0 : i32
      %dma_start3A_108 = arith.constant 0 : i32
      %dma_start3A_109 = tpu.memref_slice %arg9[%dma_start3A_107, %dma_start3A_108] : memref<128x64xf32, #tpu.memory_space<vmem>> -> memref<112x64xf32, #tpu.memory_space<vmem>>
      %dma_start3A_110 = arith.constant 0 : i32
      %dma_start3A_111 = tpu.memref_slice %arg13[%add3A_99, %dma_start3A_110] : memref<10240x64xf32, #tpu.memory_space<vmem_shared>> -> memref<112x64xf32, #tpu.memory_space<vmem_shared>>
      %dma_start3A_112 = arith.constant 0 : i32
      %dma_start3A_113 = arith.constant 0 : i32
      %dma_start3A_114 = tpu.memref_slice %arg9[%dma_start3A_112, %dma_start3A_113] : memref<128x64xf32, #tpu.memory_space<vmem>> -> memref<112x64xf32, #tpu.memory_space<vmem>>
      %dma_start3A_115 = arith.constant 0 : i32
      %dma_start3A_116 = tpu.memref_slice %arg13[%add3A_99, %dma_start3A_115] : memref<10240x64xf32, #tpu.memory_space<vmem_shared>> -> memref<112x64xf32, #tpu.memory_space<vmem_shared>>
      tpu.enqueue_dma source(%dma_start3A_116 : memref<112x64xf32, #tpu.memory_space<vmem_shared>>) target(%dma_start3A_114 : memref<112x64xf32, #tpu.memory_space<vmem>>) target_semaphore(%run_scoped3A : memref<!tpu.dma_semaphore, #tpu.memory_space<semaphore_mem>>)
      %dma_wait3A = arith.constant 0 : i32
      %dma_wait3A_117 = arith.constant 0 : i32
      %dma_wait3A_118 = tpu.memref_slice %arg9[%dma_wait3A, %dma_wait3A_117] : memref<128x64xf32, #tpu.memory_space<vmem>> -> memref<112x64xf32, #tpu.memory_space<vmem>>
      %dma_wait3A_119 = arith.constant 0 : i32
      %dma_wait3A_120 = tpu.memref_slice %arg13[%add3A_99, %dma_wait3A_119] : memref<10240x64xf32, #tpu.memory_space<vmem_shared>> -> memref<112x64xf32, #tpu.memory_space<vmem_shared>>
      %dma_wait3A_121 = arith.constant 0 : i32
      %dma_wait3A_122 = arith.constant 0 : i32
      %dma_wait3A_123 = tpu.memref_slice %arg9[%dma_wait3A_121, %dma_wait3A_122] : memref<128x64xf32, #tpu.memory_space<vmem>> -> memref<112x64xf32, #tpu.memory_space<vmem>>
      %dma_wait3A_124 = arith.constant 0 : i32
      %dma_wait3A_125 = tpu.memref_slice %arg13[%add3A_99, %dma_wait3A_124] : memref<10240x64xf32, #tpu.memory_space<vmem_shared>> -> memref<112x64xf32, #tpu.memory_space<vmem_shared>>
      tpu.wait_dma2 semaphore(%run_scoped3A : memref<!tpu.dma_semaphore, #tpu.memory_space<semaphore_mem>>) src(%dma_wait3A_125 : memref<112x64xf32, #tpu.memory_space<vmem_shared>>) dst(%dma_wait3A_123 : memref<112x64xf32, #tpu.memory_space<vmem>>)
      tpu.yield
    }) : () -> ()
    %mul3A_100 = arith.constant 64 : i32
    %mul3A_101 = arith.muli %arg0, %mul3A_100 : i32
    "tpu.region"() ({
      %run_scoped3A = tpu.sem_alloc : memref<!tpu.dma_semaphore, #tpu.memory_space<semaphore_mem>>
      %dma_start3A_107 = arith.constant 0 : i32
      %dma_start3A_108 = arith.constant 0 : i32
      %dma_start3A_109 = tpu.memref_slice %arg9[%dma_start3A_107, %dma_start3A_108] : memref<128x64xf32, #tpu.memory_space<vmem>> -> memref<112x64xf32, #tpu.memory_space<vmem>>
      %dma_start3A_110 = tpu.memref_slice %arg6[%add3A_99, %mul3A_101] : memref<10000x128xf32, #tpu.memory_space<hbm>> -> memref<112x64xf32, #tpu.memory_space<hbm>>
      %dma_start3A_111 = tpu.memref_slice %arg6[%add3A_99, %mul3A_101] : memref<10000x128xf32, #tpu.memory_space<hbm>> -> memref<112x64xf32, #tpu.memory_space<hbm>>
      %dma_start3A_112 = arith.constant 0 : i32
      %dma_start3A_113 = arith.constant 0 : i32
      %dma_start3A_114 = tpu.memref_slice %arg9[%dma_start3A_112, %dma_start3A_113] : memref<128x64xf32, #tpu.memory_space<vmem>> -> memref<112x64xf32, #tpu.memory_space<vmem>>
      tpu.enqueue_dma source(%dma_start3A_114 : memref<112x64xf32, #tpu.memory_space<vmem>>) target(%dma_start3A_111 : memref<112x64xf32, #tpu.memory_space<hbm>>) target_semaphore(%run_scoped3A : memref<!tpu.dma_semaphore, #tpu.memory_space<semaphore_mem>>)
      %dma_wait3A = arith.constant 0 : i32
      %dma_wait3A_115 = arith.constant 0 : i32
      %dma_wait3A_116 = tpu.memref_slice %arg9[%dma_wait3A, %dma_wait3A_115] : memref<128x64xf32, #tpu.memory_space<vmem>> -> memref<112x64xf32, #tpu.memory_space<vmem>>
      %dma_wait3A_117 = tpu.memref_slice %arg6[%add3A_99, %mul3A_101] : memref<10000x128xf32, #tpu.memory_space<hbm>> -> memref<112x64xf32, #tpu.memory_space<hbm>>
      %dma_wait3A_118 = tpu.memref_slice %arg6[%add3A_99, %mul3A_101] : memref<10000x128xf32, #tpu.memory_space<hbm>> -> memref<112x64xf32, #tpu.memory_space<hbm>>
      %dma_wait3A_119 = arith.constant 0 : i32
      %dma_wait3A_120 = arith.constant 0 : i32
      %dma_wait3A_121 = tpu.memref_slice %arg9[%dma_wait3A_119, %dma_wait3A_120] : memref<128x64xf32, #tpu.memory_space<vmem>> -> memref<112x64xf32, #tpu.memory_space<vmem>>
      tpu.wait_dma2 semaphore(%run_scoped3A : memref<!tpu.dma_semaphore, #tpu.memory_space<semaphore_mem>>) src(%dma_wait3A_121 : memref<112x64xf32, #tpu.memory_space<vmem>>) dst(%dma_wait3A_118 : memref<112x64xf32, #tpu.memory_space<hbm>>)
      tpu.yield
    }) : () -> ()
    %eq3A_102 = arith.constant 15 : i32
    %eq3A_103 = arith.cmpi eq, %arg1, %eq3A_102 : i32
    %convert_element_type3A_104 = arith.extui %eq3A_103 : i1 to i32
    %cond3A_105 = arith.constant 0 : i32
    %cond3A_106 = arith.cmpi ne, %convert_element_type3A_104, %cond3A_105 : i32
    scf.if %cond3A_106 {
      "tpu.region"() ({
        %run_scoped3A = tpu.sem_alloc : memref<!tpu.dma_semaphore, #tpu.memory_space<semaphore_mem>>
        %dma_start3A_109 = arith.constant 0 : i32
        %dma_start3A_110 = arith.constant 0 : i32
        %dma_start3A_111 = tpu.memref_slice %arg9[%dma_start3A_109, %dma_start3A_110] : memref<128x64xf32, #tpu.memory_space<vmem>> -> memref<16x64xf32, #tpu.memory_space<vmem>>
        %dma_start3A_112 = arith.constant 9984 : i32
        %dma_start3A_113 = arith.constant 0 : i32
        %dma_start3A_114 = tpu.memref_slice %arg13[%dma_start3A_112, %dma_start3A_113] : memref<10240x64xf32, #tpu.memory_space<vmem_shared>> -> memref<16x64xf32, #tpu.memory_space<vmem_shared>>
        %dma_start3A_115 = arith.constant 0 : i32
        %dma_start3A_116 = arith.constant 0 : i32
        %dma_start3A_117 = tpu.memref_slice %arg9[%dma_start3A_115, %dma_start3A_116] : memref<128x64xf32, #tpu.memory_space<vmem>> -> memref<16x64xf32, #tpu.memory_space<vmem>>
        %dma_start3A_118 = arith.constant 9984 : i32
        %dma_start3A_119 = arith.constant 0 : i32
        %dma_start3A_120 = tpu.memref_slice %arg13[%dma_start3A_118, %dma_start3A_119] : memref<10240x64xf32, #tpu.memory_space<vmem_shared>> -> memref<16x64xf32, #tpu.memory_space<vmem_shared>>
        tpu.enqueue_dma source(%dma_start3A_120 : memref<16x64xf32, #tpu.memory_space<vmem_shared>>) target(%dma_start3A_117 : memref<16x64xf32, #tpu.memory_space<vmem>>) target_semaphore(%run_scoped3A : memref<!tpu.dma_semaphore, #tpu.memory_space<semaphore_mem>>)
        %dma_wait3A = arith.constant 0 : i32
        %dma_wait3A_121 = arith.constant 0 : i32
        %dma_wait3A_122 = tpu.memref_slice %arg9[%dma_wait3A, %dma_wait3A_121] : memref<128x64xf32, #tpu.memory_space<vmem>> -> memref<16x64xf32, #tpu.memory_space<vmem>>
        %dma_wait3A_123 = arith.constant 9984 : i32
        %dma_wait3A_124 = arith.constant 0 : i32
        %dma_wait3A_125 = tpu.memref_slice %arg13[%dma_wait3A_123, %dma_wait3A_124] : memref<10240x64xf32, #tpu.memory_space<vmem_shared>> -> memref<16x64xf32, #tpu.memory_space<vmem_shared>>
        %dma_wait3A_126 = arith.constant 0 : i32
        %dma_wait3A_127 = arith.constant 0 : i32
        %dma_wait3A_128 = tpu.memref_slice %arg9[%dma_wait3A_126, %dma_wait3A_127] : memref<128x64xf32, #tpu.memory_space<vmem>> -> memref<16x64xf32, #tpu.memory_space<vmem>>
        %dma_wait3A_129 = arith.constant 9984 : i32
        %dma_wait3A_130 = arith.constant 0 : i32
        %dma_wait3A_131 = tpu.memref_slice %arg13[%dma_wait3A_129, %dma_wait3A_130] : memref<10240x64xf32, #tpu.memory_space<vmem_shared>> -> memref<16x64xf32, #tpu.memory_space<vmem_shared>>
        tpu.wait_dma2 semaphore(%run_scoped3A : memref<!tpu.dma_semaphore, #tpu.memory_space<semaphore_mem>>) src(%dma_wait3A_131 : memref<16x64xf32, #tpu.memory_space<vmem_shared>>) dst(%dma_wait3A_128 : memref<16x64xf32, #tpu.memory_space<vmem>>)
        tpu.yield
      }) : () -> ()
      %mul3A_107 = arith.constant 64 : i32
      %mul3A_108 = arith.muli %arg0, %mul3A_107 : i32
      "tpu.region"() ({
        %run_scoped3A = tpu.sem_alloc : memref<!tpu.dma_semaphore, #tpu.memory_space<semaphore_mem>>
        %dma_start3A_109 = arith.constant 0 : i32
        %dma_start3A_110 = arith.constant 0 : i32
        %dma_start3A_111 = tpu.memref_slice %arg9[%dma_start3A_109, %dma_start3A_110] : memref<128x64xf32, #tpu.memory_space<vmem>> -> memref<16x64xf32, #tpu.memory_space<vmem>>
        %dma_start3A_112 = arith.constant 9984 : i32
        %dma_start3A_113 = tpu.memref_slice %arg6[%dma_start3A_112, %mul3A_108] : memref<10000x128xf32, #tpu.memory_space<hbm>> -> memref<16x64xf32, #tpu.memory_space<hbm>>
        %dma_start3A_114 = arith.constant 9984 : i32
        %dma_start3A_115 = tpu.memref_slice %arg6[%dma_start3A_114, %mul3A_108] : memref<10000x128xf32, #tpu.memory_space<hbm>> -> memref<16x64xf32, #tpu.memory_space<hbm>>
        %dma_start3A_116 = arith.constant 0 : i32
        %dma_start3A_117 = arith.constant 0 : i32
        %dma_start3A_118 = tpu.memref_slice %arg9[%dma_start3A_116, %dma_start3A_117] : memref<128x64xf32, #tpu.memory_space<vmem>> -> memref<16x64xf32, #tpu.memory_space<vmem>>
        tpu.enqueue_dma source(%dma_start3A_118 : memref<16x64xf32, #tpu.memory_space<vmem>>) target(%dma_start3A_115 : memref<16x64xf32, #tpu.memory_space<hbm>>) target_semaphore(%run_scoped3A : memref<!tpu.dma_semaphore, #tpu.memory_space<semaphore_mem>>)
        %dma_wait3A = arith.constant 0 : i32
        %dma_wait3A_119 = arith.constant 0 : i32
        %dma_wait3A_120 = tpu.memref_slice %arg9[%dma_wait3A, %dma_wait3A_119] : memref<128x64xf32, #tpu.memory_space<vmem>> -> memref<16x64xf32, #tpu.memory_space<vmem>>
        %dma_wait3A_121 = arith.constant 9984 : i32
        %dma_wait3A_122 = tpu.memref_slice %arg6[%dma_wait3A_121, %mul3A_108] : memref<10000x128xf32, #tpu.memory_space<hbm>> -> memref<16x64xf32, #tpu.memory_space<hbm>>
        %dma_wait3A_123 = arith.constant 9984 : i32
        %dma_wait3A_124 = tpu.memref_slice %arg6[%dma_wait3A_123, %mul3A_108] : memref<10000x128xf32, #tpu.memory_space<hbm>> -> memref<16x64xf32, #tpu.memory_space<hbm>>
        %dma_wait3A_125 = arith.constant 0 : i32
        %dma_wait3A_126 = arith.constant 0 : i32
        %dma_wait3A_127 = tpu.memref_slice %arg9[%dma_wait3A_125, %dma_wait3A_126] : memref<128x64xf32, #tpu.memory_space<vmem>> -> memref<16x64xf32, #tpu.memory_space<vmem>>
        tpu.wait_dma2 semaphore(%run_scoped3A : memref<!tpu.dma_semaphore, #tpu.memory_space<semaphore_mem>>) src(%dma_wait3A_127 : memref<16x64xf32, #tpu.memory_space<vmem>>) dst(%dma_wait3A_124 : memref<16x64xf32, #tpu.memory_space<hbm>>)
        tpu.yield
      }) : () -> ()
    } else {
    }
    return
  }
}

module attributes {stable_mosaic.version = 14 : i64} {
  func.func @_mm2_body(%arg0: i32, %arg1: memref<2000x256xf32, #tpu.memory_space<vmem>>, %arg2: memref<2x64x256xf32, #tpu.memory_space<vmem>>, %arg3: memref<2x64x256xf32, #tpu.memory_space<vmem>>, %arg4: memref<2000x128xf32, #tpu.memory_space<vmem>>, %arg5: memref<2000x128xf32, #tpu.memory_space<vmem>>) attributes {dimension_semantics = [#tpu.dimension_semantics<arbitrary>], iteration_bounds = array<i64: 5>, scalar_prefetch = 0 : i64, scratch_operands = 0 : i64, tpu.core_type = #tpu.core_type<tc>, window_params = [{transform_indices = @transform_0, window_bounds = array<i64: 2000, 256>}, {pipeline_mode = #tpu.pipeline_mode<synchronous>, transform_indices = @transform_1, window_bounds = array<i64: 2, 64, 256>}, {pipeline_mode = #tpu.pipeline_mode<synchronous>, transform_indices = @transform_2, window_bounds = array<i64: 2, 64, 256>}, {transform_indices = @transform_3, window_bounds = array<i64: 2000, 128>}, {transform_indices = @transform_4, window_bounds = array<i64: 2000, 128>}]} {
    %get3A = arith.constant 0 : index
    %get3A_0 = arith.constant 0 : index
    %get3A_1 = vector.load %arg1[%get3A, %get3A_0] : memref<2000x256xf32, #tpu.memory_space<vmem>>, vector<2000x256xf32>
    %get3A_2 = arith.constant 0 : index
    %get3A_3 = arith.constant 0 : index
    %get3A_4 = arith.constant 0 : index
    %get3A_5 = vector.load %arg2[%get3A_2, %get3A_3, %get3A_4] : memref<2x64x256xf32, #tpu.memory_space<vmem>>, vector<2x64x256xf32>
    %slice3A = vector.extract_strided_slice %get3A_5 {offsets = [0, 0, 0], sizes = [1, 64, 256], strides = [1, 1, 1]} : vector<2x64x256xf32> to vector<1x64x256xf32>
    %squeeze3A = vector.shape_cast %slice3A : vector<1x64x256xf32> to vector<64x256xf32>
    %dot_general3A = arith.constant dense<0.000000e+00> : vector<2000x64xf32>
    %dot_general3A_6 = tpu.matmul %get3A_1, %squeeze3A, %dot_general3A {dimension_numbers = #tpu.dot_dimension_numbers<[1], [1], [0], [0], [0, 0, 1, 0], [], []>, transpose_lhs_hint = false} : vector<2000x256xf32>, vector<64x256xf32>, vector<2000x64xf32> -> vector<2000x64xf32>
    %slice3A_7 = vector.extract_strided_slice %get3A_5 {offsets = [1, 0, 0], sizes = [1, 64, 256], strides = [1, 1, 1]} : vector<2x64x256xf32> to vector<1x64x256xf32>
    %squeeze3A_8 = vector.shape_cast %slice3A_7 : vector<1x64x256xf32> to vector<64x256xf32>
    %dot_general3A_9 = arith.constant dense<0.000000e+00> : vector<2000x64xf32>
    %dot_general3A_10 = tpu.matmul %get3A_1, %squeeze3A_8, %dot_general3A_9 {dimension_numbers = #tpu.dot_dimension_numbers<[1], [1], [0], [0], [0, 0, 1, 0], [], []>, transpose_lhs_hint = false} : vector<2000x256xf32>, vector<64x256xf32>, vector<2000x64xf32> -> vector<2000x64xf32>
    %concatenate3A = tpu.concatenate %dot_general3A_6, %dot_general3A_10 in 1 : vector<2000x64xf32>, vector<2000x64xf32> -> vector<2000x128xf32>
    %swap3A = arith.constant 0 : index
    %swap3A_11 = arith.constant 0 : index
    %swap3A_12 = vector.load %arg4[%swap3A, %swap3A_11] : memref<2000x128xf32, #tpu.memory_space<vmem>>, vector<2000x128xf32>
    tpu.vector_store %arg4[%swap3A, %swap3A_11], %concatenate3A {strides = array<i32>} : memref<2000x128xf32, #tpu.memory_space<vmem>>, vector<2000x128xf32>,
    %get3A_13 = arith.constant 0 : index
    %get3A_14 = arith.constant 0 : index
    %get3A_15 = arith.constant 0 : index
    %get3A_16 = vector.load %arg3[%get3A_13, %get3A_14, %get3A_15] : memref<2x64x256xf32, #tpu.memory_space<vmem>>, vector<2x64x256xf32>
    %slice3A_17 = vector.extract_strided_slice %get3A_16 {offsets = [0, 0, 0], sizes = [1, 64, 256], strides = [1, 1, 1]} : vector<2x64x256xf32> to vector<1x64x256xf32>
    %squeeze3A_18 = vector.shape_cast %slice3A_17 : vector<1x64x256xf32> to vector<64x256xf32>
    %dot_general3A_19 = arith.constant dense<0.000000e+00> : vector<2000x64xf32>
    %dot_general3A_20 = tpu.matmul %get3A_1, %squeeze3A_18, %dot_general3A_19 {dimension_numbers = #tpu.dot_dimension_numbers<[1], [1], [0], [0], [0, 0, 1, 0], [], []>, transpose_lhs_hint = false} : vector<2000x256xf32>, vector<64x256xf32>, vector<2000x64xf32> -> vector<2000x64xf32>
    %slice3A_21 = vector.extract_strided_slice %get3A_16 {offsets = [1, 0, 0], sizes = [1, 64, 256], strides = [1, 1, 1]} : vector<2x64x256xf32> to vector<1x64x256xf32>
    %squeeze3A_22 = vector.shape_cast %slice3A_21 : vector<1x64x256xf32> to vector<64x256xf32>
    %dot_general3A_23 = arith.constant dense<0.000000e+00> : vector<2000x64xf32>
    %dot_general3A_24 = tpu.matmul %get3A_1, %squeeze3A_22, %dot_general3A_23 {dimension_numbers = #tpu.dot_dimension_numbers<[1], [1], [0], [0], [0, 0, 1, 0], [], []>, transpose_lhs_hint = false} : vector<2000x256xf32>, vector<64x256xf32>, vector<2000x64xf32> -> vector<2000x64xf32>
    %concatenate3A_25 = tpu.concatenate %dot_general3A_20, %dot_general3A_24 in 1 : vector<2000x64xf32>, vector<2000x64xf32> -> vector<2000x128xf32>
    %swap3A_26 = arith.constant 0 : index
    %swap3A_27 = arith.constant 0 : index
    %swap3A_28 = vector.load %arg5[%swap3A_26, %swap3A_27] : memref<2000x128xf32, #tpu.memory_space<vmem>>, vector<2000x128xf32>
    tpu.vector_store %arg5[%swap3A_26, %swap3A_27], %concatenate3A_25 {strides = array<i32>} : memref<2000x128xf32, #tpu.memory_space<vmem>>, vector<2000x128xf32>,
    return
  }
  func.func @transform_0(%arg0: i32) -> (i32, i32) {
    %c0_i32 = arith.constant 0 : i32
    %c0_i32_0 = arith.constant 0 : i32
    return %arg0, %c0_i32 : i32, i32
  }
  func.func @transform_1(%arg0: i32) -> (i32, i32, i32) {
    %c0_i32 = arith.constant 0 : i32
    %c0_i32_0 = arith.constant 0 : i32
    %c0_i32_1 = arith.constant 0 : i32
    %c0_i32_2 = arith.constant 0 : i32
    return %c0_i32, %c0_i32_0, %c0_i32_1 : i32, i32, i32
  }
  func.func @transform_2(%arg0: i32) -> (i32, i32, i32) {
    %c0_i32 = arith.constant 0 : i32
    %c0_i32_0 = arith.constant 0 : i32
    %c0_i32_1 = arith.constant 0 : i32
    %c0_i32_2 = arith.constant 0 : i32
    return %c0_i32, %c0_i32_0, %c0_i32_1 : i32, i32, i32
  }
  func.func @transform_3(%arg0: i32) -> (i32, i32) {
    %c0_i32 = arith.constant 0 : i32
    %c0_i32_0 = arith.constant 0 : i32
    return %arg0, %c0_i32 : i32, i32
  }
  func.func @transform_4(%arg0: i32) -> (i32, i32) {
    %c0_i32 = arith.constant 0 : i32
    %c0_i32_0 = arith.constant 0 : i32
    return %arg0, %c0_i32 : i32, i32
  }
}

module attributes {stable_mosaic.version = 14 : i64} {
  func.func @_fused_body(%arg0: i32, %arg1: i32, %arg2: memref<2000x128xf32, #tpu.memory_space<vmem>>, %arg3: memref<2000x128xf32, #tpu.memory_space<vmem>>, %arg4: memref<1x128xf32, #tpu.memory_space<vmem>>, %arg5: memref<1x128xf32, #tpu.memory_space<vmem>>, %arg6: memref<64x128xf32, #tpu.memory_space<vmem>>, %arg7: memref<64x128xf32, #tpu.memory_space<vmem>>, %arg8: memref<2000x128xf32, #tpu.memory_space<vmem>>, %arg9: memref<10000x128xf32, #tpu.memory_space<vmem>>, %arg10: memref<8x128xf32, #tpu.memory_space<vmem>>) attributes {dimension_semantics = [#tpu.dimension_semantics<arbitrary>, #tpu.dimension_semantics<arbitrary>], iteration_bounds = array<i64: 2, 5>, scalar_prefetch = 0 : i64, scratch_operands = 2 : i64, tpu.core_type = #tpu.core_type<tc>, window_params = [{transform_indices = @transform_0, window_bounds = array<i64: 2000, 128>}, {transform_indices = @transform_1, window_bounds = array<i64: 2000, 128>}, {pipeline_mode = #tpu.pipeline_mode<synchronous>, transform_indices = @transform_2, window_bounds = array<i64: 1, 128>}, {pipeline_mode = #tpu.pipeline_mode<synchronous>, transform_indices = @transform_3, window_bounds = array<i64: 1, 128>}, {pipeline_mode = #tpu.pipeline_mode<synchronous>, transform_indices = @transform_4, window_bounds = array<i64: 64, 128>}, {pipeline_mode = #tpu.pipeline_mode<synchronous>, transform_indices = @transform_5, window_bounds = array<i64: 64, 128>}, {transform_indices = @transform_6, window_bounds = array<i64: 2000, 128>}]} {
    %eq3A = arith.constant 0 : i32
    %eq3A_0 = arith.cmpi eq, %arg0, %eq3A : i32
    %convert_element_type3A = arith.extui %eq3A_0 : i1 to i32
    %cond3A = arith.constant 0 : i32
    %cond3A_1 = arith.cmpi ne, %convert_element_type3A, %cond3A : i32
    scf.if %cond3A_1 {
      %get3A = arith.constant 0 : index
      %get3A_7 = arith.constant 0 : index
      %get3A_8 = vector.load %arg2[%get3A, %get3A_7] : memref<2000x128xf32, #tpu.memory_space<vmem>>, vector<2000x128xf32>
      %get3A_9 = arith.constant 0 : index
      %get3A_10 = arith.constant 0 : index
      %get3A_11 = vector.load %arg3[%get3A_9, %get3A_10] : memref<2000x128xf32, #tpu.memory_space<vmem>>, vector<2000x128xf32>
      %add3A = arith.addf %get3A_8, %get3A_11 : vector<2000x128xf32>
      %mul3A = arith.constant 2000 : i32
      %mul3A_12 = arith.muli %arg1, %mul3A : i32
      %swap3A = arith.index_cast %mul3A_12 : i32 to index
      %swap3A_13 = arith.constant 0 : index
      %swap3A_14 = vector.load %arg9[%swap3A, %swap3A_13] : memref<10000x128xf32, #tpu.memory_space<vmem>>, vector<2000x128xf32>
      tpu.vector_store %arg9[%swap3A, %swap3A_13], %add3A {strides = array<i32>} : memref<10000x128xf32, #tpu.memory_space<vmem>>, vector<2000x128xf32>,
      %reduce_sum3A = arith.constant dense<0.000000e+00> : vector<128xf32>
      %reduce_sum3A_15 = vector.multi_reduction <add>, %add3A, %reduce_sum3A [0] : vector<2000x128xf32> to vector<128xf32>
      %broadcast_in_dim3A = vector.shape_cast %reduce_sum3A_15 : vector<128xf32> to vector<1x128xf32>
      %mul3A_16 = arith.mulf %add3A, %add3A : vector<2000x128xf32>
      %reduce_sum3A_17 = arith.constant dense<0.000000e+00> : vector<128xf32>
      %reduce_sum3A_18 = vector.multi_reduction <add>, %mul3A_16, %reduce_sum3A_17 [0] : vector<2000x128xf32> to vector<128xf32>
      %broadcast_in_dim3A_19 = vector.shape_cast %reduce_sum3A_18 : vector<128xf32> to vector<1x128xf32>
      %broadcast_in_dim3A_20 = arith.constant 0.000000e+00 : f32
      %broadcast_in_dim3A_21 = vector.broadcast %broadcast_in_dim3A_20 : f32 to vector<6x128xf32>
      %concatenate3A = tpu.concatenate %broadcast_in_dim3A, %broadcast_in_dim3A_19, %broadcast_in_dim3A_21 in 0 : vector<1x128xf32>, vector<1x128xf32>, vector<6x128xf32> -> vector<8x128xf32>
      %eq3A_22 = arith.constant 0 : i32
      %eq3A_23 = arith.cmpi eq, %arg1, %eq3A_22 : i32
      %convert_element_type3A_24 = arith.extui %eq3A_23 : i1 to i32
      %cond3A_25 = arith.constant 0 : i32
      %cond3A_26 = arith.cmpi ne, %convert_element_type3A_24, %cond3A_25 : i32
      scf.if %cond3A_26 {
        %swap3A_31 = arith.constant 0 : index
        %swap3A_32 = arith.constant 0 : index
        %swap3A_33 = vector.load %arg10[%swap3A_31, %swap3A_32] : memref<8x128xf32, #tpu.memory_space<vmem>>, vector<8x128xf32>
        tpu.vector_store %arg10[%swap3A_31, %swap3A_32], %concatenate3A {strides = array<i32>} : memref<8x128xf32, #tpu.memory_space<vmem>>, vector<8x128xf32>,
      } else {
      }
      %ne3A = arith.constant 0 : i32
      %ne3A_27 = arith.cmpi ne, %arg1, %ne3A : i32
      %convert_element_type3A_28 = arith.extui %ne3A_27 : i1 to i32
      %cond3A_29 = arith.constant 0 : i32
      %cond3A_30 = arith.cmpi ne, %convert_element_type3A_28, %cond3A_29 : i32
      scf.if %cond3A_30 {
        %get3A_31 = arith.constant 0 : index
        %get3A_32 = arith.constant 0 : index
        %get3A_33 = vector.load %arg10[%get3A_31, %get3A_32] : memref<8x128xf32, #tpu.memory_space<vmem>>, vector<8x128xf32>
        %add3A_34 = arith.addf %get3A_33, %concatenate3A : vector<8x128xf32>
        %swap3A_35 = arith.constant 0 : index
        %swap3A_36 = arith.constant 0 : index
        %swap3A_37 = vector.load %arg10[%swap3A_35, %swap3A_36] : memref<8x128xf32, #tpu.memory_space<vmem>>, vector<8x128xf32>
        tpu.vector_store %arg10[%swap3A_35, %swap3A_36], %add3A_34 {strides = array<i32>} : memref<8x128xf32, #tpu.memory_space<vmem>>, vector<8x128xf32>,
      } else {
      }
    } else {
    }
    %eq3A_2 = arith.constant 1 : i32
    %eq3A_3 = arith.cmpi eq, %arg0, %eq3A_2 : i32
    %convert_element_type3A_4 = arith.extui %eq3A_3 : i1 to i32
    %cond3A_5 = arith.constant 0 : i32
    %cond3A_6 = arith.cmpi ne, %convert_element_type3A_4, %cond3A_5 : i32
    scf.if %cond3A_6 {
      %get3A = arith.constant 0 : index
      %get3A_7 = arith.constant 0 : index
      %get3A_8 = vector.load %arg10[%get3A, %get3A_7] : memref<8x128xf32, #tpu.memory_space<vmem>>, vector<8x128xf32>
      %slice3A = vector.extract_strided_slice %get3A_8 {offsets = [0, 0], sizes = [1, 128], strides = [1, 1]} : vector<8x128xf32> to vector<1x128xf32>
      %mul3A = arith.constant 9.99999974E-5 : f32
      %mul3A_9 = vector.broadcast %mul3A : f32 to vector<1x128xf32>
      %mul3A_10 = arith.mulf %slice3A, %mul3A_9 : vector<1x128xf32>
      %slice3A_11 = vector.extract_strided_slice %get3A_8 {offsets = [1, 0], sizes = [1, 128], strides = [1, 1]} : vector<8x128xf32> to vector<1x128xf32>
      %mul3A_12 = arith.constant 9.99999974E-5 : f32
      %mul3A_13 = vector.broadcast %mul3A_12 : f32 to vector<1x128xf32>
      %mul3A_14 = arith.mulf %slice3A_11, %mul3A_13 : vector<1x128xf32>
      %mul3A_15 = arith.mulf %mul3A_10, %mul3A_10 : vector<1x128xf32>
      %sub3A = arith.subf %mul3A_14, %mul3A_15 : vector<1x128xf32>
      %get3A_16 = arith.constant 0 : index
      %get3A_17 = arith.constant 0 : index
      %get3A_18 = vector.load %arg4[%get3A_16, %get3A_17] : memref<1x128xf32, #tpu.memory_space<vmem>>, vector<1x128xf32>
      %add3A = arith.constant 9.99999974E-6 : f32
      %add3A_19 = vector.broadcast %add3A : f32 to vector<1x128xf32>
      %add3A_20 = arith.addf %sub3A, %add3A_19 : vector<1x128xf32>
      %rsqrt3A = math.rsqrt %add3A_20 : vector<1x128xf32>
      %mul3A_21 = arith.mulf %get3A_18, %rsqrt3A : vector<1x128xf32>
      %get3A_22 = arith.constant 0 : index
      %get3A_23 = arith.constant 0 : index
      %get3A_24 = vector.load %arg5[%get3A_22, %get3A_23] : memref<1x128xf32, #tpu.memory_space<vmem>>, vector<1x128xf32>
      %mul3A_25 = arith.mulf %mul3A_10, %mul3A_21 : vector<1x128xf32>
      %sub3A_26 = arith.subf %get3A_24, %mul3A_25 : vector<1x128xf32>
      %mul3A_27 = arith.constant 2000 : i32
      %mul3A_28 = arith.muli %arg1, %mul3A_27 : i32
      %get3A_29 = arith.index_cast %mul3A_28 : i32 to index
      %get3A_30 = arith.constant 0 : index
      %get3A_31 = vector.load %arg9[%get3A_29, %get3A_30] : memref<10000x128xf32, #tpu.memory_space<vmem>>, vector<2000x128xf32>
      %mul3A_32 = vector.broadcast %mul3A_21 : vector<1x128xf32> to vector<2000x128xf32>
      %mul3A_33 = arith.mulf %get3A_31, %mul3A_32 : vector<2000x128xf32>
      %add3A_34 = vector.broadcast %sub3A_26 : vector<1x128xf32> to vector<2000x128xf32>
      %add3A_35 = arith.addf %mul3A_33, %add3A_34 : vector<2000x128xf32>
      %max3A = arith.constant 0.000000e+00 : f32
      %max3A_36 = vector.broadcast %max3A : f32 to vector<2000x128xf32>
      %max3A_37 = arith.maximumf %add3A_35, %max3A_36 : vector<2000x128xf32>
      %get3A_38 = arith.constant 0 : index
      %get3A_39 = arith.constant 0 : index
      %get3A_40 = vector.load %arg6[%get3A_38, %get3A_39] : memref<64x128xf32, #tpu.memory_space<vmem>>, vector<64x128xf32>
      %dot_general3A = arith.constant dense<0.000000e+00> : vector<2000x64xf32>
      %dot_general3A_41 = tpu.matmul %max3A_37, %get3A_40, %dot_general3A {dimension_numbers = #tpu.dot_dimension_numbers<[1], [1], [0], [0], [0, 0, 1, 0], [], []>, transpose_lhs_hint = false} : vector<2000x128xf32>, vector<64x128xf32>, vector<2000x64xf32> -> vector<2000x64xf32>
      %get3A_42 = arith.constant 0 : index
      %get3A_43 = arith.constant 0 : index
      %get3A_44 = vector.load %arg7[%get3A_42, %get3A_43] : memref<64x128xf32, #tpu.memory_space<vmem>>, vector<64x128xf32>
      %dot_general3A_45 = arith.constant dense<0.000000e+00> : vector<2000x64xf32>
      %dot_general3A_46 = tpu.matmul %max3A_37, %get3A_44, %dot_general3A_45 {dimension_numbers = #tpu.dot_dimension_numbers<[1], [1], [0], [0], [0, 0, 1, 0], [], []>, transpose_lhs_hint = false} : vector<2000x128xf32>, vector<64x128xf32>, vector<2000x64xf32> -> vector<2000x64xf32>
      %concatenate3A = tpu.concatenate %dot_general3A_41, %dot_general3A_46 in 1 : vector<2000x64xf32>, vector<2000x64xf32> -> vector<2000x128xf32>
      %swap3A = arith.constant 0 : index
      %swap3A_47 = arith.constant 0 : index
      %swap3A_48 = vector.load %arg8[%swap3A, %swap3A_47] : memref<2000x128xf32, #tpu.memory_space<vmem>>, vector<2000x128xf32>
      tpu.vector_store %arg8[%swap3A, %swap3A_47], %concatenate3A {strides = array<i32>} : memref<2000x128xf32, #tpu.memory_space<vmem>>, vector<2000x128xf32>,
    } else {
    }
    return
  }
  func.func @transform_0(%arg0: i32, %arg1: i32) -> (i32, i32) {
    %sub3A = arith.constant 1 : i32
    %sub3A_0 = arith.subi %sub3A, %arg0 : i32
    %mul3A = arith.muli %arg1, %sub3A_0 : i32
    %c0_i32 = arith.constant 0 : i32
    %c0_i32_1 = arith.constant 0 : i32
    return %mul3A, %c0_i32 : i32, i32
  }
  func.func @transform_1(%arg0: i32, %arg1: i32) -> (i32, i32) {
    %sub3A = arith.constant 1 : i32
    %sub3A_0 = arith.subi %sub3A, %arg0 : i32
    %mul3A = arith.muli %arg1, %sub3A_0 : i32
    %c0_i32 = arith.constant 0 : i32
    %c0_i32_1 = arith.constant 0 : i32
    return %mul3A, %c0_i32 : i32, i32
  }
  func.func @transform_2(%arg0: i32, %arg1: i32) -> (i32, i32) {
    %c0_i32 = arith.constant 0 : i32
    %c0_i32_0 = arith.constant 0 : i32
    %c0_i32_1 = arith.constant 0 : i32
    return %c0_i32, %c0_i32_0 : i32, i32
  }
  func.func @transform_3(%arg0: i32, %arg1: i32) -> (i32, i32) {
    %c0_i32 = arith.constant 0 : i32
    %c0_i32_0 = arith.constant 0 : i32
    %c0_i32_1 = arith.constant 0 : i32
    return %c0_i32, %c0_i32_0 : i32, i32
  }
  func.func @transform_4(%arg0: i32, %arg1: i32) -> (i32, i32) {
    %c0_i32 = arith.constant 0 : i32
    %c0_i32_0 = arith.constant 0 : i32
    %c0_i32_1 = arith.constant 0 : i32
    return %c0_i32, %c0_i32_0 : i32, i32
  }
  func.func @transform_5(%arg0: i32, %arg1: i32) -> (i32, i32) {
    %c0_i32 = arith.constant 0 : i32
    %c0_i32_0 = arith.constant 0 : i32
    %c0_i32_1 = arith.constant 0 : i32
    return %c0_i32, %c0_i32_0 : i32, i32
  }
  func.func @transform_6(%arg0: i32, %arg1: i32) -> (i32, i32) {
    %mul3A = arith.muli %arg1, %arg0 : i32
    %c0_i32 = arith.constant 0 : i32
    %c0_i32_0 = arith.constant 0 : i32
    return %mul3A, %c0_i32 : i32, i32
  }
}

module attributes {stable_mosaic.version = 14 : i64} {
  func.func @_fused_body(%arg0: i32, %arg1: i32, %arg2: memref<2000x128xf32, #tpu.memory_space<vmem>>, %arg3: memref<2000x128xf32, #tpu.memory_space<vmem>>, %arg4: memref<1x64xf32, #tpu.memory_space<vmem>>, %arg5: memref<1x64xf32, #tpu.memory_space<vmem>>, %arg6: memref<32x64xf32, #tpu.memory_space<vmem>>, %arg7: memref<32x64xf32, #tpu.memory_space<vmem>>, %arg8: memref<2000x128xf32, #tpu.memory_space<vmem>>, %arg9: memref<10000x64xf32, #tpu.memory_space<vmem>>, %arg10: memref<8x64xf32, #tpu.memory_space<vmem>>) attributes {dimension_semantics = [#tpu.dimension_semantics<arbitrary>, #tpu.dimension_semantics<arbitrary>], iteration_bounds = array<i64: 2, 5>, scalar_prefetch = 0 : i64, scratch_operands = 2 : i64, tpu.core_type = #tpu.core_type<tc>, window_params = [{transform_indices = @transform_0, window_bounds = array<i64: 2000, 128>}, {transform_indices = @transform_1, window_bounds = array<i64: 2000, 128>}, {pipeline_mode = #tpu.pipeline_mode<synchronous>, transform_indices = @transform_2, window_bounds = array<i64: 1, 64>}, {pipeline_mode = #tpu.pipeline_mode<synchronous>, transform_indices = @transform_3, window_bounds = array<i64: 1, 64>}, {pipeline_mode = #tpu.pipeline_mode<synchronous>, transform_indices = @transform_4, window_bounds = array<i64: 32, 64>}, {pipeline_mode = #tpu.pipeline_mode<synchronous>, transform_indices = @transform_5, window_bounds = array<i64: 32, 64>}, {transform_indices = @transform_6, window_bounds = array<i64: 2000, 128>}]} {
    %eq3A = arith.constant 0 : i32
    %eq3A_0 = arith.cmpi eq, %arg0, %eq3A : i32
    %convert_element_type3A = arith.extui %eq3A_0 : i1 to i32
    %cond3A = arith.constant 0 : i32
    %cond3A_1 = arith.cmpi ne, %convert_element_type3A, %cond3A : i32
    scf.if %cond3A_1 {
      %get3A = arith.constant 0 : index
      %get3A_7 = arith.constant 0 : index
      %get3A_8 = vector.load %arg2[%get3A, %get3A_7] : memref<2000x128xf32, #tpu.memory_space<vmem>>, vector<2000x128xf32>
      %slice3A = vector.extract_strided_slice %get3A_8 {offsets = [0, 0], sizes = [2000, 64], strides = [1, 1]} : vector<2000x128xf32> to vector<2000x64xf32>
      %slice3A_9 = vector.extract_strided_slice %get3A_8 {offsets = [0, 64], sizes = [2000, 64], strides = [1, 1]} : vector<2000x128xf32> to vector<2000x64xf32>
      %add3A = arith.addf %slice3A, %slice3A_9 : vector<2000x64xf32>
      %get3A_10 = arith.constant 0 : index
      %get3A_11 = arith.constant 0 : index
      %get3A_12 = vector.load %arg3[%get3A_10, %get3A_11] : memref<2000x128xf32, #tpu.memory_space<vmem>>, vector<2000x128xf32>
      %slice3A_13 = vector.extract_strided_slice %get3A_12 {offsets = [0, 64], sizes = [2000, 64], strides = [1, 1]} : vector<2000x128xf32> to vector<2000x64xf32>
      %add3A_14 = arith.addf %add3A, %slice3A_13 : vector<2000x64xf32>
      %mul3A = arith.constant 2000 : i32
      %mul3A_15 = arith.muli %arg1, %mul3A : i32
      %swap3A = arith.index_cast %mul3A_15 : i32 to index
      %swap3A_16 = arith.constant 0 : index
      %swap3A_17 = vector.load %arg9[%swap3A, %swap3A_16] : memref<10000x64xf32, #tpu.memory_space<vmem>>, vector<2000x64xf32>
      tpu.vector_store %arg9[%swap3A, %swap3A_16], %add3A_14 {strides = array<i32>} : memref<10000x64xf32, #tpu.memory_space<vmem>>, vector<2000x64xf32>,
      %reduce_sum3A = arith.constant dense<0.000000e+00> : vector<64xf32>
      %reduce_sum3A_18 = vector.multi_reduction <add>, %add3A_14, %reduce_sum3A [0] : vector<2000x64xf32> to vector<64xf32>
      %broadcast_in_dim3A = vector.shape_cast %reduce_sum3A_18 : vector<64xf32> to vector<1x64xf32>
      %mul3A_19 = arith.mulf %add3A_14, %add3A_14 : vector<2000x64xf32>
      %reduce_sum3A_20 = arith.constant dense<0.000000e+00> : vector<64xf32>
      %reduce_sum3A_21 = vector.multi_reduction <add>, %mul3A_19, %reduce_sum3A_20 [0] : vector<2000x64xf32> to vector<64xf32>
      %broadcast_in_dim3A_22 = vector.shape_cast %reduce_sum3A_21 : vector<64xf32> to vector<1x64xf32>
      %broadcast_in_dim3A_23 = arith.constant 0.000000e+00 : f32
      %broadcast_in_dim3A_24 = vector.broadcast %broadcast_in_dim3A_23 : f32 to vector<6x64xf32>
      %concatenate3A = tpu.concatenate %broadcast_in_dim3A, %broadcast_in_dim3A_22, %broadcast_in_dim3A_24 in 0 : vector<1x64xf32>, vector<1x64xf32>, vector<6x64xf32> -> vector<8x64xf32>
      %eq3A_25 = arith.constant 0 : i32
      %eq3A_26 = arith.cmpi eq, %arg1, %eq3A_25 : i32
      %convert_element_type3A_27 = arith.extui %eq3A_26 : i1 to i32
      %cond3A_28 = arith.constant 0 : i32
      %cond3A_29 = arith.cmpi ne, %convert_element_type3A_27, %cond3A_28 : i32
      scf.if %cond3A_29 {
        %swap3A_34 = arith.constant 0 : index
        %swap3A_35 = arith.constant 0 : index
        %swap3A_36 = vector.load %arg10[%swap3A_34, %swap3A_35] : memref<8x64xf32, #tpu.memory_space<vmem>>, vector<8x64xf32>
        tpu.vector_store %arg10[%swap3A_34, %swap3A_35], %concatenate3A {strides = array<i32>} : memref<8x64xf32, #tpu.memory_space<vmem>>, vector<8x64xf32>,
      } else {
      }
      %ne3A = arith.constant 0 : i32
      %ne3A_30 = arith.cmpi ne, %arg1, %ne3A : i32
      %convert_element_type3A_31 = arith.extui %ne3A_30 : i1 to i32
      %cond3A_32 = arith.constant 0 : i32
      %cond3A_33 = arith.cmpi ne, %convert_element_type3A_31, %cond3A_32 : i32
      scf.if %cond3A_33 {
        %get3A_34 = arith.constant 0 : index
        %get3A_35 = arith.constant 0 : index
        %get3A_36 = vector.load %arg10[%get3A_34, %get3A_35] : memref<8x64xf32, #tpu.memory_space<vmem>>, vector<8x64xf32>
        %add3A_37 = arith.addf %get3A_36, %concatenate3A : vector<8x64xf32>
        %swap3A_38 = arith.constant 0 : index
        %swap3A_39 = arith.constant 0 : index
        %swap3A_40 = vector.load %arg10[%swap3A_38, %swap3A_39] : memref<8x64xf32, #tpu.memory_space<vmem>>, vector<8x64xf32>
        tpu.vector_store %arg10[%swap3A_38, %swap3A_39], %add3A_37 {strides = array<i32>} : memref<8x64xf32, #tpu.memory_space<vmem>>, vector<8x64xf32>,
      } else {
      }
    } else {
    }
    %eq3A_2 = arith.constant 1 : i32
    %eq3A_3 = arith.cmpi eq, %arg0, %eq3A_2 : i32
    %convert_element_type3A_4 = arith.extui %eq3A_3 : i1 to i32
    %cond3A_5 = arith.constant 0 : i32
    %cond3A_6 = arith.cmpi ne, %convert_element_type3A_4, %cond3A_5 : i32
    scf.if %cond3A_6 {
      %get3A = arith.constant 0 : index
      %get3A_7 = arith.constant 0 : index
      %get3A_8 = vector.load %arg10[%get3A, %get3A_7] : memref<8x64xf32, #tpu.memory_space<vmem>>, vector<8x64xf32>
      %slice3A = vector.extract_strided_slice %get3A_8 {offsets = [0, 0], sizes = [1, 64], strides = [1, 1]} : vector<8x64xf32> to vector<1x64xf32>
      %mul3A = arith.constant 9.99999974E-5 : f32
      %mul3A_9 = vector.broadcast %mul3A : f32 to vector<1x64xf32>
      %mul3A_10 = arith.mulf %slice3A, %mul3A_9 : vector<1x64xf32>
      %slice3A_11 = vector.extract_strided_slice %get3A_8 {offsets = [1, 0], sizes = [1, 64], strides = [1, 1]} : vector<8x64xf32> to vector<1x64xf32>
      %mul3A_12 = arith.constant 9.99999974E-5 : f32
      %mul3A_13 = vector.broadcast %mul3A_12 : f32 to vector<1x64xf32>
      %mul3A_14 = arith.mulf %slice3A_11, %mul3A_13 : vector<1x64xf32>
      %mul3A_15 = arith.mulf %mul3A_10, %mul3A_10 : vector<1x64xf32>
      %sub3A = arith.subf %mul3A_14, %mul3A_15 : vector<1x64xf32>
      %get3A_16 = arith.constant 0 : index
      %get3A_17 = arith.constant 0 : index
      %get3A_18 = vector.load %arg4[%get3A_16, %get3A_17] : memref<1x64xf32, #tpu.memory_space<vmem>>, vector<1x64xf32>
      %add3A = arith.constant 9.99999974E-6 : f32
      %add3A_19 = vector.broadcast %add3A : f32 to vector<1x64xf32>
      %add3A_20 = arith.addf %sub3A, %add3A_19 : vector<1x64xf32>
      %rsqrt3A = math.rsqrt %add3A_20 : vector<1x64xf32>
      %mul3A_21 = arith.mulf %get3A_18, %rsqrt3A : vector<1x64xf32>
      %get3A_22 = arith.constant 0 : index
      %get3A_23 = arith.constant 0 : index
      %get3A_24 = vector.load %arg5[%get3A_22, %get3A_23] : memref<1x64xf32, #tpu.memory_space<vmem>>, vector<1x64xf32>
      %mul3A_25 = arith.mulf %mul3A_10, %mul3A_21 : vector<1x64xf32>
      %sub3A_26 = arith.subf %get3A_24, %mul3A_25 : vector<1x64xf32>
      %mul3A_27 = arith.constant 2000 : i32
      %mul3A_28 = arith.muli %arg1, %mul3A_27 : i32
      %get3A_29 = arith.index_cast %mul3A_28 : i32 to index
      %get3A_30 = arith.constant 0 : index
      %get3A_31 = vector.load %arg9[%get3A_29, %get3A_30] : memref<10000x64xf32, #tpu.memory_space<vmem>>, vector<2000x64xf32>
      %mul3A_32 = vector.broadcast %mul3A_21 : vector<1x64xf32> to vector<2000x64xf32>
      %mul3A_33 = arith.mulf %get3A_31, %mul3A_32 : vector<2000x64xf32>
      %add3A_34 = vector.broadcast %sub3A_26 : vector<1x64xf32> to vector<2000x64xf32>
      %add3A_35 = arith.addf %mul3A_33, %add3A_34 : vector<2000x64xf32>
      %max3A = arith.constant 0.000000e+00 : f32
      %max3A_36 = vector.broadcast %max3A : f32 to vector<2000x64xf32>
      %max3A_37 = arith.maximumf %add3A_35, %max3A_36 : vector<2000x64xf32>
      %get3A_38 = arith.constant 0 : index
      %get3A_39 = arith.constant 0 : index
      %get3A_40 = vector.load %arg6[%get3A_38, %get3A_39] : memref<32x64xf32, #tpu.memory_space<vmem>>, vector<32x64xf32>
      %dot_general3A = arith.constant dense<0.000000e+00> : vector<2000x32xf32>
      %dot_general3A_41 = tpu.matmul %max3A_37, %get3A_40, %dot_general3A {dimension_numbers = #tpu.dot_dimension_numbers<[1], [1], [0], [0], [0, 0, 1, 0], [], []>, transpose_lhs_hint = false} : vector<2000x64xf32>, vector<32x64xf32>, vector<2000x32xf32> -> vector<2000x32xf32>
      %get3A_42 = arith.constant 0 : index
      %get3A_43 = arith.constant 0 : index
      %get3A_44 = vector.load %arg7[%get3A_42, %get3A_43] : memref<32x64xf32, #tpu.memory_space<vmem>>, vector<32x64xf32>
      %dot_general3A_45 = arith.constant dense<0.000000e+00> : vector<2000x32xf32>
      %dot_general3A_46 = tpu.matmul %max3A_37, %get3A_44, %dot_general3A_45 {dimension_numbers = #tpu.dot_dimension_numbers<[1], [1], [0], [0], [0, 0, 1, 0], [], []>, transpose_lhs_hint = false} : vector<2000x64xf32>, vector<32x64xf32>, vector<2000x32xf32> -> vector<2000x32xf32>
      %broadcast_in_dim3A = arith.constant 0.000000e+00 : f32
      %broadcast_in_dim3A_47 = vector.broadcast %broadcast_in_dim3A : f32 to vector<2000x64xf32>
      %concatenate3A = tpu.concatenate %dot_general3A_41, %dot_general3A_46, %broadcast_in_dim3A_47 in 1 : vector<2000x32xf32>, vector<2000x32xf32>, vector<2000x64xf32> -> vector<2000x128xf32>
      %swap3A = arith.constant 0 : index
      %swap3A_48 = arith.constant 0 : index
      %swap3A_49 = vector.load %arg8[%swap3A, %swap3A_48] : memref<2000x128xf32, #tpu.memory_space<vmem>>, vector<2000x128xf32>
      tpu.vector_store %arg8[%swap3A, %swap3A_48], %concatenate3A {strides = array<i32>} : memref<2000x128xf32, #tpu.memory_space<vmem>>, vector<2000x128xf32>,
    } else {
    }
    return
  }
  func.func @transform_0(%arg0: i32, %arg1: i32) -> (i32, i32) {
    %sub3A = arith.constant 1 : i32
    %sub3A_0 = arith.subi %sub3A, %arg0 : i32
    %mul3A = arith.muli %arg1, %sub3A_0 : i32
    %c0_i32 = arith.constant 0 : i32
    %c0_i32_1 = arith.constant 0 : i32
    return %mul3A, %c0_i32 : i32, i32
  }
  func.func @transform_1(%arg0: i32, %arg1: i32) -> (i32, i32) {
    %sub3A = arith.constant 1 : i32
    %sub3A_0 = arith.subi %sub3A, %arg0 : i32
    %mul3A = arith.muli %arg1, %sub3A_0 : i32
    %c0_i32 = arith.constant 0 : i32
    %c0_i32_1 = arith.constant 0 : i32
    return %mul3A, %c0_i32 : i32, i32
  }
  func.func @transform_2(%arg0: i32, %arg1: i32) -> (i32, i32) {
    %c0_i32 = arith.constant 0 : i32
    %c0_i32_0 = arith.constant 0 : i32
    %c0_i32_1 = arith.constant 0 : i32
    return %c0_i32, %c0_i32_0 : i32, i32
  }
  func.func @transform_3(%arg0: i32, %arg1: i32) -> (i32, i32) {
    %c0_i32 = arith.constant 0 : i32
    %c0_i32_0 = arith.constant 0 : i32
    %c0_i32_1 = arith.constant 0 : i32
    return %c0_i32, %c0_i32_0 : i32, i32
  }
  func.func @transform_4(%arg0: i32, %arg1: i32) -> (i32, i32) {
    %c0_i32 = arith.constant 0 : i32
    %c0_i32_0 = arith.constant 0 : i32
    %c0_i32_1 = arith.constant 0 : i32
    return %c0_i32, %c0_i32_0 : i32, i32
  }
  func.func @transform_5(%arg0: i32, %arg1: i32) -> (i32, i32) {
    %c0_i32 = arith.constant 0 : i32
    %c0_i32_0 = arith.constant 0 : i32
    %c0_i32_1 = arith.constant 0 : i32
    return %c0_i32, %c0_i32_0 : i32, i32
  }
  func.func @transform_6(%arg0: i32, %arg1: i32) -> (i32, i32) {
    %mul3A = arith.muli %arg1, %arg0 : i32
    %c0_i32 = arith.constant 0 : i32
    %c0_i32_0 = arith.constant 0 : i32
    return %mul3A, %c0_i32 : i32, i32
  }
}

module attributes {stable_mosaic.version = 14 : i64} {
  func.func @_final_body(%arg0: i32, %arg1: memref<2000x128xf32, #tpu.memory_space<vmem>>, %arg2: memref<2000x128xf32, #tpu.memory_space<vmem>>, %arg3: memref<1x32xf32, #tpu.memory_space<vmem>>, %arg4: memref<1x1x2000xi32, #tpu.memory_space<vmem>>, %arg5: memref<36x32xf32, #tpu.memory_space<vmem>>, %arg6: memref<1x36xf32, #tpu.memory_space<vmem>>, %arg7: memref<64x36xf32, #tpu.memory_space<vmem>>, %arg8: memref<64x64xf32, #tpu.memory_space<vmem>>) attributes {dimension_semantics = [#tpu.dimension_semantics<arbitrary>], iteration_bounds = array<i64: 5>, scalar_prefetch = 0 : i64, scratch_operands = 1 : i64, tpu.core_type = #tpu.core_type<tc>, window_params = [{transform_indices = @transform_0, window_bounds = array<i64: 2000, 128>}, {transform_indices = @transform_1, window_bounds = array<i64: 2000, 128>}, {pipeline_mode = #tpu.pipeline_mode<synchronous>, transform_indices = @transform_2, window_bounds = array<i64: 1, 32>}, {transform_indices = @transform_3, window_bounds = array<i64: 1, 1, 2000>}, {pipeline_mode = #tpu.pipeline_mode<synchronous>, transform_indices = @transform_4, window_bounds = array<i64: 36, 32>}, {pipeline_mode = #tpu.pipeline_mode<synchronous>, transform_indices = @transform_5, window_bounds = array<i64: 1, 36>}, {pipeline_mode = #tpu.pipeline_mode<synchronous>, transform_indices = @transform_6, window_bounds = array<i64: 64, 36>}]} {
    %eq3A = arith.constant 0 : i32
    %eq3A_0 = arith.cmpi eq, %arg0, %eq3A : i32
    %convert_element_type3A = arith.extui %eq3A_0 : i1 to i32
    %cond3A = arith.constant 0 : i32
    %cond3A_1 = arith.cmpi ne, %convert_element_type3A, %cond3A : i32
    scf.if %cond3A_1 {
      %broadcast_in_dim3A_42 = arith.constant 0.000000e+00 : f32
      %broadcast_in_dim3A_43 = vector.broadcast %broadcast_in_dim3A_42 : f32 to vector<64x64xf32>
      %swap3A_44 = arith.constant 0 : index
      %swap3A_45 = arith.constant 0 : index
      %swap3A_46 = vector.load %arg8[%swap3A_44, %swap3A_45] : memref<64x64xf32, #tpu.memory_space<vmem>>, vector<64x64xf32>
      tpu.vector_store %arg8[%swap3A_44, %swap3A_45], %broadcast_in_dim3A_43 {strides = array<i32>} : memref<64x64xf32, #tpu.memory_space<vmem>>, vector<64x64xf32>,
    } else {
    }
    %get3A = arith.constant 0 : index
    %get3A_2 = arith.constant 0 : index
    %get3A_3 = vector.load %arg1[%get3A, %get3A_2] : memref<2000x128xf32, #tpu.memory_space<vmem>>, vector<2000x128xf32>
    %slice3A = vector.extract_strided_slice %get3A_3 {offsets = [0, 0], sizes = [2000, 32], strides = [1, 1]} : vector<2000x128xf32> to vector<2000x32xf32>
    %slice3A_4 = vector.extract_strided_slice %get3A_3 {offsets = [0, 32], sizes = [2000, 32], strides = [1, 1]} : vector<2000x128xf32> to vector<2000x32xf32>
    %add3A = arith.addf %slice3A, %slice3A_4 : vector<2000x32xf32>
    %get3A_5 = arith.constant 0 : index
    %get3A_6 = arith.constant 0 : index
    %get3A_7 = vector.load %arg2[%get3A_5, %get3A_6] : memref<2000x128xf32, #tpu.memory_space<vmem>>, vector<2000x128xf32>
    %slice3A_8 = vector.extract_strided_slice %get3A_7 {offsets = [0, 32], sizes = [2000, 32], strides = [1, 1]} : vector<2000x128xf32> to vector<2000x32xf32>
    %add3A_9 = arith.addf %add3A, %slice3A_8 : vector<2000x32xf32>
    %get3A_10 = arith.constant 0 : index
    %get3A_11 = arith.constant 0 : index
    %get3A_12 = vector.load %arg3[%get3A_10, %get3A_11] : memref<1x32xf32, #tpu.memory_space<vmem>>, vector<1x32xf32>
    %add3A_13 = vector.broadcast %get3A_12 : vector<1x32xf32> to vector<2000x32xf32>
    %add3A_14 = arith.addf %add3A_9, %add3A_13 : vector<2000x32xf32>
    %max3A = arith.constant 0.000000e+00 : f32
    %max3A_15 = vector.broadcast %max3A : f32 to vector<2000x32xf32>
    %max3A_16 = arith.maximumf %add3A_14, %max3A_15 : vector<2000x32xf32>
    %get3A_17 = arith.constant 0 : index
    %get3A_18 = arith.constant 0 : index
    %get3A_19 = arith.constant 0 : index
    %get3A_20 = vector.load %arg4[%get3A_17, %get3A_18, %get3A_19] : memref<1x1x2000xi32, #tpu.memory_space<vmem>>, vector<1x1x2000xi32>
    %get3A_21 = vector.shape_cast %get3A_20 : vector<1x1x2000xi32> to vector<2000xi32>
    %iota3A = tpu.iota {dimensions = array<i32: 0>} : vector<64x2000xi32>
    %broadcast_in_dim3A = vector.shape_cast %get3A_21 : vector<2000xi32> to vector<1x2000xi32>
    %eq3A_22 = vector.broadcast %broadcast_in_dim3A : vector<1x2000xi32> to vector<64x2000xi32>
    %eq3A_23 = arith.cmpi eq, %iota3A, %eq3A_22 : vector<64x2000xi32>
    %convert_element_type3A_24 = arith.extui %eq3A_23 : vector<64x2000xi1> to vector<64x2000xi32>
    %convert_element_type3A_25 = arith.sitofp %convert_element_type3A_24 : vector<64x2000xi32> to vector<64x2000xf32>
    %broadcast_in_dim3A_26 = arith.constant 1.000000e+00 : f32
    %broadcast_in_dim3A_27 = vector.broadcast %broadcast_in_dim3A_26 : f32 to vector<2000x1xf32>
    %broadcast_in_dim3A_28 = arith.constant 0.000000e+00 : f32
    %broadcast_in_dim3A_29 = vector.broadcast %broadcast_in_dim3A_28 : f32 to vector<2000x31xf32>
    %concatenate3A = tpu.concatenate %max3A_16, %broadcast_in_dim3A_27, %broadcast_in_dim3A_29 in 1 : vector<2000x32xf32>, vector<2000x1xf32>, vector<2000x31xf32> -> vector<2000x64xf32>
    %get3A_30 = arith.constant 0 : index
    %get3A_31 = arith.constant 0 : index
    %get3A_32 = vector.load %arg8[%get3A_30, %get3A_31] : memref<64x64xf32, #tpu.memory_space<vmem>>, vector<64x64xf32>
    %dot_general3A = arith.constant dense<0.000000e+00> : vector<64x64xf32>
    %dot_general3A_33 = tpu.matmul %convert_element_type3A_25, %concatenate3A, %dot_general3A {dimension_numbers = #tpu.dot_dimension_numbers<[1], [0], [0], [1], [0, 0, 1, 1], [], []>, transpose_lhs_hint = false} : vector<64x2000xf32>, vector<2000x64xf32>, vector<64x64xf32> -> vector<64x64xf32>
    %add3A_34 = arith.addf %get3A_32, %dot_general3A_33 : vector<64x64xf32>
    %swap3A = arith.constant 0 : index
    %swap3A_35 = arith.constant 0 : index
    %swap3A_36 = vector.load %arg8[%swap3A, %swap3A_35] : memref<64x64xf32, #tpu.memory_space<vmem>>, vector<64x64xf32>
    tpu.vector_store %arg8[%swap3A, %swap3A_35], %add3A_34 {strides = array<i32>} : memref<64x64xf32, #tpu.memory_space<vmem>>, vector<64x64xf32>,
    %eq3A_37 = arith.constant 4 : i32
    %eq3A_38 = arith.cmpi eq, %arg0, %eq3A_37 : i32
    %convert_element_type3A_39 = arith.extui %eq3A_38 : i1 to i32
    %cond3A_40 = arith.constant 0 : i32
    %cond3A_41 = arith.cmpi ne, %convert_element_type3A_39, %cond3A_40 : i32
    scf.if %cond3A_41 {
      %get3A_42 = arith.constant 0 : index
      %get3A_43 = arith.constant 0 : index
      %get3A_44 = vector.load %arg8[%get3A_42, %get3A_43] : memref<64x64xf32, #tpu.memory_space<vmem>>, vector<64x64xf32>
      %slice3A_45 = vector.extract_strided_slice %get3A_44 {offsets = [0, 0], sizes = [64, 32], strides = [1, 1]} : vector<64x64xf32> to vector<64x32xf32>
      %slice3A_46 = vector.extract_strided_slice %get3A_44 {offsets = [0, 32], sizes = [64, 1], strides = [1, 1]} : vector<64x64xf32> to vector<64x1xf32>
      %max3A_47 = arith.constant 1.000000e+00 : f32
      %max3A_48 = vector.broadcast %max3A_47 : f32 to vector<64x1xf32>
      %max3A_49 = arith.maximumf %slice3A_46, %max3A_48 : vector<64x1xf32>
      %div3A = vector.broadcast %max3A_49 : vector<64x1xf32> to vector<64x32xf32>
      %div3A_50 = arith.divf %slice3A_45, %div3A : vector<64x32xf32>
      %get3A_51 = arith.constant 0 : index
      %get3A_52 = arith.constant 0 : index
      %get3A_53 = vector.load %arg5[%get3A_51, %get3A_52] : memref<36x32xf32, #tpu.memory_space<vmem>>, vector<36x32xf32>
      %dot_general3A_54 = arith.constant dense<0.000000e+00> : vector<64x36xf32>
      %dot_general3A_55 = tpu.matmul %div3A_50, %get3A_53, %dot_general3A_54 {dimension_numbers = #tpu.dot_dimension_numbers<[1], [1], [0], [0], [0, 0, 1, 0], [], []>, transpose_lhs_hint = false} : vector<64x32xf32>, vector<36x32xf32>, vector<64x36xf32> -> vector<64x36xf32>
      %get3A_56 = arith.constant 0 : index
      %get3A_57 = arith.constant 0 : index
      %get3A_58 = vector.load %arg6[%get3A_56, %get3A_57] : memref<1x36xf32, #tpu.memory_space<vmem>>, vector<1x36xf32>
      %add3A_59 = vector.broadcast %get3A_58 : vector<1x36xf32> to vector<64x36xf32>
      %add3A_60 = arith.addf %dot_general3A_55, %add3A_59 : vector<64x36xf32>
      %reduce_max3A = arith.constant dense<0xFF800000> : vector<64xf32>
      %reduce_max3A_61 = vector.multi_reduction <maximumf>, %add3A_60, %reduce_max3A [1] : vector<64x36xf32> to vector<64xf32>
      %broadcast_in_dim3A_62 = vector.shape_cast %reduce_max3A_61 : vector<64xf32> to vector<64x1xf32>
      %sub3A = vector.broadcast %broadcast_in_dim3A_62 : vector<64x1xf32> to vector<64x36xf32>
      %sub3A_63 = arith.subf %add3A_60, %sub3A : vector<64x36xf32>
      %exp3A = math.exp %sub3A_63 : vector<64x36xf32>
      %sub3A_64 = vector.broadcast %broadcast_in_dim3A_62 : vector<64x1xf32> to vector<64x36xf32>
      %sub3A_65 = arith.subf %add3A_60, %sub3A_64 : vector<64x36xf32>
      %reduce_sum3A = arith.constant dense<0.000000e+00> : vector<64xf32>
      %reduce_sum3A_66 = vector.multi_reduction <add>, %exp3A, %reduce_sum3A [1] : vector<64x36xf32> to vector<64xf32>
      %broadcast_in_dim3A_67 = vector.shape_cast %reduce_sum3A_66 : vector<64xf32> to vector<64x1xf32>
      %log3A = math.log %broadcast_in_dim3A_67 : vector<64x1xf32>
      %sub3A_68 = vector.broadcast %log3A : vector<64x1xf32> to vector<64x36xf32>
      %sub3A_69 = arith.subf %sub3A_65, %sub3A_68 : vector<64x36xf32>
      %swap3A_70 = arith.constant 0 : index
      %swap3A_71 = arith.constant 0 : index
      %swap3A_72 = vector.load %arg7[%swap3A_70, %swap3A_71] : memref<64x36xf32, #tpu.memory_space<vmem>>, vector<64x36xf32>
      tpu.vector_store %arg7[%swap3A_70, %swap3A_71], %sub3A_69 {strides = array<i32>} : memref<64x36xf32, #tpu.memory_space<vmem>>, vector<64x36xf32>,
    } else {
    }
    return
  }
  func.func @transform_0(%arg0: i32) -> (i32, i32) {
    %c0_i32 = arith.constant 0 : i32
    %c0_i32_0 = arith.constant 0 : i32
    return %arg0, %c0_i32 : i32, i32
  }
  func.func @transform_1(%arg0: i32) -> (i32, i32) {
    %c0_i32 = arith.constant 0 : i32
    %c0_i32_0 = arith.constant 0 : i32
    return %arg0, %c0_i32 : i32, i32
  }
  func.func @transform_2(%arg0: i32) -> (i32, i32) {
    %c0_i32 = arith.constant 0 : i32
    %c0_i32_0 = arith.constant 0 : i32
    %c0_i32_1 = arith.constant 0 : i32
    return %c0_i32, %c0_i32_0 : i32, i32
  }
  func.func @transform_3(%arg0: i32) -> (i32, i32, i32) {
    %c0_i32 = arith.constant 0 : i32
    %c0_i32_0 = arith.constant 0 : i32
    %c0_i32_1 = arith.constant 0 : i32
    return %arg0, %c0_i32, %c0_i32_0 : i32, i32, i32
  }
  func.func @transform_4(%arg0: i32) -> (i32, i32) {
    %c0_i32 = arith.constant 0 : i32
    %c0_i32_0 = arith.constant 0 : i32
    %c0_i32_1 = arith.constant 0 : i32
    return %c0_i32, %c0_i32_0 : i32, i32
  }
  func.func @transform_5(%arg0: i32) -> (i32, i32) {
    %c0_i32 = arith.constant 0 : i32
    %c0_i32_0 = arith.constant 0 : i32
    %c0_i32_1 = arith.constant 0 : i32
    return %c0_i32, %c0_i32_0 : i32, i32
  }
  func.func @transform_6(%arg0: i32) -> (i32, i32) {
    %c0_i32 = arith.constant 0 : i32
    %c0_i32_0 = arith.constant 0 : i32
    %c0_i32_1 = arith.constant 0 : i32
    return %c0_i32, %c0_i32_0 : i32, i32
  }
}

</mosaic_0001>

<sc_bundles>
// kernel: kernel.12.cloned.1.call-start
scs
__scs_entry_jumppad:
0x0: {  	(pc) =	sbr.rel $0x88, $3  }
0x1: {  	(tag) =	ssettag $0x0;
	lr =	simm.s32 $0x1  }
0x2: {  	[smem:$0x3F91] =	sst lr;
	_ =	strace $0xD0000000  }
0x3: {  	_ = 	snop  }
0x4: {  	_ = 	snop  }
0x5: {  	_ = 	snop  }
0x6: {  	_ = 	snop  }
0x7: {  	_ = 	snop  }
__scs_overlays_trampoline_lowered:
0x8: {  	[smem:$0x3FA0] =	sst s0  }
0x9: {  	[smem:$0x3FA1] =	sst s1  }
0xa: {  	[smem:$0x3FA2] =	sst s2  }
0xb: {  	[smem:$0x3FA3] =	sst s3  }
0xc: {  	[smem:$0x3FA4] =	sst s4  }
0xd: {  	[smem:$0x3FA5] =	sst s5  }
0xe: {  	[smem:$0x3FA6] =	sst s6  }
0xf: {  	[smem:$0x3FA7] =	sst s7  }
0x10: {  	[smem:$0x3FA8] =	sst s8  }
0x11: {  	[smem:$0x3FA9] =	sst s9;
	s0 =	simm.s32 @!p0 $0x0  }
0x12: {  	s1 =	sld [smem:$0x3F8F];
	s0 =	simm.s32 @p0 $0x1  }
0x13: {  	[smem:$0x3FAA] =	sst s0;
	s0 =	simm.s32 @!p1 $0x0  }
0x14: {  	s2 =	sld [smem:$0x3F8E];
	s0 =	simm.s32 @p1 $0x1  }
0x15: {  	[smem:$0x3FAB] =	sst s0;
	s0 =	simm.s32 @!p2 $0x0  }
0x16: {  	s3 =	sld [smem:$0x3FDB];
	s0 =	simm.s32 @p2 $0x1  }
0x17: {  	s4 =	simm.s32 $0x1BF5;
	[smem:$0x3FAD] =	sst s0  }
0x18: {  	s0 =	sld [smem:$0x3F90];
	_ =	swait.ge [sflag:s4], $0x0  }
0x19: {  	s7 =	sld [smem:$0x3F91]  }
0x1a: {  	s8 =	sadd.s32 $0xFFFFE003, lr  }
0x1b: {  	s9 =	sadd.s32 $0xFFFFFEF7, lr;
	s5 =	simm.s32 $0xFFFFFFFF;
	p2 =	slt.u32 s8, $0xFFFFF086  }
0x1c: {  	p1 =	slt.u32 s9, $0xF7A;
	s5 =	simm.s32 @!p2 $0x0  }
0x1d: {  	s5 =	simm.s32 @p1 $0x1;
	p0 =	seq.s32 s7, s2  }
0x1e: {  	s7 =	smul.u32 @!p0 $0xF7A, s2;
	p2 =	seq.s32 @!p0 s5, $0x0  }
0x1f: {  	s9 =	smul.u32 $0xF7A, s1;
	s8 =	simm.s32 @!p0 $0x1BF5;
	p2 =	por !p2, p0  }
0x20: {  	[sflag:s8] =	ssyncset.s32 @!p0 $0xFFFFF086;
	s6 =	sadd.s32 @!p0 s3, s7;
	s7 =	simm.s32 @!p0 $0x108  }
0x21: {  	s3 =	sadd.s32 s3, s9;
	s6 =	sadd.s32 @!p0 $0x88, s6;
	s7 =	simm.s32 @p2 $0x1082  }
0x22: {  	[simem:s7], [sflag:s8] =	dma.local @!p0 [hbm:s6], $0xF7A  }
0x23: {  	s9 =	sor.u32 $0xD0000000, s2;
	s6 =	simm.s32 $0x108;
	_ =	swait.ge @!p0 [sflag:s8], $0x0  }
0x24: {  	s3 =	sadd.s32 $0x88, s3;
	s6 =	simm.s32 @!p1 $0x1082;
	[sflag:s4] =	ssyncset.s32 $0xFFFFF086  }
0x25: {  	[simem:s6], [sflag:s4] =	dma.local [hbm:s3], $0xF7A  }
0x26: {  	[smem:$0x3F91] =	sst s1;
	(tag) =	ssettag s2;
	_ =	strace s9  }
0x27: {  	s1 =	sld [smem:$0x3FA1]  }
0x28: {  	s2 =	sld [smem:$0x3FA2]  }
0x29: {  	s4 =	sld [smem:$0x3FA4]  }
0x2a: {  	p0 =	seq.s32 s5, $0x0;
	s5 =	sld [smem:$0x3FA5]  }
0x2b: {  	s6 =	sld [smem:$0x3FA6]  }
0x2c: {  	s7 =	sld [smem:$0x3FA7]  }
0x2d: {  	s3 =	simm.s32 $0x108;
	s8 =	sld [smem:$0x3FA8]  }
0x2e: {  	s3 =	simm.s32 @!p0 $0x1082;
	s9 =	sld [smem:$0x3FA9]  }
0x2f: {  	lr =	sadd.s32 s0, s3;
	s0 =	sld [smem:$0x3FA0]  }
0x30: {  	s3 =	sld [smem:$0x3FA3]  }
0x31: {  	[smem:$0x3FAC] =	sst s10  }
0x32: {  	s10 =	sld [smem:$0x3FAA];
	_ =	sdelay $0x3  }
0x33: {  	p0 =	seq.s32 s10, $0x1;
	s10 =	sld [smem:$0x3FAC];
	_ =	sdelay $0x3  }
0x34: {  	[smem:$0x3FAC] =	sst s10  }
0x35: {  	s10 =	sld [smem:$0x3FAB];
	_ =	sdelay $0x3  }
0x36: {  	p1 =	seq.s32 s10, $0x1;
	s10 =	sld [smem:$0x3FAC];
	_ =	sdelay $0x3  }
0x37: {  	[smem:$0x3FAC] =	sst s10  }
0x38: {  	s10 =	sld [smem:$0x3FAD]  }
0x39: {  	_ = 	snop;
	(pc) =	sbr.ind lr, $3  }
0x3a: {  	_ = 	snop  }
0x3b: {  	_ = 	snop  }
0x3c: {  	p2 =	seq.s32 s10, $0x1;
	s10 =	sld [smem:$0x3FAC]  }
0x3d: {  	_ =	shalt  }
0x3e: {  	_ =	shalt  }
0x3f: {  	_ =	shalt  }
0x40: {  	_ =	shalt  }
0x41: {  	_ =	shalt  }
0x42: {  	_ =	shalt  }
0x43: {  	_ =	shalt  }
0x44: {  	_ =	shalt  }
0x45: {  	_ =	shalt  }
0x46: {  	_ =	shalt  }
0x47: {  	_ =	shalt  }
0x48: {  	_ =	shalt  }
0x49: {  	_ =	shalt  }
0x4a: {  	_ =	shalt  }
0x4b: {  	_ =	shalt  }
0x4c: {  	_ =	shalt  }
0x4d: {  	_ =	shalt  }
0x4e: {  	_ =	shalt  }
0x4f: {  	_ =	shalt  }
0x50: {  	_ =	shalt  }
0x51: {  	_ =	shalt  }
0x52: {  	_ =	shalt  }
0x53: {  	_ =	shalt  }
0x54: {  	_ =	shalt  }
0x55: {  	_ =	shalt  }
0x56: {  	_ =	shalt  }
0x57: {  	_ =	shalt  }
0x58: {  	_ =	shalt  }
0x59: {  	_ =	shalt  }
0x5a: {  	_ =	shalt  }
0x5b: {  	_ =	shalt  }
0x5c: {  	_ =	shalt  }
0x5d: {  	_ =	shalt  }
0x5e: {  	_ =	shalt  }
0x5f: {  	_ =	shalt  }
0x60: {  	_ =	shalt  }
0x61: {  	_ =	shalt  }
0x62: {  	_ =	shalt  }
0x63: {  	_ =	shalt  }
0x64: {  	_ =	shalt  }
0x65: {  	_ =	shalt  }
0x66: {  	_ =	shalt  }
0x67: {  	_ =	shalt  }
0x68: {  	_ =	shalt  }
0x69: {  	_ =	shalt  }
0x6a: {  	_ =	shalt  }
0x6b: {  	_ =	shalt  }
0x6c: {  	_ =	shalt  }
0x6d: {  	_ =	shalt  }
0x6e: {  	_ =	shalt  }
0x6f: {  	_ =	shalt  }
0x70: {  	_ =	shalt  }
0x71: {  	_ =	shalt  }
0x72: {  	_ =	shalt  }
0x73: {  	_ =	shalt  }
0x74: {  	_ =	shalt  }
0x75: {  	_ =	shalt  }
0x76: {  	_ =	shalt  }
0x77: {  	_ =	shalt  }
0x78: {  	_ =	shalt  }
0x79: {  	_ =	shalt  }
0x7a: {  	_ =	shalt  }
0x7b: {  	_ =	shalt  }
0x7c: {  	_ =	shalt  }
0x7d: {  	_ =	shalt  }
0x7e: {  	_ =	shalt  }
0x7f: {  	_ =	shalt  }
0x80: {  	_ =	shalt  }
0x81: {  	_ =	shalt  }
0x82: {  	_ =	shalt  }
0x83: {  	_ =	shalt  }
0x84: {  	_ =	shalt  }
0x85: {  	_ =	shalt  }
0x86: {  	_ =	shalt  }
0x87: {  	_ =	shalt  }
.Lfunc_end0:
.L_simem_size_0:
called_computation.1_lowered:
.L_overlay_start_0:
0x88: {  	s2 =	sld [smem:$0x3FD9]  }
0x89: {  	s3 =	sld [smem:$0x3FFE];
	_ =	sdelay $0x1  }
0x8a: {  	s1 =	srdreg.scid  }
0x8b: {  	s0 =	sand.u32 $0x1, s1  }
0x8c: {  	s16 =	sshll.u32 s0, $0xA;
	s2 =	sadd.s32 s3, s2  }
0x8d: {  	s2 =	sadd.s32 s2, s16  }
0x8e: {  	[smem:$0x3FB8] =	sst s2  }
0x8f: {  	_ = 	snop  }
0x90: {  	(tm) =	ssettm $0x1  }
0x91: {  	s17 =	sld [smem:$0x3FFB];
	_ =	sdelay $0x3  }
0x92: {  	_ =	strace s17  }
0x93: {  	s2 =	sld [smem:$0x3FFC];
	_ =	sdelay $0x3  }
0x94: {  	_ =	strace s2  }
0x95: {  	s2 =	sld [smem:$0x3FFD];
	_ =	sdelay $0x3  }
0x96: {  	_ =	strace s2  }
0x97: {  	_ =	strace $0x8FFFFFFF  }
0x98: {  	s18 =	sld [smem:$0x3FDB];
	_ =	sdelay $0x1  }
0x99: {  	s19 =	simm.s32 $_scs_section_size  }
0x9a: {  	s4 =	simm.s32 $_size__tile_overlayer_lowered;
	s5 =	simm.s32 $_tile_overlayer_lowered  }
0x9b: {  	s22 =	simm.s32 $0x1BFF;
	s21 =	sshll.u32 s5, $0x1;
	s2 =	sadd.s32 s19, s18  }
0x9c: {  	s6 =	simm.s32 $0x0;
	s20 =	sshll.u32 s4, $0x1;
	s4 =	sadd.s32 s21, s2  }
0x9d: {  	[timem:s6], [sflag:s22] =	dma.local [hbm:s4], s20  }
0x9e: {  	_ =	swait.ge [sflag:s22], s20  }
0x9f: {  	s3 =	ssub.s32 $0x0, s20;
	[sflag:s22] =	ssyncset.done $0x0  }
0xa0: {  	[sflag:s22] =	ssyncadd.s32 s3;
	_ =	sdelay $0x1  }
0xa1: {  	s23 =	simm.s32 $0x1B8B  }
0xa2: {  	_ =	swait.ge [sflag:s23], $0x1  }
0xa3: {  	[sflag:s23] =	ssyncset.done $0x0  }
0xa4: {  	s25 =	simm.s32 $0x1B8E;
	s24 =	sld [smem:$0x3FFE];
	[sflag:s23] =	ssyncadd.s32 $0xFFFFFFFF  }
0xa5: {  	s26 =	simm.s32 $execute0_lowered;
	[smem:$0x3FD2] =	sst s25  }
0xa6: {  	s4 =	sshll.u32 s26, $0x1;
	_ =	strace $0x80000049;
	[dreg:$0x1] =	wrdreg $0xFFFFFFFF  }
0xa7: {  	s28 =	simm.s32 $_size_execute0_lowered;
	s2 =	sadd.s32 s2, s4;
	[dreg:$0x0] =	wrdreg $0x0  }
0xa8: {  	s4 =	sshll.u32 s28, $0x1;
	[dreg:$0x2] =	wrdreg s2  }
0xa9: {  	[dreg:$0x3] =	wrdreg s4  }
0xaa: {  	[dreg:$0x4] =	wrdreg $0xC0  }
0xab: {  	_ =	task [dreg:s6], $0x5FFFF  }
0xac: {  	[dreg:$0x1] =	wrdreg $0xFFFFFFFF  }
0xad: {  	[dreg:$0x0] =	wrdreg $0x60  }
0xae: {  	[dreg:$0x2] =	wrdreg s24  }
0xaf: {  	[dreg:$0x3] =	wrdreg $0x148000  }
0xb0: {  	[dreg:$0x4] =	wrdreg $0xA8000  }
0xb1: {  	[dreg:$0x5] =	wrdreg $0x9  }
0xb2: {  	_ =	task.clear_ibuf [dreg:s6], $0x6FFFF;
	_ =	strace $0x90000049  }
0xb3: {  	s29 =	simm.s32 $0x9;
	_ =	strace $0x8000004B  }
0xb4: {  	_ =	swait.ge [sflag:s29], $0x1  }
0xb5: {  	[sflag:s29] =	ssyncadd.s32 $0xFFFFFFFF  }
0xb6: {  	_ =	strace $0x9000004B  }
0xb7: {  	_ =	sfence  }
0xb8: {  	s30 =	sld [smem:$0x0];
	_ =	sdelay $0x2  }
0xb9: {  	s31 =	sshll.u32 s1, $0xD;
	s1 =	sshrl.u32 s1, $0x2  }
0xba: {  	s3 =	sand.u32 $0x4000, s31;
	s1 =	sadd.s32 s1, s30  }
0xbb: {  	s0 =	sor.u32 s3, s0;
	s1 =	sshll.u32 s1, $0x11  }
0xbc: {  	s0 =	sor.u32 s1, s0  }
0xbd: {  	s0 =	sadd.s32 $0x8F2B, s0  }
0xbe: {  	[sflag:s0] =	ssyncadd.remote.s32 $0x1  }
0xbf: {  	_ =	sfence.sel $0xFFFF  }
0xc0: {  	[dreg:$0x0] =	wrdreg $0xFFFFFFFF;
	(pc) =	sbr.abs _section_cstart, $3  }
0xc1: {  	[dreg:$0x1] =	wrdreg $0xFFFFFFFF  }
0xc2: {  	_ =	task.clear_ibuf [dreg:s6], $0x2FFFF;
	_ =	strace $0x9FFFFFFF  }
0xc3: {  	(tm) =	ssettm $0x7FFFFFFF  }
tec
execute0_lowered:
.L_overlay_start_1:
0x0: {  	(tag) =	ssettag $0x1  }
0x1: {  	s0 =	rddreg [dreg:$0x0]  }
0x2: {  	s1 =	srdreg.scid;
	s2 =	rddreg [dreg:$0x1]  }
0x3: {  	s3 =	rddreg [dreg:$0x2];
	s18 =	stileid.u32;
	s4 =	simm.s32 $0x0  }
0x4: {  	s1 =	sand.u32 $0x1, s1;
	[smem:$0x7FF] =	sst s4;
	s8 =	smul.u32 $0x13800, s18  }
0x5: {  	s6 =	sadd.s32 $0xD400, s0;
	s9 =	sadd.s32 $0x34A00, s0;
	s11 =	smul.u32 $0x270, s18  }
0x6: {  	p0 =	sne.s32 s18, $0xF;
	s5 =	sshll.u32 s1, $0x4;
	_ =	strace $0x8000004A  }
0x7: {  	s7 =	ssub.s32 $0x2, s1;
	s21 =	sshll.u32 s1, $0x6;
	s1 =	sshll.u32 s1, $0x3  }
0x8: {  	s5 =	sor.u32 s18, s5;
	s10 =	sshrl.u32 s7, $0x1;
	s23 =	sshrl.u32 s8, $0x3  }
0x9: {  	s25 =	sadd.s32 $0x80, s11;
	s13 =	sadd.s32 $0x100, s11;
	s20 =	sadd.s32 $0x180, s11  }
0xa: {  	s11 =	sadd.s32 $0x200, s11;
	s8 =	sor.u32 s21, s8;
	s1 =	sadd.s32 s1, s9  }
0xb: {  	s5 =	smul.u32 $0x280, s5;
	s7 =	ssub.s32 s7, s10;
	s24 =	sadd.s32 s6, s23  }
0xc: {  	s26 =	sshll.u32 s25, $0x7;
	s12 =	sshll.u32 s25, $0x4;
	s19 =	sshll.u32 s13, $0x7  }
0xd: {  	s14 =	sshll.u32 s13, $0x4;
	s15 =	sshll.u32 s20, $0x7;
	s16 =	sshll.u32 s20, $0x4  }
0xe: {  	s17 =	sshll.u32 s11, $0x4;
	s23 =	smul.u32 $0x9C00, s18;
	s8 =	sshrl.u32 s8, $0x3  }
0xf: {  	s13 =	sshll.u32 s13, $0x6;
	s31 =	sadd.s32 $0x27000, s1;
	s1 =	sadd.s32 $0x9C000, s2  }
0x10: {  	[dreg:$0x6] =	wrdreg s24;
	s12 =	sadd.s32 s6, s12;
	s14 =	sadd.s32 s6, s14  }
0x11: {  	s16 =	sadd.s32 s6, s16;
	s6 =	sadd.s32 s6, s17;
	[dreg:$0x7] =	wrdreg s12  }
0x12: {  	s10 =	sor.u32 s21, s26;
	s15 =	sor.u32 s21, s15;
	[dreg:$0x8] =	wrdreg s14  }
0x13: {  	s8 =	sadd.s32 s9, s8;
	s17 =	sadd.s32 $0x34600, s0;
	[dreg:$0x9] =	wrdreg s16  }
0x14: {  	s5 =	sadd.s32 s5, s0;
	[dreg:$0xa] =	wrdreg s6;
	s12 =	sor.u32 s21, s19  }
0x15: {  	[dreg:$0xb] =	wrdreg s8;
	s24 =	sshrl.u32 s10, $0x3;
	s10 =	sshrl.u32 s15, $0x3  }
0x16: {  	s14 =	sshll.u32 s20, $0x6;
	s15 =	sshll.u32 s11, $0x6;
	[dreg:$0x10] =	wrdreg s17  }
0x17: {  	s0 =	sadd.s32 $0x34400, s0;
	s20 =	sadd.s32 s23, s2;
	s16 =	simm.s32 $0x8800  }
0x18: {  	s17 =	simm.s32 $0x1;
	s22 =	sadd.s32 $0x3400, s5;
	[dreg:$0x11] =	wrdreg s0  }
0x19: {  	s5 =	sadd.s32 $0x8400, s5;
	s8 =	sadd.s32 s9, s24;
	[dreg:$0x12] =	wrdreg s20  }
0x1a: {  	s24 =	sadd.s32 s13, s2;
	s28 =	sadd.s32 s14, s3;
	s29 =	sadd.s32 s15, s2  }
0x1b: {  	s30 =	sadd.s32 s15, s3;
	s0 =	smax.u32 s7, $0x1;
	[dreg:$0x4] =	wrdreg s22  }
0x1c: {  	s15 =	simm.s32 $0x6800;
	s20 =	simm.s32 $0x3;
	[dreg:$0x5] =	wrdreg s5  }
0x1d: {  	s22 =	sshll.u32 s11, $0x7;
	s5 =	sshll.u32 s25, $0x6;
	s25 =	sshrl.u32 s12, $0x3  }
0x1e: {  	[dreg:$0xc] =	wrdreg s8;
	s8 =	sadd.s32 s9, s10;
	s12 =	smul.u32 $0x28000, s18  }
0x1f: {  	[dreg:$0x16] =	wrdreg s24;
	s10 =	simm.s32 $0x5;
	s11 =	simm.s32 $0x40  }
0x20: {  	s18 =	simm.s32 $0x2;
	s26 =	sadd.s32 s9, s25;
	[dreg:$0xe] =	wrdreg s8  }
0x21: {  	s6 =	sor.u32 s21, s22;
	s21 =	sadd.s32 s23, s3;
	[dreg:$0xd] =	wrdreg s26  }
0x22: {  	s22 =	sadd.s32 s5, s2;
	s23 =	sadd.s32 s5, s3;
	[dreg:$0x13] =	wrdreg s21  }
0x23: {  	s25 =	sadd.s32 s13, s3;
	s13 =	simm.s32 $0x4800;
	[dreg:$0x14] =	wrdreg s22  }
0x24: {  	s6 =	sshrl.u32 s6, $0x3;
	s19 =	sshrl.u32 s12, $0x2;
	[dreg:$0x15] =	wrdreg s23  }
0x25: {  	[dreg:$0x17] =	wrdreg s25;
	s26 =	sadd.s32 s14, s2;
	s12 =	simm.s32 $0x80  }
0x26: {  	s14 =	simm.s32 $0x2800;
	s21 =	simm.s32 $0x4;
	s22 =	simm.s32 $0x0  }
0x27: {  	s6 =	sadd.s32 s9, s6;
	s19 =	sadd.s32 s19, s3;
	[dreg:$0x18] =	wrdreg s26  }
0x28: {  	s9 =	sadd.s32 $0x9C000, s3;
	[dreg:$0xf] =	wrdreg s6;
	s5 =	sadd.s32 $0x2000, s19  }
0x29: {  	s6 =	sadd.s32 $0x4000, s19;
	s7 =	sadd.s32 $0x6000, s19;
	s8 =	sadd.s32 $0x8000, s19  }
.LBB2_1:
0x2a: {  	s23 =	rddreg [dreg:$0x4]  }
0x2b: {  	[tilespmem:s4], [sflag:$0x5] =	stream.linear.gather [hbm4b:s23+s4], $0x1400, $0x38;
	[tilespmem:$0x1E440] =	vst v63  }
0x2c: {  	_ =	swait.ge [sflag:s10], $0x1400  }
0x2d: {  	[sflag:s10] =	ssyncset.done $0x0  }
0x2e: {  	s24 =	simm.s32 $0x1400;
	s25 =	rddreg [dreg:$0x5];
	[sflag:s10] =	ssyncadd.s32 $0xFFFFEC00  }
0x2f: {  	[tilespmem:s24], [sflag:$0x5] =	stream.linear.gather [hbm4b:s25+s4], $0x1400, $0x38;
	[tilespmem:$0x1E440] =	vst v63  }
0x30: {  	_ =	swait.ge [sflag:s10], $0x1400  }
0x31: {  	[sflag:s10] =	ssyncset.done $0x0  }
0x32: {  	s26 =	rddreg [dreg:$0x6];
	[sflag:s10] =	ssyncadd.s32 $0xFFFFEC00  }
0x33: {  	[tilespmem:s13], [sflag:$0x5] =	stream.strided.gather [hbm4b:s26+s11], $0x2000, s12, s11, $0x38;
	[tilespmem:$0x1E440] =	vst v63  }
0x34: {  	_ =	swait.ge [sflag:s10], $0x2000  }
0x35: {  	[sflag:s10] =	ssyncset.done $0x0  }
0x36: {  	s24 =	rddreg [dreg:$0x12];
	[sflag:s10] =	ssyncadd.s32 $0xFFFFE000  }
0x37: {  	[spmem:s24] =	stream.linear.scatter [tilespmem:s13], [sflag:$0x5], $0x2000, $0x38;
	[tilespmem:$0x1E440] =	vst v63  }
0x38: {  	_ =	swait.ge [sflag:s10], $0x2000  }
0x39: {  	[sflag:s10] =	ssyncset.done $0x0  }
0x3a: {  	s25 =	rddreg [dreg:$0x7];
	[sflag:s10] =	ssyncadd.s32 $0xFFFFE000  }
0x3b: {  	[tilespmem:s13], [sflag:$0x5] =	stream.strided.gather [hbm4b:s25+s11], $0x2000, s12, s11, $0x38;
	[tilespmem:$0x1E440] =	vst v63  }
0x3c: {  	_ =	swait.ge [sflag:s10], $0x2000  }
0x3d: {  	[sflag:s10] =	ssyncset.done $0x0  }
0x3e: {  	s26 =	rddreg [dreg:$0x14];
	[sflag:s10] =	ssyncadd.s32 $0xFFFFE000  }
0x3f: {  	[spmem:s26] =	stream.linear.scatter [tilespmem:s13], [sflag:$0x5], $0x2000, $0x38;
	[tilespmem:$0x1E440] =	vst v63  }
0x40: {  	_ =	swait.ge [sflag:s10], $0x2000  }
0x41: {  	[sflag:s10] =	ssyncset.done $0x0  }
0x42: {  	s24 =	rddreg [dreg:$0x8];
	[sflag:s10] =	ssyncadd.s32 $0xFFFFE000  }
0x43: {  	[tilespmem:s13], [sflag:$0x5] =	stream.strided.gather [hbm4b:s24+s11], $0x2000, s12, s11, $0x38;
	[tilespmem:$0x1E440] =	vst v63  }
0x44: {  	_ =	swait.ge [sflag:s10], $0x2000  }
0x45: {  	[sflag:s10] =	ssyncset.done $0x0  }
0x46: {  	s25 =	rddreg [dreg:$0x16];
	[sflag:s10] =	ssyncadd.s32 $0xFFFFE000  }
0x47: {  	[spmem:s25] =	stream.linear.scatter [tilespmem:s13], [sflag:$0x5], $0x2000, $0x38;
	[tilespmem:$0x1E440] =	vst v63  }
0x48: {  	_ =	swait.ge [sflag:s10], $0x2000  }
0x49: {  	[sflag:s10] =	ssyncset.done $0x0  }
0x4a: {  	s26 =	rddreg [dreg:$0x9];
	[sflag:s10] =	ssyncadd.s32 $0xFFFFE000  }
0x4b: {  	[tilespmem:s13], [sflag:$0x5] =	stream.strided.gather [hbm4b:s26+s11], $0x2000, s12, s11, $0x38;
	[tilespmem:$0x1E440] =	vst v63  }
0x4c: {  	_ =	swait.ge [sflag:s10], $0x2000  }
0x4d: {  	[sflag:s10] =	ssyncset.done $0x0  }
0x4e: {  	s24 =	rddreg [dreg:$0x18];
	[sflag:s10] =	ssyncadd.s32 $0xFFFFE000  }
0x4f: {  	[spmem:s24] =	stream.linear.scatter [tilespmem:s13], [sflag:$0x5], $0x2000, $0x38;
	[tilespmem:$0x1E440] =	vst v63  }
0x50: {  	_ =	swait.ge [sflag:s10], $0x2000  }
0x51: {  	[sflag:s10] =	ssyncset.done $0x0  }
0x52: {  	s25 =	rddreg [dreg:$0xa];
	[sflag:s10] =	ssyncadd.s32 $0xFFFFE000  }
0x53: {  	[tilespmem:s13], [sflag:$0x5] =	stream.strided.gather [hbm4b:s25+s11], $0x1C00, s12, s11, $0x38;
	[tilespmem:$0x1E440] =	vst v63  }
0x54: {  	_ =	swait.ge [sflag:s10], $0x1C00  }
0x55: {  	[sflag:s10] =	ssyncset.done $0x0  }
0x56: {  	[sflag:s10] =	ssyncadd.s32 $0xFFFFE400  }
0x57: {  	[spmem:s29] =	stream.linear.scatter [tilespmem:s13], [sflag:$0x5], $0x1C00, $0x38;
	[tilespmem:$0x1E440] =	vst v63  }
0x58: {  	_ =	swait.ge [sflag:s10], $0x1C00  }
0x59: {  	s23 =	simm.s32 @!p0 $0x40;
	s24 =	simm.s32 @!p0 $0x80;
	[sflag:s10] =	ssyncset.done $0x0  }
0x5a: {  	s25 =	simm.s32 @!p0 $0x4800;
	s26 =	rddreg [dreg:$0x11];
	[sflag:s10] =	ssyncadd.s32 $0xFFFFE400  }
0x5b: {  	[tilespmem:s25], [sflag:$0x5] =	stream.strided.gather @!p0 [hbm4b:s26+s23], $0x400, s24, s23, $0x38;
	[tilespmem:$0x1E440] =	vst v63  }
0x5c: {  	s23 =	simm.s32 @!p0 $0x5  }
0x5d: {  	_ =	swait.ge @!p0 [sflag:s23], $0x400  }
0x5e: {  	[sflag:s23] =	ssyncset.done @!p0 $0x0  }
0x5f: {  	[sflag:s23] =	ssyncadd.s32 @!p0 $0xFFFFFC00  }
0x60: {  	[spmem:s1] =	stream.linear.scatter @!p0 [tilespmem:s25], [sflag:$0x5], $0x400, $0x38;
	[tilespmem:$0x1E440] =	vst v63  }
0x61: {  	_ =	swait.ge @!p0 [sflag:s23], $0x400  }
0x62: {  	[sflag:s23] =	ssyncset.done @!p0 $0x0  }
0x63: {  	s26 =	rddreg [dreg:$0x10];
	[sflag:s23] =	ssyncadd.s32 @!p0 $0xFFFFFC00  }
0x64: {  	[tilespmem:s14], [sflag:$0x5] =	stream.linear.gather [hbm4b:s26+s4], $0x2000, $0x38;
	[tilespmem:$0x1E440] =	vst v63  }
0x65: {  	_ =	swait.ge [sflag:s10], $0x2000  }
0x66: {  	[sflag:s10] =	ssyncset.done $0x0  }
0x67: {  	[sflag:s10] =	ssyncadd.s32 $0xFFFFE000  }
0x68: {  	[spmem:s19] =	stream.linear.scatter [tilespmem:s14], [sflag:$0x5], $0x2000, $0x38;
	[tilespmem:$0x1E440] =	vst v63  }
0x69: {  	_ =	swait.ge [sflag:s10], $0x2000  }
0x6a: {  	[sflag:s10] =	ssyncset.done $0x0  }
0x6b: {  	[sflag:s10] =	ssyncadd.s32 $0xFFFFE000  }
0x6c: {  	[spmem:s5] =	stream.linear.scatter [tilespmem:s14], [sflag:$0x5], $0x2000, $0x38;
	[tilespmem:$0x1E440] =	vst v63  }
0x6d: {  	_ =	swait.ge [sflag:s10], $0x2000  }
0x6e: {  	[sflag:s10] =	ssyncset.done $0x0  }
0x6f: {  	[sflag:s10] =	ssyncadd.s32 $0xFFFFE000  }
0x70: {  	[spmem:s6] =	stream.linear.scatter [tilespmem:s14], [sflag:$0x5], $0x2000, $0x38;
	[tilespmem:$0x1E440] =	vst v63  }
0x71: {  	_ =	swait.ge [sflag:s10], $0x2000  }
0x72: {  	[sflag:s10] =	ssyncset.done $0x0  }
0x73: {  	[sflag:s10] =	ssyncadd.s32 $0xFFFFE000  }
0x74: {  	[spmem:s7] =	stream.linear.scatter [tilespmem:s14], [sflag:$0x5], $0x2000, $0x38;
	[tilespmem:$0x1E440] =	vst v63  }
0x75: {  	_ =	swait.ge [sflag:s10], $0x2000  }
0x76: {  	[sflag:s10] =	ssyncset.done $0x0  }
0x77: {  	[sflag:s10] =	ssyncadd.s32 $0xFFFFE000  }
0x78: {  	[spmem:s8] =	stream.linear.scatter [tilespmem:s14], [sflag:$0x5], $0x2000, $0x38;
	[tilespmem:$0x1E440] =	vst v63  }
0x79: {  	_ =	swait.ge [sflag:s10], $0x2000  }
0x7a: {  	[sflag:s10] =	ssyncset.done $0x0  }
0x7b: {  	[sflag:s10] =	ssyncadd.s32 $0xFFFFE000  }
0x7c: {  	[bflag:$0x0] =	sbarrier.arrive $0xFFFF  }
0x7d: {  	[tilespmem:s14], [sflag:$0x1] =	stream.indirect.gather [spmem:s2], $0x40, s4, s12, $0xb8;
	[tilespmem:$0x1E440] =	vst v63  }
0x7e: {  	_ = 	snop  }
0x7f: {  	[tilespmem:s13], [sflag:$0x2] =	stream.indirect.gather [spmem:s2], $0x40, s12, s12, $0xb8;
	[tilespmem:$0x1E440] =	vst v63  }
0x80: {  	s24 =	simm.s32 $0x100  }
0x81: {  	[tilespmem:s15], [sflag:$0x3] =	stream.indirect.gather [spmem:s2], $0x40, s24, s12, $0xb8;
	[tilespmem:$0x1E440] =	vst v63  }
0x82: {  	s25 =	simm.s32 $0x180  }
0x83: {  	[tilespmem:s16], [sflag:$0x4] =	stream.indirect.gather [spmem:s2], $0x40, s25, s12, $0xb8;
	[tilespmem:$0x1E440] =	vst v63  }
0x84: {  	_ =	swait.ge [sflag:s17], $0x2000  }
0x85: {  	[sflag:s17] =	ssyncset.done $0x0  }
0x86: {  	s26 =	simm.s32 $0x1400;
	[sflag:s17] =	ssyncadd.s32 $0xFFFFE000  }
0x87: {  	[spmem:s3] =	stream.indirect.scatter.add.f32 [tilespmem:s14], [sflag:$0x5], $0x40, s26, s12, $0xb8;
	[tilespmem:$0x1E440] =	vst v63  }
0x88: {  	_ =	swait.ge [sflag:s10], $0x2000  }
0x89: {  	[sflag:s10] =	ssyncset.done $0x0  }
0x8a: {  	s24 =	simm.s32 $0x200;
	[sflag:s10] =	ssyncadd.s32 $0xFFFFE000  }
0x8b: {  	[tilespmem:s14], [sflag:$0x1] =	stream.indirect.gather [spmem:s2], $0x40, s24, s12, $0xb8;
	[tilespmem:$0x1E440] =	vst v63  }
0x8c: {  	_ =	swait.ge [sflag:s18], $0x2000  }
0x8d: {  	[sflag:s18] =	ssyncset.done $0x0  }
0x8e: {  	s25 =	simm.s32 $0x1480;
	[sflag:s18] =	ssyncadd.s32 $0xFFFFE000  }
0x8f: {  	[spmem:s3] =	stream.indirect.scatter.add.f32 [tilespmem:s13], [sflag:$0x5], $0x40, s25, s12, $0xb8;
	[tilespmem:$0x1E440] =	vst v63  }
0x90: {  	_ =	swait.ge [sflag:s10], $0x2000  }
0x91: {  	[sflag:s10] =	ssyncset.done $0x0  }
0x92: {  	s26 =	simm.s32 $0x280;
	[sflag:s10] =	ssyncadd.s32 $0xFFFFE000  }
0x93: {  	[tilespmem:s13], [sflag:$0x2] =	stream.indirect.gather [spmem:s2], $0x40, s26, s12, $0xb8;
	[tilespmem:$0x1E440] =	vst v63  }
0x94: {  	_ =	swait.ge [sflag:s20], $0x2000  }
0x95: {  	[sflag:s20] =	ssyncset.done $0x0  }
0x96: {  	s24 =	simm.s32 $0x1500;
	[sflag:s20] =	ssyncadd.s32 $0xFFFFE000  }
0x97: {  	[spmem:s3] =	stream.indirect.scatter.add.f32 [tilespmem:s15], [sflag:$0x5], $0x40, s24, s12, $0xb8;
	[tilespmem:$0x1E440] =	vst v63  }
0x98: {  	_ =	swait.ge [sflag:s10], $0x2000  }
0x99: {  	[sflag:s10] =	ssyncset.done $0x0  }
0x9a: {  	s25 =	simm.s32 $0x300;
	[sflag:s10] =	ssyncadd.s32 $0xFFFFE000  }
0x9b: {  	[tilespmem:s15], [sflag:$0x3] =	stream.indirect.gather [spmem:s2], $0x40, s25, s12, $0xb8;
	[tilespmem:$0x1E440] =	vst v63  }
0x9c: {  	_ =	swait.ge [sflag:s21], $0x2000  }
0x9d: {  	[sflag:s21] =	ssyncset.done $0x0  }
0x9e: {  	s26 =	simm.s32 $0x1580;
	[sflag:s21] =	ssyncadd.s32 $0xFFFFE000  }
0x9f: {  	[spmem:s3] =	stream.indirect.scatter.add.f32 [tilespmem:s16], [sflag:$0x5], $0x40, s26, s12, $0xb8;
	[tilespmem:$0x1E440] =	vst v63  }
0xa0: {  	_ =	swait.ge [sflag:s10], $0x2000  }
0xa1: {  	[sflag:s10] =	ssyncset.done $0x0  }
0xa2: {  	s23 =	simm.s32 $0x800;
	s24 =	simm.s32 $0x380;
	[sflag:s10] =	ssyncadd.s32 $0xFFFFE000  }
.LBB2_2:
0xa3: {  	[tilespmem:s16], [sflag:$0x4] =	stream.indirect.gather [spmem:s2], $0x40, s24, s12, $0xb8;
	[tilespmem:$0x1E440] =	vst v63  }
0xa4: {  	s24 =	smov.u32 s23  }
0xa5: {  	p1 =	sne.s32 s23, $0x4000;
	s23 =	sadd.s32 $0x800, s23;
	_ =	swait.ge [sflag:s17], $0x2000  }
0xa6: {  	s24 =	sshra.s32 s24, $0x2;
	[sflag:s17] =	ssyncset.done $0x0  }
0xa7: {  	s25 =	sadd.s32 $0x1400, s24;
	[sflag:s17] =	ssyncadd.s32 $0xFFFFE000  }
0xa8: {  	[spmem:s3] =	stream.indirect.scatter.add.f32 [tilespmem:s14], [sflag:$0x5], $0x40, s25, s12, $0xb8;
	[tilespmem:$0x1E440] =	vst v63  }
0xa9: {  	_ =	swait.ge [sflag:s10], $0x2000  }
0xaa: {  	[sflag:s10] =	ssyncset.done $0x0  }
0xab: {  	s25 =	sadd.s32 $0x200, s24;
	[sflag:s10] =	ssyncadd.s32 $0xFFFFE000  }
0xac: {  	[tilespmem:s14], [sflag:$0x1] =	stream.indirect.gather [spmem:s2], $0x40, s25, s12, $0xb8;
	[tilespmem:$0x1E440] =	vst v63  }
0xad: {  	_ =	swait.ge [sflag:s18], $0x2000  }
0xae: {  	[sflag:s18] =	ssyncset.done $0x0  }
0xaf: {  	s25 =	sadd.s32 $0x1480, s24;
	[sflag:s18] =	ssyncadd.s32 $0xFFFFE000  }
0xb0: {  	[spmem:s3] =	stream.indirect.scatter.add.f32 [tilespmem:s13], [sflag:$0x5], $0x40, s25, s12, $0xb8;
	[tilespmem:$0x1E440] =	vst v63  }
0xb1: {  	_ =	swait.ge [sflag:s10], $0x2000  }
0xb2: {  	[sflag:s10] =	ssyncset.done $0x0  }
0xb3: {  	s25 =	sadd.s32 $0x280, s24;
	[sflag:s10] =	ssyncadd.s32 $0xFFFFE000  }
0xb4: {  	[tilespmem:s13], [sflag:$0x2] =	stream.indirect.gather [spmem:s2], $0x40, s25, s12, $0xb8;
	[tilespmem:$0x1E440] =	vst v63  }
0xb5: {  	_ =	swait.ge [sflag:s20], $0x2000  }
0xb6: {  	[sflag:s20] =	ssyncset.done $0x0  }
0xb7: {  	s25 =	sadd.s32 $0x1500, s24;
	[sflag:s20] =	ssyncadd.s32 $0xFFFFE000  }
0xb8: {  	[spmem:s3] =	stream.indirect.scatter.add.f32 [tilespmem:s15], [sflag:$0x5], $0x40, s25, s12, $0xb8;
	[tilespmem:$0x1E440] =	vst v63  }
0xb9: {  	_ =	swait.ge [sflag:s10], $0x2000  }
0xba: {  	[sflag:s10] =	ssyncset.done $0x0  }
0xbb: {  	s25 =	sadd.s32 $0x300, s24;
	[sflag:s10] =	ssyncadd.s32 $0xFFFFE000  }
0xbc: {  	[tilespmem:s15], [sflag:$0x3] =	stream.indirect.gather [spmem:s2], $0x40, s25, s12, $0xb8;
	[tilespmem:$0x1E440] =	vst v63  }
0xbd: {  	_ =	swait.ge [sflag:s21], $0x2000  }
0xbe: {  	[sflag:s21] =	ssyncset.done $0x0  }
.Ltmp0:
0xbf: {  	s25 =	sadd.s32 $0x1580, s24;
	[sflag:s21] =	ssyncadd.s32 $0xFFFFE000;
	(pc) =	sbr.rel @p1 .LBB2_2-.Ltmp0, $4  }
0xc0: {  	[spmem:s3] =	stream.indirect.scatter.add.f32 [tilespmem:s16], [sflag:$0x5], $0x40, s25, s12, $0xb8;
	[tilespmem:$0x1E440] =	vst v63  }
0xc1: {  	_ =	swait.ge [sflag:s10], $0x2000  }
0xc2: {  	[sflag:s10] =	ssyncset.done $0x0  }
0xc3: {  	s24 =	sadd.s32 $0x380, s24;
	[sflag:s10] =	ssyncadd.s32 $0xFFFFE000  }
0xc4: {  	[tilespmem:s16], [sflag:$0x4] =	stream.indirect.gather [spmem:s2], $0x40, s24, s12, $0xb8;
	[tilespmem:$0x1E440] =	vst v63  }
0xc5: {  	_ =	swait.ge [sflag:s17], $0x2000  }
0xc6: {  	[sflag:s17] =	ssyncset.done $0x0  }
0xc7: {  	s23 =	simm.s32 $0x2600;
	[sflag:s17] =	ssyncadd.s32 $0xFFFFE000  }
0xc8: {  	[spmem:s3] =	stream.indirect.scatter.add.f32 [tilespmem:s14], [sflag:$0x5], $0x40, s23, s12, $0xb8;
	[tilespmem:$0x1E440] =	vst v63  }
0xc9: {  	_ =	swait.ge [sflag:s10], $0x2000  }
0xca: {  	[sflag:s10] =	ssyncset.done $0x0  }
0xcb: {  	[sflag:s10] =	ssyncadd.s32 $0xFFFFE000  }
0xcc: {  	_ =	swait.ge [sflag:s18], $0x2000  }
0xcd: {  	[sflag:s18] =	ssyncset.done $0x0  }
0xce: {  	s25 =	simm.s32 $0x2680;
	[sflag:s18] =	ssyncadd.s32 $0xFFFFE000  }
0xcf: {  	[spmem:s3] =	stream.indirect.scatter.add.f32 [tilespmem:s13], [sflag:$0x5], $0x40, s25, s12, $0xb8;
	[tilespmem:$0x1E440] =	vst v63  }
0xd0: {  	_ =	swait.ge [sflag:s10], $0x2000  }
0xd1: {  	[sflag:s10] =	ssyncset.done $0x0  }
0xd2: {  	[sflag:s10] =	ssyncadd.s32 $0xFFFFE000  }
0xd3: {  	_ =	swait.ge [sflag:s20], $0x2000  }
0xd4: {  	[sflag:s20] =	ssyncset.done $0x0  }
0xd5: {  	s26 =	simm.s32 $0x2700;
	[sflag:s20] =	ssyncadd.s32 $0xFFFFE000  }
0xd6: {  	[spmem:s3] =	stream.indirect.scatter.add.f32 [tilespmem:s15], [sflag:$0x5], $0x40, s26, s12, $0xb8;
	[tilespmem:$0x1E440] =	vst v63  }
0xd7: {  	_ =	swait.ge [sflag:s10], $0x2000  }
0xd8: {  	[sflag:s10] =	ssyncset.done $0x0  }
0xd9: {  	[sflag:s10] =	ssyncadd.s32 $0xFFFFE000  }
0xda: {  	_ =	swait.ge [sflag:s21], $0x2000  }
0xdb: {  	[sflag:s21] =	ssyncset.done $0x0  }
0xdc: {  	s24 =	simm.s32 $0x2780;
	[sflag:s21] =	ssyncadd.s32 $0xFFFFE000  }
0xdd: {  	[spmem:s3] =	stream.indirect.scatter.add.f32 [tilespmem:s16], [sflag:$0x5], $0x40, s24, s12, $0xb8;
	[tilespmem:$0x1E440] =	vst v63  }
0xde: {  	_ =	swait.ge [sflag:s10], $0x2000  }
0xdf: {  	[sflag:s10] =	ssyncset.done $0x0  }
0xe0: {  	[sflag:s10] =	ssyncadd.s32 $0xFFFFE000  }
0xe1: {  	[bflag:$0x0] =	sbarrier.arrive $0xFFFF  }
0xe2: {  	s25 =	rddreg [dreg:$0x13]  }
0xe3: {  	[tilespmem:s14], [sflag:$0x5] =	stream.linear.gather [spmem:s25], $0x2000, $0x38;
	[tilespmem:$0x1E440] =	vst v63  }
0xe4: {  	_ =	swait.ge [sflag:s10], $0x2000  }
0xe5: {  	[sflag:s10] =	ssyncset.done $0x0  }
0xe6: {  	s26 =	rddreg [dreg:$0xb];
	[sflag:s10] =	ssyncadd.s32 $0xFFFFE000  }
0xe7: {  	[hbm4b:s26+s11] =	stream.strided.scatter [tilespmem:s14], [sflag:$0x5], $0x2000, s12, s11, $0x38;
	[tilespmem:$0x1E440] =	vst v63  }
0xe8: {  	_ =	swait.ge [sflag:s10], $0x2000  }
0xe9: {  	[sflag:s10] =	ssyncset.done $0x0  }
0xea: {  	s24 =	rddreg [dreg:$0x15];
	[sflag:s10] =	ssyncadd.s32 $0xFFFFE000  }
0xeb: {  	[tilespmem:s14], [sflag:$0x5] =	stream.linear.gather [spmem:s24], $0x2000, $0x38;
	[tilespmem:$0x1E440] =	vst v63  }
0xec: {  	_ =	swait.ge [sflag:s10], $0x2000  }
0xed: {  	[sflag:s10] =	ssyncset.done $0x0  }
0xee: {  	s25 =	rddreg [dreg:$0xc];
	[sflag:s10] =	ssyncadd.s32 $0xFFFFE000  }
0xef: {  	[hbm4b:s25+s11] =	stream.strided.scatter [tilespmem:s14], [sflag:$0x5], $0x2000, s12, s11, $0x38;
	[tilespmem:$0x1E440] =	vst v63  }
0xf0: {  	_ =	swait.ge [sflag:s10], $0x2000  }
0xf1: {  	[sflag:s10] =	ssyncset.done $0x0  }
0xf2: {  	s26 =	rddreg [dreg:$0x17];
	[sflag:s10] =	ssyncadd.s32 $0xFFFFE000  }
0xf3: {  	[tilespmem:s14], [sflag:$0x5] =	stream.linear.gather [spmem:s26], $0x2000, $0x38;
	[tilespmem:$0x1E440] =	vst v63  }
0xf4: {  	_ =	swait.ge [sflag:s10], $0x2000  }
0xf5: {  	[sflag:s10] =	ssyncset.done $0x0  }
0xf6: {  	s24 =	rddreg [dreg:$0xd];
	[sflag:s10] =	ssyncadd.s32 $0xFFFFE000  }
0xf7: {  	[hbm4b:s24+s11] =	stream.strided.scatter [tilespmem:s14], [sflag:$0x5], $0x2000, s12, s11, $0x38;
	[tilespmem:$0x1E440] =	vst v63  }
0xf8: {  	_ =	swait.ge [sflag:s10], $0x2000  }
0xf9: {  	[sflag:s10] =	ssyncset.done $0x0  }
0xfa: {  	[sflag:s10] =	ssyncadd.s32 $0xFFFFE000  }
0xfb: {  	[tilespmem:s14], [sflag:$0x5] =	stream.linear.gather [spmem:s28], $0x2000, $0x38;
	[tilespmem:$0x1E440] =	vst v63  }
0xfc: {  	_ =	swait.ge [sflag:s10], $0x2000  }
0xfd: {  	[sflag:s10] =	ssyncset.done $0x0  }
0xfe: {  	s25 =	rddreg [dreg:$0xe];
	[sflag:s10] =	ssyncadd.s32 $0xFFFFE000  }
0xff: {  	[hbm4b:s25+s11] =	stream.strided.scatter [tilespmem:s14], [sflag:$0x5], $0x2000, s12, s11, $0x38;
	[tilespmem:$0x1E440] =	vst v63  }
0x100: {  	_ =	swait.ge [sflag:s10], $0x2000  }
0x101: {  	[sflag:s10] =	ssyncset.done $0x0  }
0x102: {  	[sflag:s10] =	ssyncadd.s32 $0xFFFFE000  }
0x103: {  	[tilespmem:s14], [sflag:$0x5] =	stream.linear.gather [spmem:s30], $0x1C00, $0x38;
	[tilespmem:$0x1E440] =	vst v63  }
0x104: {  	_ =	swait.ge [sflag:s10], $0x1C00  }
0x105: {  	[sflag:s10] =	ssyncset.done $0x0  }
0x106: {  	s26 =	rddreg [dreg:$0xf];
	[sflag:s10] =	ssyncadd.s32 $0xFFFFE400  }
0x107: {  	[hbm4b:s26+s11] =	stream.strided.scatter [tilespmem:s14], [sflag:$0x5], $0x1C00, s12, s11, $0x38;
	[tilespmem:$0x1E440] =	vst v63  }
0x108: {  	_ =	swait.ge [sflag:s10], $0x1C00  }
0x109: {  	[sflag:s10] =	ssyncset.done $0x0  }
0x10a: {  	s23 =	simm.s32 @!p0 $0x2800;
	s24 =	simm.s32 @!p0 $0x5;
	[sflag:s10] =	ssyncadd.s32 $0xFFFFE400  }
0x10b: {  	[tilespmem:s23], [sflag:$0x5] =	stream.linear.gather @!p0 [spmem:s9], $0x400, $0x38;
	[tilespmem:$0x1E440] =	vst v63  }
0x10c: {  	s22 =	sadd.s32 $0x1, s22;
	_ =	swait.ge @!p0 [sflag:s24], $0x400  }
0x10d: {  	p1 =	sne.s32 s22, s0;
	s25 =	simm.s32 @!p0 $0x40;
	[sflag:s24] =	ssyncset.done @!p0 $0x0  }
.Ltmp1:
0x10e: {  	s26 =	simm.s32 @!p0 $0x80;
	[sflag:s24] =	ssyncadd.s32 @!p0 $0xFFFFFC00;
	(pc) =	sbr.rel @p1 .LBB2_1-.Ltmp1, $4  }
0x10f: {  	[hbm4b:s31+s25] =	stream.strided.scatter @!p0 [tilespmem:s23], [sflag:$0x5], $0x400, s26, s25, $0x38;
	[tilespmem:$0x1E440] =	vst v63  }
0x110: {  	_ =	swait.ge @!p0 [sflag:s24], $0x400  }
0x111: {  	[sflag:s24] =	ssyncset.done @!p0 $0x0  }
0x112: {  	[sflag:s24] =	ssyncadd.s32 @!p0 $0xFFFFFC00  }
0x113: {  	_ =	sfence.sel $0x180000  }
0x114: {  	[bflag:$0x0] =	sbarrier.arrive $0xFFFF  }
0x115: {  	_ =	strace $0x9000004A  }
0x116: {  	s0 =	stileid.u32;
	[bflag:$0x2] =	sbarrier.arrive $0xFFFF  }
0x117: {  	p0 =	sne.s32 s0, $0x0;
	s0 =	rddreg [dreg:$0x3]  }
0x118: {  	s0 =	sadd.s32 @!p0 $0x100000, s0  }
0x119: {  	[sflag:s0] =	ssyncadd.tile.s32 @!p0 $0x1;
	_ =	shalt  }
.Lfunc_end2:
_tile_overlayer_lowered:
.L_overlay_start_2:
0x11a: {  	(tag) =	ssettag $0x2  }
0x11b: {  	s0 =	rddreg [dreg:$0x0];
	s2 =	stileid.u32  }
0x11c: {  	s1 =	rddreg [dreg:$0x1];
	p0 =	sne.s32 s2, $0x0  }
0x11d: {  	s3 =	rddreg [dreg:$0x2];
	[bflag:$0x3] =	sbarrier.arrive $0xFFFF;
	s2 =	simm.s32 @!p0 $0x1C05  }
0x11e: {  	[timem:s3], [sflag:s2] =	dma.local @!p0 [hbm:s0], s1  }
0x11f: {  	s0 =	simm.s32 @!p0 $0x5  }
0x120: {  	_ =	swait.ge @!p0 [sflag:s0], s1  }
0x121: {  	s1 =	ssub.s32 @!p0 $0x0, s1;
	[sflag:s0] =	ssyncset.done @!p0 $0x0  }
0x122: {  	[sflag:s0] =	ssyncadd.s32 @!p0 s1  }
0x123: {  	[bflag:$0x3] =	sbarrier.arrive $0xFFFF  }
0x124: {  	_ =	shalt  }

// kernel: kernel.15.cloned.1.call-start
scs
__scs_entry_jumppad:
0x0: {  	(pc) =	sbr.rel $0x88, $3  }
0x1: {  	(tag) =	ssettag $0x0;
	lr =	simm.s32 $0x1  }
0x2: {  	[smem:$0x3F91] =	sst lr;
	_ =	strace $0xD0000000  }
0x3: {  	_ = 	snop  }
0x4: {  	_ = 	snop  }
0x5: {  	_ = 	snop  }
0x6: {  	_ = 	snop  }
0x7: {  	_ = 	snop  }
__scs_overlays_trampoline_lowered:
0x8: {  	[smem:$0x3FA0] =	sst s0  }
0x9: {  	[smem:$0x3FA1] =	sst s1  }
0xa: {  	[smem:$0x3FA2] =	sst s2  }
0xb: {  	[smem:$0x3FA3] =	sst s3  }
0xc: {  	[smem:$0x3FA4] =	sst s4  }
0xd: {  	[smem:$0x3FA5] =	sst s5  }
0xe: {  	[smem:$0x3FA6] =	sst s6  }
0xf: {  	[smem:$0x3FA7] =	sst s7  }
0x10: {  	[smem:$0x3FA8] =	sst s8  }
0x11: {  	[smem:$0x3FA9] =	sst s9;
	s0 =	simm.s32 @!p0 $0x0  }
0x12: {  	s1 =	sld [smem:$0x3F8F];
	s0 =	simm.s32 @p0 $0x1  }
0x13: {  	[smem:$0x3FAA] =	sst s0;
	s0 =	simm.s32 @!p1 $0x0  }
0x14: {  	s2 =	sld [smem:$0x3F8E];
	s0 =	simm.s32 @p1 $0x1  }
0x15: {  	[smem:$0x3FAB] =	sst s0;
	s0 =	simm.s32 @!p2 $0x0  }
0x16: {  	s3 =	sld [smem:$0x3FDB];
	s0 =	simm.s32 @p2 $0x1  }
0x17: {  	s4 =	simm.s32 $0x1BF5;
	[smem:$0x3FAD] =	sst s0  }
0x18: {  	s0 =	sld [smem:$0x3F90];
	_ =	swait.ge [sflag:s4], $0x0  }
0x19: {  	s7 =	sld [smem:$0x3F91]  }
0x1a: {  	s8 =	sadd.s32 $0xFFFFE003, lr  }
0x1b: {  	s9 =	sadd.s32 $0xFFFFFEF7, lr;
	s5 =	simm.s32 $0xFFFFFFFF;
	p2 =	slt.u32 s8, $0xFFFFF086  }
0x1c: {  	p1 =	slt.u32 s9, $0xF7A;
	s5 =	simm.s32 @!p2 $0x0  }
0x1d: {  	s5 =	simm.s32 @p1 $0x1;
	p0 =	seq.s32 s7, s2  }
0x1e: {  	s7 =	smul.u32 @!p0 $0xF7A, s2;
	p2 =	seq.s32 @!p0 s5, $0x0  }
0x1f: {  	s9 =	smul.u32 $0xF7A, s1;
	s8 =	simm.s32 @!p0 $0x1BF5;
	p2 =	por !p2, p0  }
0x20: {  	[sflag:s8] =	ssyncset.s32 @!p0 $0xFFFFF086;
	s6 =	sadd.s32 @!p0 s3, s7;
	s7 =	simm.s32 @!p0 $0x108  }
0x21: {  	s3 =	sadd.s32 s3, s9;
	s6 =	sadd.s32 @!p0 $0x88, s6;
	s7 =	simm.s32 @p2 $0x1082  }
0x22: {  	[simem:s7], [sflag:s8] =	dma.local @!p0 [hbm:s6], $0xF7A  }
0x23: {  	s9 =	sor.u32 $0xD0000000, s2;
	s6 =	simm.s32 $0x108;
	_ =	swait.ge @!p0 [sflag:s8], $0x0  }
0x24: {  	s3 =	sadd.s32 $0x88, s3;
	s6 =	simm.s32 @!p1 $0x1082;
	[sflag:s4] =	ssyncset.s32 $0xFFFFF086  }
0x25: {  	[simem:s6], [sflag:s4] =	dma.local [hbm:s3], $0xF7A  }
0x26: {  	[smem:$0x3F91] =	sst s1;
	(tag) =	ssettag s2;
	_ =	strace s9  }
0x27: {  	s1 =	sld [smem:$0x3FA1]  }
0x28: {  	s2 =	sld [smem:$0x3FA2]  }
0x29: {  	s4 =	sld [smem:$0x3FA4]  }
0x2a: {  	p0 =	seq.s32 s5, $0x0;
	s5 =	sld [smem:$0x3FA5]  }
0x2b: {  	s6 =	sld [smem:$0x3FA6]  }
0x2c: {  	s7 =	sld [smem:$0x3FA7]  }
0x2d: {  	s3 =	simm.s32 $0x108;
	s8 =	sld [smem:$0x3FA8]  }
0x2e: {  	s3 =	simm.s32 @!p0 $0x1082;
	s9 =	sld [smem:$0x3FA9]  }
0x2f: {  	lr =	sadd.s32 s0, s3;
	s0 =	sld [smem:$0x3FA0]  }
0x30: {  	s3 =	sld [smem:$0x3FA3]  }
0x31: {  	[smem:$0x3FAC] =	sst s10  }
0x32: {  	s10 =	sld [smem:$0x3FAA];
	_ =	sdelay $0x3  }
0x33: {  	p0 =	seq.s32 s10, $0x1;
	s10 =	sld [smem:$0x3FAC];
	_ =	sdelay $0x3  }
0x34: {  	[smem:$0x3FAC] =	sst s10  }
0x35: {  	s10 =	sld [smem:$0x3FAB];
	_ =	sdelay $0x3  }
0x36: {  	p1 =	seq.s32 s10, $0x1;
	s10 =	sld [smem:$0x3FAC];
	_ =	sdelay $0x3  }
0x37: {  	[smem:$0x3FAC] =	sst s10  }
0x38: {  	s10 =	sld [smem:$0x3FAD]  }
0x39: {  	_ = 	snop;
	(pc) =	sbr.ind lr, $3  }
0x3a: {  	_ = 	snop  }
0x3b: {  	_ = 	snop  }
0x3c: {  	p2 =	seq.s32 s10, $0x1;
	s10 =	sld [smem:$0x3FAC]  }
0x3d: {  	_ =	shalt  }
0x3e: {  	_ =	shalt  }
0x3f: {  	_ =	shalt  }
0x40: {  	_ =	shalt  }
0x41: {  	_ =	shalt  }
0x42: {  	_ =	shalt  }
0x43: {  	_ =	shalt  }
0x44: {  	_ =	shalt  }
0x45: {  	_ =	shalt  }
0x46: {  	_ =	shalt  }
0x47: {  	_ =	shalt  }
0x48: {  	_ =	shalt  }
0x49: {  	_ =	shalt  }
0x4a: {  	_ =	shalt  }
0x4b: {  	_ =	shalt  }
0x4c: {  	_ =	shalt  }
0x4d: {  	_ =	shalt  }
0x4e: {  	_ =	shalt  }
0x4f: {  	_ =	shalt  }
0x50: {  	_ =	shalt  }
0x51: {  	_ =	shalt  }
0x52: {  	_ =	shalt  }
0x53: {  	_ =	shalt  }
0x54: {  	_ =	shalt  }
0x55: {  	_ =	shalt  }
0x56: {  	_ =	shalt  }
0x57: {  	_ =	shalt  }
0x58: {  	_ =	shalt  }
0x59: {  	_ =	shalt  }
0x5a: {  	_ =	shalt  }
0x5b: {  	_ =	shalt  }
0x5c: {  	_ =	shalt  }
0x5d: {  	_ =	shalt  }
0x5e: {  	_ =	shalt  }
0x5f: {  	_ =	shalt  }
0x60: {  	_ =	shalt  }
0x61: {  	_ =	shalt  }
0x62: {  	_ =	shalt  }
0x63: {  	_ =	shalt  }
0x64: {  	_ =	shalt  }
0x65: {  	_ =	shalt  }
0x66: {  	_ =	shalt  }
0x67: {  	_ =	shalt  }
0x68: {  	_ =	shalt  }
0x69: {  	_ =	shalt  }
0x6a: {  	_ =	shalt  }
0x6b: {  	_ =	shalt  }
0x6c: {  	_ =	shalt  }
0x6d: {  	_ =	shalt  }
0x6e: {  	_ =	shalt  }
0x6f: {  	_ =	shalt  }
0x70: {  	_ =	shalt  }
0x71: {  	_ =	shalt  }
0x72: {  	_ =	shalt  }
0x73: {  	_ =	shalt  }
0x74: {  	_ =	shalt  }
0x75: {  	_ =	shalt  }
0x76: {  	_ =	shalt  }
0x77: {  	_ =	shalt  }
0x78: {  	_ =	shalt  }
0x79: {  	_ =	shalt  }
0x7a: {  	_ =	shalt  }
0x7b: {  	_ =	shalt  }
0x7c: {  	_ =	shalt  }
0x7d: {  	_ =	shalt  }
0x7e: {  	_ =	shalt  }
0x7f: {  	_ =	shalt  }
0x80: {  	_ =	shalt  }
0x81: {  	_ =	shalt  }
0x82: {  	_ =	shalt  }
0x83: {  	_ =	shalt  }
0x84: {  	_ =	shalt  }
0x85: {  	_ =	shalt  }
0x86: {  	_ =	shalt  }
0x87: {  	_ =	shalt  }
.Lfunc_end0:
.L_simem_size_0:
called_computation.2_lowered:
.L_overlay_start_0:
0x88: {  	s2 =	sld [smem:$0x3FD9]  }
0x89: {  	s3 =	sld [smem:$0x3FFE];
	_ =	sdelay $0x1  }
0x8a: {  	s1 =	srdreg.scid  }
0x8b: {  	s0 =	sand.u32 $0x1, s1  }
0x8c: {  	s17 =	sshll.u32 s0, $0xA;
	s2 =	sadd.s32 s3, s2  }
0x8d: {  	s2 =	sadd.s32 s2, s17  }
0x8e: {  	[smem:$0x3FB8] =	sst s2  }
0x8f: {  	_ = 	snop  }
0x90: {  	s2 =	sld [smem:$0x3FD0];
	(tm) =	ssettm $0x1  }
0x91: {  	s18 =	sld [smem:$0x3FFB];
	_ =	sdelay $0x3  }
0x92: {  	_ =	strace s18  }
0x93: {  	s3 =	sld [smem:$0x3FFC];
	_ =	sdelay $0x3  }
0x94: {  	_ =	strace s3  }
0x95: {  	s3 =	sld [smem:$0x3FFD];
	_ =	sdelay $0x3  }
0x96: {  	_ =	strace s3  }
0x97: {  	_ =	strace $0x8FFFFFFF  }
0x98: {  	s19 =	sld [smem:$0x3FDB];
	_ =	sdelay $0x1  }
0x99: {  	s4 =	simm.s32 $_scs_section_size  }
0x9a: {  	s5 =	simm.s32 $_size__tile_overlayer_lowered;
	s6 =	simm.s32 $_tile_overlayer_lowered  }
0x9b: {  	s22 =	simm.s32 $0x1BFF;
	s21 =	sshll.u32 s6, $0x1;
	s3 =	sadd.s32 s4, s19  }
0x9c: {  	s7 =	simm.s32 $0x0;
	s20 =	sshll.u32 s5, $0x1;
	s5 =	sadd.s32 s21, s3  }
0x9d: {  	[timem:s7], [sflag:s22] =	dma.local [hbm:s5], s20  }
0x9e: {  	_ =	swait.ge [sflag:s22], s20  }
0x9f: {  	s4 =	ssub.s32 $0x0, s20;
	[sflag:s22] =	ssyncset.done $0x0  }
0xa0: {  	[sflag:s22] =	ssyncadd.s32 s4;
	_ =	sdelay $0x1  }
0xa1: {  	s23 =	simm.s32 $0x1B8B  }
0xa2: {  	_ =	swait.ge [sflag:s23], $0x1  }
0xa3: {  	[sflag:s23] =	ssyncset.done $0x0  }
0xa4: {  	s25 =	simm.s32 $0x1B8E;
	s24 =	sld [smem:$0x3FFE];
	[sflag:s23] =	ssyncadd.s32 $0xFFFFFFFF  }
0xa5: {  	s26 =	simm.s32 $execute0_lowered;
	[smem:$0x3FD2] =	sst s25  }
0xa6: {  	s5 =	sshll.u32 s26, $0x1;
	_ =	strace $0x8000004C;
	[dreg:$0x1] =	wrdreg $0xFFFFFFFF  }
0xa7: {  	s28 =	simm.s32 $_size_execute0_lowered;
	s3 =	sadd.s32 s3, s5;
	[dreg:$0x0] =	wrdreg $0x0  }
0xa8: {  	s5 =	sshll.u32 s28, $0x1;
	[dreg:$0x2] =	wrdreg s3  }
0xa9: {  	[dreg:$0x3] =	wrdreg s5  }
0xaa: {  	[dreg:$0x4] =	wrdreg $0xC0  }
0xab: {  	_ =	task [dreg:s7], $0x5FFFF  }
0xac: {  	[dreg:$0x1] =	wrdreg $0xFFFFFFFF  }
0xad: {  	[dreg:$0x0] =	wrdreg $0x60  }
0xae: {  	[dreg:$0x2] =	wrdreg s24  }
0xaf: {  	[dreg:$0x3] =	wrdreg s2  }
0xb0: {  	[dreg:$0x4] =	wrdreg $0xB8000  }
0xb1: {  	[dreg:$0x5] =	wrdreg $0x68000  }
0xb2: {  	[dreg:$0x6] =	wrdreg $0x9  }
0xb3: {  	_ =	task.clear_ibuf [dreg:s7], $0x7FFFF;
	_ =	strace $0x9000004C  }
0xb4: {  	s29 =	simm.s32 $0x9;
	_ =	strace $0x8000004E  }
0xb5: {  	_ =	swait.ge [sflag:s29], $0x1  }
0xb6: {  	[sflag:s29] =	ssyncadd.s32 $0xFFFFFFFF  }
0xb7: {  	_ =	strace $0x9000004E  }
0xb8: {  	_ =	sfence  }
0xb9: {  	s30 =	sld [smem:$0x0];
	_ =	sdelay $0x2  }
0xba: {  	s31 =	sshll.u32 s1, $0xD;
	s1 =	sshrl.u32 s1, $0x2  }
0xbb: {  	s3 =	sand.u32 $0x4000, s31;
	s1 =	sadd.s32 s1, s30  }
0xbc: {  	s0 =	sor.u32 s3, s0;
	s1 =	sshll.u32 s1, $0x11  }
0xbd: {  	s0 =	sor.u32 s1, s0  }
0xbe: {  	s0 =	sadd.s32 $0x8F2B, s0  }
0xbf: {  	[sflag:s0] =	ssyncadd.remote.s32 $0x1  }
0xc0: {  	_ =	sfence.sel $0xFFFF  }
0xc1: {  	[dreg:$0x0] =	wrdreg $0xFFFFFFFF;
	(pc) =	sbr.abs _section_cstart, $3  }
0xc2: {  	[dreg:$0x1] =	wrdreg $0xFFFFFFFF  }
0xc3: {  	_ =	task.clear_ibuf [dreg:s7], $0x2FFFF;
	_ =	strace $0x9FFFFFFF  }
0xc4: {  	(tm) =	ssettm $0x7FFFFFFF  }
0xc5: {  	_ =	shalt  }
tec
execute0_lowered:
.L_overlay_start_1:
0x0: {  	(tag) =	ssettag $0x1  }
0x1: {  	s0 =	rddreg [dreg:$0x0];
	s1 =	srdreg.scid  }
0x2: {  	s3 =	rddreg [dreg:$0x2];
	s20 =	stileid.u32  }
0x3: {  	s4 =	rddreg [dreg:$0x3];
	s5 =	simm.s32 $0x0;
	s1 =	sand.u32 $0x1, s1  }
0x4: {  	[smem:$0x7FF] =	sst s5;
	s6 =	smul.u32 $0x270, s20;
	s7 =	sadd.s32 $0xD400, s0  }
0x5: {  	s8 =	smul.u32 $0x13800, s20;
	s9 =	sadd.s32 $0x34600, s0;
	p0 =	sne.s32 s20, $0xF  }
0x6: {  	s2 =	sshll.u32 s1, $0x4;
	_ =	strace $0x8000004D;
	s10 =	ssub.s32 $0x2, s1  }
0x7: {  	s19 =	sshll.u32 s1, $0x5;
	s1 =	sshll.u32 s1, $0x2;
	s2 =	sor.u32 s20, s2  }
0x8: {  	s11 =	sshrl.u32 s10, $0x1;
	s12 =	sshrl.u32 s8, $0x3;
	s13 =	sadd.s32 $0x80, s6  }
0x9: {  	s16 =	sadd.s32 $0x180, s6;
	s8 =	sor.u32 s19, s8;
	s1 =	sadd.s32 s1, s9  }
0xa: {  	s2 =	smul.u32 $0x280, s2;
	s10 =	ssub.s32 s10, s11;
	s22 =	sadd.s32 s7, s12  }
0xb: {  	s23 =	sshll.u32 s13, $0x4;
	s24 =	sshll.u32 s13, $0x7;
	s25 =	sshll.u32 s16, $0x4  }
0xc: {  	s17 =	sshll.u32 s16, $0x7;
	s8 =	sshrl.u32 s8, $0x3;
	s31 =	sadd.s32 $0x27000, s1  }
0xd: {  	[dreg:$0x5] =	wrdreg s22;
	s11 =	sadd.s32 s7, s23;
	s12 =	sor.u32 s19, s24  }
0xe: {  	s21 =	sor.u32 s19, s17;
	s23 =	sshll.u32 s13, $0x5;
	s8 =	sadd.s32 s9, s8  }
0xf: {  	s13 =	smul.u32 $0x14000, s20;
	s2 =	sadd.s32 s2, s0;
	[dreg:$0x6] =	wrdreg s11  }
0x10: {  	s11 =	sadd.s32 $0x100, s6;
	s6 =	sadd.s32 $0x200, s6;
	[dreg:$0xc] =	wrdreg s8  }
0x11: {  	s24 =	sshrl.u32 s12, $0x3;
	s12 =	sshrl.u32 s21, $0x3;
	s0 =	sadd.s32 $0x34400, s0  }
0x12: {  	s14 =	sshll.u32 s11, $0x7;
	s15 =	sshll.u32 s11, $0x4;
	s26 =	sshll.u32 s6, $0x4  }
0x13: {  	s18 =	sshll.u32 s6, $0x7;
	s22 =	sadd.s32 $0x3400, s2;
	s2 =	sadd.s32 $0x8400, s2  }
0x14: {  	s8 =	sadd.s32 s9, s24;
	s6 =	sshll.u32 s6, $0x5;
	[dreg:$0x11] =	wrdreg s0  }
0x15: {  	s17 =	sshrl.u32 s13, $0x2;
	s0 =	sadd.s32 $0x4E000, s3;
	[dreg:$0xa] =	wrdreg s22  }
0x16: {  	s13 =	simm.s32 $0x3800;
	s15 =	sadd.s32 s7, s15;
	[dreg:$0xb] =	wrdreg s2  }
0x17: {  	s14 =	sor.u32 s19, s14;
	[dreg:$0xd] =	wrdreg s8;
	s8 =	sadd.s32 s9, s12  }
0x18: {  	s22 =	sadd.s32 s23, s3;
	s23 =	sadd.s32 s23, s4;
	s29 =	sadd.s32 s6, s3  }
0x19: {  	s30 =	sadd.s32 s6, s4;
	s2 =	smax.u32 s10, $0x1;
	[dreg:$0x7] =	wrdreg s15  }
0x1a: {  	s10 =	simm.s32 $0x5;
	s12 =	simm.s32 $0x80;
	[dreg:$0xf] =	wrdreg s8  }
0x1b: {  	s15 =	sadd.s32 s7, s25;
	s7 =	sadd.s32 s7, s26;
	[dreg:$0x14] =	wrdreg s22  }
0x1c: {  	s25 =	sshrl.u32 s14, $0x3;
	s14 =	sshll.u32 s11, $0x5;
	[dreg:$0x15] =	wrdreg s23  }
0x1d: {  	s11 =	simm.s32 $0x20;
	s22 =	simm.s32 $0x0;
	[dreg:$0x8] =	wrdreg s15  }
0x1e: {  	[dreg:$0x9] =	wrdreg s7;
	s7 =	sor.u32 s19, s18;
	s26 =	sadd.s32 s9, s25  }
0x1f: {  	s15 =	sshll.u32 s16, $0x5;
	s16 =	smul.u32 $0x4E00, s20;
	s19 =	sadd.s32 s17, s4  }
0x20: {  	s24 =	sadd.s32 s14, s3;
	s25 =	sadd.s32 s14, s4;
	[dreg:$0xe] =	wrdreg s26  }
0x21: {  	s14 =	simm.s32 $0x2800;
	s17 =	simm.s32 $0x1;
	[dreg:$0x16] =	wrdreg s24  }
0x22: {  	s20 =	simm.s32 $0x3;
	s7 =	sshrl.u32 s7, $0x3;
	[dreg:$0x17] =	wrdreg s25  }
0x23: {  	s26 =	sadd.s32 s15, s3;
	s28 =	sadd.s32 s15, s4;
	s1 =	sadd.s32 $0x1000, s19  }
0x24: {  	s6 =	sadd.s32 $0x2000, s19;
	s7 =	sadd.s32 s9, s7;
	[dreg:$0x18] =	wrdreg s26  }
0x25: {  	s8 =	sadd.s32 $0x4000, s19;
	s18 =	sadd.s32 s16, s3;
	[dreg:$0x10] =	wrdreg s7  }
0x26: {  	s15 =	simm.s32 $0x4800;
	s21 =	sadd.s32 s16, s4;
	[dreg:$0x12] =	wrdreg s18  }
0x27: {  	s9 =	sadd.s32 $0x4E000, s4;
	s16 =	simm.s32 $0x5800;
	[dreg:$0x13] =	wrdreg s21  }
0x28: {  	s7 =	sadd.s32 $0x3000, s19;
	s18 =	simm.s32 $0x2;
	s21 =	simm.s32 $0x4  }
.LBB2_1:
0x29: {  	s23 =	rddreg [dreg:$0xa]  }
0x2a: {  	[tilespmem:s5], [sflag:$0x5] =	stream.linear.gather [hbm4b:s23+s5], $0x1400, $0x38;
	[tilespmem:$0x10620] =	vst v63  }
0x2b: {  	_ =	swait.ge [sflag:s10], $0x1400  }
0x2c: {  	[sflag:s10] =	ssyncset.done $0x0  }
0x2d: {  	s24 =	simm.s32 $0x1400;
	s26 =	rddreg [dreg:$0xb];
	[sflag:s10] =	ssyncadd.s32 $0xFFFFEC00  }
0x2e: {  	[tilespmem:s24], [sflag:$0x5] =	stream.linear.gather [hbm4b:s26+s5], $0x1400, $0x38;
	[tilespmem:$0x10620] =	vst v63  }
0x2f: {  	_ =	swait.ge [sflag:s10], $0x1400  }
0x30: {  	[sflag:s10] =	ssyncset.done $0x0  }
0x31: {  	s24 =	rddreg [dreg:$0x5];
	[sflag:s10] =	ssyncadd.s32 $0xFFFFEC00  }
0x32: {  	[tilespmem:s13], [sflag:$0x5] =	stream.strided.gather [hbm4b:s24+s11], $0x1000, s12, s11, $0x38;
	[tilespmem:$0x10620] =	vst v63  }
0x33: {  	_ =	swait.ge [sflag:s10], $0x1000  }
0x34: {  	[sflag:s10] =	ssyncset.done $0x0  }
0x35: {  	s25 =	rddreg [dreg:$0x12];
	[sflag:s10] =	ssyncadd.s32 $0xFFFFF000  }
0x36: {  	[spmem:s25] =	stream.linear.scatter [tilespmem:s13], [sflag:$0x5], $0x1000, $0x38;
	[tilespmem:$0x10620] =	vst v63  }
0x37: {  	_ =	swait.ge [sflag:s10], $0x1000  }
0x38: {  	[sflag:s10] =	ssyncset.done $0x0  }
0x39: {  	s26 =	rddreg [dreg:$0x6];
	[sflag:s10] =	ssyncadd.s32 $0xFFFFF000  }
0x3a: {  	[tilespmem:s13], [sflag:$0x5] =	stream.strided.gather [hbm4b:s26+s11], $0x1000, s12, s11, $0x38;
	[tilespmem:$0x10620] =	vst v63  }
0x3b: {  	_ =	swait.ge [sflag:s10], $0x1000  }
0x3c: {  	[sflag:s10] =	ssyncset.done $0x0  }
0x3d: {  	s24 =	rddreg [dreg:$0x14];
	[sflag:s10] =	ssyncadd.s32 $0xFFFFF000  }
0x3e: {  	[spmem:s24] =	stream.linear.scatter [tilespmem:s13], [sflag:$0x5], $0x1000, $0x38;
	[tilespmem:$0x10620] =	vst v63  }
0x3f: {  	_ =	swait.ge [sflag:s10], $0x1000  }
0x40: {  	[sflag:s10] =	ssyncset.done $0x0  }
0x41: {  	s25 =	rddreg [dreg:$0x7];
	[sflag:s10] =	ssyncadd.s32 $0xFFFFF000  }
0x42: {  	[tilespmem:s13], [sflag:$0x5] =	stream.strided.gather [hbm4b:s25+s11], $0x1000, s12, s11, $0x38;
	[tilespmem:$0x10620] =	vst v63  }
0x43: {  	_ =	swait.ge [sflag:s10], $0x1000  }
0x44: {  	[sflag:s10] =	ssyncset.done $0x0  }
0x45: {  	s26 =	rddreg [dreg:$0x16];
	[sflag:s10] =	ssyncadd.s32 $0xFFFFF000  }
0x46: {  	[spmem:s26] =	stream.linear.scatter [tilespmem:s13], [sflag:$0x5], $0x1000, $0x38;
	[tilespmem:$0x10620] =	vst v63  }
0x47: {  	_ =	swait.ge [sflag:s10], $0x1000  }
0x48: {  	[sflag:s10] =	ssyncset.done $0x0  }
0x49: {  	s24 =	rddreg [dreg:$0x8];
	[sflag:s10] =	ssyncadd.s32 $0xFFFFF000  }
0x4a: {  	[tilespmem:s13], [sflag:$0x5] =	stream.strided.gather [hbm4b:s24+s11], $0x1000, s12, s11, $0x38;
	[tilespmem:$0x10620] =	vst v63  }
0x4b: {  	_ =	swait.ge [sflag:s10], $0x1000  }
0x4c: {  	[sflag:s10] =	ssyncset.done $0x0  }
0x4d: {  	s25 =	rddreg [dreg:$0x18];
	[sflag:s10] =	ssyncadd.s32 $0xFFFFF000  }
0x4e: {  	[spmem:s25] =	stream.linear.scatter [tilespmem:s13], [sflag:$0x5], $0x1000, $0x38;
	[tilespmem:$0x10620] =	vst v63  }
0x4f: {  	_ =	swait.ge [sflag:s10], $0x1000  }
0x50: {  	[sflag:s10] =	ssyncset.done $0x0  }
0x51: {  	s26 =	rddreg [dreg:$0x9];
	[sflag:s10] =	ssyncadd.s32 $0xFFFFF000  }
0x52: {  	[tilespmem:s13], [sflag:$0x5] =	stream.strided.gather [hbm4b:s26+s11], $0xE00, s12, s11, $0x38;
	[tilespmem:$0x10620] =	vst v63  }
0x53: {  	_ =	swait.ge [sflag:s10], $0xE00  }
0x54: {  	[sflag:s10] =	ssyncset.done $0x0  }
0x55: {  	[sflag:s10] =	ssyncadd.s32 $0xFFFFF200  }
0x56: {  	[spmem:s29] =	stream.linear.scatter [tilespmem:s13], [sflag:$0x5], $0xE00, $0x38;
	[tilespmem:$0x10620] =	vst v63  }
0x57: {  	_ =	swait.ge [sflag:s10], $0xE00  }
0x58: {  	s23 =	simm.s32 @!p0 $0x20;
	s24 =	simm.s32 @!p0 $0x80;
	[sflag:s10] =	ssyncset.done $0x0  }
0x59: {  	s25 =	simm.s32 @!p0 $0x3800;
	s26 =	rddreg [dreg:$0x11];
	[sflag:s10] =	ssyncadd.s32 $0xFFFFF200  }
0x5a: {  	[tilespmem:s25], [sflag:$0x5] =	stream.strided.gather @!p0 [hbm4b:s26+s23], $0x200, s24, s23, $0x38;
	[tilespmem:$0x10620] =	vst v63  }
0x5b: {  	s23 =	simm.s32 @!p0 $0x5  }
0x5c: {  	_ =	swait.ge @!p0 [sflag:s23], $0x200  }
0x5d: {  	[sflag:s23] =	ssyncset.done @!p0 $0x0  }
0x5e: {  	[sflag:s23] =	ssyncadd.s32 @!p0 $0xFFFFFE00  }
0x5f: {  	[spmem:s0] =	stream.linear.scatter @!p0 [tilespmem:s25], [sflag:$0x5], $0x200, $0x38;
	[tilespmem:$0x10620] =	vst v63  }
0x60: {  	_ =	swait.ge @!p0 [sflag:s23], $0x200  }
0x61: {  	[sflag:s23] =	ssyncset.done @!p0 $0x0  }
0x62: {  	[sflag:s23] =	ssyncadd.s32 @!p0 $0xFFFFFE00  }
0x63: {  	s23 =	rddreg [dreg:$0x1]  }
0x64: {  	[tilespmem:s14], [sflag:$0x5] =	stream.linear.gather [hbm4b:s23+s5], $0x1000, $0x38;
	[tilespmem:$0x10620] =	vst v63  }
0x65: {  	_ =	swait.ge [sflag:s10], $0x1000  }
0x66: {  	[sflag:s10] =	ssyncset.done $0x0  }
0x67: {  	[sflag:s10] =	ssyncadd.s32 $0xFFFFF000  }
0x68: {  	[spmem:s19] =	stream.linear.scatter [tilespmem:s14], [sflag:$0x5], $0x1000, $0x38;
	[tilespmem:$0x10620] =	vst v63  }
0x69: {  	_ =	swait.ge [sflag:s10], $0x1000  }
0x6a: {  	[sflag:s10] =	ssyncset.done $0x0  }
0x6b: {  	[sflag:s10] =	ssyncadd.s32 $0xFFFFF000  }
0x6c: {  	[spmem:s1] =	stream.linear.scatter [tilespmem:s14], [sflag:$0x5], $0x1000, $0x38;
	[tilespmem:$0x10620] =	vst v63  }
0x6d: {  	_ =	swait.ge [sflag:s10], $0x1000  }
0x6e: {  	[sflag:s10] =	ssyncset.done $0x0  }
0x6f: {  	[sflag:s10] =	ssyncadd.s32 $0xFFFFF000  }
0x70: {  	[spmem:s6] =	stream.linear.scatter [tilespmem:s14], [sflag:$0x5], $0x1000, $0x38;
	[tilespmem:$0x10620] =	vst v63  }
0x71: {  	_ =	swait.ge [sflag:s10], $0x1000  }
0x72: {  	[sflag:s10] =	ssyncset.done $0x0  }
0x73: {  	[sflag:s10] =	ssyncadd.s32 $0xFFFFF000  }
0x74: {  	[spmem:s7] =	stream.linear.scatter [tilespmem:s14], [sflag:$0x5], $0x1000, $0x38;
	[tilespmem:$0x10620] =	vst v63  }
0x75: {  	_ =	swait.ge [sflag:s10], $0x1000  }
0x76: {  	[sflag:s10] =	ssyncset.done $0x0  }
0x77: {  	[sflag:s10] =	ssyncadd.s32 $0xFFFFF000  }
0x78: {  	[spmem:s8] =	stream.linear.scatter [tilespmem:s14], [sflag:$0x5], $0x1000, $0x38;
	[tilespmem:$0x10620] =	vst v63  }
0x79: {  	_ =	swait.ge [sflag:s10], $0x1000  }
0x7a: {  	[sflag:s10] =	ssyncset.done $0x0  }
0x7b: {  	[sflag:s10] =	ssyncadd.s32 $0xFFFFF000  }
0x7c: {  	[bflag:$0x0] =	sbarrier.arrive $0xFFFF  }
0x7d: {  	[tilespmem:s14], [sflag:$0x1] =	stream.indirect.gather [spmem:s3], $0x20, s5, s12, $0xb8;
	[tilespmem:$0x10620] =	vst v63  }
0x7e: {  	_ = 	snop  }
0x7f: {  	[tilespmem:s13], [sflag:$0x2] =	stream.indirect.gather [spmem:s3], $0x20, s12, s12, $0xb8;
	[tilespmem:$0x10620] =	vst v63  }
0x80: {  	s24 =	simm.s32 $0x100  }
0x81: {  	[tilespmem:s15], [sflag:$0x3] =	stream.indirect.gather [spmem:s3], $0x20, s24, s12, $0xb8;
	[tilespmem:$0x10620] =	vst v63  }
0x82: {  	s25 =	simm.s32 $0x180  }
0x83: {  	[tilespmem:s16], [sflag:$0x4] =	stream.indirect.gather [spmem:s3], $0x20, s25, s12, $0xb8;
	[tilespmem:$0x10620] =	vst v63  }
0x84: {  	_ =	swait.ge [sflag:s17], $0x1000  }
0x85: {  	[sflag:s17] =	ssyncset.done $0x0  }
0x86: {  	s26 =	simm.s32 $0x1400;
	[sflag:s17] =	ssyncadd.s32 $0xFFFFF000  }
0x87: {  	[spmem:s4] =	stream.indirect.scatter.add.f32 [tilespmem:s14], [sflag:$0x5], $0x20, s26, s12, $0xb8;
	[tilespmem:$0x10620] =	vst v63  }
0x88: {  	_ =	swait.ge [sflag:s10], $0x1000  }
0x89: {  	[sflag:s10] =	ssyncset.done $0x0  }
0x8a: {  	s24 =	simm.s32 $0x200;
	[sflag:s10] =	ssyncadd.s32 $0xFFFFF000  }
0x8b: {  	[tilespmem:s14], [sflag:$0x1] =	stream.indirect.gather [spmem:s3], $0x20, s24, s12, $0xb8;
	[tilespmem:$0x10620] =	vst v63  }
0x8c: {  	_ =	swait.ge [sflag:s18], $0x1000  }
0x8d: {  	[sflag:s18] =	ssyncset.done $0x0  }
0x8e: {  	s25 =	simm.s32 $0x1480;
	[sflag:s18] =	ssyncadd.s32 $0xFFFFF000  }
0x8f: {  	[spmem:s4] =	stream.indirect.scatter.add.f32 [tilespmem:s13], [sflag:$0x5], $0x20, s25, s12, $0xb8;
	[tilespmem:$0x10620] =	vst v63  }
0x90: {  	_ =	swait.ge [sflag:s10], $0x1000  }
0x91: {  	[sflag:s10] =	ssyncset.done $0x0  }
0x92: {  	s26 =	simm.s32 $0x280;
	[sflag:s10] =	ssyncadd.s32 $0xFFFFF000  }
0x93: {  	[tilespmem:s13], [sflag:$0x2] =	stream.indirect.gather [spmem:s3], $0x20, s26, s12, $0xb8;
	[tilespmem:$0x10620] =	vst v63  }
0x94: {  	_ =	swait.ge [sflag:s20], $0x1000  }
0x95: {  	[sflag:s20] =	ssyncset.done $0x0  }
0x96: {  	s24 =	simm.s32 $0x1500;
	[sflag:s20] =	ssyncadd.s32 $0xFFFFF000  }
0x97: {  	[spmem:s4] =	stream.indirect.scatter.add.f32 [tilespmem:s15], [sflag:$0x5], $0x20, s24, s12, $0xb8;
	[tilespmem:$0x10620] =	vst v63  }
0x98: {  	_ =	swait.ge [sflag:s10], $0x1000  }
0x99: {  	[sflag:s10] =	ssyncset.done $0x0  }
0x9a: {  	s25 =	simm.s32 $0x300;
	[sflag:s10] =	ssyncadd.s32 $0xFFFFF000  }
0x9b: {  	[tilespmem:s15], [sflag:$0x3] =	stream.indirect.gather [spmem:s3], $0x20, s25, s12, $0xb8;
	[tilespmem:$0x10620] =	vst v63  }
0x9c: {  	_ =	swait.ge [sflag:s21], $0x1000  }
0x9d: {  	[sflag:s21] =	ssyncset.done $0x0  }
0x9e: {  	s26 =	simm.s32 $0x1580;
	[sflag:s21] =	ssyncadd.s32 $0xFFFFF000  }
0x9f: {  	[spmem:s4] =	stream.indirect.scatter.add.f32 [tilespmem:s16], [sflag:$0x5], $0x20, s26, s12, $0xb8;
	[tilespmem:$0x10620] =	vst v63  }
0xa0: {  	_ =	swait.ge [sflag:s10], $0x1000  }
0xa1: {  	[sflag:s10] =	ssyncset.done $0x0  }
0xa2: {  	s23 =	simm.s32 $0x800;
	s24 =	simm.s32 $0x380;
	[sflag:s10] =	ssyncadd.s32 $0xFFFFF000  }
.LBB2_2:
0xa3: {  	[tilespmem:s16], [sflag:$0x4] =	stream.indirect.gather [spmem:s3], $0x20, s24, s12, $0xb8;
	[tilespmem:$0x10620] =	vst v63  }
0xa4: {  	s24 =	smov.u32 s23  }
0xa5: {  	p1 =	sne.s32 s23, $0x4000;
	s23 =	sadd.s32 $0x800, s23;
	_ =	swait.ge [sflag:s17], $0x1000  }
0xa6: {  	s24 =	sshra.s32 s24, $0x2;
	[sflag:s17] =	ssyncset.done $0x0  }
0xa7: {  	s25 =	sadd.s32 $0x1400, s24;
	[sflag:s17] =	ssyncadd.s32 $0xFFFFF000  }
0xa8: {  	[spmem:s4] =	stream.indirect.scatter.add.f32 [tilespmem:s14], [sflag:$0x5], $0x20, s25, s12, $0xb8;
	[tilespmem:$0x10620] =	vst v63  }
0xa9: {  	_ =	swait.ge [sflag:s10], $0x1000  }
0xaa: {  	[sflag:s10] =	ssyncset.done $0x0  }
0xab: {  	s25 =	sadd.s32 $0x200, s24;
	[sflag:s10] =	ssyncadd.s32 $0xFFFFF000  }
0xac: {  	[tilespmem:s14], [sflag:$0x1] =	stream.indirect.gather [spmem:s3], $0x20, s25, s12, $0xb8;
	[tilespmem:$0x10620] =	vst v63  }
0xad: {  	_ =	swait.ge [sflag:s18], $0x1000  }
0xae: {  	[sflag:s18] =	ssyncset.done $0x0  }
0xaf: {  	s25 =	sadd.s32 $0x1480, s24;
	[sflag:s18] =	ssyncadd.s32 $0xFFFFF000  }
0xb0: {  	[spmem:s4] =	stream.indirect.scatter.add.f32 [tilespmem:s13], [sflag:$0x5], $0x20, s25, s12, $0xb8;
	[tilespmem:$0x10620] =	vst v63  }
0xb1: {  	_ =	swait.ge [sflag:s10], $0x1000  }
0xb2: {  	[sflag:s10] =	ssyncset.done $0x0  }
0xb3: {  	s25 =	sadd.s32 $0x280, s24;
	[sflag:s10] =	ssyncadd.s32 $0xFFFFF000  }
0xb4: {  	[tilespmem:s13], [sflag:$0x2] =	stream.indirect.gather [spmem:s3], $0x20, s25, s12, $0xb8;
	[tilespmem:$0x10620] =	vst v63  }
0xb5: {  	_ =	swait.ge [sflag:s20], $0x1000  }
0xb6: {  	[sflag:s20] =	ssyncset.done $0x0  }
0xb7: {  	s25 =	sadd.s32 $0x1500, s24;
	[sflag:s20] =	ssyncadd.s32 $0xFFFFF000  }
0xb8: {  	[spmem:s4] =	stream.indirect.scatter.add.f32 [tilespmem:s15], [sflag:$0x5], $0x20, s25, s12, $0xb8;
	[tilespmem:$0x10620] =	vst v63  }
0xb9: {  	_ =	swait.ge [sflag:s10], $0x1000  }
0xba: {  	[sflag:s10] =	ssyncset.done $0x0  }
0xbb: {  	s25 =	sadd.s32 $0x300, s24;
	[sflag:s10] =	ssyncadd.s32 $0xFFFFF000  }
0xbc: {  	[tilespmem:s15], [sflag:$0x3] =	stream.indirect.gather [spmem:s3], $0x20, s25, s12, $0xb8;
	[tilespmem:$0x10620] =	vst v63  }
0xbd: {  	_ =	swait.ge [sflag:s21], $0x1000  }
0xbe: {  	[sflag:s21] =	ssyncset.done $0x0  }
.Ltmp0:
0xbf: {  	s25 =	sadd.s32 $0x1580, s24;
	[sflag:s21] =	ssyncadd.s32 $0xFFFFF000;
	(pc) =	sbr.rel @p1 .LBB2_2-.Ltmp0, $4  }
0xc0: {  	[spmem:s4] =	stream.indirect.scatter.add.f32 [tilespmem:s16], [sflag:$0x5], $0x20, s25, s12, $0xb8;
	[tilespmem:$0x10620] =	vst v63  }
0xc1: {  	_ =	swait.ge [sflag:s10], $0x1000  }
0xc2: {  	[sflag:s10] =	ssyncset.done $0x0  }
0xc3: {  	s24 =	sadd.s32 $0x380, s24;
	[sflag:s10] =	ssyncadd.s32 $0xFFFFF000  }
0xc4: {  	[tilespmem:s16], [sflag:$0x4] =	stream.indirect.gather [spmem:s3], $0x20, s24, s12, $0xb8;
	[tilespmem:$0x10620] =	vst v63  }
0xc5: {  	_ =	swait.ge [sflag:s17], $0x1000  }
0xc6: {  	[sflag:s17] =	ssyncset.done $0x0  }
0xc7: {  	s23 =	simm.s32 $0x2600;
	[sflag:s17] =	ssyncadd.s32 $0xFFFFF000  }
0xc8: {  	[spmem:s4] =	stream.indirect.scatter.add.f32 [tilespmem:s14], [sflag:$0x5], $0x20, s23, s12, $0xb8;
	[tilespmem:$0x10620] =	vst v63  }
0xc9: {  	_ =	swait.ge [sflag:s10], $0x1000  }
0xca: {  	[sflag:s10] =	ssyncset.done $0x0  }
0xcb: {  	[sflag:s10] =	ssyncadd.s32 $0xFFFFF000  }
0xcc: {  	_ =	swait.ge [sflag:s18], $0x1000  }
0xcd: {  	[sflag:s18] =	ssyncset.done $0x0  }
0xce: {  	s25 =	simm.s32 $0x2680;
	[sflag:s18] =	ssyncadd.s32 $0xFFFFF000  }
0xcf: {  	[spmem:s4] =	stream.indirect.scatter.add.f32 [tilespmem:s13], [sflag:$0x5], $0x20, s25, s12, $0xb8;
	[tilespmem:$0x10620] =	vst v63  }
0xd0: {  	_ =	swait.ge [sflag:s10], $0x1000  }
0xd1: {  	[sflag:s10] =	ssyncset.done $0x0  }
0xd2: {  	[sflag:s10] =	ssyncadd.s32 $0xFFFFF000  }
0xd3: {  	_ =	swait.ge [sflag:s20], $0x1000  }
0xd4: {  	[sflag:s20] =	ssyncset.done $0x0  }
0xd5: {  	s26 =	simm.s32 $0x2700;
	[sflag:s20] =	ssyncadd.s32 $0xFFFFF000  }
0xd6: {  	[spmem:s4] =	stream.indirect.scatter.add.f32 [tilespmem:s15], [sflag:$0x5], $0x20, s26, s12, $0xb8;
	[tilespmem:$0x10620] =	vst v63  }
0xd7: {  	_ =	swait.ge [sflag:s10], $0x1000  }
0xd8: {  	[sflag:s10] =	ssyncset.done $0x0  }
0xd9: {  	[sflag:s10] =	ssyncadd.s32 $0xFFFFF000  }
0xda: {  	_ =	swait.ge [sflag:s21], $0x1000  }
0xdb: {  	[sflag:s21] =	ssyncset.done $0x0  }
0xdc: {  	s24 =	simm.s32 $0x2780;
	[sflag:s21] =	ssyncadd.s32 $0xFFFFF000  }
0xdd: {  	[spmem:s4] =	stream.indirect.scatter.add.f32 [tilespmem:s16], [sflag:$0x5], $0x20, s24, s12, $0xb8;
	[tilespmem:$0x10620] =	vst v63  }
0xde: {  	_ =	swait.ge [sflag:s10], $0x1000  }
0xdf: {  	[sflag:s10] =	ssyncset.done $0x0  }
0xe0: {  	[sflag:s10] =	ssyncadd.s32 $0xFFFFF000  }
0xe1: {  	[bflag:$0x0] =	sbarrier.arrive $0xFFFF  }
0xe2: {  	s25 =	rddreg [dreg:$0x13]  }
0xe3: {  	[tilespmem:s14], [sflag:$0x5] =	stream.linear.gather [spmem:s25], $0x1000, $0x38;
	[tilespmem:$0x10620] =	vst v63  }
0xe4: {  	_ =	swait.ge [sflag:s10], $0x1000  }
0xe5: {  	[sflag:s10] =	ssyncset.done $0x0  }
0xe6: {  	s26 =	rddreg [dreg:$0xc];
	[sflag:s10] =	ssyncadd.s32 $0xFFFFF000  }
0xe7: {  	[hbm4b:s26+s11] =	stream.strided.scatter [tilespmem:s14], [sflag:$0x5], $0x1000, s12, s11, $0x38;
	[tilespmem:$0x10620] =	vst v63  }
0xe8: {  	_ =	swait.ge [sflag:s10], $0x1000  }
0xe9: {  	[sflag:s10] =	ssyncset.done $0x0  }
0xea: {  	s24 =	rddreg [dreg:$0x15];
	[sflag:s10] =	ssyncadd.s32 $0xFFFFF000  }
0xeb: {  	[tilespmem:s14], [sflag:$0x5] =	stream.linear.gather [spmem:s24], $0x1000, $0x38;
	[tilespmem:$0x10620] =	vst v63  }
0xec: {  	_ =	swait.ge [sflag:s10], $0x1000  }
0xed: {  	[sflag:s10] =	ssyncset.done $0x0  }
0xee: {  	s25 =	rddreg [dreg:$0xd];
	[sflag:s10] =	ssyncadd.s32 $0xFFFFF000  }
0xef: {  	[hbm4b:s25+s11] =	stream.strided.scatter [tilespmem:s14], [sflag:$0x5], $0x1000, s12, s11, $0x38;
	[tilespmem:$0x10620] =	vst v63  }
0xf0: {  	_ =	swait.ge [sflag:s10], $0x1000  }
0xf1: {  	[sflag:s10] =	ssyncset.done $0x0  }
0xf2: {  	s26 =	rddreg [dreg:$0x17];
	[sflag:s10] =	ssyncadd.s32 $0xFFFFF000  }
0xf3: {  	[tilespmem:s14], [sflag:$0x5] =	stream.linear.gather [spmem:s26], $0x1000, $0x38;
	[tilespmem:$0x10620] =	vst v63  }
0xf4: {  	_ =	swait.ge [sflag:s10], $0x1000  }
0xf5: {  	[sflag:s10] =	ssyncset.done $0x0  }
0xf6: {  	s24 =	rddreg [dreg:$0xe];
	[sflag:s10] =	ssyncadd.s32 $0xFFFFF000  }
0xf7: {  	[hbm4b:s24+s11] =	stream.strided.scatter [tilespmem:s14], [sflag:$0x5], $0x1000, s12, s11, $0x38;
	[tilespmem:$0x10620] =	vst v63  }
0xf8: {  	_ =	swait.ge [sflag:s10], $0x1000  }
0xf9: {  	[sflag:s10] =	ssyncset.done $0x0  }
0xfa: {  	[sflag:s10] =	ssyncadd.s32 $0xFFFFF000  }
0xfb: {  	[tilespmem:s14], [sflag:$0x5] =	stream.linear.gather [spmem:s28], $0x1000, $0x38;
	[tilespmem:$0x10620] =	vst v63  }
0xfc: {  	_ =	swait.ge [sflag:s10], $0x1000  }
0xfd: {  	[sflag:s10] =	ssyncset.done $0x0  }
0xfe: {  	s25 =	rddreg [dreg:$0xf];
	[sflag:s10] =	ssyncadd.s32 $0xFFFFF000  }
0xff: {  	[hbm4b:s25+s11] =	stream.strided.scatter [tilespmem:s14], [sflag:$0x5], $0x1000, s12, s11, $0x38;
	[tilespmem:$0x10620] =	vst v63  }
0x100: {  	_ =	swait.ge [sflag:s10], $0x1000  }
0x101: {  	[sflag:s10] =	ssyncset.done $0x0  }
0x102: {  	[sflag:s10] =	ssyncadd.s32 $0xFFFFF000  }
0x103: {  	[tilespmem:s14], [sflag:$0x5] =	stream.linear.gather [spmem:s30], $0xE00, $0x38;
	[tilespmem:$0x10620] =	vst v63  }
0x104: {  	_ =	swait.ge [sflag:s10], $0xE00  }
0x105: {  	[sflag:s10] =	ssyncset.done $0x0  }
0x106: {  	s26 =	rddreg [dreg:$0x10];
	[sflag:s10] =	ssyncadd.s32 $0xFFFFF200  }
0x107: {  	[hbm4b:s26+s11] =	stream.strided.scatter [tilespmem:s14], [sflag:$0x5], $0xE00, s12, s11, $0x38;
	[tilespmem:$0x10620] =	vst v63  }
0x108: {  	_ =	swait.ge [sflag:s10], $0xE00  }
0x109: {  	[sflag:s10] =	ssyncset.done $0x0  }
0x10a: {  	s23 =	simm.s32 @!p0 $0x2800;
	s24 =	simm.s32 @!p0 $0x5;
	[sflag:s10] =	ssyncadd.s32 $0xFFFFF200  }
0x10b: {  	[tilespmem:s23], [sflag:$0x5] =	stream.linear.gather @!p0 [spmem:s9], $0x200, $0x38;
	[tilespmem:$0x10620] =	vst v63  }
0x10c: {  	s22 =	sadd.s32 $0x1, s22;
	_ =	swait.ge @!p0 [sflag:s24], $0x200  }
0x10d: {  	p1 =	sne.s32 s22, s2;
	s25 =	simm.s32 @!p0 $0x20;
	[sflag:s24] =	ssyncset.done @!p0 $0x0  }
.Ltmp1:
0x10e: {  	s26 =	simm.s32 @!p0 $0x80;
	[sflag:s24] =	ssyncadd.s32 @!p0 $0xFFFFFE00;
	(pc) =	sbr.rel @p1 .LBB2_1-.Ltmp1, $4  }
0x10f: {  	[hbm4b:s31+s25] =	stream.strided.scatter @!p0 [tilespmem:s23], [sflag:$0x5], $0x200, s26, s25, $0x38;
	[tilespmem:$0x10620] =	vst v63  }
0x110: {  	_ =	swait.ge @!p0 [sflag:s24], $0x200  }
0x111: {  	[sflag:s24] =	ssyncset.done @!p0 $0x0  }
0x112: {  	[sflag:s24] =	ssyncadd.s32 @!p0 $0xFFFFFE00  }
0x113: {  	_ =	sfence.sel $0x180000  }
0x114: {  	[bflag:$0x0] =	sbarrier.arrive $0xFFFF  }
0x115: {  	_ =	strace $0x9000004D  }
0x116: {  	s0 =	stileid.u32;
	[bflag:$0x2] =	sbarrier.arrive $0xFFFF  }
0x117: {  	p0 =	sne.s32 s0, $0x0;
	s0 =	rddreg [dreg:$0x4]  }
0x118: {  	s0 =	sadd.s32 @!p0 $0x100000, s0  }
0x119: {  	[sflag:s0] =	ssyncadd.tile.s32 @!p0 $0x1;
	_ =	shalt  }
.Lfunc_end2:
_tile_overlayer_lowered:
.L_overlay_start_2:
0x11a: {  	(tag) =	ssettag $0x2  }
0x11b: {  	s0 =	rddreg [dreg:$0x0];
	s2 =	stileid.u32  }
0x11c: {  	s1 =	rddreg [dreg:$0x1];
	p0 =	sne.s32 s2, $0x0  }
0x11d: {  	s3 =	rddreg [dreg:$0x2];
	[bflag:$0x3] =	sbarrier.arrive $0xFFFF;
	s2 =	simm.s32 @!p0 $0x1C05  }
0x11e: {  	[timem:s3], [sflag:s2] =	dma.local @!p0 [hbm:s0], s1  }
0x11f: {  	s0 =	simm.s32 @!p0 $0x5  }
0x120: {  	_ =	swait.ge @!p0 [sflag:s0], s1  }
0x121: {  	s1 =	ssub.s32 @!p0 $0x0, s1;
	[sflag:s0] =	ssyncset.done @!p0 $0x0  }
0x122: {  	[sflag:s0] =	ssyncadd.s32 @!p0 s1  }
0x123: {  	[bflag:$0x3] =	sbarrier.arrive $0xFFFF  }
0x124: {  	_ =	shalt  }

// kernel: kernel.9.cloned.1.call-start
scs
__scs_entry_jumppad:
0x0: {  	(pc) =	sbr.rel $0x88, $3  }
0x1: {  	(tag) =	ssettag $0x0;
	lr =	simm.s32 $0x1  }
0x2: {  	[smem:$0x3F91] =	sst lr;
	_ =	strace $0xD0000000  }
0x3: {  	_ = 	snop  }
0x4: {  	_ = 	snop  }
0x5: {  	_ = 	snop  }
0x6: {  	_ = 	snop  }
0x7: {  	_ = 	snop  }
__scs_overlays_trampoline_lowered:
0x8: {  	[smem:$0x3FA0] =	sst s0  }
0x9: {  	[smem:$0x3FA1] =	sst s1  }
0xa: {  	[smem:$0x3FA2] =	sst s2  }
0xb: {  	[smem:$0x3FA3] =	sst s3  }
0xc: {  	[smem:$0x3FA4] =	sst s4  }
0xd: {  	[smem:$0x3FA5] =	sst s5  }
0xe: {  	[smem:$0x3FA6] =	sst s6  }
0xf: {  	[smem:$0x3FA7] =	sst s7  }
0x10: {  	[smem:$0x3FA8] =	sst s8  }
0x11: {  	[smem:$0x3FA9] =	sst s9;
	s0 =	simm.s32 @!p0 $0x0  }
0x12: {  	s1 =	sld [smem:$0x3F8F];
	s0 =	simm.s32 @p0 $0x1  }
0x13: {  	[smem:$0x3FAA] =	sst s0;
	s0 =	simm.s32 @!p1 $0x0  }
0x14: {  	s2 =	sld [smem:$0x3F8E];
	s0 =	simm.s32 @p1 $0x1  }
0x15: {  	[smem:$0x3FAB] =	sst s0;
	s0 =	simm.s32 @!p2 $0x0  }
0x16: {  	s3 =	sld [smem:$0x3FDB];
	s0 =	simm.s32 @p2 $0x1  }
0x17: {  	s4 =	simm.s32 $0x1BF5;
	[smem:$0x3FAD] =	sst s0  }
0x18: {  	s0 =	sld [smem:$0x3F90];
	_ =	swait.ge [sflag:s4], $0x0  }
0x19: {  	s7 =	sld [smem:$0x3F91]  }
0x1a: {  	s8 =	sadd.s32 $0xFFFFE003, lr  }
0x1b: {  	s9 =	sadd.s32 $0xFFFFFEF7, lr;
	s5 =	simm.s32 $0xFFFFFFFF;
	p2 =	slt.u32 s8, $0xFFFFF086  }
0x1c: {  	p1 =	slt.u32 s9, $0xF7A;
	s5 =	simm.s32 @!p2 $0x0  }
0x1d: {  	s5 =	simm.s32 @p1 $0x1;
	p0 =	seq.s32 s7, s2  }
0x1e: {  	s7 =	smul.u32 @!p0 $0xF7A, s2;
	p2 =	seq.s32 @!p0 s5, $0x0  }
0x1f: {  	s9 =	smul.u32 $0xF7A, s1;
	s8 =	simm.s32 @!p0 $0x1BF5;
	p2 =	por !p2, p0  }
0x20: {  	[sflag:s8] =	ssyncset.s32 @!p0 $0xFFFFF086;
	s6 =	sadd.s32 @!p0 s3, s7;
	s7 =	simm.s32 @!p0 $0x108  }
0x21: {  	s3 =	sadd.s32 s3, s9;
	s6 =	sadd.s32 @!p0 $0x88, s6;
	s7 =	simm.s32 @p2 $0x1082  }
0x22: {  	[simem:s7], [sflag:s8] =	dma.local @!p0 [hbm:s6], $0xF7A  }
0x23: {  	s9 =	sor.u32 $0xD0000000, s2;
	s6 =	simm.s32 $0x108;
	_ =	swait.ge @!p0 [sflag:s8], $0x0  }
0x24: {  	s3 =	sadd.s32 $0x88, s3;
	s6 =	simm.s32 @!p1 $0x1082;
	[sflag:s4] =	ssyncset.s32 $0xFFFFF086  }
0x25: {  	[simem:s6], [sflag:s4] =	dma.local [hbm:s3], $0xF7A  }
0x26: {  	[smem:$0x3F91] =	sst s1;
	(tag) =	ssettag s2;
	_ =	strace s9  }
0x27: {  	s1 =	sld [smem:$0x3FA1]  }
0x28: {  	s2 =	sld [smem:$0x3FA2]  }
0x29: {  	s4 =	sld [smem:$0x3FA4]  }
0x2a: {  	p0 =	seq.s32 s5, $0x0;
	s5 =	sld [smem:$0x3FA5]  }
0x2b: {  	s6 =	sld [smem:$0x3FA6]  }
0x2c: {  	s7 =	sld [smem:$0x3FA7]  }
0x2d: {  	s3 =	simm.s32 $0x108;
	s8 =	sld [smem:$0x3FA8]  }
0x2e: {  	s3 =	simm.s32 @!p0 $0x1082;
	s9 =	sld [smem:$0x3FA9]  }
0x2f: {  	lr =	sadd.s32 s0, s3;
	s0 =	sld [smem:$0x3FA0]  }
0x30: {  	s3 =	sld [smem:$0x3FA3]  }
0x31: {  	[smem:$0x3FAC] =	sst s10  }
0x32: {  	s10 =	sld [smem:$0x3FAA];
	_ =	sdelay $0x3  }
0x33: {  	p0 =	seq.s32 s10, $0x1;
	s10 =	sld [smem:$0x3FAC];
	_ =	sdelay $0x3  }
0x34: {  	[smem:$0x3FAC] =	sst s10  }
0x35: {  	s10 =	sld [smem:$0x3FAB];
	_ =	sdelay $0x3  }
0x36: {  	p1 =	seq.s32 s10, $0x1;
	s10 =	sld [smem:$0x3FAC];
	_ =	sdelay $0x3  }
0x37: {  	[smem:$0x3FAC] =	sst s10  }
0x38: {  	s10 =	sld [smem:$0x3FAD]  }
0x39: {  	_ = 	snop;
	(pc) =	sbr.ind lr, $3  }
0x3a: {  	_ = 	snop  }
0x3b: {  	_ = 	snop  }
0x3c: {  	p2 =	seq.s32 s10, $0x1;
	s10 =	sld [smem:$0x3FAC]  }
0x3d: {  	_ =	shalt  }
0x3e: {  	_ =	shalt  }
0x3f: {  	_ =	shalt  }
0x40: {  	_ =	shalt  }
0x41: {  	_ =	shalt  }
0x42: {  	_ =	shalt  }
0x43: {  	_ =	shalt  }
0x44: {  	_ =	shalt  }
0x45: {  	_ =	shalt  }
0x46: {  	_ =	shalt  }
0x47: {  	_ =	shalt  }
0x48: {  	_ =	shalt  }
0x49: {  	_ =	shalt  }
0x4a: {  	_ =	shalt  }
0x4b: {  	_ =	shalt  }
0x4c: {  	_ =	shalt  }
0x4d: {  	_ =	shalt  }
0x4e: {  	_ =	shalt  }
0x4f: {  	_ =	shalt  }
0x50: {  	_ =	shalt  }
0x51: {  	_ =	shalt  }
0x52: {  	_ =	shalt  }
0x53: {  	_ =	shalt  }
0x54: {  	_ =	shalt  }
0x55: {  	_ =	shalt  }
0x56: {  	_ =	shalt  }
0x57: {  	_ =	shalt  }
0x58: {  	_ =	shalt  }
0x59: {  	_ =	shalt  }
0x5a: {  	_ =	shalt  }
0x5b: {  	_ =	shalt  }
0x5c: {  	_ =	shalt  }
0x5d: {  	_ =	shalt  }
0x5e: {  	_ =	shalt  }
0x5f: {  	_ =	shalt  }
0x60: {  	_ =	shalt  }
0x61: {  	_ =	shalt  }
0x62: {  	_ =	shalt  }
0x63: {  	_ =	shalt  }
0x64: {  	_ =	shalt  }
0x65: {  	_ =	shalt  }
0x66: {  	_ =	shalt  }
0x67: {  	_ =	shalt  }
0x68: {  	_ =	shalt  }
0x69: {  	_ =	shalt  }
0x6a: {  	_ =	shalt  }
0x6b: {  	_ =	shalt  }
0x6c: {  	_ =	shalt  }
0x6d: {  	_ =	shalt  }
0x6e: {  	_ =	shalt  }
0x6f: {  	_ =	shalt  }
0x70: {  	_ =	shalt  }
0x71: {  	_ =	shalt  }
0x72: {  	_ =	shalt  }
0x73: {  	_ =	shalt  }
0x74: {  	_ =	shalt  }
0x75: {  	_ =	shalt  }
0x76: {  	_ =	shalt  }
0x77: {  	_ =	shalt  }
0x78: {  	_ =	shalt  }
0x79: {  	_ =	shalt  }
0x7a: {  	_ =	shalt  }
0x7b: {  	_ =	shalt  }
0x7c: {  	_ =	shalt  }
0x7d: {  	_ =	shalt  }
0x7e: {  	_ =	shalt  }
0x7f: {  	_ =	shalt  }
0x80: {  	_ =	shalt  }
0x81: {  	_ =	shalt  }
0x82: {  	_ =	shalt  }
0x83: {  	_ =	shalt  }
0x84: {  	_ =	shalt  }
0x85: {  	_ =	shalt  }
0x86: {  	_ =	shalt  }
0x87: {  	_ =	shalt  }
.Lfunc_end0:
.L_simem_size_0:
called_computation_lowered:
.L_overlay_start_0:
0x88: {  	s2 =	sld [smem:$0x3FD9]  }
0x89: {  	s3 =	sld [smem:$0x3FFE];
	_ =	sdelay $0x1  }
0x8a: {  	s1 =	srdreg.scid  }
0x8b: {  	s0 =	sand.u32 $0x1, s1  }
0x8c: {  	s16 =	sshll.u32 s0, $0xA;
	s2 =	sadd.s32 s3, s2  }
0x8d: {  	s2 =	sadd.s32 s2, s16  }
0x8e: {  	[smem:$0x3FB8] =	sst s2  }
0x8f: {  	_ = 	snop  }
0x90: {  	(tm) =	ssettm $0x1  }
0x91: {  	s17 =	sld [smem:$0x3FFB];
	_ =	sdelay $0x3  }
0x92: {  	_ =	strace s17  }
0x93: {  	s2 =	sld [smem:$0x3FFC];
	_ =	sdelay $0x3  }
0x94: {  	_ =	strace s2  }
0x95: {  	s2 =	sld [smem:$0x3FFD];
	_ =	sdelay $0x3  }
0x96: {  	_ =	strace s2  }
0x97: {  	_ =	strace $0x8FFFFFFF  }
0x98: {  	s18 =	sld [smem:$0x3FDB];
	_ =	sdelay $0x1  }
0x99: {  	s19 =	simm.s32 $_scs_section_size  }
0x9a: {  	s4 =	simm.s32 $_size__tile_overlayer_lowered;
	s5 =	simm.s32 $_tile_overlayer_lowered  }
0x9b: {  	s22 =	simm.s32 $0x1BFF;
	s21 =	sshll.u32 s5, $0x1;
	s2 =	sadd.s32 s19, s18  }
0x9c: {  	s6 =	simm.s32 $0x0;
	s20 =	sshll.u32 s4, $0x1;
	s4 =	sadd.s32 s21, s2  }
0x9d: {  	[timem:s6], [sflag:s22] =	dma.local [hbm:s4], s20  }
0x9e: {  	_ =	swait.ge [sflag:s22], s20  }
0x9f: {  	s3 =	ssub.s32 $0x0, s20;
	[sflag:s22] =	ssyncset.done $0x0  }
0xa0: {  	[sflag:s22] =	ssyncadd.s32 s3;
	_ =	sdelay $0x1  }
0xa1: {  	s23 =	simm.s32 $0x1B8B  }
0xa2: {  	_ =	swait.ge [sflag:s23], $0x1  }
0xa3: {  	[sflag:s23] =	ssyncset.done $0x0  }
0xa4: {  	s25 =	simm.s32 $0x1B8E;
	s24 =	sld [smem:$0x3FFE];
	[sflag:s23] =	ssyncadd.s32 $0xFFFFFFFF  }
0xa5: {  	s26 =	simm.s32 $execute0_lowered;
	[smem:$0x3FD2] =	sst s25  }
0xa6: {  	s4 =	sshll.u32 s26, $0x1;
	_ =	strace $0x80000046;
	[dreg:$0x1] =	wrdreg $0xFFFFFFFF  }
0xa7: {  	s28 =	simm.s32 $_size_execute0_lowered;
	s2 =	sadd.s32 s2, s4;
	[dreg:$0x0] =	wrdreg $0x0  }
0xa8: {  	s4 =	sshll.u32 s28, $0x1;
	[dreg:$0x2] =	wrdreg s2  }
0xa9: {  	[dreg:$0x3] =	wrdreg s4  }
0xaa: {  	[dreg:$0x4] =	wrdreg $0xC0  }
0xab: {  	_ =	task [dreg:s6], $0x5FFFF  }
0xac: {  	[dreg:$0x1] =	wrdreg $0xFFFFFFFF  }
0xad: {  	[dreg:$0x0] =	wrdreg $0x60  }
0xae: {  	[dreg:$0x2] =	wrdreg s24  }
0xaf: {  	[dreg:$0x3] =	wrdreg $0x130000  }
0xb0: {  	[dreg:$0x4] =	wrdreg $0x90000  }
0xb1: {  	[dreg:$0x5] =	wrdreg $0x9  }
0xb2: {  	_ =	task.clear_ibuf [dreg:s6], $0x6FFFF;
	_ =	strace $0x90000046  }
0xb3: {  	s29 =	simm.s32 $0x9;
	_ =	strace $0x80000048  }
0xb4: {  	_ =	swait.ge [sflag:s29], $0x1  }
0xb5: {  	[sflag:s29] =	ssyncadd.s32 $0xFFFFFFFF  }
0xb6: {  	_ =	strace $0x90000048  }
0xb7: {  	_ =	sfence  }
0xb8: {  	s30 =	sld [smem:$0x0];
	_ =	sdelay $0x2  }
0xb9: {  	s31 =	sshll.u32 s1, $0xD;
	s1 =	sshrl.u32 s1, $0x2  }
0xba: {  	s3 =	sand.u32 $0x4000, s31;
	s1 =	sadd.s32 s1, s30  }
0xbb: {  	s0 =	sor.u32 s3, s0;
	s1 =	sshll.u32 s1, $0x11  }
0xbc: {  	s0 =	sor.u32 s1, s0  }
0xbd: {  	s0 =	sadd.s32 $0x8F2B, s0  }
0xbe: {  	[sflag:s0] =	ssyncadd.remote.s32 $0x1  }
0xbf: {  	_ =	sfence.sel $0xFFFF  }
0xc0: {  	[dreg:$0x0] =	wrdreg $0xFFFFFFFF;
	(pc) =	sbr.abs _section_cstart, $3  }
0xc1: {  	[dreg:$0x1] =	wrdreg $0xFFFFFFFF  }
0xc2: {  	_ =	task.clear_ibuf [dreg:s6], $0x2FFFF;
	_ =	strace $0x9FFFFFFF  }
0xc3: {  	(tm) =	ssettm $0x7FFFFFFF  }
tec
execute0_lowered:
.L_overlay_start_1:
0x0: {  	(tag) =	ssettag $0x1  }
0x1: {  	s0 =	rddreg [dreg:$0x0]  }
0x2: {  	s2 =	rddreg [dreg:$0x1]  }
0x3: {  	s3 =	rddreg [dreg:$0x2];
	s18 =	stileid.u32  }
0x4: {  	s4 =	simm.s32 $0x0;
	s6 =	srdreg.scid;
	s1 =	smul.u32 $0x500, s18  }
0x5: {  	[smem:$0x7FF] =	sst s4;
	s5 =	sadd.s32 $0xD400, s0;
	s20 =	smul.u32 $0x270, s18  }
0x6: {  	s7 =	sadd.s32 $0x34600, s0;
	s6 =	sand.u32 $0x1, s6;
	s9 =	smul.u32 $0x13800, s18  }
0x7: {  	p0 =	sne.s32 s18, $0xF;
	_ =	strace $0x80000047;
	[dreg:$0x4] =	wrdreg s7  }
0x8: {  	s8 =	ssub.s32 $0x2, s6;
	s11 =	sshll.u32 s6, $0x6;
	s6 =	sshll.u32 s6, $0x3  }
0x9: {  	s1 =	sadd.s32 s1, s0;
	s0 =	sadd.s32 $0x34A00, s0;
	s10 =	sshrl.u32 s8, $0x1  }
0xa: {  	s12 =	sadd.s32 $0x80, s20;
	s9 =	sor.u32 s11, s9;
	s23 =	sadd.s32 $0x100, s20  }
0xb: {  	s15 =	sadd.s32 $0x180, s20;
	s7 =	sadd.s32 $0x200, s20;
	s8 =	ssub.s32 s8, s10  }
0xc: {  	s21 =	sshll.u32 s12, $0x7;
	s13 =	sadd.s32 $0x3400, s1;
	s9 =	sshrl.u32 s9, $0x3  }
0xd: {  	s24 =	sshll.u32 s23, $0x7;
	s16 =	sshll.u32 s15, $0x7;
	s17 =	sshll.u32 s7, $0x7  }
0xe: {  	s1 =	sadd.s32 $0x8400, s1;
	s20 =	sshll.u32 s12, $0x6;
	s7 =	sshll.u32 s7, $0x6  }
0xf: {  	s12 =	simm.s32 $0x80;
	[dreg:$0x5] =	wrdreg s13;
	s10 =	sor.u32 s11, s21  }
0x10: {  	s22 =	sadd.s32 s5, s9;
	s16 =	sor.u32 s11, s16;
	s9 =	sadd.s32 s0, s9  }
0x11: {  	[dreg:$0x10] =	wrdreg s1;
	s21 =	sshll.u32 s23, $0x6;
	s23 =	smul.u32 $0x9C00, s18  }
0x12: {  	s29 =	sadd.s32 s7, s2;
	s30 =	sadd.s32 s7, s3;
	s1 =	sadd.s32 $0x9C000, s2  }
0x13: {  	s13 =	simm.s32 $0x7000;
	[dreg:$0x6] =	wrdreg s22;
	s10 =	sshrl.u32 s10, $0x3  }
0x14: {  	s16 =	sshrl.u32 s16, $0x3;
	[dreg:$0xb] =	wrdreg s9;
	s22 =	sshll.u32 s15, $0x6  }
0x15: {  	s9 =	sadd.s32 $0x9C000, s3;
	s15 =	simm.s32 $0x1;
	s14 =	sadd.s32 s5, s10  }
0x16: {  	s25 =	sadd.s32 s5, s16;
	s10 =	sadd.s32 s0, s10;
	[dreg:$0x7] =	wrdreg s14  }
0x17: {  	s16 =	sadd.s32 s0, s16;
	s28 =	sadd.s32 s22, s3;
	[dreg:$0x9] =	wrdreg s25  }
0x18: {  	s14 =	sor.u32 s11, s24;
	s11 =	sor.u32 s11, s17;
	[dreg:$0xc] =	wrdreg s10  }
0x19: {  	[dreg:$0xe] =	wrdreg s16;
	s24 =	sadd.s32 s23, s2;
	s25 =	sadd.s32 s23, s3  }
0x1a: {  	s23 =	sadd.s32 s20, s3;
	s10 =	simm.s32 $0x3;
	s16 =	simm.s32 $0x2  }
0x1b: {  	s14 =	sshrl.u32 s14, $0x3;
	s11 =	sshrl.u32 s11, $0x3;
	[dreg:$0x12] =	wrdreg s24  }
0x1c: {  	[dreg:$0x13] =	wrdreg s25;
	s24 =	sadd.s32 s21, s2;
	s19 =	sadd.s32 s5, s14  }
0x1d: {  	s25 =	sadd.s32 s21, s3;
	s26 =	sadd.s32 s5, s11;
	[dreg:$0x8] =	wrdreg s19  }
0x1e: {  	s5 =	sadd.s32 s6, s5;
	s14 =	sadd.s32 s0, s14;
	[dreg:$0xa] =	wrdreg s26  }
0x1f: {  	s17 =	sadd.s32 s0, s11;
	s0 =	sadd.s32 s6, s0;
	[dreg:$0xd] =	wrdreg s14  }
0x20: {  	s11 =	simm.s32 $0x40;
	[dreg:$0xf] =	wrdreg s17;
	s19 =	smul.u32 $0x28000, s18  }
0x21: {  	s5 =	sadd.s32 $0x27000, s5;
	s26 =	sadd.s32 s20, s2;
	s31 =	sadd.s32 $0x27000, s0  }
0x22: {  	s0 =	smax.u32 s8, $0x1;
	s14 =	simm.s32 $0x5000;
	s6 =	sshrl.u32 s19, $0x2  }
0x23: {  	s17 =	simm.s32 $0x0;
	[dreg:$0x11] =	wrdreg s5;
	s19 =	sadd.s32 s6, s3  }
0x24: {  	[dreg:$0x14] =	wrdreg s26;
	s26 =	sadd.s32 s22, s2;
	s5 =	sadd.s32 $0x2000, s19  }
0x25: {  	s6 =	sadd.s32 $0x4000, s19;
	s7 =	sadd.s32 $0x6000, s19;
	s8 =	sadd.s32 $0x8000, s19  }
.LBB2_1:
0x26: {  	s18 =	rddreg [dreg:$0x5]  }
0x27: {  	[tilespmem:s4], [sflag:$0x3] =	stream.linear.gather [hbm4b:s18+s4], $0x2800, $0x38;
	[tilespmem:$0x1CC40] =	vst v63  }
0x28: {  	_ =	swait.ge [sflag:s10], $0x2800  }
0x29: {  	[sflag:s10] =	ssyncset.done $0x0  }
0x2a: {  	s20 =	simm.s32 $0x2800;
	s22 =	rddreg [dreg:$0x10];
	[sflag:s10] =	ssyncadd.s32 $0xFFFFD800  }
0x2b: {  	[tilespmem:s20], [sflag:$0x3] =	stream.linear.gather [hbm4b:s22+s4], $0x2800, $0x38;
	[tilespmem:$0x1CC40] =	vst v63  }
0x2c: {  	_ =	swait.ge [sflag:s10], $0x2800  }
0x2d: {  	[sflag:s10] =	ssyncset.done $0x0  }
0x2e: {  	s21 =	rddreg [dreg:$0x6];
	[sflag:s10] =	ssyncadd.s32 $0xFFFFD800  }
0x2f: {  	[tilespmem:s13], [sflag:$0x3] =	stream.strided.gather [hbm4b:s21+s11], $0x2000, s12, s11, $0x38;
	[tilespmem:$0x1CC40] =	vst v63  }
0x30: {  	_ =	swait.ge [sflag:s10], $0x2000  }
0x31: {  	[sflag:s10] =	ssyncset.done $0x0  }
0x32: {  	s22 =	rddreg [dreg:$0x12];
	[sflag:s10] =	ssyncadd.s32 $0xFFFFE000  }
0x33: {  	[spmem:s22] =	stream.linear.scatter [tilespmem:s13], [sflag:$0x3], $0x2000, $0x38;
	[tilespmem:$0x1CC40] =	vst v63  }
0x34: {  	_ =	swait.ge [sflag:s10], $0x2000  }
0x35: {  	[sflag:s10] =	ssyncset.done $0x0  }
0x36: {  	s20 =	rddreg [dreg:$0x7];
	[sflag:s10] =	ssyncadd.s32 $0xFFFFE000  }
0x37: {  	[tilespmem:s13], [sflag:$0x3] =	stream.strided.gather [hbm4b:s20+s11], $0x2000, s12, s11, $0x38;
	[tilespmem:$0x1CC40] =	vst v63  }
0x38: {  	_ =	swait.ge [sflag:s10], $0x2000  }
0x39: {  	[sflag:s10] =	ssyncset.done $0x0  }
0x3a: {  	s21 =	rddreg [dreg:$0x14];
	[sflag:s10] =	ssyncadd.s32 $0xFFFFE000  }
0x3b: {  	[spmem:s21] =	stream.linear.scatter [tilespmem:s13], [sflag:$0x3], $0x2000, $0x38;
	[tilespmem:$0x1CC40] =	vst v63  }
0x3c: {  	_ =	swait.ge [sflag:s10], $0x2000  }
0x3d: {  	[sflag:s10] =	ssyncset.done $0x0  }
0x3e: {  	s22 =	rddreg [dreg:$0x8];
	[sflag:s10] =	ssyncadd.s32 $0xFFFFE000  }
0x3f: {  	[tilespmem:s13], [sflag:$0x3] =	stream.strided.gather [hbm4b:s22+s11], $0x2000, s12, s11, $0x38;
	[tilespmem:$0x1CC40] =	vst v63  }
0x40: {  	_ =	swait.ge [sflag:s10], $0x2000  }
0x41: {  	[sflag:s10] =	ssyncset.done $0x0  }
0x42: {  	[sflag:s10] =	ssyncadd.s32 $0xFFFFE000  }
0x43: {  	[spmem:s24] =	stream.linear.scatter [tilespmem:s13], [sflag:$0x3], $0x2000, $0x38;
	[tilespmem:$0x1CC40] =	vst v63  }
0x44: {  	_ =	swait.ge [sflag:s10], $0x2000  }
0x45: {  	[sflag:s10] =	ssyncset.done $0x0  }
0x46: {  	s20 =	rddreg [dreg:$0x9];
	[sflag:s10] =	ssyncadd.s32 $0xFFFFE000  }
0x47: {  	[tilespmem:s13], [sflag:$0x3] =	stream.strided.gather [hbm4b:s20+s11], $0x2000, s12, s11, $0x38;
	[tilespmem:$0x1CC40] =	vst v63  }
0x48: {  	_ =	swait.ge [sflag:s10], $0x2000  }
0x49: {  	[sflag:s10] =	ssyncset.done $0x0  }
0x4a: {  	[sflag:s10] =	ssyncadd.s32 $0xFFFFE000  }
0x4b: {  	[spmem:s26] =	stream.linear.scatter [tilespmem:s13], [sflag:$0x3], $0x2000, $0x38;
	[tilespmem:$0x1CC40] =	vst v63  }
0x4c: {  	_ =	swait.ge [sflag:s10], $0x2000  }
0x4d: {  	[sflag:s10] =	ssyncset.done $0x0  }
0x4e: {  	s21 =	rddreg [dreg:$0xa];
	[sflag:s10] =	ssyncadd.s32 $0xFFFFE000  }
0x4f: {  	[tilespmem:s13], [sflag:$0x3] =	stream.strided.gather [hbm4b:s21+s11], $0x1C00, s12, s11, $0x38;
	[tilespmem:$0x1CC40] =	vst v63  }
0x50: {  	_ =	swait.ge [sflag:s10], $0x1C00  }
0x51: {  	[sflag:s10] =	ssyncset.done $0x0  }
0x52: {  	[sflag:s10] =	ssyncadd.s32 $0xFFFFE400  }
0x53: {  	[spmem:s29] =	stream.linear.scatter [tilespmem:s13], [sflag:$0x3], $0x1C00, $0x38;
	[tilespmem:$0x1CC40] =	vst v63  }
0x54: {  	_ =	swait.ge [sflag:s10], $0x1C00  }
0x55: {  	s18 =	simm.s32 @!p0 $0x40;
	s20 =	simm.s32 @!p0 $0x80;
	[sflag:s10] =	ssyncset.done $0x0  }
0x56: {  	s21 =	simm.s32 @!p0 $0x7000;
	s22 =	rddreg [dreg:$0x11];
	[sflag:s10] =	ssyncadd.s32 $0xFFFFE400  }
0x57: {  	[tilespmem:s21], [sflag:$0x3] =	stream.strided.gather @!p0 [hbm4b:s22+s18], $0x400, s20, s18, $0x38;
	[tilespmem:$0x1CC40] =	vst v63  }
0x58: {  	s18 =	simm.s32 @!p0 $0x3  }
0x59: {  	_ =	swait.ge @!p0 [sflag:s18], $0x400  }
0x5a: {  	[sflag:s18] =	ssyncset.done @!p0 $0x0  }
0x5b: {  	[sflag:s18] =	ssyncadd.s32 @!p0 $0xFFFFFC00  }
0x5c: {  	[spmem:s1] =	stream.linear.scatter @!p0 [tilespmem:s21], [sflag:$0x3], $0x400, $0x38;
	[tilespmem:$0x1CC40] =	vst v63  }
0x5d: {  	_ =	swait.ge @!p0 [sflag:s18], $0x400  }
0x5e: {  	[sflag:s18] =	ssyncset.done @!p0 $0x0  }
0x5f: {  	s22 =	rddreg [dreg:$0x4];
	[sflag:s18] =	ssyncadd.s32 @!p0 $0xFFFFFC00  }
0x60: {  	[tilespmem:s14], [sflag:$0x3] =	stream.linear.gather [hbm4b:s22+s4], $0x2000, $0x38;
	[tilespmem:$0x1CC40] =	vst v63  }
0x61: {  	_ =	swait.ge [sflag:s10], $0x2000  }
0x62: {  	[sflag:s10] =	ssyncset.done $0x0  }
0x63: {  	[sflag:s10] =	ssyncadd.s32 $0xFFFFE000  }
0x64: {  	[spmem:s19] =	stream.linear.scatter [tilespmem:s14], [sflag:$0x3], $0x2000, $0x38;
	[tilespmem:$0x1CC40] =	vst v63  }
0x65: {  	_ =	swait.ge [sflag:s10], $0x2000  }
0x66: {  	[sflag:s10] =	ssyncset.done $0x0  }
0x67: {  	[sflag:s10] =	ssyncadd.s32 $0xFFFFE000  }
0x68: {  	[spmem:s5] =	stream.linear.scatter [tilespmem:s14], [sflag:$0x3], $0x2000, $0x38;
	[tilespmem:$0x1CC40] =	vst v63  }
0x69: {  	_ =	swait.ge [sflag:s10], $0x2000  }
0x6a: {  	[sflag:s10] =	ssyncset.done $0x0  }
0x6b: {  	[sflag:s10] =	ssyncadd.s32 $0xFFFFE000  }
0x6c: {  	[spmem:s6] =	stream.linear.scatter [tilespmem:s14], [sflag:$0x3], $0x2000, $0x38;
	[tilespmem:$0x1CC40] =	vst v63  }
0x6d: {  	_ =	swait.ge [sflag:s10], $0x2000  }
0x6e: {  	[sflag:s10] =	ssyncset.done $0x0  }
0x6f: {  	[sflag:s10] =	ssyncadd.s32 $0xFFFFE000  }
0x70: {  	[spmem:s7] =	stream.linear.scatter [tilespmem:s14], [sflag:$0x3], $0x2000, $0x38;
	[tilespmem:$0x1CC40] =	vst v63  }
0x71: {  	_ =	swait.ge [sflag:s10], $0x2000  }
0x72: {  	[sflag:s10] =	ssyncset.done $0x0  }
0x73: {  	[sflag:s10] =	ssyncadd.s32 $0xFFFFE000  }
0x74: {  	[spmem:s8] =	stream.linear.scatter [tilespmem:s14], [sflag:$0x3], $0x2000, $0x38;
	[tilespmem:$0x1CC40] =	vst v63  }
0x75: {  	_ =	swait.ge [sflag:s10], $0x2000  }
0x76: {  	[sflag:s10] =	ssyncset.done $0x0  }
0x77: {  	[sflag:s10] =	ssyncadd.s32 $0xFFFFE000  }
0x78: {  	[bflag:$0x0] =	sbarrier.arrive $0xFFFF  }
0x79: {  	[tilespmem:s14], [sflag:$0x1] =	stream.indirect.gather [spmem:s2], $0x40, s4, s12, $0xb8;
	[tilespmem:$0x1CC40] =	vst v63  }
0x7a: {  	_ = 	snop  }
0x7b: {  	[tilespmem:s13], [sflag:$0x2] =	stream.indirect.gather [spmem:s2], $0x40, s12, s12, $0xb8;
	[tilespmem:$0x1CC40] =	vst v63  }
0x7c: {  	_ =	swait.ge [sflag:s15], $0x2000  }
0x7d: {  	[sflag:s15] =	ssyncset.done $0x0  }
0x7e: {  	s20 =	simm.s32 $0x2800;
	[sflag:s15] =	ssyncadd.s32 $0xFFFFE000  }
0x7f: {  	[spmem:s3] =	stream.indirect.scatter.add.f32 [tilespmem:s14], [sflag:$0x3], $0x40, s20, s12, $0xb8;
	[tilespmem:$0x1CC40] =	vst v63  }
0x80: {  	_ =	swait.ge [sflag:s10], $0x2000  }
0x81: {  	[sflag:s10] =	ssyncset.done $0x0  }
0x82: {  	s21 =	simm.s32 $0x100;
	[sflag:s10] =	ssyncadd.s32 $0xFFFFE000  }
0x83: {  	[tilespmem:s14], [sflag:$0x1] =	stream.indirect.gather [spmem:s2], $0x40, s21, s12, $0xb8;
	[tilespmem:$0x1CC40] =	vst v63  }
0x84: {  	_ =	swait.ge [sflag:s16], $0x2000  }
0x85: {  	[sflag:s16] =	ssyncset.done $0x0  }
0x86: {  	s22 =	simm.s32 $0x2880;
	[sflag:s16] =	ssyncadd.s32 $0xFFFFE000  }
0x87: {  	[spmem:s3] =	stream.indirect.scatter.add.f32 [tilespmem:s13], [sflag:$0x3], $0x40, s22, s12, $0xb8;
	[tilespmem:$0x1CC40] =	vst v63  }
0x88: {  	_ =	swait.ge [sflag:s10], $0x2000  }
0x89: {  	[sflag:s10] =	ssyncset.done $0x0  }
0x8a: {  	s18 =	simm.s32 $0x400;
	s20 =	simm.s32 $0x180;
	[sflag:s10] =	ssyncadd.s32 $0xFFFFE000  }
.LBB2_2:
0x8b: {  	[tilespmem:s13], [sflag:$0x2] =	stream.indirect.gather [spmem:s2], $0x40, s20, s12, $0xb8;
	[tilespmem:$0x1CC40] =	vst v63  }
0x8c: {  	s20 =	smov.u32 s18  }
0x8d: {  	p1 =	sne.s32 s18, $0x9800;
	s18 =	sadd.s32 $0x400, s18;
	_ =	swait.ge [sflag:s15], $0x2000  }
0x8e: {  	s20 =	sshra.s32 s20, $0x2;
	[sflag:s15] =	ssyncset.done $0x0  }
0x8f: {  	s21 =	sadd.s32 $0x2800, s20;
	[sflag:s15] =	ssyncadd.s32 $0xFFFFE000  }
0x90: {  	[spmem:s3] =	stream.indirect.scatter.add.f32 [tilespmem:s14], [sflag:$0x3], $0x40, s21, s12, $0xb8;
	[tilespmem:$0x1CC40] =	vst v63  }
0x91: {  	_ =	swait.ge [sflag:s10], $0x2000  }
0x92: {  	[sflag:s10] =	ssyncset.done $0x0  }
0x93: {  	s21 =	sadd.s32 $0x100, s20;
	[sflag:s10] =	ssyncadd.s32 $0xFFFFE000  }
0x94: {  	[tilespmem:s14], [sflag:$0x1] =	stream.indirect.gather [spmem:s2], $0x40, s21, s12, $0xb8;
	[tilespmem:$0x1CC40] =	vst v63  }
0x95: {  	_ =	swait.ge [sflag:s16], $0x2000  }
0x96: {  	[sflag:s16] =	ssyncset.done $0x0  }
.Ltmp0:
0x97: {  	s21 =	sadd.s32 $0x2880, s20;
	[sflag:s16] =	ssyncadd.s32 $0xFFFFE000;
	(pc) =	sbr.rel @p1 .LBB2_2-.Ltmp0, $4  }
0x98: {  	[spmem:s3] =	stream.indirect.scatter.add.f32 [tilespmem:s13], [sflag:$0x3], $0x40, s21, s12, $0xb8;
	[tilespmem:$0x1CC40] =	vst v63  }
0x99: {  	_ =	swait.ge [sflag:s10], $0x2000  }
0x9a: {  	[sflag:s10] =	ssyncset.done $0x0  }
0x9b: {  	s20 =	sadd.s32 $0x180, s20;
	[sflag:s10] =	ssyncadd.s32 $0xFFFFE000  }
0x9c: {  	[tilespmem:s13], [sflag:$0x2] =	stream.indirect.gather [spmem:s2], $0x40, s20, s12, $0xb8;
	[tilespmem:$0x1CC40] =	vst v63  }
0x9d: {  	_ =	swait.ge [sflag:s15], $0x2000  }
0x9e: {  	[sflag:s15] =	ssyncset.done $0x0  }
0x9f: {  	s18 =	simm.s32 $0x4F00;
	[sflag:s15] =	ssyncadd.s32 $0xFFFFE000  }
0xa0: {  	[spmem:s3] =	stream.indirect.scatter.add.f32 [tilespmem:s14], [sflag:$0x3], $0x40, s18, s12, $0xb8;
	[tilespmem:$0x1CC40] =	vst v63  }
0xa1: {  	_ =	swait.ge [sflag:s10], $0x2000  }
0xa2: {  	[sflag:s10] =	ssyncset.done $0x0  }
0xa3: {  	[sflag:s10] =	ssyncadd.s32 $0xFFFFE000  }
0xa4: {  	_ =	swait.ge [sflag:s16], $0x2000  }
0xa5: {  	[sflag:s16] =	ssyncset.done $0x0  }
0xa6: {  	s22 =	simm.s32 $0x4F80;
	[sflag:s16] =	ssyncadd.s32 $0xFFFFE000  }
0xa7: {  	[spmem:s3] =	stream.indirect.scatter.add.f32 [tilespmem:s13], [sflag:$0x3], $0x40, s22, s12, $0xb8;
	[tilespmem:$0x1CC40] =	vst v63  }
0xa8: {  	_ =	swait.ge [sflag:s10], $0x2000  }
0xa9: {  	[sflag:s10] =	ssyncset.done $0x0  }
0xaa: {  	[sflag:s10] =	ssyncadd.s32 $0xFFFFE000  }
0xab: {  	[bflag:$0x0] =	sbarrier.arrive $0xFFFF  }
0xac: {  	s20 =	rddreg [dreg:$0x13]  }
0xad: {  	[tilespmem:s14], [sflag:$0x3] =	stream.linear.gather [spmem:s20], $0x2000, $0x38;
	[tilespmem:$0x1CC40] =	vst v63  }
0xae: {  	_ =	swait.ge [sflag:s10], $0x2000  }
0xaf: {  	[sflag:s10] =	ssyncset.done $0x0  }
0xb0: {  	s21 =	rddreg [dreg:$0xb];
	[sflag:s10] =	ssyncadd.s32 $0xFFFFE000  }
0xb1: {  	[hbm4b:s21+s11] =	stream.strided.scatter [tilespmem:s14], [sflag:$0x3], $0x2000, s12, s11, $0x38;
	[tilespmem:$0x1CC40] =	vst v63  }
0xb2: {  	_ =	swait.ge [sflag:s10], $0x2000  }
0xb3: {  	[sflag:s10] =	ssyncset.done $0x0  }
0xb4: {  	[sflag:s10] =	ssyncadd.s32 $0xFFFFE000  }
0xb5: {  	[tilespmem:s14], [sflag:$0x3] =	stream.linear.gather [spmem:s23], $0x2000, $0x38;
	[tilespmem:$0x1CC40] =	vst v63  }
0xb6: {  	_ =	swait.ge [sflag:s10], $0x2000  }
0xb7: {  	[sflag:s10] =	ssyncset.done $0x0  }
0xb8: {  	s22 =	rddreg [dreg:$0xc];
	[sflag:s10] =	ssyncadd.s32 $0xFFFFE000  }
0xb9: {  	[hbm4b:s22+s11] =	stream.strided.scatter [tilespmem:s14], [sflag:$0x3], $0x2000, s12, s11, $0x38;
	[tilespmem:$0x1CC40] =	vst v63  }
0xba: {  	_ =	swait.ge [sflag:s10], $0x2000  }
0xbb: {  	[sflag:s10] =	ssyncset.done $0x0  }
0xbc: {  	[sflag:s10] =	ssyncadd.s32 $0xFFFFE000  }
0xbd: {  	[tilespmem:s14], [sflag:$0x3] =	stream.linear.gather [spmem:s25], $0x2000, $0x38;
	[tilespmem:$0x1CC40] =	vst v63  }
0xbe: {  	_ =	swait.ge [sflag:s10], $0x2000  }
0xbf: {  	[sflag:s10] =	ssyncset.done $0x0  }
0xc0: {  	s20 =	rddreg [dreg:$0xd];
	[sflag:s10] =	ssyncadd.s32 $0xFFFFE000  }
0xc1: {  	[hbm4b:s20+s11] =	stream.strided.scatter [tilespmem:s14], [sflag:$0x3], $0x2000, s12, s11, $0x38;
	[tilespmem:$0x1CC40] =	vst v63  }
0xc2: {  	_ =	swait.ge [sflag:s10], $0x2000  }
0xc3: {  	[sflag:s10] =	ssyncset.done $0x0  }
0xc4: {  	[sflag:s10] =	ssyncadd.s32 $0xFFFFE000  }
0xc5: {  	[tilespmem:s14], [sflag:$0x3] =	stream.linear.gather [spmem:s28], $0x2000, $0x38;
	[tilespmem:$0x1CC40] =	vst v63  }
0xc6: {  	_ =	swait.ge [sflag:s10], $0x2000  }
0xc7: {  	[sflag:s10] =	ssyncset.done $0x0  }
0xc8: {  	s21 =	rddreg [dreg:$0xe];
	[sflag:s10] =	ssyncadd.s32 $0xFFFFE000  }
0xc9: {  	[hbm4b:s21+s11] =	stream.strided.scatter [tilespmem:s14], [sflag:$0x3], $0x2000, s12, s11, $0x38;
	[tilespmem:$0x1CC40] =	vst v63  }
0xca: {  	_ =	swait.ge [sflag:s10], $0x2000  }
0xcb: {  	[sflag:s10] =	ssyncset.done $0x0  }
0xcc: {  	[sflag:s10] =	ssyncadd.s32 $0xFFFFE000  }
0xcd: {  	[tilespmem:s14], [sflag:$0x3] =	stream.linear.gather [spmem:s30], $0x1C00, $0x38;
	[tilespmem:$0x1CC40] =	vst v63  }
0xce: {  	_ =	swait.ge [sflag:s10], $0x1C00  }
0xcf: {  	[sflag:s10] =	ssyncset.done $0x0  }
0xd0: {  	s22 =	rddreg [dreg:$0xf];
	[sflag:s10] =	ssyncadd.s32 $0xFFFFE400  }
0xd1: {  	[hbm4b:s22+s11] =	stream.strided.scatter [tilespmem:s14], [sflag:$0x3], $0x1C00, s12, s11, $0x38;
	[tilespmem:$0x1CC40] =	vst v63  }
0xd2: {  	_ =	swait.ge [sflag:s10], $0x1C00  }
0xd3: {  	[sflag:s10] =	ssyncset.done $0x0  }
0xd4: {  	s18 =	simm.s32 @!p0 $0x5000;
	s20 =	simm.s32 @!p0 $0x3;
	[sflag:s10] =	ssyncadd.s32 $0xFFFFE400  }
0xd5: {  	[tilespmem:s18], [sflag:$0x3] =	stream.linear.gather @!p0 [spmem:s9], $0x400, $0x38;
	[tilespmem:$0x1CC40] =	vst v63  }
0xd6: {  	s17 =	sadd.s32 $0x1, s17;
	_ =	swait.ge @!p0 [sflag:s20], $0x400  }
0xd7: {  	p1 =	sne.s32 s17, s0;
	s21 =	simm.s32 @!p0 $0x40;
	[sflag:s20] =	ssyncset.done @!p0 $0x0  }
.Ltmp1:
0xd8: {  	s22 =	simm.s32 @!p0 $0x80;
	[sflag:s20] =	ssyncadd.s32 @!p0 $0xFFFFFC00;
	(pc) =	sbr.rel @p1 .LBB2_1-.Ltmp1, $4  }
0xd9: {  	[hbm4b:s31+s21] =	stream.strided.scatter @!p0 [tilespmem:s18], [sflag:$0x3], $0x400, s22, s21, $0x38;
	[tilespmem:$0x1CC40] =	vst v63  }
0xda: {  	_ =	swait.ge @!p0 [sflag:s20], $0x400  }
0xdb: {  	[sflag:s20] =	ssyncset.done @!p0 $0x0  }
0xdc: {  	[sflag:s20] =	ssyncadd.s32 @!p0 $0xFFFFFC00  }
0xdd: {  	_ =	sfence.sel $0x180000  }
0xde: {  	[bflag:$0x0] =	sbarrier.arrive $0xFFFF  }
0xdf: {  	_ =	strace $0x90000047  }
0xe0: {  	s0 =	stileid.u32;
	[bflag:$0x2] =	sbarrier.arrive $0xFFFF  }
0xe1: {  	p0 =	sne.s32 s0, $0x0;
	s0 =	rddreg [dreg:$0x3]  }
0xe2: {  	s0 =	sadd.s32 @!p0 $0x100000, s0  }
0xe3: {  	[sflag:s0] =	ssyncadd.tile.s32 @!p0 $0x1;
	_ =	shalt  }
.Lfunc_end2:
_tile_overlayer_lowered:
.L_overlay_start_2:
0xe4: {  	(tag) =	ssettag $0x2  }
0xe5: {  	s0 =	rddreg [dreg:$0x0];
	s2 =	stileid.u32  }
0xe6: {  	s1 =	rddreg [dreg:$0x1];
	p0 =	sne.s32 s2, $0x0  }
0xe7: {  	s3 =	rddreg [dreg:$0x2];
	[bflag:$0x3] =	sbarrier.arrive $0xFFFF;
	s2 =	simm.s32 @!p0 $0x1C03  }
0xe8: {  	[timem:s3], [sflag:s2] =	dma.local @!p0 [hbm:s0], s1  }
0xe9: {  	s0 =	simm.s32 @!p0 $0x3  }
0xea: {  	_ =	swait.ge @!p0 [sflag:s0], s1  }
0xeb: {  	s1 =	ssub.s32 @!p0 $0x0, s1;
	[sflag:s0] =	ssyncset.done @!p0 $0x0  }
0xec: {  	[sflag:s0] =	ssyncadd.s32 @!p0 s1  }
0xed: {  	[bflag:$0x3] =	sbarrier.arrive $0xFFFF  }
0xee: {  	_ =	shalt  }

</sc_bundles>
